<compile_context>
chip_gen: v7x
topology: tpu7x:2x2x1
jax: 0.10.2.dev20260603
libtpu: 0.0.44.dev20260713+nightly
codegen_flags: <defaults>
</compile_context>

<pallas_src>
import functools

import jax
import jax.numpy as jnp
from jax import lax
from jax.experimental import pallas as pl
from jax.experimental.pallas import tpu as pltpu
from jax.experimental.pallas import tpu_sc as plsc

BATCH = 16384
EMB = 128
LANES = 16
NUM_CORES = 2
NUM_SUBCORES = 16
NUM_WORKERS = NUM_CORES * NUM_SUBCORES
BPW = BATCH // NUM_WORKERS
CHUNK = 64
NCHUNK = BPW // CHUNK
NBUF = 4
DCHUNKS = EMB // LANES
GROUPS = CHUNK // LANES


def _compute_chunk(rows1, rowsr, rows2, accs, out_v, ck):

  def row_body(i, carry):
    acc = (rows1[i, pl.ds(0, LANES)]
           * rowsr[i, pl.ds(0, LANES)]
           * rows2[i, pl.ds(0, LANES)])
    for j in range(1, DCHUNKS):
      acc = acc + (rows1[i, pl.ds(j * LANES, LANES)]
                   * rowsr[i, pl.ds(j * LANES, LANES)]
                   * rows2[i, pl.ds(j * LANES, LANES)])
    accs[pl.ds(i * LANES, LANES)] = acc
    return carry

  lax.fori_loop(0, CHUNK, row_body, 0)

  def group(g, carry):
    iota = lax.iota(jnp.int32, LANES)
    rowbase = (g * LANES + iota) * LANES
    ssum = plsc.load_gather(accs, [rowbase + iota])
    for d in range(1, LANES):
      col = jnp.bitwise_and(iota + d, LANES - 1)
      ssum = ssum + plsc.load_gather(accs, [rowbase + col])
    out_v[pl.ds(ck * CHUNK + g * LANES, LANES)] = ssum
    return carry

  lax.fori_loop(0, GROUPS, group, 0)


def _score_body(e1i_hbm, ri_hbm, e2i_hbm, ent_hbm, rel_hbm, out_hbm,
                idx1, idxr, idx2,
                rows1, rowsr, rows2, sems,
                accs, out_v):
  wid = lax.axis_index("s") * NUM_CORES + lax.axis_index("c")
  base = wid * BPW

  pltpu.sync_copy(e1i_hbm.at[pl.ds(wid * NCHUNK, NCHUNK)], idx1)
  pltpu.sync_copy(ri_hbm.at[pl.ds(wid * NCHUNK, NCHUNK)], idxr)
  pltpu.sync_copy(e2i_hbm.at[pl.ds(wid * NCHUNK, NCHUNK)], idx2)

  def fire(ck):
    buf = ck % NBUF
    return (
        pltpu.async_copy(ent_hbm.at[idx1.at[ck]], rows1[buf], sems[buf]),
        pltpu.async_copy(rel_hbm.at[idxr.at[ck]], rowsr[buf], sems[buf]),
        pltpu.async_copy(ent_hbm.at[idx2.at[ck]], rows2[buf], sems[buf]),
    )

  pending = [fire(ck) for ck in range(NBUF - 1)]
  for ck in range(NCHUNK):
    buf = ck % NBUF
    cur = pending.pop(0)
    for h in cur:
      h.wait()
    if ck + NBUF - 1 < NCHUNK:
      pending.append(fire(ck + NBUF - 1))
    _compute_chunk(rows1[buf], rowsr[buf], rows2[buf], accs, out_v, ck)

  pltpu.sync_copy(out_v, out_hbm.at[pl.ds(base, BPW)])


@functools.partial(
    pl.kernel,
    out_type=jax.ShapeDtypeStruct((BATCH,), jnp.float32),
    mesh=plsc.VectorSubcoreMesh(core_axis_name="c", subcore_axis_name="s"),
    scratch_types=[
        pltpu.VMEM((NCHUNK, CHUNK), jnp.int32),
        pltpu.VMEM((NCHUNK, CHUNK), jnp.int32),
        pltpu.VMEM((NCHUNK, CHUNK), jnp.int32),
        *([pltpu.VMEM((CHUNK, EMB), jnp.float32)] * (3 * NBUF)),
        pltpu.VMEM((CHUNK * LANES,), jnp.float32),
        pltpu.VMEM((BPW,), jnp.float32),
        *([pltpu.SemaphoreType.DMA] * NBUF),
    ],
    compiler_params=pltpu.CompilerParams(needs_layout_passes=False),
)
def _score_kernel(e1i, ri, e2i, ent, rel, out,
                  idx1, idxr, idx2, *rest):
  rows = rest[:3 * NBUF]
  accs, out_v = rest[3 * NBUF], rest[3 * NBUF + 1]
  sems = rest[3 * NBUF + 2:]
  _score_body(e1i, ri, e2i, ent, rel, out,
              idx1, idxr, idx2,
              rows[0::3], rows[1::3], rows[2::3], sems,
              accs, out_v)


@jax.jit
def kernel(x, entity_emb, relation_emb):
  e1i = x[:, 0].reshape(NUM_WORKERS * NCHUNK, CHUNK)
  ri = x[:, 1].reshape(NUM_WORKERS * NCHUNK, CHUNK)
  e2i = x[:, 2].reshape(NUM_WORKERS * NCHUNK, CHUNK)
  return _score_kernel(e1i, ri, e2i, entity_emb, relation_emb)

# --- scband reference (transcript-rebuilt; emitter-appended) ---
"""Pipeline reference for scband-base-model-27556510171646 (READ-ONLY COPY).

The authoritative reference and input builder live on the scoring server;
editing this copy changes nothing except your own understanding.
"""

import jax, jax.numpy as jnp
import numpy as np

NUM_ENTITIES = 1000000
NUM_RELATIONS = 1000
EMB = 128
BATCH = 16384


def setup_inputs(seed: int = 0) -> dict:
    key = jax.random.key(seed)
    k1, k2, k3, k4, k5 = jax.random.split(key, 5)
    e1_idx = jax.random.randint(k1, (BATCH,), 0, NUM_ENTITIES, dtype=jnp.int32)
    r_idx = jax.random.randint(k2, (BATCH,), 0, NUM_RELATIONS, dtype=jnp.int32)
    e2_idx = jax.random.randint(k3, (BATCH,), 0, NUM_ENTITIES, dtype=jnp.int32)
    x = jnp.stack([e1_idx, r_idx, e2_idx], axis=1)
    entity_emb = jax.random.normal(k4, (NUM_ENTITIES, EMB), dtype=jnp.float32) * 0.02
    relation_emb = jax.random.normal(k5, (NUM_RELATIONS, EMB), dtype=jnp.float32) * 0.02
    return {"x": x, "entity_emb": entity_emb, "relation_emb": relation_emb}


def reference(x, entity_emb, relation_emb):
    # e1 = self.entity_emb(x[:, 0]); r = self.relation_emb(x[:, 1]); e2 = self.entity_emb(x[:, 2])
    e1 = jnp.take(entity_emb, x[:, 0], axis=0)
    r = jnp.take(relation_emb, x[:, 1], axis=0)
    e2 = jnp.take(entity_emb, x[:, 2], axis=0)
    # forward_emb is abstract in BaseModel; canonical KG scorer (DistMult) used:
    # score = sum(e1 * r * e2, dim=-1)
    return jnp.sum(e1 * r * e2, axis=-1)

if __name__ == "__main__":
    import jax
    _d = setup_inputs()
    print(jax.jit(kernel)(*tuple(_d.values())))

</pallas_src>

<mosaic_0001>
#map = affine_map<(d0, d1) -> (0, 0)>
#map1 = affine_map<(d0, d1) -> (0)>
module attributes {stable_mosaic.version = 14 : i64} {
  func.func @_score_kernel(%arg0: i32, %arg1: i32, %arg2: memref<256x64xi32, #tpu.memory_space<hbm>>, %arg3: memref<256x64xi32, #tpu.memory_space<hbm>>, %arg4: memref<256x64xi32, #tpu.memory_space<hbm>>, %arg5: memref<1000000x128xf32, #tpu.memory_space<hbm>>, %arg6: memref<1000x128xf32, #tpu.memory_space<hbm>>, %arg7: memref<16384xf32, #tpu.memory_space<hbm>>, %arg8: memref<8x64xi32, #tpu.memory_space<vmem>>, %arg9: memref<8x64xi32, #tpu.memory_space<vmem>>, %arg10: memref<8x64xi32, #tpu.memory_space<vmem>>, %arg11: memref<64x128xf32, #tpu.memory_space<vmem>>, %arg12: memref<64x128xf32, #tpu.memory_space<vmem>>, %arg13: memref<64x128xf32, #tpu.memory_space<vmem>>, %arg14: memref<64x128xf32, #tpu.memory_space<vmem>>, %arg15: memref<64x128xf32, #tpu.memory_space<vmem>>, %arg16: memref<64x128xf32, #tpu.memory_space<vmem>>, %arg17: memref<64x128xf32, #tpu.memory_space<vmem>>, %arg18: memref<64x128xf32, #tpu.memory_space<vmem>>, %arg19: memref<64x128xf32, #tpu.memory_space<vmem>>, %arg20: memref<64x128xf32, #tpu.memory_space<vmem>>, %arg21: memref<64x128xf32, #tpu.memory_space<vmem>>, %arg22: memref<64x128xf32, #tpu.memory_space<vmem>>, %arg23: memref<1024xf32, #tpu.memory_space<vmem>>, %arg24: memref<512xf32, #tpu.memory_space<vmem>>, %arg25: memref<!tpu.dma_semaphore, #tpu.memory_space<semaphore_mem>>, %arg26: memref<!tpu.dma_semaphore, #tpu.memory_space<semaphore_mem>>, %arg27: memref<!tpu.dma_semaphore, #tpu.memory_space<semaphore_mem>>, %arg28: memref<!tpu.dma_semaphore, #tpu.memory_space<semaphore_mem>>) attributes {dimension_semantics = [#tpu.dimension_semantics<core_parallel>, #tpu.dimension_semantics<subcore_parallel>], iteration_bounds = array<i64: 2, 16>, scalar_prefetch = 0 : i64, scratch_operands = 21 : i64, tpu.core_type = #tpu.core_type<sc_vector_subcore>, window_params = [{transform_indices = #map}, {transform_indices = #map}, {transform_indices = #map}, {transform_indices = #map}, {transform_indices = #map}, {transform_indices = #map1}]} {
    %mul3A = arith.constant 2 : i32
    %mul3A_0 = arith.muli %arg1, %mul3A : i32
    %add3A = arith.addi %mul3A_0, %arg0 : i32
    %mul3A_1 = arith.constant 512 : i32
    %mul3A_2 = arith.muli %add3A, %mul3A_1 : i32
    %mul3A_3 = arith.constant 8 : i32
    %mul3A_4 = arith.muli %add3A, %mul3A_3 : i32
    "tpu.region"() ({
      %run_scoped3A = tpu.sem_alloc : memref<!tpu.dma_semaphore, #tpu.memory_space<semaphore_mem>>
      %dma_start3A_438 = arith.constant 0 : i32
      %dma_start3A_439 = tpu.memref_slice %arg2[%mul3A_4, %dma_start3A_438] : memref<256x64xi32, #tpu.memory_space<hbm>> -> memref<8x64xi32, #tpu.memory_space<hbm>>
      %dma_start3A_440 = arith.constant 0 : i32
      %dma_start3A_441 = tpu.memref_slice %arg2[%mul3A_4, %dma_start3A_440] : memref<256x64xi32, #tpu.memory_space<hbm>> -> memref<8x64xi32, #tpu.memory_space<hbm>>
      tpu.enqueue_dma source(%dma_start3A_441 : memref<8x64xi32, #tpu.memory_space<hbm>>) target(%arg8 : memref<8x64xi32, #tpu.memory_space<vmem>>) target_semaphore(%run_scoped3A : memref<!tpu.dma_semaphore, #tpu.memory_space<semaphore_mem>>)
      %dma_wait3A_442 = arith.constant 0 : i32
      %dma_wait3A_443 = tpu.memref_slice %arg2[%mul3A_4, %dma_wait3A_442] : memref<256x64xi32, #tpu.memory_space<hbm>> -> memref<8x64xi32, #tpu.memory_space<hbm>>
      %dma_wait3A_444 = arith.constant 0 : i32
      %dma_wait3A_445 = tpu.memref_slice %arg2[%mul3A_4, %dma_wait3A_444] : memref<256x64xi32, #tpu.memory_space<hbm>> -> memref<8x64xi32, #tpu.memory_space<hbm>>
      tpu.wait_dma2 semaphore(%run_scoped3A : memref<!tpu.dma_semaphore, #tpu.memory_space<semaphore_mem>>) src(%dma_wait3A_445 : memref<8x64xi32, #tpu.memory_space<hbm>>) dst(%arg8 : memref<8x64xi32, #tpu.memory_space<vmem>>)
      tpu.yield
    }) : () -> ()
    %mul3A_5 = arith.constant 8 : i32
    %mul3A_6 = arith.muli %add3A, %mul3A_5 : i32
    "tpu.region"() ({
      %run_scoped3A = tpu.sem_alloc : memref<!tpu.dma_semaphore, #tpu.memory_space<semaphore_mem>>
      %dma_start3A_438 = arith.constant 0 : i32
      %dma_start3A_439 = tpu.memref_slice %arg3[%mul3A_6, %dma_start3A_438] : memref<256x64xi32, #tpu.memory_space<hbm>> -> memref<8x64xi32, #tpu.memory_space<hbm>>
      %dma_start3A_440 = arith.constant 0 : i32
      %dma_start3A_441 = tpu.memref_slice %arg3[%mul3A_6, %dma_start3A_440] : memref<256x64xi32, #tpu.memory_space<hbm>> -> memref<8x64xi32, #tpu.memory_space<hbm>>
      tpu.enqueue_dma source(%dma_start3A_441 : memref<8x64xi32, #tpu.memory_space<hbm>>) target(%arg9 : memref<8x64xi32, #tpu.memory_space<vmem>>) target_semaphore(%run_scoped3A : memref<!tpu.dma_semaphore, #tpu.memory_space<semaphore_mem>>)
      %dma_wait3A_442 = arith.constant 0 : i32
      %dma_wait3A_443 = tpu.memref_slice %arg3[%mul3A_6, %dma_wait3A_442] : memref<256x64xi32, #tpu.memory_space<hbm>> -> memref<8x64xi32, #tpu.memory_space<hbm>>
      %dma_wait3A_444 = arith.constant 0 : i32
      %dma_wait3A_445 = tpu.memref_slice %arg3[%mul3A_6, %dma_wait3A_444] : memref<256x64xi32, #tpu.memory_space<hbm>> -> memref<8x64xi32, #tpu.memory_space<hbm>>
      tpu.wait_dma2 semaphore(%run_scoped3A : memref<!tpu.dma_semaphore, #tpu.memory_space<semaphore_mem>>) src(%dma_wait3A_445 : memref<8x64xi32, #tpu.memory_space<hbm>>) dst(%arg9 : memref<8x64xi32, #tpu.memory_space<vmem>>)
      tpu.yield
    }) : () -> ()
    %mul3A_7 = arith.constant 8 : i32
    %mul3A_8 = arith.muli %add3A, %mul3A_7 : i32
    "tpu.region"() ({
      %run_scoped3A = tpu.sem_alloc : memref<!tpu.dma_semaphore, #tpu.memory_space<semaphore_mem>>
      %dma_start3A_438 = arith.constant 0 : i32
      %dma_start3A_439 = tpu.memref_slice %arg4[%mul3A_8, %dma_start3A_438] : memref<256x64xi32, #tpu.memory_space<hbm>> -> memref<8x64xi32, #tpu.memory_space<hbm>>
      %dma_start3A_440 = arith.constant 0 : i32
      %dma_start3A_441 = tpu.memref_slice %arg4[%mul3A_8, %dma_start3A_440] : memref<256x64xi32, #tpu.memory_space<hbm>> -> memref<8x64xi32, #tpu.memory_space<hbm>>
      tpu.enqueue_dma source(%dma_start3A_441 : memref<8x64xi32, #tpu.memory_space<hbm>>) target(%arg10 : memref<8x64xi32, #tpu.memory_space<vmem>>) target_semaphore(%run_scoped3A : memref<!tpu.dma_semaphore, #tpu.memory_space<semaphore_mem>>)
      %dma_wait3A_442 = arith.constant 0 : i32
      %dma_wait3A_443 = tpu.memref_slice %arg4[%mul3A_8, %dma_wait3A_442] : memref<256x64xi32, #tpu.memory_space<hbm>> -> memref<8x64xi32, #tpu.memory_space<hbm>>
      %dma_wait3A_444 = arith.constant 0 : i32
      %dma_wait3A_445 = tpu.memref_slice %arg4[%mul3A_8, %dma_wait3A_444] : memref<256x64xi32, #tpu.memory_space<hbm>> -> memref<8x64xi32, #tpu.memory_space<hbm>>
      tpu.wait_dma2 semaphore(%run_scoped3A : memref<!tpu.dma_semaphore, #tpu.memory_space<semaphore_mem>>) src(%dma_wait3A_445 : memref<8x64xi32, #tpu.memory_space<hbm>>) dst(%arg10 : memref<8x64xi32, #tpu.memory_space<vmem>>)
      tpu.yield
    }) : () -> ()
    %dma_start3A = arith.constant 0 : i32
    %dma_start3A_9 = arith.constant 0 : i32
    %dma_start3A_10 = tpu.memref_slice %arg8[%dma_start3A, %dma_start3A_9] : memref<8x64xi32, #tpu.memory_space<vmem>> -> memref<1x64xi32, #tpu.memory_space<vmem>>
    %dma_start3A_11 = tpu.memref_squeeze %dma_start3A_10 : memref<1x64xi32, #tpu.memory_space<vmem>> -> memref<64xi32, #tpu.memory_space<vmem>>
    %dma_start3A_12 = arith.constant 0 : i32
    %dma_start3A_13 = arith.constant 0 : i32
    %dma_start3A_14 = tpu.memref_slice %arg5[%dma_start3A_12, %dma_start3A_13] : memref<1000000x128xf32, #tpu.memory_space<hbm>> -> memref<1000000x128xf32, #tpu.memory_space<hbm>>
    tpu.enqueue_indirect_dma source(%dma_start3A_14 : memref<1000000x128xf32, #tpu.memory_space<hbm>>) target(%arg11 : memref<64x128xf32, #tpu.memory_space<vmem>>) offsets(%dma_start3A_11 : memref<64xi32, #tpu.memory_space<vmem>>) semaphore(%arg25 : memref<!tpu.dma_semaphore, #tpu.memory_space<semaphore_mem>>)
    %dma_start3A_15 = arith.constant 0 : i32
    %dma_start3A_16 = arith.constant 0 : i32
    %dma_start3A_17 = tpu.memref_slice %arg9[%dma_start3A_15, %dma_start3A_16] : memref<8x64xi32, #tpu.memory_space<vmem>> -> memref<1x64xi32, #tpu.memory_space<vmem>>
    %dma_start3A_18 = tpu.memref_squeeze %dma_start3A_17 : memref<1x64xi32, #tpu.memory_space<vmem>> -> memref<64xi32, #tpu.memory_space<vmem>>
    %dma_start3A_19 = arith.constant 0 : i32
    %dma_start3A_20 = arith.constant 0 : i32
    %dma_start3A_21 = tpu.memref_slice %arg6[%dma_start3A_19, %dma_start3A_20] : memref<1000x128xf32, #tpu.memory_space<hbm>> -> memref<1000x128xf32, #tpu.memory_space<hbm>>
    tpu.enqueue_indirect_dma source(%dma_start3A_21 : memref<1000x128xf32, #tpu.memory_space<hbm>>) target(%arg12 : memref<64x128xf32, #tpu.memory_space<vmem>>) offsets(%dma_start3A_18 : memref<64xi32, #tpu.memory_space<vmem>>) semaphore(%arg25 : memref<!tpu.dma_semaphore, #tpu.memory_space<semaphore_mem>>)
    %dma_start3A_22 = arith.constant 0 : i32
    %dma_start3A_23 = arith.constant 0 : i32
    %dma_start3A_24 = tpu.memref_slice %arg10[%dma_start3A_22, %dma_start3A_23] : memref<8x64xi32, #tpu.memory_space<vmem>> -> memref<1x64xi32, #tpu.memory_space<vmem>>
    %dma_start3A_25 = tpu.memref_squeeze %dma_start3A_24 : memref<1x64xi32, #tpu.memory_space<vmem>> -> memref<64xi32, #tpu.memory_space<vmem>>
    %dma_start3A_26 = arith.constant 0 : i32
    %dma_start3A_27 = arith.constant 0 : i32
    %dma_start3A_28 = tpu.memref_slice %arg5[%dma_start3A_26, %dma_start3A_27] : memref<1000000x128xf32, #tpu.memory_space<hbm>> -> memref<1000000x128xf32, #tpu.memory_space<hbm>>
    tpu.enqueue_indirect_dma source(%dma_start3A_28 : memref<1000000x128xf32, #tpu.memory_space<hbm>>) target(%arg13 : memref<64x128xf32, #tpu.memory_space<vmem>>) offsets(%dma_start3A_25 : memref<64xi32, #tpu.memory_space<vmem>>) semaphore(%arg25 : memref<!tpu.dma_semaphore, #tpu.memory_space<semaphore_mem>>)
    %dma_start3A_29 = arith.constant 1 : i32
    %dma_start3A_30 = arith.constant 0 : i32
    %dma_start3A_31 = tpu.memref_slice %arg8[%dma_start3A_29, %dma_start3A_30] : memref<8x64xi32, #tpu.memory_space<vmem>> -> memref<1x64xi32, #tpu.memory_space<vmem>>
    %dma_start3A_32 = tpu.memref_squeeze %dma_start3A_31 : memref<1x64xi32, #tpu.memory_space<vmem>> -> memref<64xi32, #tpu.memory_space<vmem>>
    %dma_start3A_33 = arith.constant 0 : i32
    %dma_start3A_34 = arith.constant 0 : i32
    %dma_start3A_35 = tpu.memref_slice %arg5[%dma_start3A_33, %dma_start3A_34] : memref<1000000x128xf32, #tpu.memory_space<hbm>> -> memref<1000000x128xf32, #tpu.memory_space<hbm>>
    tpu.enqueue_indirect_dma source(%dma_start3A_35 : memref<1000000x128xf32, #tpu.memory_space<hbm>>) target(%arg14 : memref<64x128xf32, #tpu.memory_space<vmem>>) offsets(%dma_start3A_32 : memref<64xi32, #tpu.memory_space<vmem>>) semaphore(%arg26 : memref<!tpu.dma_semaphore, #tpu.memory_space<semaphore_mem>>)
    %dma_start3A_36 = arith.constant 1 : i32
    %dma_start3A_37 = arith.constant 0 : i32
    %dma_start3A_38 = tpu.memref_slice %arg9[%dma_start3A_36, %dma_start3A_37] : memref<8x64xi32, #tpu.memory_space<vmem>> -> memref<1x64xi32, #tpu.memory_space<vmem>>
    %dma_start3A_39 = tpu.memref_squeeze %dma_start3A_38 : memref<1x64xi32, #tpu.memory_space<vmem>> -> memref<64xi32, #tpu.memory_space<vmem>>
    %dma_start3A_40 = arith.constant 0 : i32
    %dma_start3A_41 = arith.constant 0 : i32
    %dma_start3A_42 = tpu.memref_slice %arg6[%dma_start3A_40, %dma_start3A_41] : memref<1000x128xf32, #tpu.memory_space<hbm>> -> memref<1000x128xf32, #tpu.memory_space<hbm>>
    tpu.enqueue_indirect_dma source(%dma_start3A_42 : memref<1000x128xf32, #tpu.memory_space<hbm>>) target(%arg15 : memref<64x128xf32, #tpu.memory_space<vmem>>) offsets(%dma_start3A_39 : memref<64xi32, #tpu.memory_space<vmem>>) semaphore(%arg26 : memref<!tpu.dma_semaphore, #tpu.memory_space<semaphore_mem>>)
    %dma_start3A_43 = arith.constant 1 : i32
    %dma_start3A_44 = arith.constant 0 : i32
    %dma_start3A_45 = tpu.memref_slice %arg10[%dma_start3A_43, %dma_start3A_44] : memref<8x64xi32, #tpu.memory_space<vmem>> -> memref<1x64xi32, #tpu.memory_space<vmem>>
    %dma_start3A_46 = tpu.memref_squeeze %dma_start3A_45 : memref<1x64xi32, #tpu.memory_space<vmem>> -> memref<64xi32, #tpu.memory_space<vmem>>
    %dma_start3A_47 = arith.constant 0 : i32
    %dma_start3A_48 = arith.constant 0 : i32
    %dma_start3A_49 = tpu.memref_slice %arg5[%dma_start3A_47, %dma_start3A_48] : memref<1000000x128xf32, #tpu.memory_space<hbm>> -> memref<1000000x128xf32, #tpu.memory_space<hbm>>
    tpu.enqueue_indirect_dma source(%dma_start3A_49 : memref<1000000x128xf32, #tpu.memory_space<hbm>>) target(%arg16 : memref<64x128xf32, #tpu.memory_space<vmem>>) offsets(%dma_start3A_46 : memref<64xi32, #tpu.memory_space<vmem>>) semaphore(%arg26 : memref<!tpu.dma_semaphore, #tpu.memory_space<semaphore_mem>>)
    %dma_start3A_50 = arith.constant 2 : i32
    %dma_start3A_51 = arith.constant 0 : i32
    %dma_start3A_52 = tpu.memref_slice %arg8[%dma_start3A_50, %dma_start3A_51] : memref<8x64xi32, #tpu.memory_space<vmem>> -> memref<1x64xi32, #tpu.memory_space<vmem>>
    %dma_start3A_53 = tpu.memref_squeeze %dma_start3A_52 : memref<1x64xi32, #tpu.memory_space<vmem>> -> memref<64xi32, #tpu.memory_space<vmem>>
    %dma_start3A_54 = arith.constant 0 : i32
    %dma_start3A_55 = arith.constant 0 : i32
    %dma_start3A_56 = tpu.memref_slice %arg5[%dma_start3A_54, %dma_start3A_55] : memref<1000000x128xf32, #tpu.memory_space<hbm>> -> memref<1000000x128xf32, #tpu.memory_space<hbm>>
    tpu.enqueue_indirect_dma source(%dma_start3A_56 : memref<1000000x128xf32, #tpu.memory_space<hbm>>) target(%arg17 : memref<64x128xf32, #tpu.memory_space<vmem>>) offsets(%dma_start3A_53 : memref<64xi32, #tpu.memory_space<vmem>>) semaphore(%arg27 : memref<!tpu.dma_semaphore, #tpu.memory_space<semaphore_mem>>)
    %dma_start3A_57 = arith.constant 2 : i32
    %dma_start3A_58 = arith.constant 0 : i32
    %dma_start3A_59 = tpu.memref_slice %arg9[%dma_start3A_57, %dma_start3A_58] : memref<8x64xi32, #tpu.memory_space<vmem>> -> memref<1x64xi32, #tpu.memory_space<vmem>>
    %dma_start3A_60 = tpu.memref_squeeze %dma_start3A_59 : memref<1x64xi32, #tpu.memory_space<vmem>> -> memref<64xi32, #tpu.memory_space<vmem>>
    %dma_start3A_61 = arith.constant 0 : i32
    %dma_start3A_62 = arith.constant 0 : i32
    %dma_start3A_63 = tpu.memref_slice %arg6[%dma_start3A_61, %dma_start3A_62] : memref<1000x128xf32, #tpu.memory_space<hbm>> -> memref<1000x128xf32, #tpu.memory_space<hbm>>
    tpu.enqueue_indirect_dma source(%dma_start3A_63 : memref<1000x128xf32, #tpu.memory_space<hbm>>) target(%arg18 : memref<64x128xf32, #tpu.memory_space<vmem>>) offsets(%dma_start3A_60 : memref<64xi32, #tpu.memory_space<vmem>>) semaphore(%arg27 : memref<!tpu.dma_semaphore, #tpu.memory_space<semaphore_mem>>)
    %dma_start3A_64 = arith.constant 2 : i32
    %dma_start3A_65 = arith.constant 0 : i32
    %dma_start3A_66 = tpu.memref_slice %arg10[%dma_start3A_64, %dma_start3A_65] : memref<8x64xi32, #tpu.memory_space<vmem>> -> memref<1x64xi32, #tpu.memory_space<vmem>>
    %dma_start3A_67 = tpu.memref_squeeze %dma_start3A_66 : memref<1x64xi32, #tpu.memory_space<vmem>> -> memref<64xi32, #tpu.memory_space<vmem>>
    %dma_start3A_68 = arith.constant 0 : i32
    %dma_start3A_69 = arith.constant 0 : i32
    %dma_start3A_70 = tpu.memref_slice %arg5[%dma_start3A_68, %dma_start3A_69] : memref<1000000x128xf32, #tpu.memory_space<hbm>> -> memref<1000000x128xf32, #tpu.memory_space<hbm>>
    tpu.enqueue_indirect_dma source(%dma_start3A_70 : memref<1000000x128xf32, #tpu.memory_space<hbm>>) target(%arg19 : memref<64x128xf32, #tpu.memory_space<vmem>>) offsets(%dma_start3A_67 : memref<64xi32, #tpu.memory_space<vmem>>) semaphore(%arg27 : memref<!tpu.dma_semaphore, #tpu.memory_space<semaphore_mem>>)
    %dma_wait3A = arith.constant 0 : i32
    %dma_wait3A_71 = arith.constant 0 : i32
    %dma_wait3A_72 = tpu.memref_slice %arg8[%dma_wait3A, %dma_wait3A_71] : memref<8x64xi32, #tpu.memory_space<vmem>> -> memref<1x64xi32, #tpu.memory_space<vmem>>
    %dma_wait3A_73 = tpu.memref_squeeze %dma_wait3A_72 : memref<1x64xi32, #tpu.memory_space<vmem>> -> memref<64xi32, #tpu.memory_space<vmem>>
    %dma_wait3A_74 = arith.constant 0 : i32
    %dma_wait3A_75 = arith.constant 0 : i32
    %dma_wait3A_76 = tpu.memref_slice %arg5[%dma_wait3A_74, %dma_wait3A_75] : memref<1000000x128xf32, #tpu.memory_space<hbm>> -> memref<1000000x128xf32, #tpu.memory_space<hbm>>
    tpu.wait_indirect_dma semaphore(%arg25 : memref<!tpu.dma_semaphore, #tpu.memory_space<semaphore_mem>>) src(%dma_wait3A_76 : memref<1000000x128xf32, #tpu.memory_space<hbm>>) dst(%arg11 : memref<64x128xf32, #tpu.memory_space<vmem>>)
    %dma_wait3A_77 = arith.constant 0 : i32
    %dma_wait3A_78 = arith.constant 0 : i32
    %dma_wait3A_79 = tpu.memref_slice %arg9[%dma_wait3A_77, %dma_wait3A_78] : memref<8x64xi32, #tpu.memory_space<vmem>> -> memref<1x64xi32, #tpu.memory_space<vmem>>
    %dma_wait3A_80 = tpu.memref_squeeze %dma_wait3A_79 : memref<1x64xi32, #tpu.memory_space<vmem>> -> memref<64xi32, #tpu.memory_space<vmem>>
    %dma_wait3A_81 = arith.constant 0 : i32
    %dma_wait3A_82 = arith.constant 0 : i32
    %dma_wait3A_83 = tpu.memref_slice %arg6[%dma_wait3A_81, %dma_wait3A_82] : memref<1000x128xf32, #tpu.memory_space<hbm>> -> memref<1000x128xf32, #tpu.memory_space<hbm>>
    tpu.wait_indirect_dma semaphore(%arg25 : memref<!tpu.dma_semaphore, #tpu.memory_space<semaphore_mem>>) src(%dma_wait3A_83 : memref<1000x128xf32, #tpu.memory_space<hbm>>) dst(%arg12 : memref<64x128xf32, #tpu.memory_space<vmem>>)
    %dma_wait3A_84 = arith.constant 0 : i32
    %dma_wait3A_85 = arith.constant 0 : i32
    %dma_wait3A_86 = tpu.memref_slice %arg10[%dma_wait3A_84, %dma_wait3A_85] : memref<8x64xi32, #tpu.memory_space<vmem>> -> memref<1x64xi32, #tpu.memory_space<vmem>>
    %dma_wait3A_87 = tpu.memref_squeeze %dma_wait3A_86 : memref<1x64xi32, #tpu.memory_space<vmem>> -> memref<64xi32, #tpu.memory_space<vmem>>
    %dma_wait3A_88 = arith.constant 0 : i32
    %dma_wait3A_89 = arith.constant 0 : i32
    %dma_wait3A_90 = tpu.memref_slice %arg5[%dma_wait3A_88, %dma_wait3A_89] : memref<1000000x128xf32, #tpu.memory_space<hbm>> -> memref<1000000x128xf32, #tpu.memory_space<hbm>>
    tpu.wait_indirect_dma semaphore(%arg25 : memref<!tpu.dma_semaphore, #tpu.memory_space<semaphore_mem>>) src(%dma_wait3A_90 : memref<1000000x128xf32, #tpu.memory_space<hbm>>) dst(%arg13 : memref<64x128xf32, #tpu.memory_space<vmem>>)
    %dma_start3A_91 = arith.constant 3 : i32
    %dma_start3A_92 = arith.constant 0 : i32
    %dma_start3A_93 = tpu.memref_slice %arg8[%dma_start3A_91, %dma_start3A_92] : memref<8x64xi32, #tpu.memory_space<vmem>> -> memref<1x64xi32, #tpu.memory_space<vmem>>
    %dma_start3A_94 = tpu.memref_squeeze %dma_start3A_93 : memref<1x64xi32, #tpu.memory_space<vmem>> -> memref<64xi32, #tpu.memory_space<vmem>>
    %dma_start3A_95 = arith.constant 0 : i32
    %dma_start3A_96 = arith.constant 0 : i32
    %dma_start3A_97 = tpu.memref_slice %arg5[%dma_start3A_95, %dma_start3A_96] : memref<1000000x128xf32, #tpu.memory_space<hbm>> -> memref<1000000x128xf32, #tpu.memory_space<hbm>>
    tpu.enqueue_indirect_dma source(%dma_start3A_97 : memref<1000000x128xf32, #tpu.memory_space<hbm>>) target(%arg20 : memref<64x128xf32, #tpu.memory_space<vmem>>) offsets(%dma_start3A_94 : memref<64xi32, #tpu.memory_space<vmem>>) semaphore(%arg28 : memref<!tpu.dma_semaphore, #tpu.memory_space<semaphore_mem>>)
    %dma_start3A_98 = arith.constant 3 : i32
    %dma_start3A_99 = arith.constant 0 : i32
    %dma_start3A_100 = tpu.memref_slice %arg9[%dma_start3A_98, %dma_start3A_99] : memref<8x64xi32, #tpu.memory_space<vmem>> -> memref<1x64xi32, #tpu.memory_space<vmem>>
    %dma_start3A_101 = tpu.memref_squeeze %dma_start3A_100 : memref<1x64xi32, #tpu.memory_space<vmem>> -> memref<64xi32, #tpu.memory_space<vmem>>
    %dma_start3A_102 = arith.constant 0 : i32
    %dma_start3A_103 = arith.constant 0 : i32
    %dma_start3A_104 = tpu.memref_slice %arg6[%dma_start3A_102, %dma_start3A_103] : memref<1000x128xf32, #tpu.memory_space<hbm>> -> memref<1000x128xf32, #tpu.memory_space<hbm>>
    tpu.enqueue_indirect_dma source(%dma_start3A_104 : memref<1000x128xf32, #tpu.memory_space<hbm>>) target(%arg21 : memref<64x128xf32, #tpu.memory_space<vmem>>) offsets(%dma_start3A_101 : memref<64xi32, #tpu.memory_space<vmem>>) semaphore(%arg28 : memref<!tpu.dma_semaphore, #tpu.memory_space<semaphore_mem>>)
    %dma_start3A_105 = arith.constant 3 : i32
    %dma_start3A_106 = arith.constant 0 : i32
    %dma_start3A_107 = tpu.memref_slice %arg10[%dma_start3A_105, %dma_start3A_106] : memref<8x64xi32, #tpu.memory_space<vmem>> -> memref<1x64xi32, #tpu.memory_space<vmem>>
    %dma_start3A_108 = tpu.memref_squeeze %dma_start3A_107 : memref<1x64xi32, #tpu.memory_space<vmem>> -> memref<64xi32, #tpu.memory_space<vmem>>
    %dma_start3A_109 = arith.constant 0 : i32
    %dma_start3A_110 = arith.constant 0 : i32
    %dma_start3A_111 = tpu.memref_slice %arg5[%dma_start3A_109, %dma_start3A_110] : memref<1000000x128xf32, #tpu.memory_space<hbm>> -> memref<1000000x128xf32, #tpu.memory_space<hbm>>
    tpu.enqueue_indirect_dma source(%dma_start3A_111 : memref<1000000x128xf32, #tpu.memory_space<hbm>>) target(%arg22 : memref<64x128xf32, #tpu.memory_space<vmem>>) offsets(%dma_start3A_108 : memref<64xi32, #tpu.memory_space<vmem>>) semaphore(%arg28 : memref<!tpu.dma_semaphore, #tpu.memory_space<semaphore_mem>>)
    %scan3A = arith.constant 0 : i32
    %scan3A_112 = arith.constant 0 : i32
    %scan3A_113 = arith.constant 64 : i32
    %scan3A_114 = arith.addi %scan3A_112, %scan3A_113 : i32
    %scan3A_115 = arith.constant 1 : i32
    scf.for %scan3A_438 = %scan3A_112 to %scan3A_114 step %scan3A_115  : i32 {
      %get3A = arith.index_cast %scan3A_438 : i32 to index
      %get3A_439 = arith.constant 0 : index
      %get3A_440 = tpu.vector_load %arg11[%get3A, %get3A_439] {strides = array<i32>} : memref<64x128xf32, #tpu.memory_space<vmem>>, vector<16xf32>,
      %get3A_441 = arith.index_cast %scan3A_438 : i32 to index
      %get3A_442 = arith.constant 0 : index
      %get3A_443 = tpu.vector_load %arg12[%get3A_441, %get3A_442] {strides = array<i32>} : memref<64x128xf32, #tpu.memory_space<vmem>>, vector<16xf32>,
      %mul3A_444 = arith.mulf %get3A_440, %get3A_443 : vector<16xf32>
      %get3A_445 = arith.index_cast %scan3A_438 : i32 to index
      %get3A_446 = arith.constant 0 : index
      %get3A_447 = tpu.vector_load %arg13[%get3A_445, %get3A_446] {strides = array<i32>} : memref<64x128xf32, #tpu.memory_space<vmem>>, vector<16xf32>,
      %mul3A_448 = arith.mulf %mul3A_444, %get3A_447 : vector<16xf32>
      %get3A_449 = arith.index_cast %scan3A_438 : i32 to index
      %get3A_450 = arith.constant 16 : index
      %get3A_451 = tpu.vector_load %arg11[%get3A_449, %get3A_450] {strides = array<i32>} : memref<64x128xf32, #tpu.memory_space<vmem>>, vector<16xf32>,
      %get3A_452 = arith.index_cast %scan3A_438 : i32 to index
      %get3A_453 = arith.constant 16 : index
      %get3A_454 = tpu.vector_load %arg12[%get3A_452, %get3A_453] {strides = array<i32>} : memref<64x128xf32, #tpu.memory_space<vmem>>, vector<16xf32>,
      %mul3A_455 = arith.mulf %get3A_451, %get3A_454 : vector<16xf32>
      %get3A_456 = arith.index_cast %scan3A_438 : i32 to index
      %get3A_457 = arith.constant 16 : index
      %get3A_458 = tpu.vector_load %arg13[%get3A_456, %get3A_457] {strides = array<i32>} : memref<64x128xf32, #tpu.memory_space<vmem>>, vector<16xf32>,
      %mul3A_459 = arith.mulf %mul3A_455, %get3A_458 : vector<16xf32>
      %add3A_460 = arith.addf %mul3A_448, %mul3A_459 : vector<16xf32>
      %get3A_461 = arith.index_cast %scan3A_438 : i32 to index
      %get3A_462 = arith.constant 32 : index
      %get3A_463 = tpu.vector_load %arg11[%get3A_461, %get3A_462] {strides = array<i32>} : memref<64x128xf32, #tpu.memory_space<vmem>>, vector<16xf32>,
      %get3A_464 = arith.index_cast %scan3A_438 : i32 to index
      %get3A_465 = arith.constant 32 : index
      %get3A_466 = tpu.vector_load %arg12[%get3A_464, %get3A_465] {strides = array<i32>} : memref<64x128xf32, #tpu.memory_space<vmem>>, vector<16xf32>,
      %mul3A_467 = arith.mulf %get3A_463, %get3A_466 : vector<16xf32>
      %get3A_468 = arith.index_cast %scan3A_438 : i32 to index
      %get3A_469 = arith.constant 32 : index
      %get3A_470 = tpu.vector_load %arg13[%get3A_468, %get3A_469] {strides = array<i32>} : memref<64x128xf32, #tpu.memory_space<vmem>>, vector<16xf32>,
      %mul3A_471 = arith.mulf %mul3A_467, %get3A_470 : vector<16xf32>
      %add3A_472 = arith.addf %add3A_460, %mul3A_471 : vector<16xf32>
      %get3A_473 = arith.index_cast %scan3A_438 : i32 to index
      %get3A_474 = arith.constant 48 : index
      %get3A_475 = tpu.vector_load %arg11[%get3A_473, %get3A_474] {strides = array<i32>} : memref<64x128xf32, #tpu.memory_space<vmem>>, vector<16xf32>,
      %get3A_476 = arith.index_cast %scan3A_438 : i32 to index
      %get3A_477 = arith.constant 48 : index
      %get3A_478 = tpu.vector_load %arg12[%get3A_476, %get3A_477] {strides = array<i32>} : memref<64x128xf32, #tpu.memory_space<vmem>>, vector<16xf32>,
      %mul3A_479 = arith.mulf %get3A_475, %get3A_478 : vector<16xf32>
      %get3A_480 = arith.index_cast %scan3A_438 : i32 to index
      %get3A_481 = arith.constant 48 : index
      %get3A_482 = tpu.vector_load %arg13[%get3A_480, %get3A_481] {strides = array<i32>} : memref<64x128xf32, #tpu.memory_space<vmem>>, vector<16xf32>,
      %mul3A_483 = arith.mulf %mul3A_479, %get3A_482 : vector<16xf32>
      %add3A_484 = arith.addf %add3A_472, %mul3A_483 : vector<16xf32>
      %get3A_485 = arith.index_cast %scan3A_438 : i32 to index
      %get3A_486 = arith.constant 64 : index
      %get3A_487 = tpu.vector_load %arg11[%get3A_485, %get3A_486] {strides = array<i32>} : memref<64x128xf32, #tpu.memory_space<vmem>>, vector<16xf32>,
      %get3A_488 = arith.index_cast %scan3A_438 : i32 to index
      %get3A_489 = arith.constant 64 : index
      %get3A_490 = tpu.vector_load %arg12[%get3A_488, %get3A_489] {strides = array<i32>} : memref<64x128xf32, #tpu.memory_space<vmem>>, vector<16xf32>,
      %mul3A_491 = arith.mulf %get3A_487, %get3A_490 : vector<16xf32>
      %get3A_492 = arith.index_cast %scan3A_438 : i32 to index
      %get3A_493 = arith.constant 64 : index
      %get3A_494 = tpu.vector_load %arg13[%get3A_492, %get3A_493] {strides = array<i32>} : memref<64x128xf32, #tpu.memory_space<vmem>>, vector<16xf32>,
      %mul3A_495 = arith.mulf %mul3A_491, %get3A_494 : vector<16xf32>
      %add3A_496 = arith.addf %add3A_484, %mul3A_495 : vector<16xf32>
      %get3A_497 = arith.index_cast %scan3A_438 : i32 to index
      %get3A_498 = arith.constant 80 : index
      %get3A_499 = tpu.vector_load %arg11[%get3A_497, %get3A_498] {strides = array<i32>} : memref<64x128xf32, #tpu.memory_space<vmem>>, vector<16xf32>,
      %get3A_500 = arith.index_cast %scan3A_438 : i32 to index
      %get3A_501 = arith.constant 80 : index
      %get3A_502 = tpu.vector_load %arg12[%get3A_500, %get3A_501] {strides = array<i32>} : memref<64x128xf32, #tpu.memory_space<vmem>>, vector<16xf32>,
      %mul3A_503 = arith.mulf %get3A_499, %get3A_502 : vector<16xf32>
      %get3A_504 = arith.index_cast %scan3A_438 : i32 to index
      %get3A_505 = arith.constant 80 : index
      %get3A_506 = tpu.vector_load %arg13[%get3A_504, %get3A_505] {strides = array<i32>} : memref<64x128xf32, #tpu.memory_space<vmem>>, vector<16xf32>,
      %mul3A_507 = arith.mulf %mul3A_503, %get3A_506 : vector<16xf32>
      %add3A_508 = arith.addf %add3A_496, %mul3A_507 : vector<16xf32>
      %get3A_509 = arith.index_cast %scan3A_438 : i32 to index
      %get3A_510 = arith.constant 96 : index
      %get3A_511 = tpu.vector_load %arg11[%get3A_509, %get3A_510] {strides = array<i32>} : memref<64x128xf32, #tpu.memory_space<vmem>>, vector<16xf32>,
      %get3A_512 = arith.index_cast %scan3A_438 : i32 to index
      %get3A_513 = arith.constant 96 : index
      %get3A_514 = tpu.vector_load %arg12[%get3A_512, %get3A_513] {strides = array<i32>} : memref<64x128xf32, #tpu.memory_space<vmem>>, vector<16xf32>,
      %mul3A_515 = arith.mulf %get3A_511, %get3A_514 : vector<16xf32>
      %get3A_516 = arith.index_cast %scan3A_438 : i32 to index
      %get3A_517 = arith.constant 96 : index
      %get3A_518 = tpu.vector_load %arg13[%get3A_516, %get3A_517] {strides = array<i32>} : memref<64x128xf32, #tpu.memory_space<vmem>>, vector<16xf32>,
      %mul3A_519 = arith.mulf %mul3A_515, %get3A_518 : vector<16xf32>
      %add3A_520 = arith.addf %add3A_508, %mul3A_519 : vector<16xf32>
      %get3A_521 = arith.index_cast %scan3A_438 : i32 to index
      %get3A_522 = arith.constant 112 : index
      %get3A_523 = tpu.vector_load %arg11[%get3A_521, %get3A_522] {strides = array<i32>} : memref<64x128xf32, #tpu.memory_space<vmem>>, vector<16xf32>,
      %get3A_524 = arith.index_cast %scan3A_438 : i32 to index
      %get3A_525 = arith.constant 112 : index
      %get3A_526 = tpu.vector_load %arg12[%get3A_524, %get3A_525] {strides = array<i32>} : memref<64x128xf32, #tpu.memory_space<vmem>>, vector<16xf32>,
      %mul3A_527 = arith.mulf %get3A_523, %get3A_526 : vector<16xf32>
      %get3A_528 = arith.index_cast %scan3A_438 : i32 to index
      %get3A_529 = arith.constant 112 : index
      %get3A_530 = tpu.vector_load %arg13[%get3A_528, %get3A_529] {strides = array<i32>} : memref<64x128xf32, #tpu.memory_space<vmem>>, vector<16xf32>,
      %mul3A_531 = arith.mulf %mul3A_527, %get3A_530 : vector<16xf32>
      %add3A_532 = arith.addf %add3A_520, %mul3A_531 : vector<16xf32>
      %mul3A_533 = arith.constant 16 : i32
      %mul3A_534 = arith.muli %scan3A_438, %mul3A_533 : i32
      %swap3A = arith.index_cast %mul3A_534 : i32 to index
      %swap3A_535 = tpu.vector_load %arg23[%swap3A] {strides = array<i32>} : memref<1024xf32, #tpu.memory_space<vmem>>, vector<16xf32>,
      tpu.vector_store %arg23[%swap3A], %add3A_532 {strides = array<i32>} : memref<1024xf32, #tpu.memory_space<vmem>>, vector<16xf32>,
    }
    %scan3A_116 = arith.constant 64 : i32
    %scan3A_117 = arith.constant 0 : i32
    %scan3A_118 = arith.constant 0 : i32
    %scan3A_119 = arith.constant 4 : i32
    %scan3A_120 = arith.addi %scan3A_118, %scan3A_119 : i32
    %scan3A_121 = arith.constant 1 : i32
    scf.for %scan3A_438 = %scan3A_118 to %scan3A_120 step %scan3A_121  : i32 {
      %iota3A = tpu.iota {dimensions = array<i32: 0>} : vector<16xi32>
      %mul3A_439 = arith.constant 16 : i32
      %mul3A_440 = arith.muli %scan3A_438, %mul3A_439 : i32
      %add3A_441 = vector.broadcast %mul3A_440 : i32 to vector<16xi32>
      %add3A_442 = arith.addi %add3A_441, %iota3A : vector<16xi32>
      %mul3A_443 = arith.constant 16 : i32
      %mul3A_444 = vector.broadcast %mul3A_443 : i32 to vector<16xi32>
      %mul3A_445 = arith.muli %add3A_442, %mul3A_444 : vector<16xi32>
      %add3A_446 = arith.addi %mul3A_445, %iota3A : vector<16xi32>
      %gather3A = tpu.vector_load_idx %arg23[%add3A_446] : memref<1024xf32, #tpu.memory_space<vmem>>[vector<16xi32>], vector<16xf32>,
      %add3A_447 = arith.constant 1 : i32
      %add3A_448 = vector.broadcast %add3A_447 : i32 to vector<16xi32>
      %add3A_449 = arith.addi %iota3A, %add3A_448 : vector<16xi32>
      %and3A = arith.constant 15 : i32
      %and3A_450 = vector.broadcast %and3A : i32 to vector<16xi32>
      %and3A_451 = arith.andi %add3A_449, %and3A_450 : vector<16xi32>
      %add3A_452 = arith.addi %mul3A_445, %and3A_451 : vector<16xi32>
      %gather3A_453 = tpu.vector_load_idx %arg23[%add3A_452] : memref<1024xf32, #tpu.memory_space<vmem>>[vector<16xi32>], vector<16xf32>,
      %add3A_454 = arith.addf %gather3A, %gather3A_453 : vector<16xf32>
      %add3A_455 = arith.constant 2 : i32
      %add3A_456 = vector.broadcast %add3A_455 : i32 to vector<16xi32>
      %add3A_457 = arith.addi %iota3A, %add3A_456 : vector<16xi32>
      %and3A_458 = arith.constant 15 : i32
      %and3A_459 = vector.broadcast %and3A_458 : i32 to vector<16xi32>
      %and3A_460 = arith.andi %add3A_457, %and3A_459 : vector<16xi32>
      %add3A_461 = arith.addi %mul3A_445, %and3A_460 : vector<16xi32>
      %gather3A_462 = tpu.vector_load_idx %arg23[%add3A_461] : memref<1024xf32, #tpu.memory_space<vmem>>[vector<16xi32>], vector<16xf32>,
      %add3A_463 = arith.addf %add3A_454, %gather3A_462 : vector<16xf32>
      %add3A_464 = arith.constant 3 : i32
      %add3A_465 = vector.broadcast %add3A_464 : i32 to vector<16xi32>
      %add3A_466 = arith.addi %iota3A, %add3A_465 : vector<16xi32>
      %and3A_467 = arith.constant 15 : i32
      %and3A_468 = vector.broadcast %and3A_467 : i32 to vector<16xi32>
      %and3A_469 = arith.andi %add3A_466, %and3A_468 : vector<16xi32>
      %add3A_470 = arith.addi %mul3A_445, %and3A_469 : vector<16xi32>
      %gather3A_471 = tpu.vector_load_idx %arg23[%add3A_470] : memref<1024xf32, #tpu.memory_space<vmem>>[vector<16xi32>], vector<16xf32>,
      %add3A_472 = arith.addf %add3A_463, %gather3A_471 : vector<16xf32>
      %add3A_473 = arith.constant 4 : i32
      %add3A_474 = vector.broadcast %add3A_473 : i32 to vector<16xi32>
      %add3A_475 = arith.addi %iota3A, %add3A_474 : vector<16xi32>
      %and3A_476 = arith.constant 15 : i32
      %and3A_477 = vector.broadcast %and3A_476 : i32 to vector<16xi32>
      %and3A_478 = arith.andi %add3A_475, %and3A_477 : vector<16xi32>
      %add3A_479 = arith.addi %mul3A_445, %and3A_478 : vector<16xi32>
      %gather3A_480 = tpu.vector_load_idx %arg23[%add3A_479] : memref<1024xf32, #tpu.memory_space<vmem>>[vector<16xi32>], vector<16xf32>,
      %add3A_481 = arith.addf %add3A_472, %gather3A_480 : vector<16xf32>
      %add3A_482 = arith.constant 5 : i32
      %add3A_483 = vector.broadcast %add3A_482 : i32 to vector<16xi32>
      %add3A_484 = arith.addi %iota3A, %add3A_483 : vector<16xi32>
      %and3A_485 = arith.constant 15 : i32
      %and3A_486 = vector.broadcast %and3A_485 : i32 to vector<16xi32>
      %and3A_487 = arith.andi %add3A_484, %and3A_486 : vector<16xi32>
      %add3A_488 = arith.addi %mul3A_445, %and3A_487 : vector<16xi32>
      %gather3A_489 = tpu.vector_load_idx %arg23[%add3A_488] : memref<1024xf32, #tpu.memory_space<vmem>>[vector<16xi32>], vector<16xf32>,
      %add3A_490 = arith.addf %add3A_481, %gather3A_489 : vector<16xf32>
      %add3A_491 = arith.constant 6 : i32
      %add3A_492 = vector.broadcast %add3A_491 : i32 to vector<16xi32>
      %add3A_493 = arith.addi %iota3A, %add3A_492 : vector<16xi32>
      %and3A_494 = arith.constant 15 : i32
      %and3A_495 = vector.broadcast %and3A_494 : i32 to vector<16xi32>
      %and3A_496 = arith.andi %add3A_493, %and3A_495 : vector<16xi32>
      %add3A_497 = arith.addi %mul3A_445, %and3A_496 : vector<16xi32>
      %gather3A_498 = tpu.vector_load_idx %arg23[%add3A_497] : memref<1024xf32, #tpu.memory_space<vmem>>[vector<16xi32>], vector<16xf32>,
      %add3A_499 = arith.addf %add3A_490, %gather3A_498 : vector<16xf32>
      %add3A_500 = arith.constant 7 : i32
      %add3A_501 = vector.broadcast %add3A_500 : i32 to vector<16xi32>
      %add3A_502 = arith.addi %iota3A, %add3A_501 : vector<16xi32>
      %and3A_503 = arith.constant 15 : i32
      %and3A_504 = vector.broadcast %and3A_503 : i32 to vector<16xi32>
      %and3A_505 = arith.andi %add3A_502, %and3A_504 : vector<16xi32>
      %add3A_506 = arith.addi %mul3A_445, %and3A_505 : vector<16xi32>
      %gather3A_507 = tpu.vector_load_idx %arg23[%add3A_506] : memref<1024xf32, #tpu.memory_space<vmem>>[vector<16xi32>], vector<16xf32>,
      %add3A_508 = arith.addf %add3A_499, %gather3A_507 : vector<16xf32>
      %add3A_509 = arith.constant 8 : i32
      %add3A_510 = vector.broadcast %add3A_509 : i32 to vector<16xi32>
      %add3A_511 = arith.addi %iota3A, %add3A_510 : vector<16xi32>
      %and3A_512 = arith.constant 15 : i32
      %and3A_513 = vector.broadcast %and3A_512 : i32 to vector<16xi32>
      %and3A_514 = arith.andi %add3A_511, %and3A_513 : vector<16xi32>
      %add3A_515 = arith.addi %mul3A_445, %and3A_514 : vector<16xi32>
      %gather3A_516 = tpu.vector_load_idx %arg23[%add3A_515] : memref<1024xf32, #tpu.memory_space<vmem>>[vector<16xi32>], vector<16xf32>,
      %add3A_517 = arith.addf %add3A_508, %gather3A_516 : vector<16xf32>
      %add3A_518 = arith.constant 9 : i32
      %add3A_519 = vector.broadcast %add3A_518 : i32 to vector<16xi32>
      %add3A_520 = arith.addi %iota3A, %add3A_519 : vector<16xi32>
      %and3A_521 = arith.constant 15 : i32
      %and3A_522 = vector.broadcast %and3A_521 : i32 to vector<16xi32>
      %and3A_523 = arith.andi %add3A_520, %and3A_522 : vector<16xi32>
      %add3A_524 = arith.addi %mul3A_445, %and3A_523 : vector<16xi32>
      %gather3A_525 = tpu.vector_load_idx %arg23[%add3A_524] : memref<1024xf32, #tpu.memory_space<vmem>>[vector<16xi32>], vector<16xf32>,
      %add3A_526 = arith.addf %add3A_517, %gather3A_525 : vector<16xf32>
      %add3A_527 = arith.constant 10 : i32
      %add3A_528 = vector.broadcast %add3A_527 : i32 to vector<16xi32>
      %add3A_529 = arith.addi %iota3A, %add3A_528 : vector<16xi32>
      %and3A_530 = arith.constant 15 : i32
      %and3A_531 = vector.broadcast %and3A_530 : i32 to vector<16xi32>
      %and3A_532 = arith.andi %add3A_529, %and3A_531 : vector<16xi32>
      %add3A_533 = arith.addi %mul3A_445, %and3A_532 : vector<16xi32>
      %gather3A_534 = tpu.vector_load_idx %arg23[%add3A_533] : memref<1024xf32, #tpu.memory_space<vmem>>[vector<16xi32>], vector<16xf32>,
      %add3A_535 = arith.addf %add3A_526, %gather3A_534 : vector<16xf32>
      %add3A_536 = arith.constant 11 : i32
      %add3A_537 = vector.broadcast %add3A_536 : i32 to vector<16xi32>
      %add3A_538 = arith.addi %iota3A, %add3A_537 : vector<16xi32>
      %and3A_539 = arith.constant 15 : i32
      %and3A_540 = vector.broadcast %and3A_539 : i32 to vector<16xi32>
      %and3A_541 = arith.andi %add3A_538, %and3A_540 : vector<16xi32>
      %add3A_542 = arith.addi %mul3A_445, %and3A_541 : vector<16xi32>
      %gather3A_543 = tpu.vector_load_idx %arg23[%add3A_542] : memref<1024xf32, #tpu.memory_space<vmem>>[vector<16xi32>], vector<16xf32>,
      %add3A_544 = arith.addf %add3A_535, %gather3A_543 : vector<16xf32>
      %add3A_545 = arith.constant 12 : i32
      %add3A_546 = vector.broadcast %add3A_545 : i32 to vector<16xi32>
      %add3A_547 = arith.addi %iota3A, %add3A_546 : vector<16xi32>
      %and3A_548 = arith.constant 15 : i32
      %and3A_549 = vector.broadcast %and3A_548 : i32 to vector<16xi32>
      %and3A_550 = arith.andi %add3A_547, %and3A_549 : vector<16xi32>
      %add3A_551 = arith.addi %mul3A_445, %and3A_550 : vector<16xi32>
      %gather3A_552 = tpu.vector_load_idx %arg23[%add3A_551] : memref<1024xf32, #tpu.memory_space<vmem>>[vector<16xi32>], vector<16xf32>,
      %add3A_553 = arith.addf %add3A_544, %gather3A_552 : vector<16xf32>
      %add3A_554 = arith.constant 13 : i32
      %add3A_555 = vector.broadcast %add3A_554 : i32 to vector<16xi32>
      %add3A_556 = arith.addi %iota3A, %add3A_555 : vector<16xi32>
      %and3A_557 = arith.constant 15 : i32
      %and3A_558 = vector.broadcast %and3A_557 : i32 to vector<16xi32>
      %and3A_559 = arith.andi %add3A_556, %and3A_558 : vector<16xi32>
      %add3A_560 = arith.addi %mul3A_445, %and3A_559 : vector<16xi32>
      %gather3A_561 = tpu.vector_load_idx %arg23[%add3A_560] : memref<1024xf32, #tpu.memory_space<vmem>>[vector<16xi32>], vector<16xf32>,
      %add3A_562 = arith.addf %add3A_553, %gather3A_561 : vector<16xf32>
      %add3A_563 = arith.constant 14 : i32
      %add3A_564 = vector.broadcast %add3A_563 : i32 to vector<16xi32>
      %add3A_565 = arith.addi %iota3A, %add3A_564 : vector<16xi32>
      %and3A_566 = arith.constant 15 : i32
      %and3A_567 = vector.broadcast %and3A_566 : i32 to vector<16xi32>
      %and3A_568 = arith.andi %add3A_565, %and3A_567 : vector<16xi32>
      %add3A_569 = arith.addi %mul3A_445, %and3A_568 : vector<16xi32>
      %gather3A_570 = tpu.vector_load_idx %arg23[%add3A_569] : memref<1024xf32, #tpu.memory_space<vmem>>[vector<16xi32>], vector<16xf32>,
      %add3A_571 = arith.addf %add3A_562, %gather3A_570 : vector<16xf32>
      %add3A_572 = arith.constant 15 : i32
      %add3A_573 = vector.broadcast %add3A_572 : i32 to vector<16xi32>
      %add3A_574 = arith.addi %iota3A, %add3A_573 : vector<16xi32>
      %and3A_575 = arith.constant 15 : i32
      %and3A_576 = vector.broadcast %and3A_575 : i32 to vector<16xi32>
      %and3A_577 = arith.andi %add3A_574, %and3A_576 : vector<16xi32>
      %add3A_578 = arith.addi %mul3A_445, %and3A_577 : vector<16xi32>
      %gather3A_579 = tpu.vector_load_idx %arg23[%add3A_578] : memref<1024xf32, #tpu.memory_space<vmem>>[vector<16xi32>], vector<16xf32>,
      %add3A_580 = arith.addf %add3A_571, %gather3A_579 : vector<16xf32>
      %mul3A_581 = arith.constant 16 : i32
      %mul3A_582 = arith.muli %scan3A_438, %mul3A_581 : i32
      %add3A_583 = arith.constant 0 : i32
      %add3A_584 = arith.addi %add3A_583, %mul3A_582 : i32
      %swap3A = arith.index_cast %add3A_584 : i32 to index
      %swap3A_585 = tpu.vector_load %arg24[%swap3A] {strides = array<i32>} : memref<512xf32, #tpu.memory_space<vmem>>, vector<16xf32>,
      tpu.vector_store %arg24[%swap3A], %add3A_580 {strides = array<i32>} : memref<512xf32, #tpu.memory_space<vmem>>, vector<16xf32>,
    }
    %scan3A_122 = arith.constant 4 : i32
    %dma_wait3A_123 = arith.constant 1 : i32
    %dma_wait3A_124 = arith.constant 0 : i32
    %dma_wait3A_125 = tpu.memref_slice %arg8[%dma_wait3A_123, %dma_wait3A_124] : memref<8x64xi32, #tpu.memory_space<vmem>> -> memref<1x64xi32, #tpu.memory_space<vmem>>
    %dma_wait3A_126 = tpu.memref_squeeze %dma_wait3A_125 : memref<1x64xi32, #tpu.memory_space<vmem>> -> memref<64xi32, #tpu.memory_space<vmem>>
    %dma_wait3A_127 = arith.constant 0 : i32
    %dma_wait3A_128 = arith.constant 0 : i32
    %dma_wait3A_129 = tpu.memref_slice %arg5[%dma_wait3A_127, %dma_wait3A_128] : memref<1000000x128xf32, #tpu.memory_space<hbm>> -> memref<1000000x128xf32, #tpu.memory_space<hbm>>
    tpu.wait_indirect_dma semaphore(%arg26 : memref<!tpu.dma_semaphore, #tpu.memory_space<semaphore_mem>>) src(%dma_wait3A_129 : memref<1000000x128xf32, #tpu.memory_space<hbm>>) dst(%arg14 : memref<64x128xf32, #tpu.memory_space<vmem>>)
    %dma_wait3A_130 = arith.constant 1 : i32
    %dma_wait3A_131 = arith.constant 0 : i32
    %dma_wait3A_132 = tpu.memref_slice %arg9[%dma_wait3A_130, %dma_wait3A_131] : memref<8x64xi32, #tpu.memory_space<vmem>> -> memref<1x64xi32, #tpu.memory_space<vmem>>
    %dma_wait3A_133 = tpu.memref_squeeze %dma_wait3A_132 : memref<1x64xi32, #tpu.memory_space<vmem>> -> memref<64xi32, #tpu.memory_space<vmem>>
    %dma_wait3A_134 = arith.constant 0 : i32
    %dma_wait3A_135 = arith.constant 0 : i32
    %dma_wait3A_136 = tpu.memref_slice %arg6[%dma_wait3A_134, %dma_wait3A_135] : memref<1000x128xf32, #tpu.memory_space<hbm>> -> memref<1000x128xf32, #tpu.memory_space<hbm>>
    tpu.wait_indirect_dma semaphore(%arg26 : memref<!tpu.dma_semaphore, #tpu.memory_space<semaphore_mem>>) src(%dma_wait3A_136 : memref<1000x128xf32, #tpu.memory_space<hbm>>) dst(%arg15 : memref<64x128xf32, #tpu.memory_space<vmem>>)
    %dma_wait3A_137 = arith.constant 1 : i32
    %dma_wait3A_138 = arith.constant 0 : i32
    %dma_wait3A_139 = tpu.memref_slice %arg10[%dma_wait3A_137, %dma_wait3A_138] : memref<8x64xi32, #tpu.memory_space<vmem>> -> memref<1x64xi32, #tpu.memory_space<vmem>>
    %dma_wait3A_140 = tpu.memref_squeeze %dma_wait3A_139 : memref<1x64xi32, #tpu.memory_space<vmem>> -> memref<64xi32, #tpu.memory_space<vmem>>
    %dma_wait3A_141 = arith.constant 0 : i32
    %dma_wait3A_142 = arith.constant 0 : i32
    %dma_wait3A_143 = tpu.memref_slice %arg5[%dma_wait3A_141, %dma_wait3A_142] : memref<1000000x128xf32, #tpu.memory_space<hbm>> -> memref<1000000x128xf32, #tpu.memory_space<hbm>>
    tpu.wait_indirect_dma semaphore(%arg26 : memref<!tpu.dma_semaphore, #tpu.memory_space<semaphore_mem>>) src(%dma_wait3A_143 : memref<1000000x128xf32, #tpu.memory_space<hbm>>) dst(%arg16 : memref<64x128xf32, #tpu.memory_space<vmem>>)
    %dma_start3A_144 = arith.constant 4 : i32
    %dma_start3A_145 = arith.constant 0 : i32
    %dma_start3A_146 = tpu.memref_slice %arg8[%dma_start3A_144, %dma_start3A_145] : memref<8x64xi32, #tpu.memory_space<vmem>> -> memref<1x64xi32, #tpu.memory_space<vmem>>
    %dma_start3A_147 = tpu.memref_squeeze %dma_start3A_146 : memref<1x64xi32, #tpu.memory_space<vmem>> -> memref<64xi32, #tpu.memory_space<vmem>>
    %dma_start3A_148 = arith.constant 0 : i32
    %dma_start3A_149 = arith.constant 0 : i32
    %dma_start3A_150 = tpu.memref_slice %arg5[%dma_start3A_148, %dma_start3A_149] : memref<1000000x128xf32, #tpu.memory_space<hbm>> -> memref<1000000x128xf32, #tpu.memory_space<hbm>>
    tpu.enqueue_indirect_dma source(%dma_start3A_150 : memref<1000000x128xf32, #tpu.memory_space<hbm>>) target(%arg11 : memref<64x128xf32, #tpu.memory_space<vmem>>) offsets(%dma_start3A_147 : memref<64xi32, #tpu.memory_space<vmem>>) semaphore(%arg25 : memref<!tpu.dma_semaphore, #tpu.memory_space<semaphore_mem>>)
    %dma_start3A_151 = arith.constant 4 : i32
    %dma_start3A_152 = arith.constant 0 : i32
    %dma_start3A_153 = tpu.memref_slice %arg9[%dma_start3A_151, %dma_start3A_152] : memref<8x64xi32, #tpu.memory_space<vmem>> -> memref<1x64xi32, #tpu.memory_space<vmem>>
    %dma_start3A_154 = tpu.memref_squeeze %dma_start3A_153 : memref<1x64xi32, #tpu.memory_space<vmem>> -> memref<64xi32, #tpu.memory_space<vmem>>
    %dma_start3A_155 = arith.constant 0 : i32
    %dma_start3A_156 = arith.constant 0 : i32
    %dma_start3A_157 = tpu.memref_slice %arg6[%dma_start3A_155, %dma_start3A_156] : memref<1000x128xf32, #tpu.memory_space<hbm>> -> memref<1000x128xf32, #tpu.memory_space<hbm>>
    tpu.enqueue_indirect_dma source(%dma_start3A_157 : memref<1000x128xf32, #tpu.memory_space<hbm>>) target(%arg12 : memref<64x128xf32, #tpu.memory_space<vmem>>) offsets(%dma_start3A_154 : memref<64xi32, #tpu.memory_space<vmem>>) semaphore(%arg25 : memref<!tpu.dma_semaphore, #tpu.memory_space<semaphore_mem>>)
    %dma_start3A_158 = arith.constant 4 : i32
    %dma_start3A_159 = arith.constant 0 : i32
    %dma_start3A_160 = tpu.memref_slice %arg10[%dma_start3A_158, %dma_start3A_159] : memref<8x64xi32, #tpu.memory_space<vmem>> -> memref<1x64xi32, #tpu.memory_space<vmem>>
    %dma_start3A_161 = tpu.memref_squeeze %dma_start3A_160 : memref<1x64xi32, #tpu.memory_space<vmem>> -> memref<64xi32, #tpu.memory_space<vmem>>
    %dma_start3A_162 = arith.constant 0 : i32
    %dma_start3A_163 = arith.constant 0 : i32
    %dma_start3A_164 = tpu.memref_slice %arg5[%dma_start3A_162, %dma_start3A_163] : memref<1000000x128xf32, #tpu.memory_space<hbm>> -> memref<1000000x128xf32, #tpu.memory_space<hbm>>
    tpu.enqueue_indirect_dma source(%dma_start3A_164 : memref<1000000x128xf32, #tpu.memory_space<hbm>>) target(%arg13 : memref<64x128xf32, #tpu.memory_space<vmem>>) offsets(%dma_start3A_161 : memref<64xi32, #tpu.memory_space<vmem>>) semaphore(%arg25 : memref<!tpu.dma_semaphore, #tpu.memory_space<semaphore_mem>>)
    %scan3A_165 = arith.constant 0 : i32
    %scan3A_166 = arith.constant 0 : i32
    %scan3A_167 = arith.constant 64 : i32
    %scan3A_168 = arith.addi %scan3A_166, %scan3A_167 : i32
    %scan3A_169 = arith.constant 1 : i32
    scf.for %scan3A_438 = %scan3A_166 to %scan3A_168 step %scan3A_169  : i32 {
      %get3A = arith.index_cast %scan3A_438 : i32 to index
      %get3A_439 = arith.constant 0 : index
      %get3A_440 = tpu.vector_load %arg14[%get3A, %get3A_439] {strides = array<i32>} : memref<64x128xf32, #tpu.memory_space<vmem>>, vector<16xf32>,
      %get3A_441 = arith.index_cast %scan3A_438 : i32 to index
      %get3A_442 = arith.constant 0 : index
      %get3A_443 = tpu.vector_load %arg15[%get3A_441, %get3A_442] {strides = array<i32>} : memref<64x128xf32, #tpu.memory_space<vmem>>, vector<16xf32>,
      %mul3A_444 = arith.mulf %get3A_440, %get3A_443 : vector<16xf32>
      %get3A_445 = arith.index_cast %scan3A_438 : i32 to index
      %get3A_446 = arith.constant 0 : index
      %get3A_447 = tpu.vector_load %arg16[%get3A_445, %get3A_446] {strides = array<i32>} : memref<64x128xf32, #tpu.memory_space<vmem>>, vector<16xf32>,
      %mul3A_448 = arith.mulf %mul3A_444, %get3A_447 : vector<16xf32>
      %get3A_449 = arith.index_cast %scan3A_438 : i32 to index
      %get3A_450 = arith.constant 16 : index
      %get3A_451 = tpu.vector_load %arg14[%get3A_449, %get3A_450] {strides = array<i32>} : memref<64x128xf32, #tpu.memory_space<vmem>>, vector<16xf32>,
      %get3A_452 = arith.index_cast %scan3A_438 : i32 to index
      %get3A_453 = arith.constant 16 : index
      %get3A_454 = tpu.vector_load %arg15[%get3A_452, %get3A_453] {strides = array<i32>} : memref<64x128xf32, #tpu.memory_space<vmem>>, vector<16xf32>,
      %mul3A_455 = arith.mulf %get3A_451, %get3A_454 : vector<16xf32>
      %get3A_456 = arith.index_cast %scan3A_438 : i32 to index
      %get3A_457 = arith.constant 16 : index
      %get3A_458 = tpu.vector_load %arg16[%get3A_456, %get3A_457] {strides = array<i32>} : memref<64x128xf32, #tpu.memory_space<vmem>>, vector<16xf32>,
      %mul3A_459 = arith.mulf %mul3A_455, %get3A_458 : vector<16xf32>
      %add3A_460 = arith.addf %mul3A_448, %mul3A_459 : vector<16xf32>
      %get3A_461 = arith.index_cast %scan3A_438 : i32 to index
      %get3A_462 = arith.constant 32 : index
      %get3A_463 = tpu.vector_load %arg14[%get3A_461, %get3A_462] {strides = array<i32>} : memref<64x128xf32, #tpu.memory_space<vmem>>, vector<16xf32>,
      %get3A_464 = arith.index_cast %scan3A_438 : i32 to index
      %get3A_465 = arith.constant 32 : index
      %get3A_466 = tpu.vector_load %arg15[%get3A_464, %get3A_465] {strides = array<i32>} : memref<64x128xf32, #tpu.memory_space<vmem>>, vector<16xf32>,
      %mul3A_467 = arith.mulf %get3A_463, %get3A_466 : vector<16xf32>
      %get3A_468 = arith.index_cast %scan3A_438 : i32 to index
      %get3A_469 = arith.constant 32 : index
      %get3A_470 = tpu.vector_load %arg16[%get3A_468, %get3A_469] {strides = array<i32>} : memref<64x128xf32, #tpu.memory_space<vmem>>, vector<16xf32>,
      %mul3A_471 = arith.mulf %mul3A_467, %get3A_470 : vector<16xf32>
      %add3A_472 = arith.addf %add3A_460, %mul3A_471 : vector<16xf32>
      %get3A_473 = arith.index_cast %scan3A_438 : i32 to index
      %get3A_474 = arith.constant 48 : index
      %get3A_475 = tpu.vector_load %arg14[%get3A_473, %get3A_474] {strides = array<i32>} : memref<64x128xf32, #tpu.memory_space<vmem>>, vector<16xf32>,
      %get3A_476 = arith.index_cast %scan3A_438 : i32 to index
      %get3A_477 = arith.constant 48 : index
      %get3A_478 = tpu.vector_load %arg15[%get3A_476, %get3A_477] {strides = array<i32>} : memref<64x128xf32, #tpu.memory_space<vmem>>, vector<16xf32>,
      %mul3A_479 = arith.mulf %get3A_475, %get3A_478 : vector<16xf32>
      %get3A_480 = arith.index_cast %scan3A_438 : i32 to index
      %get3A_481 = arith.constant 48 : index
      %get3A_482 = tpu.vector_load %arg16[%get3A_480, %get3A_481] {strides = array<i32>} : memref<64x128xf32, #tpu.memory_space<vmem>>, vector<16xf32>,
      %mul3A_483 = arith.mulf %mul3A_479, %get3A_482 : vector<16xf32>
      %add3A_484 = arith.addf %add3A_472, %mul3A_483 : vector<16xf32>
      %get3A_485 = arith.index_cast %scan3A_438 : i32 to index
      %get3A_486 = arith.constant 64 : index
      %get3A_487 = tpu.vector_load %arg14[%get3A_485, %get3A_486] {strides = array<i32>} : memref<64x128xf32, #tpu.memory_space<vmem>>, vector<16xf32>,
      %get3A_488 = arith.index_cast %scan3A_438 : i32 to index
      %get3A_489 = arith.constant 64 : index
      %get3A_490 = tpu.vector_load %arg15[%get3A_488, %get3A_489] {strides = array<i32>} : memref<64x128xf32, #tpu.memory_space<vmem>>, vector<16xf32>,
      %mul3A_491 = arith.mulf %get3A_487, %get3A_490 : vector<16xf32>
      %get3A_492 = arith.index_cast %scan3A_438 : i32 to index
      %get3A_493 = arith.constant 64 : index
      %get3A_494 = tpu.vector_load %arg16[%get3A_492, %get3A_493] {strides = array<i32>} : memref<64x128xf32, #tpu.memory_space<vmem>>, vector<16xf32>,
      %mul3A_495 = arith.mulf %mul3A_491, %get3A_494 : vector<16xf32>
      %add3A_496 = arith.addf %add3A_484, %mul3A_495 : vector<16xf32>
      %get3A_497 = arith.index_cast %scan3A_438 : i32 to index
      %get3A_498 = arith.constant 80 : index
      %get3A_499 = tpu.vector_load %arg14[%get3A_497, %get3A_498] {strides = array<i32>} : memref<64x128xf32, #tpu.memory_space<vmem>>, vector<16xf32>,
      %get3A_500 = arith.index_cast %scan3A_438 : i32 to index
      %get3A_501 = arith.constant 80 : index
      %get3A_502 = tpu.vector_load %arg15[%get3A_500, %get3A_501] {strides = array<i32>} : memref<64x128xf32, #tpu.memory_space<vmem>>, vector<16xf32>,
      %mul3A_503 = arith.mulf %get3A_499, %get3A_502 : vector<16xf32>
      %get3A_504 = arith.index_cast %scan3A_438 : i32 to index
      %get3A_505 = arith.constant 80 : index
      %get3A_506 = tpu.vector_load %arg16[%get3A_504, %get3A_505] {strides = array<i32>} : memref<64x128xf32, #tpu.memory_space<vmem>>, vector<16xf32>,
      %mul3A_507 = arith.mulf %mul3A_503, %get3A_506 : vector<16xf32>
      %add3A_508 = arith.addf %add3A_496, %mul3A_507 : vector<16xf32>
      %get3A_509 = arith.index_cast %scan3A_438 : i32 to index
      %get3A_510 = arith.constant 96 : index
      %get3A_511 = tpu.vector_load %arg14[%get3A_509, %get3A_510] {strides = array<i32>} : memref<64x128xf32, #tpu.memory_space<vmem>>, vector<16xf32>,
      %get3A_512 = arith.index_cast %scan3A_438 : i32 to index
      %get3A_513 = arith.constant 96 : index
      %get3A_514 = tpu.vector_load %arg15[%get3A_512, %get3A_513] {strides = array<i32>} : memref<64x128xf32, #tpu.memory_space<vmem>>, vector<16xf32>,
      %mul3A_515 = arith.mulf %get3A_511, %get3A_514 : vector<16xf32>
      %get3A_516 = arith.index_cast %scan3A_438 : i32 to index
      %get3A_517 = arith.constant 96 : index
      %get3A_518 = tpu.vector_load %arg16[%get3A_516, %get3A_517] {strides = array<i32>} : memref<64x128xf32, #tpu.memory_space<vmem>>, vector<16xf32>,
      %mul3A_519 = arith.mulf %mul3A_515, %get3A_518 : vector<16xf32>
      %add3A_520 = arith.addf %add3A_508, %mul3A_519 : vector<16xf32>
      %get3A_521 = arith.index_cast %scan3A_438 : i32 to index
      %get3A_522 = arith.constant 112 : index
      %get3A_523 = tpu.vector_load %arg14[%get3A_521, %get3A_522] {strides = array<i32>} : memref<64x128xf32, #tpu.memory_space<vmem>>, vector<16xf32>,
      %get3A_524 = arith.index_cast %scan3A_438 : i32 to index
      %get3A_525 = arith.constant 112 : index
      %get3A_526 = tpu.vector_load %arg15[%get3A_524, %get3A_525] {strides = array<i32>} : memref<64x128xf32, #tpu.memory_space<vmem>>, vector<16xf32>,
      %mul3A_527 = arith.mulf %get3A_523, %get3A_526 : vector<16xf32>
      %get3A_528 = arith.index_cast %scan3A_438 : i32 to index
      %get3A_529 = arith.constant 112 : index
      %get3A_530 = tpu.vector_load %arg16[%get3A_528, %get3A_529] {strides = array<i32>} : memref<64x128xf32, #tpu.memory_space<vmem>>, vector<16xf32>,
      %mul3A_531 = arith.mulf %mul3A_527, %get3A_530 : vector<16xf32>
      %add3A_532 = arith.addf %add3A_520, %mul3A_531 : vector<16xf32>
      %mul3A_533 = arith.constant 16 : i32
      %mul3A_534 = arith.muli %scan3A_438, %mul3A_533 : i32
      %swap3A = arith.index_cast %mul3A_534 : i32 to index
      %swap3A_535 = tpu.vector_load %arg23[%swap3A] {strides = array<i32>} : memref<1024xf32, #tpu.memory_space<vmem>>, vector<16xf32>,
      tpu.vector_store %arg23[%swap3A], %add3A_532 {strides = array<i32>} : memref<1024xf32, #tpu.memory_space<vmem>>, vector<16xf32>,
    }
    %scan3A_170 = arith.constant 64 : i32
    %scan3A_171 = arith.constant 0 : i32
    %scan3A_172 = arith.constant 0 : i32
    %scan3A_173 = arith.constant 4 : i32
    %scan3A_174 = arith.addi %scan3A_172, %scan3A_173 : i32
    %scan3A_175 = arith.constant 1 : i32
    scf.for %scan3A_438 = %scan3A_172 to %scan3A_174 step %scan3A_175  : i32 {
      %iota3A = tpu.iota {dimensions = array<i32: 0>} : vector<16xi32>
      %mul3A_439 = arith.constant 16 : i32
      %mul3A_440 = arith.muli %scan3A_438, %mul3A_439 : i32
      %add3A_441 = vector.broadcast %mul3A_440 : i32 to vector<16xi32>
      %add3A_442 = arith.addi %add3A_441, %iota3A : vector<16xi32>
      %mul3A_443 = arith.constant 16 : i32
      %mul3A_444 = vector.broadcast %mul3A_443 : i32 to vector<16xi32>
      %mul3A_445 = arith.muli %add3A_442, %mul3A_444 : vector<16xi32>
      %add3A_446 = arith.addi %mul3A_445, %iota3A : vector<16xi32>
      %gather3A = tpu.vector_load_idx %arg23[%add3A_446] : memref<1024xf32, #tpu.memory_space<vmem>>[vector<16xi32>], vector<16xf32>,
      %add3A_447 = arith.constant 1 : i32
      %add3A_448 = vector.broadcast %add3A_447 : i32 to vector<16xi32>
      %add3A_449 = arith.addi %iota3A, %add3A_448 : vector<16xi32>
      %and3A = arith.constant 15 : i32
      %and3A_450 = vector.broadcast %and3A : i32 to vector<16xi32>
      %and3A_451 = arith.andi %add3A_449, %and3A_450 : vector<16xi32>
      %add3A_452 = arith.addi %mul3A_445, %and3A_451 : vector<16xi32>
      %gather3A_453 = tpu.vector_load_idx %arg23[%add3A_452] : memref<1024xf32, #tpu.memory_space<vmem>>[vector<16xi32>], vector<16xf32>,
      %add3A_454 = arith.addf %gather3A, %gather3A_453 : vector<16xf32>
      %add3A_455 = arith.constant 2 : i32
      %add3A_456 = vector.broadcast %add3A_455 : i32 to vector<16xi32>
      %add3A_457 = arith.addi %iota3A, %add3A_456 : vector<16xi32>
      %and3A_458 = arith.constant 15 : i32
      %and3A_459 = vector.broadcast %and3A_458 : i32 to vector<16xi32>
      %and3A_460 = arith.andi %add3A_457, %and3A_459 : vector<16xi32>
      %add3A_461 = arith.addi %mul3A_445, %and3A_460 : vector<16xi32>
      %gather3A_462 = tpu.vector_load_idx %arg23[%add3A_461] : memref<1024xf32, #tpu.memory_space<vmem>>[vector<16xi32>], vector<16xf32>,
      %add3A_463 = arith.addf %add3A_454, %gather3A_462 : vector<16xf32>
      %add3A_464 = arith.constant 3 : i32
      %add3A_465 = vector.broadcast %add3A_464 : i32 to vector<16xi32>
      %add3A_466 = arith.addi %iota3A, %add3A_465 : vector<16xi32>
      %and3A_467 = arith.constant 15 : i32
      %and3A_468 = vector.broadcast %and3A_467 : i32 to vector<16xi32>
      %and3A_469 = arith.andi %add3A_466, %and3A_468 : vector<16xi32>
      %add3A_470 = arith.addi %mul3A_445, %and3A_469 : vector<16xi32>
      %gather3A_471 = tpu.vector_load_idx %arg23[%add3A_470] : memref<1024xf32, #tpu.memory_space<vmem>>[vector<16xi32>], vector<16xf32>,
      %add3A_472 = arith.addf %add3A_463, %gather3A_471 : vector<16xf32>
      %add3A_473 = arith.constant 4 : i32
      %add3A_474 = vector.broadcast %add3A_473 : i32 to vector<16xi32>
      %add3A_475 = arith.addi %iota3A, %add3A_474 : vector<16xi32>
      %and3A_476 = arith.constant 15 : i32
      %and3A_477 = vector.broadcast %and3A_476 : i32 to vector<16xi32>
      %and3A_478 = arith.andi %add3A_475, %and3A_477 : vector<16xi32>
      %add3A_479 = arith.addi %mul3A_445, %and3A_478 : vector<16xi32>
      %gather3A_480 = tpu.vector_load_idx %arg23[%add3A_479] : memref<1024xf32, #tpu.memory_space<vmem>>[vector<16xi32>], vector<16xf32>,
      %add3A_481 = arith.addf %add3A_472, %gather3A_480 : vector<16xf32>
      %add3A_482 = arith.constant 5 : i32
      %add3A_483 = vector.broadcast %add3A_482 : i32 to vector<16xi32>
      %add3A_484 = arith.addi %iota3A, %add3A_483 : vector<16xi32>
      %and3A_485 = arith.constant 15 : i32
      %and3A_486 = vector.broadcast %and3A_485 : i32 to vector<16xi32>
      %and3A_487 = arith.andi %add3A_484, %and3A_486 : vector<16xi32>
      %add3A_488 = arith.addi %mul3A_445, %and3A_487 : vector<16xi32>
      %gather3A_489 = tpu.vector_load_idx %arg23[%add3A_488] : memref<1024xf32, #tpu.memory_space<vmem>>[vector<16xi32>], vector<16xf32>,
      %add3A_490 = arith.addf %add3A_481, %gather3A_489 : vector<16xf32>
      %add3A_491 = arith.constant 6 : i32
      %add3A_492 = vector.broadcast %add3A_491 : i32 to vector<16xi32>
      %add3A_493 = arith.addi %iota3A, %add3A_492 : vector<16xi32>
      %and3A_494 = arith.constant 15 : i32
      %and3A_495 = vector.broadcast %and3A_494 : i32 to vector<16xi32>
      %and3A_496 = arith.andi %add3A_493, %and3A_495 : vector<16xi32>
      %add3A_497 = arith.addi %mul3A_445, %and3A_496 : vector<16xi32>
      %gather3A_498 = tpu.vector_load_idx %arg23[%add3A_497] : memref<1024xf32, #tpu.memory_space<vmem>>[vector<16xi32>], vector<16xf32>,
      %add3A_499 = arith.addf %add3A_490, %gather3A_498 : vector<16xf32>
      %add3A_500 = arith.constant 7 : i32
      %add3A_501 = vector.broadcast %add3A_500 : i32 to vector<16xi32>
      %add3A_502 = arith.addi %iota3A, %add3A_501 : vector<16xi32>
      %and3A_503 = arith.constant 15 : i32
      %and3A_504 = vector.broadcast %and3A_503 : i32 to vector<16xi32>
      %and3A_505 = arith.andi %add3A_502, %and3A_504 : vector<16xi32>
      %add3A_506 = arith.addi %mul3A_445, %and3A_505 : vector<16xi32>
      %gather3A_507 = tpu.vector_load_idx %arg23[%add3A_506] : memref<1024xf32, #tpu.memory_space<vmem>>[vector<16xi32>], vector<16xf32>,
      %add3A_508 = arith.addf %add3A_499, %gather3A_507 : vector<16xf32>
      %add3A_509 = arith.constant 8 : i32
      %add3A_510 = vector.broadcast %add3A_509 : i32 to vector<16xi32>
      %add3A_511 = arith.addi %iota3A, %add3A_510 : vector<16xi32>
      %and3A_512 = arith.constant 15 : i32
      %and3A_513 = vector.broadcast %and3A_512 : i32 to vector<16xi32>
      %and3A_514 = arith.andi %add3A_511, %and3A_513 : vector<16xi32>
      %add3A_515 = arith.addi %mul3A_445, %and3A_514 : vector<16xi32>
      %gather3A_516 = tpu.vector_load_idx %arg23[%add3A_515] : memref<1024xf32, #tpu.memory_space<vmem>>[vector<16xi32>], vector<16xf32>,
      %add3A_517 = arith.addf %add3A_508, %gather3A_516 : vector<16xf32>
      %add3A_518 = arith.constant 9 : i32
      %add3A_519 = vector.broadcast %add3A_518 : i32 to vector<16xi32>
      %add3A_520 = arith.addi %iota3A, %add3A_519 : vector<16xi32>
      %and3A_521 = arith.constant 15 : i32
      %and3A_522 = vector.broadcast %and3A_521 : i32 to vector<16xi32>
      %and3A_523 = arith.andi %add3A_520, %and3A_522 : vector<16xi32>
      %add3A_524 = arith.addi %mul3A_445, %and3A_523 : vector<16xi32>
      %gather3A_525 = tpu.vector_load_idx %arg23[%add3A_524] : memref<1024xf32, #tpu.memory_space<vmem>>[vector<16xi32>], vector<16xf32>,
      %add3A_526 = arith.addf %add3A_517, %gather3A_525 : vector<16xf32>
      %add3A_527 = arith.constant 10 : i32
      %add3A_528 = vector.broadcast %add3A_527 : i32 to vector<16xi32>
      %add3A_529 = arith.addi %iota3A, %add3A_528 : vector<16xi32>
      %and3A_530 = arith.constant 15 : i32
      %and3A_531 = vector.broadcast %and3A_530 : i32 to vector<16xi32>
      %and3A_532 = arith.andi %add3A_529, %and3A_531 : vector<16xi32>
      %add3A_533 = arith.addi %mul3A_445, %and3A_532 : vector<16xi32>
      %gather3A_534 = tpu.vector_load_idx %arg23[%add3A_533] : memref<1024xf32, #tpu.memory_space<vmem>>[vector<16xi32>], vector<16xf32>,
      %add3A_535 = arith.addf %add3A_526, %gather3A_534 : vector<16xf32>
      %add3A_536 = arith.constant 11 : i32
      %add3A_537 = vector.broadcast %add3A_536 : i32 to vector<16xi32>
      %add3A_538 = arith.addi %iota3A, %add3A_537 : vector<16xi32>
      %and3A_539 = arith.constant 15 : i32
      %and3A_540 = vector.broadcast %and3A_539 : i32 to vector<16xi32>
      %and3A_541 = arith.andi %add3A_538, %and3A_540 : vector<16xi32>
      %add3A_542 = arith.addi %mul3A_445, %and3A_541 : vector<16xi32>
      %gather3A_543 = tpu.vector_load_idx %arg23[%add3A_542] : memref<1024xf32, #tpu.memory_space<vmem>>[vector<16xi32>], vector<16xf32>,
      %add3A_544 = arith.addf %add3A_535, %gather3A_543 : vector<16xf32>
      %add3A_545 = arith.constant 12 : i32
      %add3A_546 = vector.broadcast %add3A_545 : i32 to vector<16xi32>
      %add3A_547 = arith.addi %iota3A, %add3A_546 : vector<16xi32>
      %and3A_548 = arith.constant 15 : i32
      %and3A_549 = vector.broadcast %and3A_548 : i32 to vector<16xi32>
      %and3A_550 = arith.andi %add3A_547, %and3A_549 : vector<16xi32>
      %add3A_551 = arith.addi %mul3A_445, %and3A_550 : vector<16xi32>
      %gather3A_552 = tpu.vector_load_idx %arg23[%add3A_551] : memref<1024xf32, #tpu.memory_space<vmem>>[vector<16xi32>], vector<16xf32>,
      %add3A_553 = arith.addf %add3A_544, %gather3A_552 : vector<16xf32>
      %add3A_554 = arith.constant 13 : i32
      %add3A_555 = vector.broadcast %add3A_554 : i32 to vector<16xi32>
      %add3A_556 = arith.addi %iota3A, %add3A_555 : vector<16xi32>
      %and3A_557 = arith.constant 15 : i32
      %and3A_558 = vector.broadcast %and3A_557 : i32 to vector<16xi32>
      %and3A_559 = arith.andi %add3A_556, %and3A_558 : vector<16xi32>
      %add3A_560 = arith.addi %mul3A_445, %and3A_559 : vector<16xi32>
      %gather3A_561 = tpu.vector_load_idx %arg23[%add3A_560] : memref<1024xf32, #tpu.memory_space<vmem>>[vector<16xi32>], vector<16xf32>,
      %add3A_562 = arith.addf %add3A_553, %gather3A_561 : vector<16xf32>
      %add3A_563 = arith.constant 14 : i32
      %add3A_564 = vector.broadcast %add3A_563 : i32 to vector<16xi32>
      %add3A_565 = arith.addi %iota3A, %add3A_564 : vector<16xi32>
      %and3A_566 = arith.constant 15 : i32
      %and3A_567 = vector.broadcast %and3A_566 : i32 to vector<16xi32>
      %and3A_568 = arith.andi %add3A_565, %and3A_567 : vector<16xi32>
      %add3A_569 = arith.addi %mul3A_445, %and3A_568 : vector<16xi32>
      %gather3A_570 = tpu.vector_load_idx %arg23[%add3A_569] : memref<1024xf32, #tpu.memory_space<vmem>>[vector<16xi32>], vector<16xf32>,
      %add3A_571 = arith.addf %add3A_562, %gather3A_570 : vector<16xf32>
      %add3A_572 = arith.constant 15 : i32
      %add3A_573 = vector.broadcast %add3A_572 : i32 to vector<16xi32>
      %add3A_574 = arith.addi %iota3A, %add3A_573 : vector<16xi32>
      %and3A_575 = arith.constant 15 : i32
      %and3A_576 = vector.broadcast %and3A_575 : i32 to vector<16xi32>
      %and3A_577 = arith.andi %add3A_574, %and3A_576 : vector<16xi32>
      %add3A_578 = arith.addi %mul3A_445, %and3A_577 : vector<16xi32>
      %gather3A_579 = tpu.vector_load_idx %arg23[%add3A_578] : memref<1024xf32, #tpu.memory_space<vmem>>[vector<16xi32>], vector<16xf32>,
      %add3A_580 = arith.addf %add3A_571, %gather3A_579 : vector<16xf32>
      %mul3A_581 = arith.constant 16 : i32
      %mul3A_582 = arith.muli %scan3A_438, %mul3A_581 : i32
      %add3A_583 = arith.constant 64 : i32
      %add3A_584 = arith.addi %add3A_583, %mul3A_582 : i32
      %swap3A = arith.index_cast %add3A_584 : i32 to index
      %swap3A_585 = tpu.vector_load %arg24[%swap3A] {strides = array<i32>} : memref<512xf32, #tpu.memory_space<vmem>>, vector<16xf32>,
      tpu.vector_store %arg24[%swap3A], %add3A_580 {strides = array<i32>} : memref<512xf32, #tpu.memory_space<vmem>>, vector<16xf32>,
    }
    %scan3A_176 = arith.constant 4 : i32
    %dma_wait3A_177 = arith.constant 2 : i32
    %dma_wait3A_178 = arith.constant 0 : i32
    %dma_wait3A_179 = tpu.memref_slice %arg8[%dma_wait3A_177, %dma_wait3A_178] : memref<8x64xi32, #tpu.memory_space<vmem>> -> memref<1x64xi32, #tpu.memory_space<vmem>>
    %dma_wait3A_180 = tpu.memref_squeeze %dma_wait3A_179 : memref<1x64xi32, #tpu.memory_space<vmem>> -> memref<64xi32, #tpu.memory_space<vmem>>
    %dma_wait3A_181 = arith.constant 0 : i32
    %dma_wait3A_182 = arith.constant 0 : i32
    %dma_wait3A_183 = tpu.memref_slice %arg5[%dma_wait3A_181, %dma_wait3A_182] : memref<1000000x128xf32, #tpu.memory_space<hbm>> -> memref<1000000x128xf32, #tpu.memory_space<hbm>>
    tpu.wait_indirect_dma semaphore(%arg27 : memref<!tpu.dma_semaphore, #tpu.memory_space<semaphore_mem>>) src(%dma_wait3A_183 : memref<1000000x128xf32, #tpu.memory_space<hbm>>) dst(%arg17 : memref<64x128xf32, #tpu.memory_space<vmem>>)
    %dma_wait3A_184 = arith.constant 2 : i32
    %dma_wait3A_185 = arith.constant 0 : i32
    %dma_wait3A_186 = tpu.memref_slice %arg9[%dma_wait3A_184, %dma_wait3A_185] : memref<8x64xi32, #tpu.memory_space<vmem>> -> memref<1x64xi32, #tpu.memory_space<vmem>>
    %dma_wait3A_187 = tpu.memref_squeeze %dma_wait3A_186 : memref<1x64xi32, #tpu.memory_space<vmem>> -> memref<64xi32, #tpu.memory_space<vmem>>
    %dma_wait3A_188 = arith.constant 0 : i32
    %dma_wait3A_189 = arith.constant 0 : i32
    %dma_wait3A_190 = tpu.memref_slice %arg6[%dma_wait3A_188, %dma_wait3A_189] : memref<1000x128xf32, #tpu.memory_space<hbm>> -> memref<1000x128xf32, #tpu.memory_space<hbm>>
    tpu.wait_indirect_dma semaphore(%arg27 : memref<!tpu.dma_semaphore, #tpu.memory_space<semaphore_mem>>) src(%dma_wait3A_190 : memref<1000x128xf32, #tpu.memory_space<hbm>>) dst(%arg18 : memref<64x128xf32, #tpu.memory_space<vmem>>)
    %dma_wait3A_191 = arith.constant 2 : i32
    %dma_wait3A_192 = arith.constant 0 : i32
    %dma_wait3A_193 = tpu.memref_slice %arg10[%dma_wait3A_191, %dma_wait3A_192] : memref<8x64xi32, #tpu.memory_space<vmem>> -> memref<1x64xi32, #tpu.memory_space<vmem>>
    %dma_wait3A_194 = tpu.memref_squeeze %dma_wait3A_193 : memref<1x64xi32, #tpu.memory_space<vmem>> -> memref<64xi32, #tpu.memory_space<vmem>>
    %dma_wait3A_195 = arith.constant 0 : i32
    %dma_wait3A_196 = arith.constant 0 : i32
    %dma_wait3A_197 = tpu.memref_slice %arg5[%dma_wait3A_195, %dma_wait3A_196] : memref<1000000x128xf32, #tpu.memory_space<hbm>> -> memref<1000000x128xf32, #tpu.memory_space<hbm>>
    tpu.wait_indirect_dma semaphore(%arg27 : memref<!tpu.dma_semaphore, #tpu.memory_space<semaphore_mem>>) src(%dma_wait3A_197 : memref<1000000x128xf32, #tpu.memory_space<hbm>>) dst(%arg19 : memref<64x128xf32, #tpu.memory_space<vmem>>)
    %dma_start3A_198 = arith.constant 5 : i32
    %dma_start3A_199 = arith.constant 0 : i32
    %dma_start3A_200 = tpu.memref_slice %arg8[%dma_start3A_198, %dma_start3A_199] : memref<8x64xi32, #tpu.memory_space<vmem>> -> memref<1x64xi32, #tpu.memory_space<vmem>>
    %dma_start3A_201 = tpu.memref_squeeze %dma_start3A_200 : memref<1x64xi32, #tpu.memory_space<vmem>> -> memref<64xi32, #tpu.memory_space<vmem>>
    %dma_start3A_202 = arith.constant 0 : i32
    %dma_start3A_203 = arith.constant 0 : i32
    %dma_start3A_204 = tpu.memref_slice %arg5[%dma_start3A_202, %dma_start3A_203] : memref<1000000x128xf32, #tpu.memory_space<hbm>> -> memref<1000000x128xf32, #tpu.memory_space<hbm>>
    tpu.enqueue_indirect_dma source(%dma_start3A_204 : memref<1000000x128xf32, #tpu.memory_space<hbm>>) target(%arg14 : memref<64x128xf32, #tpu.memory_space<vmem>>) offsets(%dma_start3A_201 : memref<64xi32, #tpu.memory_space<vmem>>) semaphore(%arg26 : memref<!tpu.dma_semaphore, #tpu.memory_space<semaphore_mem>>)
    %dma_start3A_205 = arith.constant 5 : i32
    %dma_start3A_206 = arith.constant 0 : i32
    %dma_start3A_207 = tpu.memref_slice %arg9[%dma_start3A_205, %dma_start3A_206] : memref<8x64xi32, #tpu.memory_space<vmem>> -> memref<1x64xi32, #tpu.memory_space<vmem>>
    %dma_start3A_208 = tpu.memref_squeeze %dma_start3A_207 : memref<1x64xi32, #tpu.memory_space<vmem>> -> memref<64xi32, #tpu.memory_space<vmem>>
    %dma_start3A_209 = arith.constant 0 : i32
    %dma_start3A_210 = arith.constant 0 : i32
    %dma_start3A_211 = tpu.memref_slice %arg6[%dma_start3A_209, %dma_start3A_210] : memref<1000x128xf32, #tpu.memory_space<hbm>> -> memref<1000x128xf32, #tpu.memory_space<hbm>>
    tpu.enqueue_indirect_dma source(%dma_start3A_211 : memref<1000x128xf32, #tpu.memory_space<hbm>>) target(%arg15 : memref<64x128xf32, #tpu.memory_space<vmem>>) offsets(%dma_start3A_208 : memref<64xi32, #tpu.memory_space<vmem>>) semaphore(%arg26 : memref<!tpu.dma_semaphore, #tpu.memory_space<semaphore_mem>>)
    %dma_start3A_212 = arith.constant 5 : i32
    %dma_start3A_213 = arith.constant 0 : i32
    %dma_start3A_214 = tpu.memref_slice %arg10[%dma_start3A_212, %dma_start3A_213] : memref<8x64xi32, #tpu.memory_space<vmem>> -> memref<1x64xi32, #tpu.memory_space<vmem>>
    %dma_start3A_215 = tpu.memref_squeeze %dma_start3A_214 : memref<1x64xi32, #tpu.memory_space<vmem>> -> memref<64xi32, #tpu.memory_space<vmem>>
    %dma_start3A_216 = arith.constant 0 : i32
    %dma_start3A_217 = arith.constant 0 : i32
    %dma_start3A_218 = tpu.memref_slice %arg5[%dma_start3A_216, %dma_start3A_217] : memref<1000000x128xf32, #tpu.memory_space<hbm>> -> memref<1000000x128xf32, #tpu.memory_space<hbm>>
    tpu.enqueue_indirect_dma source(%dma_start3A_218 : memref<1000000x128xf32, #tpu.memory_space<hbm>>) target(%arg16 : memref<64x128xf32, #tpu.memory_space<vmem>>) offsets(%dma_start3A_215 : memref<64xi32, #tpu.memory_space<vmem>>) semaphore(%arg26 : memref<!tpu.dma_semaphore, #tpu.memory_space<semaphore_mem>>)
    %scan3A_219 = arith.constant 0 : i32
    %scan3A_220 = arith.constant 0 : i32
    %scan3A_221 = arith.constant 64 : i32
    %scan3A_222 = arith.addi %scan3A_220, %scan3A_221 : i32
    %scan3A_223 = arith.constant 1 : i32
    scf.for %scan3A_438 = %scan3A_220 to %scan3A_222 step %scan3A_223  : i32 {
      %get3A = arith.index_cast %scan3A_438 : i32 to index
      %get3A_439 = arith.constant 0 : index
      %get3A_440 = tpu.vector_load %arg17[%get3A, %get3A_439] {strides = array<i32>} : memref<64x128xf32, #tpu.memory_space<vmem>>, vector<16xf32>,
      %get3A_441 = arith.index_cast %scan3A_438 : i32 to index
      %get3A_442 = arith.constant 0 : index
      %get3A_443 = tpu.vector_load %arg18[%get3A_441, %get3A_442] {strides = array<i32>} : memref<64x128xf32, #tpu.memory_space<vmem>>, vector<16xf32>,
      %mul3A_444 = arith.mulf %get3A_440, %get3A_443 : vector<16xf32>
      %get3A_445 = arith.index_cast %scan3A_438 : i32 to index
      %get3A_446 = arith.constant 0 : index
      %get3A_447 = tpu.vector_load %arg19[%get3A_445, %get3A_446] {strides = array<i32>} : memref<64x128xf32, #tpu.memory_space<vmem>>, vector<16xf32>,
      %mul3A_448 = arith.mulf %mul3A_444, %get3A_447 : vector<16xf32>
      %get3A_449 = arith.index_cast %scan3A_438 : i32 to index
      %get3A_450 = arith.constant 16 : index
      %get3A_451 = tpu.vector_load %arg17[%get3A_449, %get3A_450] {strides = array<i32>} : memref<64x128xf32, #tpu.memory_space<vmem>>, vector<16xf32>,
      %get3A_452 = arith.index_cast %scan3A_438 : i32 to index
      %get3A_453 = arith.constant 16 : index
      %get3A_454 = tpu.vector_load %arg18[%get3A_452, %get3A_453] {strides = array<i32>} : memref<64x128xf32, #tpu.memory_space<vmem>>, vector<16xf32>,
      %mul3A_455 = arith.mulf %get3A_451, %get3A_454 : vector<16xf32>
      %get3A_456 = arith.index_cast %scan3A_438 : i32 to index
      %get3A_457 = arith.constant 16 : index
      %get3A_458 = tpu.vector_load %arg19[%get3A_456, %get3A_457] {strides = array<i32>} : memref<64x128xf32, #tpu.memory_space<vmem>>, vector<16xf32>,
      %mul3A_459 = arith.mulf %mul3A_455, %get3A_458 : vector<16xf32>
      %add3A_460 = arith.addf %mul3A_448, %mul3A_459 : vector<16xf32>
      %get3A_461 = arith.index_cast %scan3A_438 : i32 to index
      %get3A_462 = arith.constant 32 : index
      %get3A_463 = tpu.vector_load %arg17[%get3A_461, %get3A_462] {strides = array<i32>} : memref<64x128xf32, #tpu.memory_space<vmem>>, vector<16xf32>,
      %get3A_464 = arith.index_cast %scan3A_438 : i32 to index
      %get3A_465 = arith.constant 32 : index
      %get3A_466 = tpu.vector_load %arg18[%get3A_464, %get3A_465] {strides = array<i32>} : memref<64x128xf32, #tpu.memory_space<vmem>>, vector<16xf32>,
      %mul3A_467 = arith.mulf %get3A_463, %get3A_466 : vector<16xf32>
      %get3A_468 = arith.index_cast %scan3A_438 : i32 to index
      %get3A_469 = arith.constant 32 : index
      %get3A_470 = tpu.vector_load %arg19[%get3A_468, %get3A_469] {strides = array<i32>} : memref<64x128xf32, #tpu.memory_space<vmem>>, vector<16xf32>,
      %mul3A_471 = arith.mulf %mul3A_467, %get3A_470 : vector<16xf32>
      %add3A_472 = arith.addf %add3A_460, %mul3A_471 : vector<16xf32>
      %get3A_473 = arith.index_cast %scan3A_438 : i32 to index
      %get3A_474 = arith.constant 48 : index
      %get3A_475 = tpu.vector_load %arg17[%get3A_473, %get3A_474] {strides = array<i32>} : memref<64x128xf32, #tpu.memory_space<vmem>>, vector<16xf32>,
      %get3A_476 = arith.index_cast %scan3A_438 : i32 to index
      %get3A_477 = arith.constant 48 : index
      %get3A_478 = tpu.vector_load %arg18[%get3A_476, %get3A_477] {strides = array<i32>} : memref<64x128xf32, #tpu.memory_space<vmem>>, vector<16xf32>,
      %mul3A_479 = arith.mulf %get3A_475, %get3A_478 : vector<16xf32>
      %get3A_480 = arith.index_cast %scan3A_438 : i32 to index
      %get3A_481 = arith.constant 48 : index
      %get3A_482 = tpu.vector_load %arg19[%get3A_480, %get3A_481] {strides = array<i32>} : memref<64x128xf32, #tpu.memory_space<vmem>>, vector<16xf32>,
      %mul3A_483 = arith.mulf %mul3A_479, %get3A_482 : vector<16xf32>
      %add3A_484 = arith.addf %add3A_472, %mul3A_483 : vector<16xf32>
      %get3A_485 = arith.index_cast %scan3A_438 : i32 to index
      %get3A_486 = arith.constant 64 : index
      %get3A_487 = tpu.vector_load %arg17[%get3A_485, %get3A_486] {strides = array<i32>} : memref<64x128xf32, #tpu.memory_space<vmem>>, vector<16xf32>,
      %get3A_488 = arith.index_cast %scan3A_438 : i32 to index
      %get3A_489 = arith.constant 64 : index
      %get3A_490 = tpu.vector_load %arg18[%get3A_488, %get3A_489] {strides = array<i32>} : memref<64x128xf32, #tpu.memory_space<vmem>>, vector<16xf32>,
      %mul3A_491 = arith.mulf %get3A_487, %get3A_490 : vector<16xf32>
      %get3A_492 = arith.index_cast %scan3A_438 : i32 to index
      %get3A_493 = arith.constant 64 : index
      %get3A_494 = tpu.vector_load %arg19[%get3A_492, %get3A_493] {strides = array<i32>} : memref<64x128xf32, #tpu.memory_space<vmem>>, vector<16xf32>,
      %mul3A_495 = arith.mulf %mul3A_491, %get3A_494 : vector<16xf32>
      %add3A_496 = arith.addf %add3A_484, %mul3A_495 : vector<16xf32>
      %get3A_497 = arith.index_cast %scan3A_438 : i32 to index
      %get3A_498 = arith.constant 80 : index
      %get3A_499 = tpu.vector_load %arg17[%get3A_497, %get3A_498] {strides = array<i32>} : memref<64x128xf32, #tpu.memory_space<vmem>>, vector<16xf32>,
      %get3A_500 = arith.index_cast %scan3A_438 : i32 to index
      %get3A_501 = arith.constant 80 : index
      %get3A_502 = tpu.vector_load %arg18[%get3A_500, %get3A_501] {strides = array<i32>} : memref<64x128xf32, #tpu.memory_space<vmem>>, vector<16xf32>,
      %mul3A_503 = arith.mulf %get3A_499, %get3A_502 : vector<16xf32>
      %get3A_504 = arith.index_cast %scan3A_438 : i32 to index
      %get3A_505 = arith.constant 80 : index
      %get3A_506 = tpu.vector_load %arg19[%get3A_504, %get3A_505] {strides = array<i32>} : memref<64x128xf32, #tpu.memory_space<vmem>>, vector<16xf32>,
      %mul3A_507 = arith.mulf %mul3A_503, %get3A_506 : vector<16xf32>
      %add3A_508 = arith.addf %add3A_496, %mul3A_507 : vector<16xf32>
      %get3A_509 = arith.index_cast %scan3A_438 : i32 to index
      %get3A_510 = arith.constant 96 : index
      %get3A_511 = tpu.vector_load %arg17[%get3A_509, %get3A_510] {strides = array<i32>} : memref<64x128xf32, #tpu.memory_space<vmem>>, vector<16xf32>,
      %get3A_512 = arith.index_cast %scan3A_438 : i32 to index
      %get3A_513 = arith.constant 96 : index
      %get3A_514 = tpu.vector_load %arg18[%get3A_512, %get3A_513] {strides = array<i32>} : memref<64x128xf32, #tpu.memory_space<vmem>>, vector<16xf32>,
      %mul3A_515 = arith.mulf %get3A_511, %get3A_514 : vector<16xf32>
      %get3A_516 = arith.index_cast %scan3A_438 : i32 to index
      %get3A_517 = arith.constant 96 : index
      %get3A_518 = tpu.vector_load %arg19[%get3A_516, %get3A_517] {strides = array<i32>} : memref<64x128xf32, #tpu.memory_space<vmem>>, vector<16xf32>,
      %mul3A_519 = arith.mulf %mul3A_515, %get3A_518 : vector<16xf32>
      %add3A_520 = arith.addf %add3A_508, %mul3A_519 : vector<16xf32>
      %get3A_521 = arith.index_cast %scan3A_438 : i32 to index
      %get3A_522 = arith.constant 112 : index
      %get3A_523 = tpu.vector_load %arg17[%get3A_521, %get3A_522] {strides = array<i32>} : memref<64x128xf32, #tpu.memory_space<vmem>>, vector<16xf32>,
      %get3A_524 = arith.index_cast %scan3A_438 : i32 to index
      %get3A_525 = arith.constant 112 : index
      %get3A_526 = tpu.vector_load %arg18[%get3A_524, %get3A_525] {strides = array<i32>} : memref<64x128xf32, #tpu.memory_space<vmem>>, vector<16xf32>,
      %mul3A_527 = arith.mulf %get3A_523, %get3A_526 : vector<16xf32>
      %get3A_528 = arith.index_cast %scan3A_438 : i32 to index
      %get3A_529 = arith.constant 112 : index
      %get3A_530 = tpu.vector_load %arg19[%get3A_528, %get3A_529] {strides = array<i32>} : memref<64x128xf32, #tpu.memory_space<vmem>>, vector<16xf32>,
      %mul3A_531 = arith.mulf %mul3A_527, %get3A_530 : vector<16xf32>
      %add3A_532 = arith.addf %add3A_520, %mul3A_531 : vector<16xf32>
      %mul3A_533 = arith.constant 16 : i32
      %mul3A_534 = arith.muli %scan3A_438, %mul3A_533 : i32
      %swap3A = arith.index_cast %mul3A_534 : i32 to index
      %swap3A_535 = tpu.vector_load %arg23[%swap3A] {strides = array<i32>} : memref<1024xf32, #tpu.memory_space<vmem>>, vector<16xf32>,
      tpu.vector_store %arg23[%swap3A], %add3A_532 {strides = array<i32>} : memref<1024xf32, #tpu.memory_space<vmem>>, vector<16xf32>,
    }
    %scan3A_224 = arith.constant 64 : i32
    %scan3A_225 = arith.constant 0 : i32
    %scan3A_226 = arith.constant 0 : i32
    %scan3A_227 = arith.constant 4 : i32
    %scan3A_228 = arith.addi %scan3A_226, %scan3A_227 : i32
    %scan3A_229 = arith.constant 1 : i32
    scf.for %scan3A_438 = %scan3A_226 to %scan3A_228 step %scan3A_229  : i32 {
      %iota3A = tpu.iota {dimensions = array<i32: 0>} : vector<16xi32>
      %mul3A_439 = arith.constant 16 : i32
      %mul3A_440 = arith.muli %scan3A_438, %mul3A_439 : i32
      %add3A_441 = vector.broadcast %mul3A_440 : i32 to vector<16xi32>
      %add3A_442 = arith.addi %add3A_441, %iota3A : vector<16xi32>
      %mul3A_443 = arith.constant 16 : i32
      %mul3A_444 = vector.broadcast %mul3A_443 : i32 to vector<16xi32>
      %mul3A_445 = arith.muli %add3A_442, %mul3A_444 : vector<16xi32>
      %add3A_446 = arith.addi %mul3A_445, %iota3A : vector<16xi32>
      %gather3A = tpu.vector_load_idx %arg23[%add3A_446] : memref<1024xf32, #tpu.memory_space<vmem>>[vector<16xi32>], vector<16xf32>,
      %add3A_447 = arith.constant 1 : i32
      %add3A_448 = vector.broadcast %add3A_447 : i32 to vector<16xi32>
      %add3A_449 = arith.addi %iota3A, %add3A_448 : vector<16xi32>
      %and3A = arith.constant 15 : i32
      %and3A_450 = vector.broadcast %and3A : i32 to vector<16xi32>
      %and3A_451 = arith.andi %add3A_449, %and3A_450 : vector<16xi32>
      %add3A_452 = arith.addi %mul3A_445, %and3A_451 : vector<16xi32>
      %gather3A_453 = tpu.vector_load_idx %arg23[%add3A_452] : memref<1024xf32, #tpu.memory_space<vmem>>[vector<16xi32>], vector<16xf32>,
      %add3A_454 = arith.addf %gather3A, %gather3A_453 : vector<16xf32>
      %add3A_455 = arith.constant 2 : i32
      %add3A_456 = vector.broadcast %add3A_455 : i32 to vector<16xi32>
      %add3A_457 = arith.addi %iota3A, %add3A_456 : vector<16xi32>
      %and3A_458 = arith.constant 15 : i32
      %and3A_459 = vector.broadcast %and3A_458 : i32 to vector<16xi32>
      %and3A_460 = arith.andi %add3A_457, %and3A_459 : vector<16xi32>
      %add3A_461 = arith.addi %mul3A_445, %and3A_460 : vector<16xi32>
      %gather3A_462 = tpu.vector_load_idx %arg23[%add3A_461] : memref<1024xf32, #tpu.memory_space<vmem>>[vector<16xi32>], vector<16xf32>,
      %add3A_463 = arith.addf %add3A_454, %gather3A_462 : vector<16xf32>
      %add3A_464 = arith.constant 3 : i32
      %add3A_465 = vector.broadcast %add3A_464 : i32 to vector<16xi32>
      %add3A_466 = arith.addi %iota3A, %add3A_465 : vector<16xi32>
      %and3A_467 = arith.constant 15 : i32
      %and3A_468 = vector.broadcast %and3A_467 : i32 to vector<16xi32>
      %and3A_469 = arith.andi %add3A_466, %and3A_468 : vector<16xi32>
      %add3A_470 = arith.addi %mul3A_445, %and3A_469 : vector<16xi32>
      %gather3A_471 = tpu.vector_load_idx %arg23[%add3A_470] : memref<1024xf32, #tpu.memory_space<vmem>>[vector<16xi32>], vector<16xf32>,
      %add3A_472 = arith.addf %add3A_463, %gather3A_471 : vector<16xf32>
      %add3A_473 = arith.constant 4 : i32
      %add3A_474 = vector.broadcast %add3A_473 : i32 to vector<16xi32>
      %add3A_475 = arith.addi %iota3A, %add3A_474 : vector<16xi32>
      %and3A_476 = arith.constant 15 : i32
      %and3A_477 = vector.broadcast %and3A_476 : i32 to vector<16xi32>
      %and3A_478 = arith.andi %add3A_475, %and3A_477 : vector<16xi32>
      %add3A_479 = arith.addi %mul3A_445, %and3A_478 : vector<16xi32>
      %gather3A_480 = tpu.vector_load_idx %arg23[%add3A_479] : memref<1024xf32, #tpu.memory_space<vmem>>[vector<16xi32>], vector<16xf32>,
      %add3A_481 = arith.addf %add3A_472, %gather3A_480 : vector<16xf32>
      %add3A_482 = arith.constant 5 : i32
      %add3A_483 = vector.broadcast %add3A_482 : i32 to vector<16xi32>
      %add3A_484 = arith.addi %iota3A, %add3A_483 : vector<16xi32>
      %and3A_485 = arith.constant 15 : i32
      %and3A_486 = vector.broadcast %and3A_485 : i32 to vector<16xi32>
      %and3A_487 = arith.andi %add3A_484, %and3A_486 : vector<16xi32>
      %add3A_488 = arith.addi %mul3A_445, %and3A_487 : vector<16xi32>
      %gather3A_489 = tpu.vector_load_idx %arg23[%add3A_488] : memref<1024xf32, #tpu.memory_space<vmem>>[vector<16xi32>], vector<16xf32>,
      %add3A_490 = arith.addf %add3A_481, %gather3A_489 : vector<16xf32>
      %add3A_491 = arith.constant 6 : i32
      %add3A_492 = vector.broadcast %add3A_491 : i32 to vector<16xi32>
      %add3A_493 = arith.addi %iota3A, %add3A_492 : vector<16xi32>
      %and3A_494 = arith.constant 15 : i32
      %and3A_495 = vector.broadcast %and3A_494 : i32 to vector<16xi32>
      %and3A_496 = arith.andi %add3A_493, %and3A_495 : vector<16xi32>
      %add3A_497 = arith.addi %mul3A_445, %and3A_496 : vector<16xi32>
      %gather3A_498 = tpu.vector_load_idx %arg23[%add3A_497] : memref<1024xf32, #tpu.memory_space<vmem>>[vector<16xi32>], vector<16xf32>,
      %add3A_499 = arith.addf %add3A_490, %gather3A_498 : vector<16xf32>
      %add3A_500 = arith.constant 7 : i32
      %add3A_501 = vector.broadcast %add3A_500 : i32 to vector<16xi32>
      %add3A_502 = arith.addi %iota3A, %add3A_501 : vector<16xi32>
      %and3A_503 = arith.constant 15 : i32
      %and3A_504 = vector.broadcast %and3A_503 : i32 to vector<16xi32>
      %and3A_505 = arith.andi %add3A_502, %and3A_504 : vector<16xi32>
      %add3A_506 = arith.addi %mul3A_445, %and3A_505 : vector<16xi32>
      %gather3A_507 = tpu.vector_load_idx %arg23[%add3A_506] : memref<1024xf32, #tpu.memory_space<vmem>>[vector<16xi32>], vector<16xf32>,
      %add3A_508 = arith.addf %add3A_499, %gather3A_507 : vector<16xf32>
      %add3A_509 = arith.constant 8 : i32
      %add3A_510 = vector.broadcast %add3A_509 : i32 to vector<16xi32>
      %add3A_511 = arith.addi %iota3A, %add3A_510 : vector<16xi32>
      %and3A_512 = arith.constant 15 : i32
      %and3A_513 = vector.broadcast %and3A_512 : i32 to vector<16xi32>
      %and3A_514 = arith.andi %add3A_511, %and3A_513 : vector<16xi32>
      %add3A_515 = arith.addi %mul3A_445, %and3A_514 : vector<16xi32>
      %gather3A_516 = tpu.vector_load_idx %arg23[%add3A_515] : memref<1024xf32, #tpu.memory_space<vmem>>[vector<16xi32>], vector<16xf32>,
      %add3A_517 = arith.addf %add3A_508, %gather3A_516 : vector<16xf32>
      %add3A_518 = arith.constant 9 : i32
      %add3A_519 = vector.broadcast %add3A_518 : i32 to vector<16xi32>
      %add3A_520 = arith.addi %iota3A, %add3A_519 : vector<16xi32>
      %and3A_521 = arith.constant 15 : i32
      %and3A_522 = vector.broadcast %and3A_521 : i32 to vector<16xi32>
      %and3A_523 = arith.andi %add3A_520, %and3A_522 : vector<16xi32>
      %add3A_524 = arith.addi %mul3A_445, %and3A_523 : vector<16xi32>
      %gather3A_525 = tpu.vector_load_idx %arg23[%add3A_524] : memref<1024xf32, #tpu.memory_space<vmem>>[vector<16xi32>], vector<16xf32>,
      %add3A_526 = arith.addf %add3A_517, %gather3A_525 : vector<16xf32>
      %add3A_527 = arith.constant 10 : i32
      %add3A_528 = vector.broadcast %add3A_527 : i32 to vector<16xi32>
      %add3A_529 = arith.addi %iota3A, %add3A_528 : vector<16xi32>
      %and3A_530 = arith.constant 15 : i32
      %and3A_531 = vector.broadcast %and3A_530 : i32 to vector<16xi32>
      %and3A_532 = arith.andi %add3A_529, %and3A_531 : vector<16xi32>
      %add3A_533 = arith.addi %mul3A_445, %and3A_532 : vector<16xi32>
      %gather3A_534 = tpu.vector_load_idx %arg23[%add3A_533] : memref<1024xf32, #tpu.memory_space<vmem>>[vector<16xi32>], vector<16xf32>,
      %add3A_535 = arith.addf %add3A_526, %gather3A_534 : vector<16xf32>
      %add3A_536 = arith.constant 11 : i32
      %add3A_537 = vector.broadcast %add3A_536 : i32 to vector<16xi32>
      %add3A_538 = arith.addi %iota3A, %add3A_537 : vector<16xi32>
      %and3A_539 = arith.constant 15 : i32
      %and3A_540 = vector.broadcast %and3A_539 : i32 to vector<16xi32>
      %and3A_541 = arith.andi %add3A_538, %and3A_540 : vector<16xi32>
      %add3A_542 = arith.addi %mul3A_445, %and3A_541 : vector<16xi32>
      %gather3A_543 = tpu.vector_load_idx %arg23[%add3A_542] : memref<1024xf32, #tpu.memory_space<vmem>>[vector<16xi32>], vector<16xf32>,
      %add3A_544 = arith.addf %add3A_535, %gather3A_543 : vector<16xf32>
      %add3A_545 = arith.constant 12 : i32
      %add3A_546 = vector.broadcast %add3A_545 : i32 to vector<16xi32>
      %add3A_547 = arith.addi %iota3A, %add3A_546 : vector<16xi32>
      %and3A_548 = arith.constant 15 : i32
      %and3A_549 = vector.broadcast %and3A_548 : i32 to vector<16xi32>
      %and3A_550 = arith.andi %add3A_547, %and3A_549 : vector<16xi32>
      %add3A_551 = arith.addi %mul3A_445, %and3A_550 : vector<16xi32>
      %gather3A_552 = tpu.vector_load_idx %arg23[%add3A_551] : memref<1024xf32, #tpu.memory_space<vmem>>[vector<16xi32>], vector<16xf32>,
      %add3A_553 = arith.addf %add3A_544, %gather3A_552 : vector<16xf32>
      %add3A_554 = arith.constant 13 : i32
      %add3A_555 = vector.broadcast %add3A_554 : i32 to vector<16xi32>
      %add3A_556 = arith.addi %iota3A, %add3A_555 : vector<16xi32>
      %and3A_557 = arith.constant 15 : i32
      %and3A_558 = vector.broadcast %and3A_557 : i32 to vector<16xi32>
      %and3A_559 = arith.andi %add3A_556, %and3A_558 : vector<16xi32>
      %add3A_560 = arith.addi %mul3A_445, %and3A_559 : vector<16xi32>
      %gather3A_561 = tpu.vector_load_idx %arg23[%add3A_560] : memref<1024xf32, #tpu.memory_space<vmem>>[vector<16xi32>], vector<16xf32>,
      %add3A_562 = arith.addf %add3A_553, %gather3A_561 : vector<16xf32>
      %add3A_563 = arith.constant 14 : i32
      %add3A_564 = vector.broadcast %add3A_563 : i32 to vector<16xi32>
      %add3A_565 = arith.addi %iota3A, %add3A_564 : vector<16xi32>
      %and3A_566 = arith.constant 15 : i32
      %and3A_567 = vector.broadcast %and3A_566 : i32 to vector<16xi32>
      %and3A_568 = arith.andi %add3A_565, %and3A_567 : vector<16xi32>
      %add3A_569 = arith.addi %mul3A_445, %and3A_568 : vector<16xi32>
      %gather3A_570 = tpu.vector_load_idx %arg23[%add3A_569] : memref<1024xf32, #tpu.memory_space<vmem>>[vector<16xi32>], vector<16xf32>,
      %add3A_571 = arith.addf %add3A_562, %gather3A_570 : vector<16xf32>
      %add3A_572 = arith.constant 15 : i32
      %add3A_573 = vector.broadcast %add3A_572 : i32 to vector<16xi32>
      %add3A_574 = arith.addi %iota3A, %add3A_573 : vector<16xi32>
      %and3A_575 = arith.constant 15 : i32
      %and3A_576 = vector.broadcast %and3A_575 : i32 to vector<16xi32>
      %and3A_577 = arith.andi %add3A_574, %and3A_576 : vector<16xi32>
      %add3A_578 = arith.addi %mul3A_445, %and3A_577 : vector<16xi32>
      %gather3A_579 = tpu.vector_load_idx %arg23[%add3A_578] : memref<1024xf32, #tpu.memory_space<vmem>>[vector<16xi32>], vector<16xf32>,
      %add3A_580 = arith.addf %add3A_571, %gather3A_579 : vector<16xf32>
      %mul3A_581 = arith.constant 16 : i32
      %mul3A_582 = arith.muli %scan3A_438, %mul3A_581 : i32
      %add3A_583 = arith.constant 128 : i32
      %add3A_584 = arith.addi %add3A_583, %mul3A_582 : i32
      %swap3A = arith.index_cast %add3A_584 : i32 to index
      %swap3A_585 = tpu.vector_load %arg24[%swap3A] {strides = array<i32>} : memref<512xf32, #tpu.memory_space<vmem>>, vector<16xf32>,
      tpu.vector_store %arg24[%swap3A], %add3A_580 {strides = array<i32>} : memref<512xf32, #tpu.memory_space<vmem>>, vector<16xf32>,
    }
    %scan3A_230 = arith.constant 4 : i32
    %dma_wait3A_231 = arith.constant 3 : i32
    %dma_wait3A_232 = arith.constant 0 : i32
    %dma_wait3A_233 = tpu.memref_slice %arg8[%dma_wait3A_231, %dma_wait3A_232] : memref<8x64xi32, #tpu.memory_space<vmem>> -> memref<1x64xi32, #tpu.memory_space<vmem>>
    %dma_wait3A_234 = tpu.memref_squeeze %dma_wait3A_233 : memref<1x64xi32, #tpu.memory_space<vmem>> -> memref<64xi32, #tpu.memory_space<vmem>>
    %dma_wait3A_235 = arith.constant 0 : i32
    %dma_wait3A_236 = arith.constant 0 : i32
    %dma_wait3A_237 = tpu.memref_slice %arg5[%dma_wait3A_235, %dma_wait3A_236] : memref<1000000x128xf32, #tpu.memory_space<hbm>> -> memref<1000000x128xf32, #tpu.memory_space<hbm>>
    tpu.wait_indirect_dma semaphore(%arg28 : memref<!tpu.dma_semaphore, #tpu.memory_space<semaphore_mem>>) src(%dma_wait3A_237 : memref<1000000x128xf32, #tpu.memory_space<hbm>>) dst(%arg20 : memref<64x128xf32, #tpu.memory_space<vmem>>)
    %dma_wait3A_238 = arith.constant 3 : i32
    %dma_wait3A_239 = arith.constant 0 : i32
    %dma_wait3A_240 = tpu.memref_slice %arg9[%dma_wait3A_238, %dma_wait3A_239] : memref<8x64xi32, #tpu.memory_space<vmem>> -> memref<1x64xi32, #tpu.memory_space<vmem>>
    %dma_wait3A_241 = tpu.memref_squeeze %dma_wait3A_240 : memref<1x64xi32, #tpu.memory_space<vmem>> -> memref<64xi32, #tpu.memory_space<vmem>>
    %dma_wait3A_242 = arith.constant 0 : i32
    %dma_wait3A_243 = arith.constant 0 : i32
    %dma_wait3A_244 = tpu.memref_slice %arg6[%dma_wait3A_242, %dma_wait3A_243] : memref<1000x128xf32, #tpu.memory_space<hbm>> -> memref<1000x128xf32, #tpu.memory_space<hbm>>
    tpu.wait_indirect_dma semaphore(%arg28 : memref<!tpu.dma_semaphore, #tpu.memory_space<semaphore_mem>>) src(%dma_wait3A_244 : memref<1000x128xf32, #tpu.memory_space<hbm>>) dst(%arg21 : memref<64x128xf32, #tpu.memory_space<vmem>>)
    %dma_wait3A_245 = arith.constant 3 : i32
    %dma_wait3A_246 = arith.constant 0 : i32
    %dma_wait3A_247 = tpu.memref_slice %arg10[%dma_wait3A_245, %dma_wait3A_246] : memref<8x64xi32, #tpu.memory_space<vmem>> -> memref<1x64xi32, #tpu.memory_space<vmem>>
    %dma_wait3A_248 = tpu.memref_squeeze %dma_wait3A_247 : memref<1x64xi32, #tpu.memory_space<vmem>> -> memref<64xi32, #tpu.memory_space<vmem>>
    %dma_wait3A_249 = arith.constant 0 : i32
    %dma_wait3A_250 = arith.constant 0 : i32
    %dma_wait3A_251 = tpu.memref_slice %arg5[%dma_wait3A_249, %dma_wait3A_250] : memref<1000000x128xf32, #tpu.memory_space<hbm>> -> memref<1000000x128xf32, #tpu.memory_space<hbm>>
    tpu.wait_indirect_dma semaphore(%arg28 : memref<!tpu.dma_semaphore, #tpu.memory_space<semaphore_mem>>) src(%dma_wait3A_251 : memref<1000000x128xf32, #tpu.memory_space<hbm>>) dst(%arg22 : memref<64x128xf32, #tpu.memory_space<vmem>>)
    %dma_start3A_252 = arith.constant 6 : i32
    %dma_start3A_253 = arith.constant 0 : i32
    %dma_start3A_254 = tpu.memref_slice %arg8[%dma_start3A_252, %dma_start3A_253] : memref<8x64xi32, #tpu.memory_space<vmem>> -> memref<1x64xi32, #tpu.memory_space<vmem>>
    %dma_start3A_255 = tpu.memref_squeeze %dma_start3A_254 : memref<1x64xi32, #tpu.memory_space<vmem>> -> memref<64xi32, #tpu.memory_space<vmem>>
    %dma_start3A_256 = arith.constant 0 : i32
    %dma_start3A_257 = arith.constant 0 : i32
    %dma_start3A_258 = tpu.memref_slice %arg5[%dma_start3A_256, %dma_start3A_257] : memref<1000000x128xf32, #tpu.memory_space<hbm>> -> memref<1000000x128xf32, #tpu.memory_space<hbm>>
    tpu.enqueue_indirect_dma source(%dma_start3A_258 : memref<1000000x128xf32, #tpu.memory_space<hbm>>) target(%arg17 : memref<64x128xf32, #tpu.memory_space<vmem>>) offsets(%dma_start3A_255 : memref<64xi32, #tpu.memory_space<vmem>>) semaphore(%arg27 : memref<!tpu.dma_semaphore, #tpu.memory_space<semaphore_mem>>)
    %dma_start3A_259 = arith.constant 6 : i32
    %dma_start3A_260 = arith.constant 0 : i32
    %dma_start3A_261 = tpu.memref_slice %arg9[%dma_start3A_259, %dma_start3A_260] : memref<8x64xi32, #tpu.memory_space<vmem>> -> memref<1x64xi32, #tpu.memory_space<vmem>>
    %dma_start3A_262 = tpu.memref_squeeze %dma_start3A_261 : memref<1x64xi32, #tpu.memory_space<vmem>> -> memref<64xi32, #tpu.memory_space<vmem>>
    %dma_start3A_263 = arith.constant 0 : i32
    %dma_start3A_264 = arith.constant 0 : i32
    %dma_start3A_265 = tpu.memref_slice %arg6[%dma_start3A_263, %dma_start3A_264] : memref<1000x128xf32, #tpu.memory_space<hbm>> -> memref<1000x128xf32, #tpu.memory_space<hbm>>
    tpu.enqueue_indirect_dma source(%dma_start3A_265 : memref<1000x128xf32, #tpu.memory_space<hbm>>) target(%arg18 : memref<64x128xf32, #tpu.memory_space<vmem>>) offsets(%dma_start3A_262 : memref<64xi32, #tpu.memory_space<vmem>>) semaphore(%arg27 : memref<!tpu.dma_semaphore, #tpu.memory_space<semaphore_mem>>)
    %dma_start3A_266 = arith.constant 6 : i32
    %dma_start3A_267 = arith.constant 0 : i32
    %dma_start3A_268 = tpu.memref_slice %arg10[%dma_start3A_266, %dma_start3A_267] : memref<8x64xi32, #tpu.memory_space<vmem>> -> memref<1x64xi32, #tpu.memory_space<vmem>>
    %dma_start3A_269 = tpu.memref_squeeze %dma_start3A_268 : memref<1x64xi32, #tpu.memory_space<vmem>> -> memref<64xi32, #tpu.memory_space<vmem>>
    %dma_start3A_270 = arith.constant 0 : i32
    %dma_start3A_271 = arith.constant 0 : i32
    %dma_start3A_272 = tpu.memref_slice %arg5[%dma_start3A_270, %dma_start3A_271] : memref<1000000x128xf32, #tpu.memory_space<hbm>> -> memref<1000000x128xf32, #tpu.memory_space<hbm>>
    tpu.enqueue_indirect_dma source(%dma_start3A_272 : memref<1000000x128xf32, #tpu.memory_space<hbm>>) target(%arg19 : memref<64x128xf32, #tpu.memory_space<vmem>>) offsets(%dma_start3A_269 : memref<64xi32, #tpu.memory_space<vmem>>) semaphore(%arg27 : memref<!tpu.dma_semaphore, #tpu.memory_space<semaphore_mem>>)
    %scan3A_273 = arith.constant 0 : i32
    %scan3A_274 = arith.constant 0 : i32
    %scan3A_275 = arith.constant 64 : i32
    %scan3A_276 = arith.addi %scan3A_274, %scan3A_275 : i32
    %scan3A_277 = arith.constant 1 : i32
    scf.for %scan3A_438 = %scan3A_274 to %scan3A_276 step %scan3A_277  : i32 {
      %get3A = arith.index_cast %scan3A_438 : i32 to index
      %get3A_439 = arith.constant 0 : index
      %get3A_440 = tpu.vector_load %arg20[%get3A, %get3A_439] {strides = array<i32>} : memref<64x128xf32, #tpu.memory_space<vmem>>, vector<16xf32>,
      %get3A_441 = arith.index_cast %scan3A_438 : i32 to index
      %get3A_442 = arith.constant 0 : index
      %get3A_443 = tpu.vector_load %arg21[%get3A_441, %get3A_442] {strides = array<i32>} : memref<64x128xf32, #tpu.memory_space<vmem>>, vector<16xf32>,
      %mul3A_444 = arith.mulf %get3A_440, %get3A_443 : vector<16xf32>
      %get3A_445 = arith.index_cast %scan3A_438 : i32 to index
      %get3A_446 = arith.constant 0 : index
      %get3A_447 = tpu.vector_load %arg22[%get3A_445, %get3A_446] {strides = array<i32>} : memref<64x128xf32, #tpu.memory_space<vmem>>, vector<16xf32>,
      %mul3A_448 = arith.mulf %mul3A_444, %get3A_447 : vector<16xf32>
      %get3A_449 = arith.index_cast %scan3A_438 : i32 to index
      %get3A_450 = arith.constant 16 : index
      %get3A_451 = tpu.vector_load %arg20[%get3A_449, %get3A_450] {strides = array<i32>} : memref<64x128xf32, #tpu.memory_space<vmem>>, vector<16xf32>,
      %get3A_452 = arith.index_cast %scan3A_438 : i32 to index
      %get3A_453 = arith.constant 16 : index
      %get3A_454 = tpu.vector_load %arg21[%get3A_452, %get3A_453] {strides = array<i32>} : memref<64x128xf32, #tpu.memory_space<vmem>>, vector<16xf32>,
      %mul3A_455 = arith.mulf %get3A_451, %get3A_454 : vector<16xf32>
      %get3A_456 = arith.index_cast %scan3A_438 : i32 to index
      %get3A_457 = arith.constant 16 : index
      %get3A_458 = tpu.vector_load %arg22[%get3A_456, %get3A_457] {strides = array<i32>} : memref<64x128xf32, #tpu.memory_space<vmem>>, vector<16xf32>,
      %mul3A_459 = arith.mulf %mul3A_455, %get3A_458 : vector<16xf32>
      %add3A_460 = arith.addf %mul3A_448, %mul3A_459 : vector<16xf32>
      %get3A_461 = arith.index_cast %scan3A_438 : i32 to index
      %get3A_462 = arith.constant 32 : index
      %get3A_463 = tpu.vector_load %arg20[%get3A_461, %get3A_462] {strides = array<i32>} : memref<64x128xf32, #tpu.memory_space<vmem>>, vector<16xf32>,
      %get3A_464 = arith.index_cast %scan3A_438 : i32 to index
      %get3A_465 = arith.constant 32 : index
      %get3A_466 = tpu.vector_load %arg21[%get3A_464, %get3A_465] {strides = array<i32>} : memref<64x128xf32, #tpu.memory_space<vmem>>, vector<16xf32>,
      %mul3A_467 = arith.mulf %get3A_463, %get3A_466 : vector<16xf32>
      %get3A_468 = arith.index_cast %scan3A_438 : i32 to index
      %get3A_469 = arith.constant 32 : index
      %get3A_470 = tpu.vector_load %arg22[%get3A_468, %get3A_469] {strides = array<i32>} : memref<64x128xf32, #tpu.memory_space<vmem>>, vector<16xf32>,
      %mul3A_471 = arith.mulf %mul3A_467, %get3A_470 : vector<16xf32>
      %add3A_472 = arith.addf %add3A_460, %mul3A_471 : vector<16xf32>
      %get3A_473 = arith.index_cast %scan3A_438 : i32 to index
      %get3A_474 = arith.constant 48 : index
      %get3A_475 = tpu.vector_load %arg20[%get3A_473, %get3A_474] {strides = array<i32>} : memref<64x128xf32, #tpu.memory_space<vmem>>, vector<16xf32>,
      %get3A_476 = arith.index_cast %scan3A_438 : i32 to index
      %get3A_477 = arith.constant 48 : index
      %get3A_478 = tpu.vector_load %arg21[%get3A_476, %get3A_477] {strides = array<i32>} : memref<64x128xf32, #tpu.memory_space<vmem>>, vector<16xf32>,
      %mul3A_479 = arith.mulf %get3A_475, %get3A_478 : vector<16xf32>
      %get3A_480 = arith.index_cast %scan3A_438 : i32 to index
      %get3A_481 = arith.constant 48 : index
      %get3A_482 = tpu.vector_load %arg22[%get3A_480, %get3A_481] {strides = array<i32>} : memref<64x128xf32, #tpu.memory_space<vmem>>, vector<16xf32>,
      %mul3A_483 = arith.mulf %mul3A_479, %get3A_482 : vector<16xf32>
      %add3A_484 = arith.addf %add3A_472, %mul3A_483 : vector<16xf32>
      %get3A_485 = arith.index_cast %scan3A_438 : i32 to index
      %get3A_486 = arith.constant 64 : index
      %get3A_487 = tpu.vector_load %arg20[%get3A_485, %get3A_486] {strides = array<i32>} : memref<64x128xf32, #tpu.memory_space<vmem>>, vector<16xf32>,
      %get3A_488 = arith.index_cast %scan3A_438 : i32 to index
      %get3A_489 = arith.constant 64 : index
      %get3A_490 = tpu.vector_load %arg21[%get3A_488, %get3A_489] {strides = array<i32>} : memref<64x128xf32, #tpu.memory_space<vmem>>, vector<16xf32>,
      %mul3A_491 = arith.mulf %get3A_487, %get3A_490 : vector<16xf32>
      %get3A_492 = arith.index_cast %scan3A_438 : i32 to index
      %get3A_493 = arith.constant 64 : index
      %get3A_494 = tpu.vector_load %arg22[%get3A_492, %get3A_493] {strides = array<i32>} : memref<64x128xf32, #tpu.memory_space<vmem>>, vector<16xf32>,
      %mul3A_495 = arith.mulf %mul3A_491, %get3A_494 : vector<16xf32>
      %add3A_496 = arith.addf %add3A_484, %mul3A_495 : vector<16xf32>
      %get3A_497 = arith.index_cast %scan3A_438 : i32 to index
      %get3A_498 = arith.constant 80 : index
      %get3A_499 = tpu.vector_load %arg20[%get3A_497, %get3A_498] {strides = array<i32>} : memref<64x128xf32, #tpu.memory_space<vmem>>, vector<16xf32>,
      %get3A_500 = arith.index_cast %scan3A_438 : i32 to index
      %get3A_501 = arith.constant 80 : index
      %get3A_502 = tpu.vector_load %arg21[%get3A_500, %get3A_501] {strides = array<i32>} : memref<64x128xf32, #tpu.memory_space<vmem>>, vector<16xf32>,
      %mul3A_503 = arith.mulf %get3A_499, %get3A_502 : vector<16xf32>
      %get3A_504 = arith.index_cast %scan3A_438 : i32 to index
      %get3A_505 = arith.constant 80 : index
      %get3A_506 = tpu.vector_load %arg22[%get3A_504, %get3A_505] {strides = array<i32>} : memref<64x128xf32, #tpu.memory_space<vmem>>, vector<16xf32>,
      %mul3A_507 = arith.mulf %mul3A_503, %get3A_506 : vector<16xf32>
      %add3A_508 = arith.addf %add3A_496, %mul3A_507 : vector<16xf32>
      %get3A_509 = arith.index_cast %scan3A_438 : i32 to index
      %get3A_510 = arith.constant 96 : index
      %get3A_511 = tpu.vector_load %arg20[%get3A_509, %get3A_510] {strides = array<i32>} : memref<64x128xf32, #tpu.memory_space<vmem>>, vector<16xf32>,
      %get3A_512 = arith.index_cast %scan3A_438 : i32 to index
      %get3A_513 = arith.constant 96 : index
      %get3A_514 = tpu.vector_load %arg21[%get3A_512, %get3A_513] {strides = array<i32>} : memref<64x128xf32, #tpu.memory_space<vmem>>, vector<16xf32>,
      %mul3A_515 = arith.mulf %get3A_511, %get3A_514 : vector<16xf32>
      %get3A_516 = arith.index_cast %scan3A_438 : i32 to index
      %get3A_517 = arith.constant 96 : index
      %get3A_518 = tpu.vector_load %arg22[%get3A_516, %get3A_517] {strides = array<i32>} : memref<64x128xf32, #tpu.memory_space<vmem>>, vector<16xf32>,
      %mul3A_519 = arith.mulf %mul3A_515, %get3A_518 : vector<16xf32>
      %add3A_520 = arith.addf %add3A_508, %mul3A_519 : vector<16xf32>
      %get3A_521 = arith.index_cast %scan3A_438 : i32 to index
      %get3A_522 = arith.constant 112 : index
      %get3A_523 = tpu.vector_load %arg20[%get3A_521, %get3A_522] {strides = array<i32>} : memref<64x128xf32, #tpu.memory_space<vmem>>, vector<16xf32>,
      %get3A_524 = arith.index_cast %scan3A_438 : i32 to index
      %get3A_525 = arith.constant 112 : index
      %get3A_526 = tpu.vector_load %arg21[%get3A_524, %get3A_525] {strides = array<i32>} : memref<64x128xf32, #tpu.memory_space<vmem>>, vector<16xf32>,
      %mul3A_527 = arith.mulf %get3A_523, %get3A_526 : vector<16xf32>
      %get3A_528 = arith.index_cast %scan3A_438 : i32 to index
      %get3A_529 = arith.constant 112 : index
      %get3A_530 = tpu.vector_load %arg22[%get3A_528, %get3A_529] {strides = array<i32>} : memref<64x128xf32, #tpu.memory_space<vmem>>, vector<16xf32>,
      %mul3A_531 = arith.mulf %mul3A_527, %get3A_530 : vector<16xf32>
      %add3A_532 = arith.addf %add3A_520, %mul3A_531 : vector<16xf32>
      %mul3A_533 = arith.constant 16 : i32
      %mul3A_534 = arith.muli %scan3A_438, %mul3A_533 : i32
      %swap3A = arith.index_cast %mul3A_534 : i32 to index
      %swap3A_535 = tpu.vector_load %arg23[%swap3A] {strides = array<i32>} : memref<1024xf32, #tpu.memory_space<vmem>>, vector<16xf32>,
      tpu.vector_store %arg23[%swap3A], %add3A_532 {strides = array<i32>} : memref<1024xf32, #tpu.memory_space<vmem>>, vector<16xf32>,
    }
    %scan3A_278 = arith.constant 64 : i32
    %scan3A_279 = arith.constant 0 : i32
    %scan3A_280 = arith.constant 0 : i32
    %scan3A_281 = arith.constant 4 : i32
    %scan3A_282 = arith.addi %scan3A_280, %scan3A_281 : i32
    %scan3A_283 = arith.constant 1 : i32
    scf.for %scan3A_438 = %scan3A_280 to %scan3A_282 step %scan3A_283  : i32 {
      %iota3A = tpu.iota {dimensions = array<i32: 0>} : vector<16xi32>
      %mul3A_439 = arith.constant 16 : i32
      %mul3A_440 = arith.muli %scan3A_438, %mul3A_439 : i32
      %add3A_441 = vector.broadcast %mul3A_440 : i32 to vector<16xi32>
      %add3A_442 = arith.addi %add3A_441, %iota3A : vector<16xi32>
      %mul3A_443 = arith.constant 16 : i32
      %mul3A_444 = vector.broadcast %mul3A_443 : i32 to vector<16xi32>
      %mul3A_445 = arith.muli %add3A_442, %mul3A_444 : vector<16xi32>
      %add3A_446 = arith.addi %mul3A_445, %iota3A : vector<16xi32>
      %gather3A = tpu.vector_load_idx %arg23[%add3A_446] : memref<1024xf32, #tpu.memory_space<vmem>>[vector<16xi32>], vector<16xf32>,
      %add3A_447 = arith.constant 1 : i32
      %add3A_448 = vector.broadcast %add3A_447 : i32 to vector<16xi32>
      %add3A_449 = arith.addi %iota3A, %add3A_448 : vector<16xi32>
      %and3A = arith.constant 15 : i32
      %and3A_450 = vector.broadcast %and3A : i32 to vector<16xi32>
      %and3A_451 = arith.andi %add3A_449, %and3A_450 : vector<16xi32>
      %add3A_452 = arith.addi %mul3A_445, %and3A_451 : vector<16xi32>
      %gather3A_453 = tpu.vector_load_idx %arg23[%add3A_452] : memref<1024xf32, #tpu.memory_space<vmem>>[vector<16xi32>], vector<16xf32>,
      %add3A_454 = arith.addf %gather3A, %gather3A_453 : vector<16xf32>
      %add3A_455 = arith.constant 2 : i32
      %add3A_456 = vector.broadcast %add3A_455 : i32 to vector<16xi32>
      %add3A_457 = arith.addi %iota3A, %add3A_456 : vector<16xi32>
      %and3A_458 = arith.constant 15 : i32
      %and3A_459 = vector.broadcast %and3A_458 : i32 to vector<16xi32>
      %and3A_460 = arith.andi %add3A_457, %and3A_459 : vector<16xi32>
      %add3A_461 = arith.addi %mul3A_445, %and3A_460 : vector<16xi32>
      %gather3A_462 = tpu.vector_load_idx %arg23[%add3A_461] : memref<1024xf32, #tpu.memory_space<vmem>>[vector<16xi32>], vector<16xf32>,
      %add3A_463 = arith.addf %add3A_454, %gather3A_462 : vector<16xf32>
      %add3A_464 = arith.constant 3 : i32
      %add3A_465 = vector.broadcast %add3A_464 : i32 to vector<16xi32>
      %add3A_466 = arith.addi %iota3A, %add3A_465 : vector<16xi32>
      %and3A_467 = arith.constant 15 : i32
      %and3A_468 = vector.broadcast %and3A_467 : i32 to vector<16xi32>
      %and3A_469 = arith.andi %add3A_466, %and3A_468 : vector<16xi32>
      %add3A_470 = arith.addi %mul3A_445, %and3A_469 : vector<16xi32>
      %gather3A_471 = tpu.vector_load_idx %arg23[%add3A_470] : memref<1024xf32, #tpu.memory_space<vmem>>[vector<16xi32>], vector<16xf32>,
      %add3A_472 = arith.addf %add3A_463, %gather3A_471 : vector<16xf32>
      %add3A_473 = arith.constant 4 : i32
      %add3A_474 = vector.broadcast %add3A_473 : i32 to vector<16xi32>
      %add3A_475 = arith.addi %iota3A, %add3A_474 : vector<16xi32>
      %and3A_476 = arith.constant 15 : i32
      %and3A_477 = vector.broadcast %and3A_476 : i32 to vector<16xi32>
      %and3A_478 = arith.andi %add3A_475, %and3A_477 : vector<16xi32>
      %add3A_479 = arith.addi %mul3A_445, %and3A_478 : vector<16xi32>
      %gather3A_480 = tpu.vector_load_idx %arg23[%add3A_479] : memref<1024xf32, #tpu.memory_space<vmem>>[vector<16xi32>], vector<16xf32>,
      %add3A_481 = arith.addf %add3A_472, %gather3A_480 : vector<16xf32>
      %add3A_482 = arith.constant 5 : i32
      %add3A_483 = vector.broadcast %add3A_482 : i32 to vector<16xi32>
      %add3A_484 = arith.addi %iota3A, %add3A_483 : vector<16xi32>
      %and3A_485 = arith.constant 15 : i32
      %and3A_486 = vector.broadcast %and3A_485 : i32 to vector<16xi32>
      %and3A_487 = arith.andi %add3A_484, %and3A_486 : vector<16xi32>
      %add3A_488 = arith.addi %mul3A_445, %and3A_487 : vector<16xi32>
      %gather3A_489 = tpu.vector_load_idx %arg23[%add3A_488] : memref<1024xf32, #tpu.memory_space<vmem>>[vector<16xi32>], vector<16xf32>,
      %add3A_490 = arith.addf %add3A_481, %gather3A_489 : vector<16xf32>
      %add3A_491 = arith.constant 6 : i32
      %add3A_492 = vector.broadcast %add3A_491 : i32 to vector<16xi32>
      %add3A_493 = arith.addi %iota3A, %add3A_492 : vector<16xi32>
      %and3A_494 = arith.constant 15 : i32
      %and3A_495 = vector.broadcast %and3A_494 : i32 to vector<16xi32>
      %and3A_496 = arith.andi %add3A_493, %and3A_495 : vector<16xi32>
      %add3A_497 = arith.addi %mul3A_445, %and3A_496 : vector<16xi32>
      %gather3A_498 = tpu.vector_load_idx %arg23[%add3A_497] : memref<1024xf32, #tpu.memory_space<vmem>>[vector<16xi32>], vector<16xf32>,
      %add3A_499 = arith.addf %add3A_490, %gather3A_498 : vector<16xf32>
      %add3A_500 = arith.constant 7 : i32
      %add3A_501 = vector.broadcast %add3A_500 : i32 to vector<16xi32>
      %add3A_502 = arith.addi %iota3A, %add3A_501 : vector<16xi32>
      %and3A_503 = arith.constant 15 : i32
      %and3A_504 = vector.broadcast %and3A_503 : i32 to vector<16xi32>
      %and3A_505 = arith.andi %add3A_502, %and3A_504 : vector<16xi32>
      %add3A_506 = arith.addi %mul3A_445, %and3A_505 : vector<16xi32>
      %gather3A_507 = tpu.vector_load_idx %arg23[%add3A_506] : memref<1024xf32, #tpu.memory_space<vmem>>[vector<16xi32>], vector<16xf32>,
      %add3A_508 = arith.addf %add3A_499, %gather3A_507 : vector<16xf32>
      %add3A_509 = arith.constant 8 : i32
      %add3A_510 = vector.broadcast %add3A_509 : i32 to vector<16xi32>
      %add3A_511 = arith.addi %iota3A, %add3A_510 : vector<16xi32>
      %and3A_512 = arith.constant 15 : i32
      %and3A_513 = vector.broadcast %and3A_512 : i32 to vector<16xi32>
      %and3A_514 = arith.andi %add3A_511, %and3A_513 : vector<16xi32>
      %add3A_515 = arith.addi %mul3A_445, %and3A_514 : vector<16xi32>
      %gather3A_516 = tpu.vector_load_idx %arg23[%add3A_515] : memref<1024xf32, #tpu.memory_space<vmem>>[vector<16xi32>], vector<16xf32>,
      %add3A_517 = arith.addf %add3A_508, %gather3A_516 : vector<16xf32>
      %add3A_518 = arith.constant 9 : i32
      %add3A_519 = vector.broadcast %add3A_518 : i32 to vector<16xi32>
      %add3A_520 = arith.addi %iota3A, %add3A_519 : vector<16xi32>
      %and3A_521 = arith.constant 15 : i32
      %and3A_522 = vector.broadcast %and3A_521 : i32 to vector<16xi32>
      %and3A_523 = arith.andi %add3A_520, %and3A_522 : vector<16xi32>
      %add3A_524 = arith.addi %mul3A_445, %and3A_523 : vector<16xi32>
      %gather3A_525 = tpu.vector_load_idx %arg23[%add3A_524] : memref<1024xf32, #tpu.memory_space<vmem>>[vector<16xi32>], vector<16xf32>,
      %add3A_526 = arith.addf %add3A_517, %gather3A_525 : vector<16xf32>
      %add3A_527 = arith.constant 10 : i32
      %add3A_528 = vector.broadcast %add3A_527 : i32 to vector<16xi32>
      %add3A_529 = arith.addi %iota3A, %add3A_528 : vector<16xi32>
      %and3A_530 = arith.constant 15 : i32
      %and3A_531 = vector.broadcast %and3A_530 : i32 to vector<16xi32>
      %and3A_532 = arith.andi %add3A_529, %and3A_531 : vector<16xi32>
      %add3A_533 = arith.addi %mul3A_445, %and3A_532 : vector<16xi32>
      %gather3A_534 = tpu.vector_load_idx %arg23[%add3A_533] : memref<1024xf32, #tpu.memory_space<vmem>>[vector<16xi32>], vector<16xf32>,
      %add3A_535 = arith.addf %add3A_526, %gather3A_534 : vector<16xf32>
      %add3A_536 = arith.constant 11 : i32
      %add3A_537 = vector.broadcast %add3A_536 : i32 to vector<16xi32>
      %add3A_538 = arith.addi %iota3A, %add3A_537 : vector<16xi32>
      %and3A_539 = arith.constant 15 : i32
      %and3A_540 = vector.broadcast %and3A_539 : i32 to vector<16xi32>
      %and3A_541 = arith.andi %add3A_538, %and3A_540 : vector<16xi32>
      %add3A_542 = arith.addi %mul3A_445, %and3A_541 : vector<16xi32>
      %gather3A_543 = tpu.vector_load_idx %arg23[%add3A_542] : memref<1024xf32, #tpu.memory_space<vmem>>[vector<16xi32>], vector<16xf32>,
      %add3A_544 = arith.addf %add3A_535, %gather3A_543 : vector<16xf32>
      %add3A_545 = arith.constant 12 : i32
      %add3A_546 = vector.broadcast %add3A_545 : i32 to vector<16xi32>
      %add3A_547 = arith.addi %iota3A, %add3A_546 : vector<16xi32>
      %and3A_548 = arith.constant 15 : i32
      %and3A_549 = vector.broadcast %and3A_548 : i32 to vector<16xi32>
      %and3A_550 = arith.andi %add3A_547, %and3A_549 : vector<16xi32>
      %add3A_551 = arith.addi %mul3A_445, %and3A_550 : vector<16xi32>
      %gather3A_552 = tpu.vector_load_idx %arg23[%add3A_551] : memref<1024xf32, #tpu.memory_space<vmem>>[vector<16xi32>], vector<16xf32>,
      %add3A_553 = arith.addf %add3A_544, %gather3A_552 : vector<16xf32>
      %add3A_554 = arith.constant 13 : i32
      %add3A_555 = vector.broadcast %add3A_554 : i32 to vector<16xi32>
      %add3A_556 = arith.addi %iota3A, %add3A_555 : vector<16xi32>
      %and3A_557 = arith.constant 15 : i32
      %and3A_558 = vector.broadcast %and3A_557 : i32 to vector<16xi32>
      %and3A_559 = arith.andi %add3A_556, %and3A_558 : vector<16xi32>
      %add3A_560 = arith.addi %mul3A_445, %and3A_559 : vector<16xi32>
      %gather3A_561 = tpu.vector_load_idx %arg23[%add3A_560] : memref<1024xf32, #tpu.memory_space<vmem>>[vector<16xi32>], vector<16xf32>,
      %add3A_562 = arith.addf %add3A_553, %gather3A_561 : vector<16xf32>
      %add3A_563 = arith.constant 14 : i32
      %add3A_564 = vector.broadcast %add3A_563 : i32 to vector<16xi32>
      %add3A_565 = arith.addi %iota3A, %add3A_564 : vector<16xi32>
      %and3A_566 = arith.constant 15 : i32
      %and3A_567 = vector.broadcast %and3A_566 : i32 to vector<16xi32>
      %and3A_568 = arith.andi %add3A_565, %and3A_567 : vector<16xi32>
      %add3A_569 = arith.addi %mul3A_445, %and3A_568 : vector<16xi32>
      %gather3A_570 = tpu.vector_load_idx %arg23[%add3A_569] : memref<1024xf32, #tpu.memory_space<vmem>>[vector<16xi32>], vector<16xf32>,
      %add3A_571 = arith.addf %add3A_562, %gather3A_570 : vector<16xf32>
      %add3A_572 = arith.constant 15 : i32
      %add3A_573 = vector.broadcast %add3A_572 : i32 to vector<16xi32>
      %add3A_574 = arith.addi %iota3A, %add3A_573 : vector<16xi32>
      %and3A_575 = arith.constant 15 : i32
      %and3A_576 = vector.broadcast %and3A_575 : i32 to vector<16xi32>
      %and3A_577 = arith.andi %add3A_574, %and3A_576 : vector<16xi32>
      %add3A_578 = arith.addi %mul3A_445, %and3A_577 : vector<16xi32>
      %gather3A_579 = tpu.vector_load_idx %arg23[%add3A_578] : memref<1024xf32, #tpu.memory_space<vmem>>[vector<16xi32>], vector<16xf32>,
      %add3A_580 = arith.addf %add3A_571, %gather3A_579 : vector<16xf32>
      %mul3A_581 = arith.constant 16 : i32
      %mul3A_582 = arith.muli %scan3A_438, %mul3A_581 : i32
      %add3A_583 = arith.constant 192 : i32
      %add3A_584 = arith.addi %add3A_583, %mul3A_582 : i32
      %swap3A = arith.index_cast %add3A_584 : i32 to index
      %swap3A_585 = tpu.vector_load %arg24[%swap3A] {strides = array<i32>} : memref<512xf32, #tpu.memory_space<vmem>>, vector<16xf32>,
      tpu.vector_store %arg24[%swap3A], %add3A_580 {strides = array<i32>} : memref<512xf32, #tpu.memory_space<vmem>>, vector<16xf32>,
    }
    %scan3A_284 = arith.constant 4 : i32
    %dma_wait3A_285 = arith.constant 4 : i32
    %dma_wait3A_286 = arith.constant 0 : i32
    %dma_wait3A_287 = tpu.memref_slice %arg8[%dma_wait3A_285, %dma_wait3A_286] : memref<8x64xi32, #tpu.memory_space<vmem>> -> memref<1x64xi32, #tpu.memory_space<vmem>>
    %dma_wait3A_288 = tpu.memref_squeeze %dma_wait3A_287 : memref<1x64xi32, #tpu.memory_space<vmem>> -> memref<64xi32, #tpu.memory_space<vmem>>
    %dma_wait3A_289 = arith.constant 0 : i32
    %dma_wait3A_290 = arith.constant 0 : i32
    %dma_wait3A_291 = tpu.memref_slice %arg5[%dma_wait3A_289, %dma_wait3A_290] : memref<1000000x128xf32, #tpu.memory_space<hbm>> -> memref<1000000x128xf32, #tpu.memory_space<hbm>>
    tpu.wait_indirect_dma semaphore(%arg25 : memref<!tpu.dma_semaphore, #tpu.memory_space<semaphore_mem>>) src(%dma_wait3A_291 : memref<1000000x128xf32, #tpu.memory_space<hbm>>) dst(%arg11 : memref<64x128xf32, #tpu.memory_space<vmem>>)
    %dma_wait3A_292 = arith.constant 4 : i32
    %dma_wait3A_293 = arith.constant 0 : i32
    %dma_wait3A_294 = tpu.memref_slice %arg9[%dma_wait3A_292, %dma_wait3A_293] : memref<8x64xi32, #tpu.memory_space<vmem>> -> memref<1x64xi32, #tpu.memory_space<vmem>>
    %dma_wait3A_295 = tpu.memref_squeeze %dma_wait3A_294 : memref<1x64xi32, #tpu.memory_space<vmem>> -> memref<64xi32, #tpu.memory_space<vmem>>
    %dma_wait3A_296 = arith.constant 0 : i32
    %dma_wait3A_297 = arith.constant 0 : i32
    %dma_wait3A_298 = tpu.memref_slice %arg6[%dma_wait3A_296, %dma_wait3A_297] : memref<1000x128xf32, #tpu.memory_space<hbm>> -> memref<1000x128xf32, #tpu.memory_space<hbm>>
    tpu.wait_indirect_dma semaphore(%arg25 : memref<!tpu.dma_semaphore, #tpu.memory_space<semaphore_mem>>) src(%dma_wait3A_298 : memref<1000x128xf32, #tpu.memory_space<hbm>>) dst(%arg12 : memref<64x128xf32, #tpu.memory_space<vmem>>)
    %dma_wait3A_299 = arith.constant 4 : i32
    %dma_wait3A_300 = arith.constant 0 : i32
    %dma_wait3A_301 = tpu.memref_slice %arg10[%dma_wait3A_299, %dma_wait3A_300] : memref<8x64xi32, #tpu.memory_space<vmem>> -> memref<1x64xi32, #tpu.memory_space<vmem>>
    %dma_wait3A_302 = tpu.memref_squeeze %dma_wait3A_301 : memref<1x64xi32, #tpu.memory_space<vmem>> -> memref<64xi32, #tpu.memory_space<vmem>>
    %dma_wait3A_303 = arith.constant 0 : i32
    %dma_wait3A_304 = arith.constant 0 : i32
    %dma_wait3A_305 = tpu.memref_slice %arg5[%dma_wait3A_303, %dma_wait3A_304] : memref<1000000x128xf32, #tpu.memory_space<hbm>> -> memref<1000000x128xf32, #tpu.memory_space<hbm>>
    tpu.wait_indirect_dma semaphore(%arg25 : memref<!tpu.dma_semaphore, #tpu.memory_space<semaphore_mem>>) src(%dma_wait3A_305 : memref<1000000x128xf32, #tpu.memory_space<hbm>>) dst(%arg13 : memref<64x128xf32, #tpu.memory_space<vmem>>)
    %dma_start3A_306 = arith.constant 7 : i32
    %dma_start3A_307 = arith.constant 0 : i32
    %dma_start3A_308 = tpu.memref_slice %arg8[%dma_start3A_306, %dma_start3A_307] : memref<8x64xi32, #tpu.memory_space<vmem>> -> memref<1x64xi32, #tpu.memory_space<vmem>>
    %dma_start3A_309 = tpu.memref_squeeze %dma_start3A_308 : memref<1x64xi32, #tpu.memory_space<vmem>> -> memref<64xi32, #tpu.memory_space<vmem>>
    %dma_start3A_310 = arith.constant 0 : i32
    %dma_start3A_311 = arith.constant 0 : i32
    %dma_start3A_312 = tpu.memref_slice %arg5[%dma_start3A_310, %dma_start3A_311] : memref<1000000x128xf32, #tpu.memory_space<hbm>> -> memref<1000000x128xf32, #tpu.memory_space<hbm>>
    tpu.enqueue_indirect_dma source(%dma_start3A_312 : memref<1000000x128xf32, #tpu.memory_space<hbm>>) target(%arg20 : memref<64x128xf32, #tpu.memory_space<vmem>>) offsets(%dma_start3A_309 : memref<64xi32, #tpu.memory_space<vmem>>) semaphore(%arg28 : memref<!tpu.dma_semaphore, #tpu.memory_space<semaphore_mem>>)
    %dma_start3A_313 = arith.constant 7 : i32
    %dma_start3A_314 = arith.constant 0 : i32
    %dma_start3A_315 = tpu.memref_slice %arg9[%dma_start3A_313, %dma_start3A_314] : memref<8x64xi32, #tpu.memory_space<vmem>> -> memref<1x64xi32, #tpu.memory_space<vmem>>
    %dma_start3A_316 = tpu.memref_squeeze %dma_start3A_315 : memref<1x64xi32, #tpu.memory_space<vmem>> -> memref<64xi32, #tpu.memory_space<vmem>>
    %dma_start3A_317 = arith.constant 0 : i32
    %dma_start3A_318 = arith.constant 0 : i32
    %dma_start3A_319 = tpu.memref_slice %arg6[%dma_start3A_317, %dma_start3A_318] : memref<1000x128xf32, #tpu.memory_space<hbm>> -> memref<1000x128xf32, #tpu.memory_space<hbm>>
    tpu.enqueue_indirect_dma source(%dma_start3A_319 : memref<1000x128xf32, #tpu.memory_space<hbm>>) target(%arg21 : memref<64x128xf32, #tpu.memory_space<vmem>>) offsets(%dma_start3A_316 : memref<64xi32, #tpu.memory_space<vmem>>) semaphore(%arg28 : memref<!tpu.dma_semaphore, #tpu.memory_space<semaphore_mem>>)
    %dma_start3A_320 = arith.constant 7 : i32
    %dma_start3A_321 = arith.constant 0 : i32
    %dma_start3A_322 = tpu.memref_slice %arg10[%dma_start3A_320, %dma_start3A_321] : memref<8x64xi32, #tpu.memory_space<vmem>> -> memref<1x64xi32, #tpu.memory_space<vmem>>
    %dma_start3A_323 = tpu.memref_squeeze %dma_start3A_322 : memref<1x64xi32, #tpu.memory_space<vmem>> -> memref<64xi32, #tpu.memory_space<vmem>>
    %dma_start3A_324 = arith.constant 0 : i32
    %dma_start3A_325 = arith.constant 0 : i32
    %dma_start3A_326 = tpu.memref_slice %arg5[%dma_start3A_324, %dma_start3A_325] : memref<1000000x128xf32, #tpu.memory_space<hbm>> -> memref<1000000x128xf32, #tpu.memory_space<hbm>>
    tpu.enqueue_indirect_dma source(%dma_start3A_326 : memref<1000000x128xf32, #tpu.memory_space<hbm>>) target(%arg22 : memref<64x128xf32, #tpu.memory_space<vmem>>) offsets(%dma_start3A_323 : memref<64xi32, #tpu.memory_space<vmem>>) semaphore(%arg28 : memref<!tpu.dma_semaphore, #tpu.memory_space<semaphore_mem>>)
    %scan3A_327 = arith.constant 0 : i32
    %scan3A_328 = arith.constant 0 : i32
    %scan3A_329 = arith.constant 64 : i32
    %scan3A_330 = arith.addi %scan3A_328, %scan3A_329 : i32
    %scan3A_331 = arith.constant 1 : i32
    scf.for %scan3A_438 = %scan3A_328 to %scan3A_330 step %scan3A_331  : i32 {
      %get3A = arith.index_cast %scan3A_438 : i32 to index
      %get3A_439 = arith.constant 0 : index
      %get3A_440 = tpu.vector_load %arg11[%get3A, %get3A_439] {strides = array<i32>} : memref<64x128xf32, #tpu.memory_space<vmem>>, vector<16xf32>,
      %get3A_441 = arith.index_cast %scan3A_438 : i32 to index
      %get3A_442 = arith.constant 0 : index
      %get3A_443 = tpu.vector_load %arg12[%get3A_441, %get3A_442] {strides = array<i32>} : memref<64x128xf32, #tpu.memory_space<vmem>>, vector<16xf32>,
      %mul3A_444 = arith.mulf %get3A_440, %get3A_443 : vector<16xf32>
      %get3A_445 = arith.index_cast %scan3A_438 : i32 to index
      %get3A_446 = arith.constant 0 : index
      %get3A_447 = tpu.vector_load %arg13[%get3A_445, %get3A_446] {strides = array<i32>} : memref<64x128xf32, #tpu.memory_space<vmem>>, vector<16xf32>,
      %mul3A_448 = arith.mulf %mul3A_444, %get3A_447 : vector<16xf32>
      %get3A_449 = arith.index_cast %scan3A_438 : i32 to index
      %get3A_450 = arith.constant 16 : index
      %get3A_451 = tpu.vector_load %arg11[%get3A_449, %get3A_450] {strides = array<i32>} : memref<64x128xf32, #tpu.memory_space<vmem>>, vector<16xf32>,
      %get3A_452 = arith.index_cast %scan3A_438 : i32 to index
      %get3A_453 = arith.constant 16 : index
      %get3A_454 = tpu.vector_load %arg12[%get3A_452, %get3A_453] {strides = array<i32>} : memref<64x128xf32, #tpu.memory_space<vmem>>, vector<16xf32>,
      %mul3A_455 = arith.mulf %get3A_451, %get3A_454 : vector<16xf32>
      %get3A_456 = arith.index_cast %scan3A_438 : i32 to index
      %get3A_457 = arith.constant 16 : index
      %get3A_458 = tpu.vector_load %arg13[%get3A_456, %get3A_457] {strides = array<i32>} : memref<64x128xf32, #tpu.memory_space<vmem>>, vector<16xf32>,
      %mul3A_459 = arith.mulf %mul3A_455, %get3A_458 : vector<16xf32>
      %add3A_460 = arith.addf %mul3A_448, %mul3A_459 : vector<16xf32>
      %get3A_461 = arith.index_cast %scan3A_438 : i32 to index
      %get3A_462 = arith.constant 32 : index
      %get3A_463 = tpu.vector_load %arg11[%get3A_461, %get3A_462] {strides = array<i32>} : memref<64x128xf32, #tpu.memory_space<vmem>>, vector<16xf32>,
      %get3A_464 = arith.index_cast %scan3A_438 : i32 to index
      %get3A_465 = arith.constant 32 : index
      %get3A_466 = tpu.vector_load %arg12[%get3A_464, %get3A_465] {strides = array<i32>} : memref<64x128xf32, #tpu.memory_space<vmem>>, vector<16xf32>,
      %mul3A_467 = arith.mulf %get3A_463, %get3A_466 : vector<16xf32>
      %get3A_468 = arith.index_cast %scan3A_438 : i32 to index
      %get3A_469 = arith.constant 32 : index
      %get3A_470 = tpu.vector_load %arg13[%get3A_468, %get3A_469] {strides = array<i32>} : memref<64x128xf32, #tpu.memory_space<vmem>>, vector<16xf32>,
      %mul3A_471 = arith.mulf %mul3A_467, %get3A_470 : vector<16xf32>
      %add3A_472 = arith.addf %add3A_460, %mul3A_471 : vector<16xf32>
      %get3A_473 = arith.index_cast %scan3A_438 : i32 to index
      %get3A_474 = arith.constant 48 : index
      %get3A_475 = tpu.vector_load %arg11[%get3A_473, %get3A_474] {strides = array<i32>} : memref<64x128xf32, #tpu.memory_space<vmem>>, vector<16xf32>,
      %get3A_476 = arith.index_cast %scan3A_438 : i32 to index
      %get3A_477 = arith.constant 48 : index
      %get3A_478 = tpu.vector_load %arg12[%get3A_476, %get3A_477] {strides = array<i32>} : memref<64x128xf32, #tpu.memory_space<vmem>>, vector<16xf32>,
      %mul3A_479 = arith.mulf %get3A_475, %get3A_478 : vector<16xf32>
      %get3A_480 = arith.index_cast %scan3A_438 : i32 to index
      %get3A_481 = arith.constant 48 : index
      %get3A_482 = tpu.vector_load %arg13[%get3A_480, %get3A_481] {strides = array<i32>} : memref<64x128xf32, #tpu.memory_space<vmem>>, vector<16xf32>,
      %mul3A_483 = arith.mulf %mul3A_479, %get3A_482 : vector<16xf32>
      %add3A_484 = arith.addf %add3A_472, %mul3A_483 : vector<16xf32>
      %get3A_485 = arith.index_cast %scan3A_438 : i32 to index
      %get3A_486 = arith.constant 64 : index
      %get3A_487 = tpu.vector_load %arg11[%get3A_485, %get3A_486] {strides = array<i32>} : memref<64x128xf32, #tpu.memory_space<vmem>>, vector<16xf32>,
      %get3A_488 = arith.index_cast %scan3A_438 : i32 to index
      %get3A_489 = arith.constant 64 : index
      %get3A_490 = tpu.vector_load %arg12[%get3A_488, %get3A_489] {strides = array<i32>} : memref<64x128xf32, #tpu.memory_space<vmem>>, vector<16xf32>,
      %mul3A_491 = arith.mulf %get3A_487, %get3A_490 : vector<16xf32>
      %get3A_492 = arith.index_cast %scan3A_438 : i32 to index
      %get3A_493 = arith.constant 64 : index
      %get3A_494 = tpu.vector_load %arg13[%get3A_492, %get3A_493] {strides = array<i32>} : memref<64x128xf32, #tpu.memory_space<vmem>>, vector<16xf32>,
      %mul3A_495 = arith.mulf %mul3A_491, %get3A_494 : vector<16xf32>
      %add3A_496 = arith.addf %add3A_484, %mul3A_495 : vector<16xf32>
      %get3A_497 = arith.index_cast %scan3A_438 : i32 to index
      %get3A_498 = arith.constant 80 : index
      %get3A_499 = tpu.vector_load %arg11[%get3A_497, %get3A_498] {strides = array<i32>} : memref<64x128xf32, #tpu.memory_space<vmem>>, vector<16xf32>,
      %get3A_500 = arith.index_cast %scan3A_438 : i32 to index
      %get3A_501 = arith.constant 80 : index
      %get3A_502 = tpu.vector_load %arg12[%get3A_500, %get3A_501] {strides = array<i32>} : memref<64x128xf32, #tpu.memory_space<vmem>>, vector<16xf32>,
      %mul3A_503 = arith.mulf %get3A_499, %get3A_502 : vector<16xf32>
      %get3A_504 = arith.index_cast %scan3A_438 : i32 to index
      %get3A_505 = arith.constant 80 : index
      %get3A_506 = tpu.vector_load %arg13[%get3A_504, %get3A_505] {strides = array<i32>} : memref<64x128xf32, #tpu.memory_space<vmem>>, vector<16xf32>,
      %mul3A_507 = arith.mulf %mul3A_503, %get3A_506 : vector<16xf32>
      %add3A_508 = arith.addf %add3A_496, %mul3A_507 : vector<16xf32>
      %get3A_509 = arith.index_cast %scan3A_438 : i32 to index
      %get3A_510 = arith.constant 96 : index
      %get3A_511 = tpu.vector_load %arg11[%get3A_509, %get3A_510] {strides = array<i32>} : memref<64x128xf32, #tpu.memory_space<vmem>>, vector<16xf32>,
      %get3A_512 = arith.index_cast %scan3A_438 : i32 to index
      %get3A_513 = arith.constant 96 : index
      %get3A_514 = tpu.vector_load %arg12[%get3A_512, %get3A_513] {strides = array<i32>} : memref<64x128xf32, #tpu.memory_space<vmem>>, vector<16xf32>,
      %mul3A_515 = arith.mulf %get3A_511, %get3A_514 : vector<16xf32>
      %get3A_516 = arith.index_cast %scan3A_438 : i32 to index
      %get3A_517 = arith.constant 96 : index
      %get3A_518 = tpu.vector_load %arg13[%get3A_516, %get3A_517] {strides = array<i32>} : memref<64x128xf32, #tpu.memory_space<vmem>>, vector<16xf32>,
      %mul3A_519 = arith.mulf %mul3A_515, %get3A_518 : vector<16xf32>
      %add3A_520 = arith.addf %add3A_508, %mul3A_519 : vector<16xf32>
      %get3A_521 = arith.index_cast %scan3A_438 : i32 to index
      %get3A_522 = arith.constant 112 : index
      %get3A_523 = tpu.vector_load %arg11[%get3A_521, %get3A_522] {strides = array<i32>} : memref<64x128xf32, #tpu.memory_space<vmem>>, vector<16xf32>,
      %get3A_524 = arith.index_cast %scan3A_438 : i32 to index
      %get3A_525 = arith.constant 112 : index
      %get3A_526 = tpu.vector_load %arg12[%get3A_524, %get3A_525] {strides = array<i32>} : memref<64x128xf32, #tpu.memory_space<vmem>>, vector<16xf32>,
      %mul3A_527 = arith.mulf %get3A_523, %get3A_526 : vector<16xf32>
      %get3A_528 = arith.index_cast %scan3A_438 : i32 to index
      %get3A_529 = arith.constant 112 : index
      %get3A_530 = tpu.vector_load %arg13[%get3A_528, %get3A_529] {strides = array<i32>} : memref<64x128xf32, #tpu.memory_space<vmem>>, vector<16xf32>,
      %mul3A_531 = arith.mulf %mul3A_527, %get3A_530 : vector<16xf32>
      %add3A_532 = arith.addf %add3A_520, %mul3A_531 : vector<16xf32>
      %mul3A_533 = arith.constant 16 : i32
      %mul3A_534 = arith.muli %scan3A_438, %mul3A_533 : i32
      %swap3A = arith.index_cast %mul3A_534 : i32 to index
      %swap3A_535 = tpu.vector_load %arg23[%swap3A] {strides = array<i32>} : memref<1024xf32, #tpu.memory_space<vmem>>, vector<16xf32>,
      tpu.vector_store %arg23[%swap3A], %add3A_532 {strides = array<i32>} : memref<1024xf32, #tpu.memory_space<vmem>>, vector<16xf32>,
    }
    %scan3A_332 = arith.constant 64 : i32
    %scan3A_333 = arith.constant 0 : i32
    %scan3A_334 = arith.constant 0 : i32
    %scan3A_335 = arith.constant 4 : i32
    %scan3A_336 = arith.addi %scan3A_334, %scan3A_335 : i32
    %scan3A_337 = arith.constant 1 : i32
    scf.for %scan3A_438 = %scan3A_334 to %scan3A_336 step %scan3A_337  : i32 {
      %iota3A = tpu.iota {dimensions = array<i32: 0>} : vector<16xi32>
      %mul3A_439 = arith.constant 16 : i32
      %mul3A_440 = arith.muli %scan3A_438, %mul3A_439 : i32
      %add3A_441 = vector.broadcast %mul3A_440 : i32 to vector<16xi32>
      %add3A_442 = arith.addi %add3A_441, %iota3A : vector<16xi32>
      %mul3A_443 = arith.constant 16 : i32
      %mul3A_444 = vector.broadcast %mul3A_443 : i32 to vector<16xi32>
      %mul3A_445 = arith.muli %add3A_442, %mul3A_444 : vector<16xi32>
      %add3A_446 = arith.addi %mul3A_445, %iota3A : vector<16xi32>
      %gather3A = tpu.vector_load_idx %arg23[%add3A_446] : memref<1024xf32, #tpu.memory_space<vmem>>[vector<16xi32>], vector<16xf32>,
      %add3A_447 = arith.constant 1 : i32
      %add3A_448 = vector.broadcast %add3A_447 : i32 to vector<16xi32>
      %add3A_449 = arith.addi %iota3A, %add3A_448 : vector<16xi32>
      %and3A = arith.constant 15 : i32
      %and3A_450 = vector.broadcast %and3A : i32 to vector<16xi32>
      %and3A_451 = arith.andi %add3A_449, %and3A_450 : vector<16xi32>
      %add3A_452 = arith.addi %mul3A_445, %and3A_451 : vector<16xi32>
      %gather3A_453 = tpu.vector_load_idx %arg23[%add3A_452] : memref<1024xf32, #tpu.memory_space<vmem>>[vector<16xi32>], vector<16xf32>,
      %add3A_454 = arith.addf %gather3A, %gather3A_453 : vector<16xf32>
      %add3A_455 = arith.constant 2 : i32
      %add3A_456 = vector.broadcast %add3A_455 : i32 to vector<16xi32>
      %add3A_457 = arith.addi %iota3A, %add3A_456 : vector<16xi32>
      %and3A_458 = arith.constant 15 : i32
      %and3A_459 = vector.broadcast %and3A_458 : i32 to vector<16xi32>
      %and3A_460 = arith.andi %add3A_457, %and3A_459 : vector<16xi32>
      %add3A_461 = arith.addi %mul3A_445, %and3A_460 : vector<16xi32>
      %gather3A_462 = tpu.vector_load_idx %arg23[%add3A_461] : memref<1024xf32, #tpu.memory_space<vmem>>[vector<16xi32>], vector<16xf32>,
      %add3A_463 = arith.addf %add3A_454, %gather3A_462 : vector<16xf32>
      %add3A_464 = arith.constant 3 : i32
      %add3A_465 = vector.broadcast %add3A_464 : i32 to vector<16xi32>
      %add3A_466 = arith.addi %iota3A, %add3A_465 : vector<16xi32>
      %and3A_467 = arith.constant 15 : i32
      %and3A_468 = vector.broadcast %and3A_467 : i32 to vector<16xi32>
      %and3A_469 = arith.andi %add3A_466, %and3A_468 : vector<16xi32>
      %add3A_470 = arith.addi %mul3A_445, %and3A_469 : vector<16xi32>
      %gather3A_471 = tpu.vector_load_idx %arg23[%add3A_470] : memref<1024xf32, #tpu.memory_space<vmem>>[vector<16xi32>], vector<16xf32>,
      %add3A_472 = arith.addf %add3A_463, %gather3A_471 : vector<16xf32>
      %add3A_473 = arith.constant 4 : i32
      %add3A_474 = vector.broadcast %add3A_473 : i32 to vector<16xi32>
      %add3A_475 = arith.addi %iota3A, %add3A_474 : vector<16xi32>
      %and3A_476 = arith.constant 15 : i32
      %and3A_477 = vector.broadcast %and3A_476 : i32 to vector<16xi32>
      %and3A_478 = arith.andi %add3A_475, %and3A_477 : vector<16xi32>
      %add3A_479 = arith.addi %mul3A_445, %and3A_478 : vector<16xi32>
      %gather3A_480 = tpu.vector_load_idx %arg23[%add3A_479] : memref<1024xf32, #tpu.memory_space<vmem>>[vector<16xi32>], vector<16xf32>,
      %add3A_481 = arith.addf %add3A_472, %gather3A_480 : vector<16xf32>
      %add3A_482 = arith.constant 5 : i32
      %add3A_483 = vector.broadcast %add3A_482 : i32 to vector<16xi32>
      %add3A_484 = arith.addi %iota3A, %add3A_483 : vector<16xi32>
      %and3A_485 = arith.constant 15 : i32
      %and3A_486 = vector.broadcast %and3A_485 : i32 to vector<16xi32>
      %and3A_487 = arith.andi %add3A_484, %and3A_486 : vector<16xi32>
      %add3A_488 = arith.addi %mul3A_445, %and3A_487 : vector<16xi32>
      %gather3A_489 = tpu.vector_load_idx %arg23[%add3A_488] : memref<1024xf32, #tpu.memory_space<vmem>>[vector<16xi32>], vector<16xf32>,
      %add3A_490 = arith.addf %add3A_481, %gather3A_489 : vector<16xf32>
      %add3A_491 = arith.constant 6 : i32
      %add3A_492 = vector.broadcast %add3A_491 : i32 to vector<16xi32>
      %add3A_493 = arith.addi %iota3A, %add3A_492 : vector<16xi32>
      %and3A_494 = arith.constant 15 : i32
      %and3A_495 = vector.broadcast %and3A_494 : i32 to vector<16xi32>
      %and3A_496 = arith.andi %add3A_493, %and3A_495 : vector<16xi32>
      %add3A_497 = arith.addi %mul3A_445, %and3A_496 : vector<16xi32>
      %gather3A_498 = tpu.vector_load_idx %arg23[%add3A_497] : memref<1024xf32, #tpu.memory_space<vmem>>[vector<16xi32>], vector<16xf32>,
      %add3A_499 = arith.addf %add3A_490, %gather3A_498 : vector<16xf32>
      %add3A_500 = arith.constant 7 : i32
      %add3A_501 = vector.broadcast %add3A_500 : i32 to vector<16xi32>
      %add3A_502 = arith.addi %iota3A, %add3A_501 : vector<16xi32>
      %and3A_503 = arith.constant 15 : i32
      %and3A_504 = vector.broadcast %and3A_503 : i32 to vector<16xi32>
      %and3A_505 = arith.andi %add3A_502, %and3A_504 : vector<16xi32>
      %add3A_506 = arith.addi %mul3A_445, %and3A_505 : vector<16xi32>
      %gather3A_507 = tpu.vector_load_idx %arg23[%add3A_506] : memref<1024xf32, #tpu.memory_space<vmem>>[vector<16xi32>], vector<16xf32>,
      %add3A_508 = arith.addf %add3A_499, %gather3A_507 : vector<16xf32>
      %add3A_509 = arith.constant 8 : i32
      %add3A_510 = vector.broadcast %add3A_509 : i32 to vector<16xi32>
      %add3A_511 = arith.addi %iota3A, %add3A_510 : vector<16xi32>
      %and3A_512 = arith.constant 15 : i32
      %and3A_513 = vector.broadcast %and3A_512 : i32 to vector<16xi32>
      %and3A_514 = arith.andi %add3A_511, %and3A_513 : vector<16xi32>
      %add3A_515 = arith.addi %mul3A_445, %and3A_514 : vector<16xi32>
      %gather3A_516 = tpu.vector_load_idx %arg23[%add3A_515] : memref<1024xf32, #tpu.memory_space<vmem>>[vector<16xi32>], vector<16xf32>,
      %add3A_517 = arith.addf %add3A_508, %gather3A_516 : vector<16xf32>
      %add3A_518 = arith.constant 9 : i32
      %add3A_519 = vector.broadcast %add3A_518 : i32 to vector<16xi32>
      %add3A_520 = arith.addi %iota3A, %add3A_519 : vector<16xi32>
      %and3A_521 = arith.constant 15 : i32
      %and3A_522 = vector.broadcast %and3A_521 : i32 to vector<16xi32>
      %and3A_523 = arith.andi %add3A_520, %and3A_522 : vector<16xi32>
      %add3A_524 = arith.addi %mul3A_445, %and3A_523 : vector<16xi32>
      %gather3A_525 = tpu.vector_load_idx %arg23[%add3A_524] : memref<1024xf32, #tpu.memory_space<vmem>>[vector<16xi32>], vector<16xf32>,
      %add3A_526 = arith.addf %add3A_517, %gather3A_525 : vector<16xf32>
      %add3A_527 = arith.constant 10 : i32
      %add3A_528 = vector.broadcast %add3A_527 : i32 to vector<16xi32>
      %add3A_529 = arith.addi %iota3A, %add3A_528 : vector<16xi32>
      %and3A_530 = arith.constant 15 : i32
      %and3A_531 = vector.broadcast %and3A_530 : i32 to vector<16xi32>
      %and3A_532 = arith.andi %add3A_529, %and3A_531 : vector<16xi32>
      %add3A_533 = arith.addi %mul3A_445, %and3A_532 : vector<16xi32>
      %gather3A_534 = tpu.vector_load_idx %arg23[%add3A_533] : memref<1024xf32, #tpu.memory_space<vmem>>[vector<16xi32>], vector<16xf32>,
      %add3A_535 = arith.addf %add3A_526, %gather3A_534 : vector<16xf32>
      %add3A_536 = arith.constant 11 : i32
      %add3A_537 = vector.broadcast %add3A_536 : i32 to vector<16xi32>
      %add3A_538 = arith.addi %iota3A, %add3A_537 : vector<16xi32>
      %and3A_539 = arith.constant 15 : i32
      %and3A_540 = vector.broadcast %and3A_539 : i32 to vector<16xi32>
      %and3A_541 = arith.andi %add3A_538, %and3A_540 : vector<16xi32>
      %add3A_542 = arith.addi %mul3A_445, %and3A_541 : vector<16xi32>
      %gather3A_543 = tpu.vector_load_idx %arg23[%add3A_542] : memref<1024xf32, #tpu.memory_space<vmem>>[vector<16xi32>], vector<16xf32>,
      %add3A_544 = arith.addf %add3A_535, %gather3A_543 : vector<16xf32>
      %add3A_545 = arith.constant 12 : i32
      %add3A_546 = vector.broadcast %add3A_545 : i32 to vector<16xi32>
      %add3A_547 = arith.addi %iota3A, %add3A_546 : vector<16xi32>
      %and3A_548 = arith.constant 15 : i32
      %and3A_549 = vector.broadcast %and3A_548 : i32 to vector<16xi32>
      %and3A_550 = arith.andi %add3A_547, %and3A_549 : vector<16xi32>
      %add3A_551 = arith.addi %mul3A_445, %and3A_550 : vector<16xi32>
      %gather3A_552 = tpu.vector_load_idx %arg23[%add3A_551] : memref<1024xf32, #tpu.memory_space<vmem>>[vector<16xi32>], vector<16xf32>,
      %add3A_553 = arith.addf %add3A_544, %gather3A_552 : vector<16xf32>
      %add3A_554 = arith.constant 13 : i32
      %add3A_555 = vector.broadcast %add3A_554 : i32 to vector<16xi32>
      %add3A_556 = arith.addi %iota3A, %add3A_555 : vector<16xi32>
      %and3A_557 = arith.constant 15 : i32
      %and3A_558 = vector.broadcast %and3A_557 : i32 to vector<16xi32>
      %and3A_559 = arith.andi %add3A_556, %and3A_558 : vector<16xi32>
      %add3A_560 = arith.addi %mul3A_445, %and3A_559 : vector<16xi32>
      %gather3A_561 = tpu.vector_load_idx %arg23[%add3A_560] : memref<1024xf32, #tpu.memory_space<vmem>>[vector<16xi32>], vector<16xf32>,
      %add3A_562 = arith.addf %add3A_553, %gather3A_561 : vector<16xf32>
      %add3A_563 = arith.constant 14 : i32
      %add3A_564 = vector.broadcast %add3A_563 : i32 to vector<16xi32>
      %add3A_565 = arith.addi %iota3A, %add3A_564 : vector<16xi32>
      %and3A_566 = arith.constant 15 : i32
      %and3A_567 = vector.broadcast %and3A_566 : i32 to vector<16xi32>
      %and3A_568 = arith.andi %add3A_565, %and3A_567 : vector<16xi32>
      %add3A_569 = arith.addi %mul3A_445, %and3A_568 : vector<16xi32>
      %gather3A_570 = tpu.vector_load_idx %arg23[%add3A_569] : memref<1024xf32, #tpu.memory_space<vmem>>[vector<16xi32>], vector<16xf32>,
      %add3A_571 = arith.addf %add3A_562, %gather3A_570 : vector<16xf32>
      %add3A_572 = arith.constant 15 : i32
      %add3A_573 = vector.broadcast %add3A_572 : i32 to vector<16xi32>
      %add3A_574 = arith.addi %iota3A, %add3A_573 : vector<16xi32>
      %and3A_575 = arith.constant 15 : i32
      %and3A_576 = vector.broadcast %and3A_575 : i32 to vector<16xi32>
      %and3A_577 = arith.andi %add3A_574, %and3A_576 : vector<16xi32>
      %add3A_578 = arith.addi %mul3A_445, %and3A_577 : vector<16xi32>
      %gather3A_579 = tpu.vector_load_idx %arg23[%add3A_578] : memref<1024xf32, #tpu.memory_space<vmem>>[vector<16xi32>], vector<16xf32>,
      %add3A_580 = arith.addf %add3A_571, %gather3A_579 : vector<16xf32>
      %mul3A_581 = arith.constant 16 : i32
      %mul3A_582 = arith.muli %scan3A_438, %mul3A_581 : i32
      %add3A_583 = arith.constant 256 : i32
      %add3A_584 = arith.addi %add3A_583, %mul3A_582 : i32
      %swap3A = arith.index_cast %add3A_584 : i32 to index
      %swap3A_585 = tpu.vector_load %arg24[%swap3A] {strides = array<i32>} : memref<512xf32, #tpu.memory_space<vmem>>, vector<16xf32>,
      tpu.vector_store %arg24[%swap3A], %add3A_580 {strides = array<i32>} : memref<512xf32, #tpu.memory_space<vmem>>, vector<16xf32>,
    }
    %scan3A_338 = arith.constant 4 : i32
    %dma_wait3A_339 = arith.constant 5 : i32
    %dma_wait3A_340 = arith.constant 0 : i32
    %dma_wait3A_341 = tpu.memref_slice %arg8[%dma_wait3A_339, %dma_wait3A_340] : memref<8x64xi32, #tpu.memory_space<vmem>> -> memref<1x64xi32, #tpu.memory_space<vmem>>
    %dma_wait3A_342 = tpu.memref_squeeze %dma_wait3A_341 : memref<1x64xi32, #tpu.memory_space<vmem>> -> memref<64xi32, #tpu.memory_space<vmem>>
    %dma_wait3A_343 = arith.constant 0 : i32
    %dma_wait3A_344 = arith.constant 0 : i32
    %dma_wait3A_345 = tpu.memref_slice %arg5[%dma_wait3A_343, %dma_wait3A_344] : memref<1000000x128xf32, #tpu.memory_space<hbm>> -> memref<1000000x128xf32, #tpu.memory_space<hbm>>
    tpu.wait_indirect_dma semaphore(%arg26 : memref<!tpu.dma_semaphore, #tpu.memory_space<semaphore_mem>>) src(%dma_wait3A_345 : memref<1000000x128xf32, #tpu.memory_space<hbm>>) dst(%arg14 : memref<64x128xf32, #tpu.memory_space<vmem>>)
    %dma_wait3A_346 = arith.constant 5 : i32
    %dma_wait3A_347 = arith.constant 0 : i32
    %dma_wait3A_348 = tpu.memref_slice %arg9[%dma_wait3A_346, %dma_wait3A_347] : memref<8x64xi32, #tpu.memory_space<vmem>> -> memref<1x64xi32, #tpu.memory_space<vmem>>
    %dma_wait3A_349 = tpu.memref_squeeze %dma_wait3A_348 : memref<1x64xi32, #tpu.memory_space<vmem>> -> memref<64xi32, #tpu.memory_space<vmem>>
    %dma_wait3A_350 = arith.constant 0 : i32
    %dma_wait3A_351 = arith.constant 0 : i32
    %dma_wait3A_352 = tpu.memref_slice %arg6[%dma_wait3A_350, %dma_wait3A_351] : memref<1000x128xf32, #tpu.memory_space<hbm>> -> memref<1000x128xf32, #tpu.memory_space<hbm>>
    tpu.wait_indirect_dma semaphore(%arg26 : memref<!tpu.dma_semaphore, #tpu.memory_space<semaphore_mem>>) src(%dma_wait3A_352 : memref<1000x128xf32, #tpu.memory_space<hbm>>) dst(%arg15 : memref<64x128xf32, #tpu.memory_space<vmem>>)
    %dma_wait3A_353 = arith.constant 5 : i32
    %dma_wait3A_354 = arith.constant 0 : i32
    %dma_wait3A_355 = tpu.memref_slice %arg10[%dma_wait3A_353, %dma_wait3A_354] : memref<8x64xi32, #tpu.memory_space<vmem>> -> memref<1x64xi32, #tpu.memory_space<vmem>>
    %dma_wait3A_356 = tpu.memref_squeeze %dma_wait3A_355 : memref<1x64xi32, #tpu.memory_space<vmem>> -> memref<64xi32, #tpu.memory_space<vmem>>
    %dma_wait3A_357 = arith.constant 0 : i32
    %dma_wait3A_358 = arith.constant 0 : i32
    %dma_wait3A_359 = tpu.memref_slice %arg5[%dma_wait3A_357, %dma_wait3A_358] : memref<1000000x128xf32, #tpu.memory_space<hbm>> -> memref<1000000x128xf32, #tpu.memory_space<hbm>>
    tpu.wait_indirect_dma semaphore(%arg26 : memref<!tpu.dma_semaphore, #tpu.memory_space<semaphore_mem>>) src(%dma_wait3A_359 : memref<1000000x128xf32, #tpu.memory_space<hbm>>) dst(%arg16 : memref<64x128xf32, #tpu.memory_space<vmem>>)
    %scan3A_360 = arith.constant 0 : i32
    %scan3A_361 = arith.constant 0 : i32
    %scan3A_362 = arith.constant 64 : i32
    %scan3A_363 = arith.addi %scan3A_361, %scan3A_362 : i32
    %scan3A_364 = arith.constant 1 : i32
    scf.for %scan3A_438 = %scan3A_361 to %scan3A_363 step %scan3A_364  : i32 {
      %get3A = arith.index_cast %scan3A_438 : i32 to index
      %get3A_439 = arith.constant 0 : index
      %get3A_440 = tpu.vector_load %arg14[%get3A, %get3A_439] {strides = array<i32>} : memref<64x128xf32, #tpu.memory_space<vmem>>, vector<16xf32>,
      %get3A_441 = arith.index_cast %scan3A_438 : i32 to index
      %get3A_442 = arith.constant 0 : index
      %get3A_443 = tpu.vector_load %arg15[%get3A_441, %get3A_442] {strides = array<i32>} : memref<64x128xf32, #tpu.memory_space<vmem>>, vector<16xf32>,
      %mul3A_444 = arith.mulf %get3A_440, %get3A_443 : vector<16xf32>
      %get3A_445 = arith.index_cast %scan3A_438 : i32 to index
      %get3A_446 = arith.constant 0 : index
      %get3A_447 = tpu.vector_load %arg16[%get3A_445, %get3A_446] {strides = array<i32>} : memref<64x128xf32, #tpu.memory_space<vmem>>, vector<16xf32>,
      %mul3A_448 = arith.mulf %mul3A_444, %get3A_447 : vector<16xf32>
      %get3A_449 = arith.index_cast %scan3A_438 : i32 to index
      %get3A_450 = arith.constant 16 : index
      %get3A_451 = tpu.vector_load %arg14[%get3A_449, %get3A_450] {strides = array<i32>} : memref<64x128xf32, #tpu.memory_space<vmem>>, vector<16xf32>,
      %get3A_452 = arith.index_cast %scan3A_438 : i32 to index
      %get3A_453 = arith.constant 16 : index
      %get3A_454 = tpu.vector_load %arg15[%get3A_452, %get3A_453] {strides = array<i32>} : memref<64x128xf32, #tpu.memory_space<vmem>>, vector<16xf32>,
      %mul3A_455 = arith.mulf %get3A_451, %get3A_454 : vector<16xf32>
      %get3A_456 = arith.index_cast %scan3A_438 : i32 to index
      %get3A_457 = arith.constant 16 : index
      %get3A_458 = tpu.vector_load %arg16[%get3A_456, %get3A_457] {strides = array<i32>} : memref<64x128xf32, #tpu.memory_space<vmem>>, vector<16xf32>,
      %mul3A_459 = arith.mulf %mul3A_455, %get3A_458 : vector<16xf32>
      %add3A_460 = arith.addf %mul3A_448, %mul3A_459 : vector<16xf32>
      %get3A_461 = arith.index_cast %scan3A_438 : i32 to index
      %get3A_462 = arith.constant 32 : index
      %get3A_463 = tpu.vector_load %arg14[%get3A_461, %get3A_462] {strides = array<i32>} : memref<64x128xf32, #tpu.memory_space<vmem>>, vector<16xf32>,
      %get3A_464 = arith.index_cast %scan3A_438 : i32 to index
      %get3A_465 = arith.constant 32 : index
      %get3A_466 = tpu.vector_load %arg15[%get3A_464, %get3A_465] {strides = array<i32>} : memref<64x128xf32, #tpu.memory_space<vmem>>, vector<16xf32>,
      %mul3A_467 = arith.mulf %get3A_463, %get3A_466 : vector<16xf32>
      %get3A_468 = arith.index_cast %scan3A_438 : i32 to index
      %get3A_469 = arith.constant 32 : index
      %get3A_470 = tpu.vector_load %arg16[%get3A_468, %get3A_469] {strides = array<i32>} : memref<64x128xf32, #tpu.memory_space<vmem>>, vector<16xf32>,
      %mul3A_471 = arith.mulf %mul3A_467, %get3A_470 : vector<16xf32>
      %add3A_472 = arith.addf %add3A_460, %mul3A_471 : vector<16xf32>
      %get3A_473 = arith.index_cast %scan3A_438 : i32 to index
      %get3A_474 = arith.constant 48 : index
      %get3A_475 = tpu.vector_load %arg14[%get3A_473, %get3A_474] {strides = array<i32>} : memref<64x128xf32, #tpu.memory_space<vmem>>, vector<16xf32>,
      %get3A_476 = arith.index_cast %scan3A_438 : i32 to index
      %get3A_477 = arith.constant 48 : index
      %get3A_478 = tpu.vector_load %arg15[%get3A_476, %get3A_477] {strides = array<i32>} : memref<64x128xf32, #tpu.memory_space<vmem>>, vector<16xf32>,
      %mul3A_479 = arith.mulf %get3A_475, %get3A_478 : vector<16xf32>
      %get3A_480 = arith.index_cast %scan3A_438 : i32 to index
      %get3A_481 = arith.constant 48 : index
      %get3A_482 = tpu.vector_load %arg16[%get3A_480, %get3A_481] {strides = array<i32>} : memref<64x128xf32, #tpu.memory_space<vmem>>, vector<16xf32>,
      %mul3A_483 = arith.mulf %mul3A_479, %get3A_482 : vector<16xf32>
      %add3A_484 = arith.addf %add3A_472, %mul3A_483 : vector<16xf32>
      %get3A_485 = arith.index_cast %scan3A_438 : i32 to index
      %get3A_486 = arith.constant 64 : index
      %get3A_487 = tpu.vector_load %arg14[%get3A_485, %get3A_486] {strides = array<i32>} : memref<64x128xf32, #tpu.memory_space<vmem>>, vector<16xf32>,
      %get3A_488 = arith.index_cast %scan3A_438 : i32 to index
      %get3A_489 = arith.constant 64 : index
      %get3A_490 = tpu.vector_load %arg15[%get3A_488, %get3A_489] {strides = array<i32>} : memref<64x128xf32, #tpu.memory_space<vmem>>, vector<16xf32>,
      %mul3A_491 = arith.mulf %get3A_487, %get3A_490 : vector<16xf32>
      %get3A_492 = arith.index_cast %scan3A_438 : i32 to index
      %get3A_493 = arith.constant 64 : index
      %get3A_494 = tpu.vector_load %arg16[%get3A_492, %get3A_493] {strides = array<i32>} : memref<64x128xf32, #tpu.memory_space<vmem>>, vector<16xf32>,
      %mul3A_495 = arith.mulf %mul3A_491, %get3A_494 : vector<16xf32>
      %add3A_496 = arith.addf %add3A_484, %mul3A_495 : vector<16xf32>
      %get3A_497 = arith.index_cast %scan3A_438 : i32 to index
      %get3A_498 = arith.constant 80 : index
      %get3A_499 = tpu.vector_load %arg14[%get3A_497, %get3A_498] {strides = array<i32>} : memref<64x128xf32, #tpu.memory_space<vmem>>, vector<16xf32>,
      %get3A_500 = arith.index_cast %scan3A_438 : i32 to index
      %get3A_501 = arith.constant 80 : index
      %get3A_502 = tpu.vector_load %arg15[%get3A_500, %get3A_501] {strides = array<i32>} : memref<64x128xf32, #tpu.memory_space<vmem>>, vector<16xf32>,
      %mul3A_503 = arith.mulf %get3A_499, %get3A_502 : vector<16xf32>
      %get3A_504 = arith.index_cast %scan3A_438 : i32 to index
      %get3A_505 = arith.constant 80 : index
      %get3A_506 = tpu.vector_load %arg16[%get3A_504, %get3A_505] {strides = array<i32>} : memref<64x128xf32, #tpu.memory_space<vmem>>, vector<16xf32>,
      %mul3A_507 = arith.mulf %mul3A_503, %get3A_506 : vector<16xf32>
      %add3A_508 = arith.addf %add3A_496, %mul3A_507 : vector<16xf32>
      %get3A_509 = arith.index_cast %scan3A_438 : i32 to index
      %get3A_510 = arith.constant 96 : index
      %get3A_511 = tpu.vector_load %arg14[%get3A_509, %get3A_510] {strides = array<i32>} : memref<64x128xf32, #tpu.memory_space<vmem>>, vector<16xf32>,
      %get3A_512 = arith.index_cast %scan3A_438 : i32 to index
      %get3A_513 = arith.constant 96 : index
      %get3A_514 = tpu.vector_load %arg15[%get3A_512, %get3A_513] {strides = array<i32>} : memref<64x128xf32, #tpu.memory_space<vmem>>, vector<16xf32>,
      %mul3A_515 = arith.mulf %get3A_511, %get3A_514 : vector<16xf32>
      %get3A_516 = arith.index_cast %scan3A_438 : i32 to index
      %get3A_517 = arith.constant 96 : index
      %get3A_518 = tpu.vector_load %arg16[%get3A_516, %get3A_517] {strides = array<i32>} : memref<64x128xf32, #tpu.memory_space<vmem>>, vector<16xf32>,
      %mul3A_519 = arith.mulf %mul3A_515, %get3A_518 : vector<16xf32>
      %add3A_520 = arith.addf %add3A_508, %mul3A_519 : vector<16xf32>
      %get3A_521 = arith.index_cast %scan3A_438 : i32 to index
      %get3A_522 = arith.constant 112 : index
      %get3A_523 = tpu.vector_load %arg14[%get3A_521, %get3A_522] {strides = array<i32>} : memref<64x128xf32, #tpu.memory_space<vmem>>, vector<16xf32>,
      %get3A_524 = arith.index_cast %scan3A_438 : i32 to index
      %get3A_525 = arith.constant 112 : index
      %get3A_526 = tpu.vector_load %arg15[%get3A_524, %get3A_525] {strides = array<i32>} : memref<64x128xf32, #tpu.memory_space<vmem>>, vector<16xf32>,
      %mul3A_527 = arith.mulf %get3A_523, %get3A_526 : vector<16xf32>
      %get3A_528 = arith.index_cast %scan3A_438 : i32 to index
      %get3A_529 = arith.constant 112 : index
      %get3A_530 = tpu.vector_load %arg16[%get3A_528, %get3A_529] {strides = array<i32>} : memref<64x128xf32, #tpu.memory_space<vmem>>, vector<16xf32>,
      %mul3A_531 = arith.mulf %mul3A_527, %get3A_530 : vector<16xf32>
      %add3A_532 = arith.addf %add3A_520, %mul3A_531 : vector<16xf32>
      %mul3A_533 = arith.constant 16 : i32
      %mul3A_534 = arith.muli %scan3A_438, %mul3A_533 : i32
      %swap3A = arith.index_cast %mul3A_534 : i32 to index
      %swap3A_535 = tpu.vector_load %arg23[%swap3A] {strides = array<i32>} : memref<1024xf32, #tpu.memory_space<vmem>>, vector<16xf32>,
      tpu.vector_store %arg23[%swap3A], %add3A_532 {strides = array<i32>} : memref<1024xf32, #tpu.memory_space<vmem>>, vector<16xf32>,
    }
    %scan3A_365 = arith.constant 64 : i32
    %scan3A_366 = arith.constant 0 : i32
    %scan3A_367 = arith.constant 0 : i32
    %scan3A_368 = arith.constant 4 : i32
    %scan3A_369 = arith.addi %scan3A_367, %scan3A_368 : i32
    %scan3A_370 = arith.constant 1 : i32
    scf.for %scan3A_438 = %scan3A_367 to %scan3A_369 step %scan3A_370  : i32 {
      %iota3A = tpu.iota {dimensions = array<i32: 0>} : vector<16xi32>
      %mul3A_439 = arith.constant 16 : i32
      %mul3A_440 = arith.muli %scan3A_438, %mul3A_439 : i32
      %add3A_441 = vector.broadcast %mul3A_440 : i32 to vector<16xi32>
      %add3A_442 = arith.addi %add3A_441, %iota3A : vector<16xi32>
      %mul3A_443 = arith.constant 16 : i32
      %mul3A_444 = vector.broadcast %mul3A_443 : i32 to vector<16xi32>
      %mul3A_445 = arith.muli %add3A_442, %mul3A_444 : vector<16xi32>
      %add3A_446 = arith.addi %mul3A_445, %iota3A : vector<16xi32>
      %gather3A = tpu.vector_load_idx %arg23[%add3A_446] : memref<1024xf32, #tpu.memory_space<vmem>>[vector<16xi32>], vector<16xf32>,
      %add3A_447 = arith.constant 1 : i32
      %add3A_448 = vector.broadcast %add3A_447 : i32 to vector<16xi32>
      %add3A_449 = arith.addi %iota3A, %add3A_448 : vector<16xi32>
      %and3A = arith.constant 15 : i32
      %and3A_450 = vector.broadcast %and3A : i32 to vector<16xi32>
      %and3A_451 = arith.andi %add3A_449, %and3A_450 : vector<16xi32>
      %add3A_452 = arith.addi %mul3A_445, %and3A_451 : vector<16xi32>
      %gather3A_453 = tpu.vector_load_idx %arg23[%add3A_452] : memref<1024xf32, #tpu.memory_space<vmem>>[vector<16xi32>], vector<16xf32>,
      %add3A_454 = arith.addf %gather3A, %gather3A_453 : vector<16xf32>
      %add3A_455 = arith.constant 2 : i32
      %add3A_456 = vector.broadcast %add3A_455 : i32 to vector<16xi32>
      %add3A_457 = arith.addi %iota3A, %add3A_456 : vector<16xi32>
      %and3A_458 = arith.constant 15 : i32
      %and3A_459 = vector.broadcast %and3A_458 : i32 to vector<16xi32>
      %and3A_460 = arith.andi %add3A_457, %and3A_459 : vector<16xi32>
      %add3A_461 = arith.addi %mul3A_445, %and3A_460 : vector<16xi32>
      %gather3A_462 = tpu.vector_load_idx %arg23[%add3A_461] : memref<1024xf32, #tpu.memory_space<vmem>>[vector<16xi32>], vector<16xf32>,
      %add3A_463 = arith.addf %add3A_454, %gather3A_462 : vector<16xf32>
      %add3A_464 = arith.constant 3 : i32
      %add3A_465 = vector.broadcast %add3A_464 : i32 to vector<16xi32>
      %add3A_466 = arith.addi %iota3A, %add3A_465 : vector<16xi32>
      %and3A_467 = arith.constant 15 : i32
      %and3A_468 = vector.broadcast %and3A_467 : i32 to vector<16xi32>
      %and3A_469 = arith.andi %add3A_466, %and3A_468 : vector<16xi32>
      %add3A_470 = arith.addi %mul3A_445, %and3A_469 : vector<16xi32>
      %gather3A_471 = tpu.vector_load_idx %arg23[%add3A_470] : memref<1024xf32, #tpu.memory_space<vmem>>[vector<16xi32>], vector<16xf32>,
      %add3A_472 = arith.addf %add3A_463, %gather3A_471 : vector<16xf32>
      %add3A_473 = arith.constant 4 : i32
      %add3A_474 = vector.broadcast %add3A_473 : i32 to vector<16xi32>
      %add3A_475 = arith.addi %iota3A, %add3A_474 : vector<16xi32>
      %and3A_476 = arith.constant 15 : i32
      %and3A_477 = vector.broadcast %and3A_476 : i32 to vector<16xi32>
      %and3A_478 = arith.andi %add3A_475, %and3A_477 : vector<16xi32>
      %add3A_479 = arith.addi %mul3A_445, %and3A_478 : vector<16xi32>
      %gather3A_480 = tpu.vector_load_idx %arg23[%add3A_479] : memref<1024xf32, #tpu.memory_space<vmem>>[vector<16xi32>], vector<16xf32>,
      %add3A_481 = arith.addf %add3A_472, %gather3A_480 : vector<16xf32>
      %add3A_482 = arith.constant 5 : i32
      %add3A_483 = vector.broadcast %add3A_482 : i32 to vector<16xi32>
      %add3A_484 = arith.addi %iota3A, %add3A_483 : vector<16xi32>
      %and3A_485 = arith.constant 15 : i32
      %and3A_486 = vector.broadcast %and3A_485 : i32 to vector<16xi32>
      %and3A_487 = arith.andi %add3A_484, %and3A_486 : vector<16xi32>
      %add3A_488 = arith.addi %mul3A_445, %and3A_487 : vector<16xi32>
      %gather3A_489 = tpu.vector_load_idx %arg23[%add3A_488] : memref<1024xf32, #tpu.memory_space<vmem>>[vector<16xi32>], vector<16xf32>,
      %add3A_490 = arith.addf %add3A_481, %gather3A_489 : vector<16xf32>
      %add3A_491 = arith.constant 6 : i32
      %add3A_492 = vector.broadcast %add3A_491 : i32 to vector<16xi32>
      %add3A_493 = arith.addi %iota3A, %add3A_492 : vector<16xi32>
      %and3A_494 = arith.constant 15 : i32
      %and3A_495 = vector.broadcast %and3A_494 : i32 to vector<16xi32>
      %and3A_496 = arith.andi %add3A_493, %and3A_495 : vector<16xi32>
      %add3A_497 = arith.addi %mul3A_445, %and3A_496 : vector<16xi32>
      %gather3A_498 = tpu.vector_load_idx %arg23[%add3A_497] : memref<1024xf32, #tpu.memory_space<vmem>>[vector<16xi32>], vector<16xf32>,
      %add3A_499 = arith.addf %add3A_490, %gather3A_498 : vector<16xf32>
      %add3A_500 = arith.constant 7 : i32
      %add3A_501 = vector.broadcast %add3A_500 : i32 to vector<16xi32>
      %add3A_502 = arith.addi %iota3A, %add3A_501 : vector<16xi32>
      %and3A_503 = arith.constant 15 : i32
      %and3A_504 = vector.broadcast %and3A_503 : i32 to vector<16xi32>
      %and3A_505 = arith.andi %add3A_502, %and3A_504 : vector<16xi32>
      %add3A_506 = arith.addi %mul3A_445, %and3A_505 : vector<16xi32>
      %gather3A_507 = tpu.vector_load_idx %arg23[%add3A_506] : memref<1024xf32, #tpu.memory_space<vmem>>[vector<16xi32>], vector<16xf32>,
      %add3A_508 = arith.addf %add3A_499, %gather3A_507 : vector<16xf32>
      %add3A_509 = arith.constant 8 : i32
      %add3A_510 = vector.broadcast %add3A_509 : i32 to vector<16xi32>
      %add3A_511 = arith.addi %iota3A, %add3A_510 : vector<16xi32>
      %and3A_512 = arith.constant 15 : i32
      %and3A_513 = vector.broadcast %and3A_512 : i32 to vector<16xi32>
      %and3A_514 = arith.andi %add3A_511, %and3A_513 : vector<16xi32>
      %add3A_515 = arith.addi %mul3A_445, %and3A_514 : vector<16xi32>
      %gather3A_516 = tpu.vector_load_idx %arg23[%add3A_515] : memref<1024xf32, #tpu.memory_space<vmem>>[vector<16xi32>], vector<16xf32>,
      %add3A_517 = arith.addf %add3A_508, %gather3A_516 : vector<16xf32>
      %add3A_518 = arith.constant 9 : i32
      %add3A_519 = vector.broadcast %add3A_518 : i32 to vector<16xi32>
      %add3A_520 = arith.addi %iota3A, %add3A_519 : vector<16xi32>
      %and3A_521 = arith.constant 15 : i32
      %and3A_522 = vector.broadcast %and3A_521 : i32 to vector<16xi32>
      %and3A_523 = arith.andi %add3A_520, %and3A_522 : vector<16xi32>
      %add3A_524 = arith.addi %mul3A_445, %and3A_523 : vector<16xi32>
      %gather3A_525 = tpu.vector_load_idx %arg23[%add3A_524] : memref<1024xf32, #tpu.memory_space<vmem>>[vector<16xi32>], vector<16xf32>,
      %add3A_526 = arith.addf %add3A_517, %gather3A_525 : vector<16xf32>
      %add3A_527 = arith.constant 10 : i32
      %add3A_528 = vector.broadcast %add3A_527 : i32 to vector<16xi32>
      %add3A_529 = arith.addi %iota3A, %add3A_528 : vector<16xi32>
      %and3A_530 = arith.constant 15 : i32
      %and3A_531 = vector.broadcast %and3A_530 : i32 to vector<16xi32>
      %and3A_532 = arith.andi %add3A_529, %and3A_531 : vector<16xi32>
      %add3A_533 = arith.addi %mul3A_445, %and3A_532 : vector<16xi32>
      %gather3A_534 = tpu.vector_load_idx %arg23[%add3A_533] : memref<1024xf32, #tpu.memory_space<vmem>>[vector<16xi32>], vector<16xf32>,
      %add3A_535 = arith.addf %add3A_526, %gather3A_534 : vector<16xf32>
      %add3A_536 = arith.constant 11 : i32
      %add3A_537 = vector.broadcast %add3A_536 : i32 to vector<16xi32>
      %add3A_538 = arith.addi %iota3A, %add3A_537 : vector<16xi32>
      %and3A_539 = arith.constant 15 : i32
      %and3A_540 = vector.broadcast %and3A_539 : i32 to vector<16xi32>
      %and3A_541 = arith.andi %add3A_538, %and3A_540 : vector<16xi32>
      %add3A_542 = arith.addi %mul3A_445, %and3A_541 : vector<16xi32>
      %gather3A_543 = tpu.vector_load_idx %arg23[%add3A_542] : memref<1024xf32, #tpu.memory_space<vmem>>[vector<16xi32>], vector<16xf32>,
      %add3A_544 = arith.addf %add3A_535, %gather3A_543 : vector<16xf32>
      %add3A_545 = arith.constant 12 : i32
      %add3A_546 = vector.broadcast %add3A_545 : i32 to vector<16xi32>
      %add3A_547 = arith.addi %iota3A, %add3A_546 : vector<16xi32>
      %and3A_548 = arith.constant 15 : i32
      %and3A_549 = vector.broadcast %and3A_548 : i32 to vector<16xi32>
      %and3A_550 = arith.andi %add3A_547, %and3A_549 : vector<16xi32>
      %add3A_551 = arith.addi %mul3A_445, %and3A_550 : vector<16xi32>
      %gather3A_552 = tpu.vector_load_idx %arg23[%add3A_551] : memref<1024xf32, #tpu.memory_space<vmem>>[vector<16xi32>], vector<16xf32>,
      %add3A_553 = arith.addf %add3A_544, %gather3A_552 : vector<16xf32>
      %add3A_554 = arith.constant 13 : i32
      %add3A_555 = vector.broadcast %add3A_554 : i32 to vector<16xi32>
      %add3A_556 = arith.addi %iota3A, %add3A_555 : vector<16xi32>
      %and3A_557 = arith.constant 15 : i32
      %and3A_558 = vector.broadcast %and3A_557 : i32 to vector<16xi32>
      %and3A_559 = arith.andi %add3A_556, %and3A_558 : vector<16xi32>
      %add3A_560 = arith.addi %mul3A_445, %and3A_559 : vector<16xi32>
      %gather3A_561 = tpu.vector_load_idx %arg23[%add3A_560] : memref<1024xf32, #tpu.memory_space<vmem>>[vector<16xi32>], vector<16xf32>,
      %add3A_562 = arith.addf %add3A_553, %gather3A_561 : vector<16xf32>
      %add3A_563 = arith.constant 14 : i32
      %add3A_564 = vector.broadcast %add3A_563 : i32 to vector<16xi32>
      %add3A_565 = arith.addi %iota3A, %add3A_564 : vector<16xi32>
      %and3A_566 = arith.constant 15 : i32
      %and3A_567 = vector.broadcast %and3A_566 : i32 to vector<16xi32>
      %and3A_568 = arith.andi %add3A_565, %and3A_567 : vector<16xi32>
      %add3A_569 = arith.addi %mul3A_445, %and3A_568 : vector<16xi32>
      %gather3A_570 = tpu.vector_load_idx %arg23[%add3A_569] : memref<1024xf32, #tpu.memory_space<vmem>>[vector<16xi32>], vector<16xf32>,
      %add3A_571 = arith.addf %add3A_562, %gather3A_570 : vector<16xf32>
      %add3A_572 = arith.constant 15 : i32
      %add3A_573 = vector.broadcast %add3A_572 : i32 to vector<16xi32>
      %add3A_574 = arith.addi %iota3A, %add3A_573 : vector<16xi32>
      %and3A_575 = arith.constant 15 : i32
      %and3A_576 = vector.broadcast %and3A_575 : i32 to vector<16xi32>
      %and3A_577 = arith.andi %add3A_574, %and3A_576 : vector<16xi32>
      %add3A_578 = arith.addi %mul3A_445, %and3A_577 : vector<16xi32>
      %gather3A_579 = tpu.vector_load_idx %arg23[%add3A_578] : memref<1024xf32, #tpu.memory_space<vmem>>[vector<16xi32>], vector<16xf32>,
      %add3A_580 = arith.addf %add3A_571, %gather3A_579 : vector<16xf32>
      %mul3A_581 = arith.constant 16 : i32
      %mul3A_582 = arith.muli %scan3A_438, %mul3A_581 : i32
      %add3A_583 = arith.constant 320 : i32
      %add3A_584 = arith.addi %add3A_583, %mul3A_582 : i32
      %swap3A = arith.index_cast %add3A_584 : i32 to index
      %swap3A_585 = tpu.vector_load %arg24[%swap3A] {strides = array<i32>} : memref<512xf32, #tpu.memory_space<vmem>>, vector<16xf32>,
      tpu.vector_store %arg24[%swap3A], %add3A_580 {strides = array<i32>} : memref<512xf32, #tpu.memory_space<vmem>>, vector<16xf32>,
    }
    %scan3A_371 = arith.constant 4 : i32
    %dma_wait3A_372 = arith.constant 6 : i32
    %dma_wait3A_373 = arith.constant 0 : i32
    %dma_wait3A_374 = tpu.memref_slice %arg8[%dma_wait3A_372, %dma_wait3A_373] : memref<8x64xi32, #tpu.memory_space<vmem>> -> memref<1x64xi32, #tpu.memory_space<vmem>>
    %dma_wait3A_375 = tpu.memref_squeeze %dma_wait3A_374 : memref<1x64xi32, #tpu.memory_space<vmem>> -> memref<64xi32, #tpu.memory_space<vmem>>
    %dma_wait3A_376 = arith.constant 0 : i32
    %dma_wait3A_377 = arith.constant 0 : i32
    %dma_wait3A_378 = tpu.memref_slice %arg5[%dma_wait3A_376, %dma_wait3A_377] : memref<1000000x128xf32, #tpu.memory_space<hbm>> -> memref<1000000x128xf32, #tpu.memory_space<hbm>>
    tpu.wait_indirect_dma semaphore(%arg27 : memref<!tpu.dma_semaphore, #tpu.memory_space<semaphore_mem>>) src(%dma_wait3A_378 : memref<1000000x128xf32, #tpu.memory_space<hbm>>) dst(%arg17 : memref<64x128xf32, #tpu.memory_space<vmem>>)
    %dma_wait3A_379 = arith.constant 6 : i32
    %dma_wait3A_380 = arith.constant 0 : i32
    %dma_wait3A_381 = tpu.memref_slice %arg9[%dma_wait3A_379, %dma_wait3A_380] : memref<8x64xi32, #tpu.memory_space<vmem>> -> memref<1x64xi32, #tpu.memory_space<vmem>>
    %dma_wait3A_382 = tpu.memref_squeeze %dma_wait3A_381 : memref<1x64xi32, #tpu.memory_space<vmem>> -> memref<64xi32, #tpu.memory_space<vmem>>
    %dma_wait3A_383 = arith.constant 0 : i32
    %dma_wait3A_384 = arith.constant 0 : i32
    %dma_wait3A_385 = tpu.memref_slice %arg6[%dma_wait3A_383, %dma_wait3A_384] : memref<1000x128xf32, #tpu.memory_space<hbm>> -> memref<1000x128xf32, #tpu.memory_space<hbm>>
    tpu.wait_indirect_dma semaphore(%arg27 : memref<!tpu.dma_semaphore, #tpu.memory_space<semaphore_mem>>) src(%dma_wait3A_385 : memref<1000x128xf32, #tpu.memory_space<hbm>>) dst(%arg18 : memref<64x128xf32, #tpu.memory_space<vmem>>)
    %dma_wait3A_386 = arith.constant 6 : i32
    %dma_wait3A_387 = arith.constant 0 : i32
    %dma_wait3A_388 = tpu.memref_slice %arg10[%dma_wait3A_386, %dma_wait3A_387] : memref<8x64xi32, #tpu.memory_space<vmem>> -> memref<1x64xi32, #tpu.memory_space<vmem>>
    %dma_wait3A_389 = tpu.memref_squeeze %dma_wait3A_388 : memref<1x64xi32, #tpu.memory_space<vmem>> -> memref<64xi32, #tpu.memory_space<vmem>>
    %dma_wait3A_390 = arith.constant 0 : i32
    %dma_wait3A_391 = arith.constant 0 : i32
    %dma_wait3A_392 = tpu.memref_slice %arg5[%dma_wait3A_390, %dma_wait3A_391] : memref<1000000x128xf32, #tpu.memory_space<hbm>> -> memref<1000000x128xf32, #tpu.memory_space<hbm>>
    tpu.wait_indirect_dma semaphore(%arg27 : memref<!tpu.dma_semaphore, #tpu.memory_space<semaphore_mem>>) src(%dma_wait3A_392 : memref<1000000x128xf32, #tpu.memory_space<hbm>>) dst(%arg19 : memref<64x128xf32, #tpu.memory_space<vmem>>)
    %scan3A_393 = arith.constant 0 : i32
    %scan3A_394 = arith.constant 0 : i32
    %scan3A_395 = arith.constant 64 : i32
    %scan3A_396 = arith.addi %scan3A_394, %scan3A_395 : i32
    %scan3A_397 = arith.constant 1 : i32
    scf.for %scan3A_438 = %scan3A_394 to %scan3A_396 step %scan3A_397  : i32 {
      %get3A = arith.index_cast %scan3A_438 : i32 to index
      %get3A_439 = arith.constant 0 : index
      %get3A_440 = tpu.vector_load %arg17[%get3A, %get3A_439] {strides = array<i32>} : memref<64x128xf32, #tpu.memory_space<vmem>>, vector<16xf32>,
      %get3A_441 = arith.index_cast %scan3A_438 : i32 to index
      %get3A_442 = arith.constant 0 : index
      %get3A_443 = tpu.vector_load %arg18[%get3A_441, %get3A_442] {strides = array<i32>} : memref<64x128xf32, #tpu.memory_space<vmem>>, vector<16xf32>,
      %mul3A_444 = arith.mulf %get3A_440, %get3A_443 : vector<16xf32>
      %get3A_445 = arith.index_cast %scan3A_438 : i32 to index
      %get3A_446 = arith.constant 0 : index
      %get3A_447 = tpu.vector_load %arg19[%get3A_445, %get3A_446] {strides = array<i32>} : memref<64x128xf32, #tpu.memory_space<vmem>>, vector<16xf32>,
      %mul3A_448 = arith.mulf %mul3A_444, %get3A_447 : vector<16xf32>
      %get3A_449 = arith.index_cast %scan3A_438 : i32 to index
      %get3A_450 = arith.constant 16 : index
      %get3A_451 = tpu.vector_load %arg17[%get3A_449, %get3A_450] {strides = array<i32>} : memref<64x128xf32, #tpu.memory_space<vmem>>, vector<16xf32>,
      %get3A_452 = arith.index_cast %scan3A_438 : i32 to index
      %get3A_453 = arith.constant 16 : index
      %get3A_454 = tpu.vector_load %arg18[%get3A_452, %get3A_453] {strides = array<i32>} : memref<64x128xf32, #tpu.memory_space<vmem>>, vector<16xf32>,
      %mul3A_455 = arith.mulf %get3A_451, %get3A_454 : vector<16xf32>
      %get3A_456 = arith.index_cast %scan3A_438 : i32 to index
      %get3A_457 = arith.constant 16 : index
      %get3A_458 = tpu.vector_load %arg19[%get3A_456, %get3A_457] {strides = array<i32>} : memref<64x128xf32, #tpu.memory_space<vmem>>, vector<16xf32>,
      %mul3A_459 = arith.mulf %mul3A_455, %get3A_458 : vector<16xf32>
      %add3A_460 = arith.addf %mul3A_448, %mul3A_459 : vector<16xf32>
      %get3A_461 = arith.index_cast %scan3A_438 : i32 to index
      %get3A_462 = arith.constant 32 : index
      %get3A_463 = tpu.vector_load %arg17[%get3A_461, %get3A_462] {strides = array<i32>} : memref<64x128xf32, #tpu.memory_space<vmem>>, vector<16xf32>,
      %get3A_464 = arith.index_cast %scan3A_438 : i32 to index
      %get3A_465 = arith.constant 32 : index
      %get3A_466 = tpu.vector_load %arg18[%get3A_464, %get3A_465] {strides = array<i32>} : memref<64x128xf32, #tpu.memory_space<vmem>>, vector<16xf32>,
      %mul3A_467 = arith.mulf %get3A_463, %get3A_466 : vector<16xf32>
      %get3A_468 = arith.index_cast %scan3A_438 : i32 to index
      %get3A_469 = arith.constant 32 : index
      %get3A_470 = tpu.vector_load %arg19[%get3A_468, %get3A_469] {strides = array<i32>} : memref<64x128xf32, #tpu.memory_space<vmem>>, vector<16xf32>,
      %mul3A_471 = arith.mulf %mul3A_467, %get3A_470 : vector<16xf32>
      %add3A_472 = arith.addf %add3A_460, %mul3A_471 : vector<16xf32>
      %get3A_473 = arith.index_cast %scan3A_438 : i32 to index
      %get3A_474 = arith.constant 48 : index
      %get3A_475 = tpu.vector_load %arg17[%get3A_473, %get3A_474] {strides = array<i32>} : memref<64x128xf32, #tpu.memory_space<vmem>>, vector<16xf32>,
      %get3A_476 = arith.index_cast %scan3A_438 : i32 to index
      %get3A_477 = arith.constant 48 : index
      %get3A_478 = tpu.vector_load %arg18[%get3A_476, %get3A_477] {strides = array<i32>} : memref<64x128xf32, #tpu.memory_space<vmem>>, vector<16xf32>,
      %mul3A_479 = arith.mulf %get3A_475, %get3A_478 : vector<16xf32>
      %get3A_480 = arith.index_cast %scan3A_438 : i32 to index
      %get3A_481 = arith.constant 48 : index
      %get3A_482 = tpu.vector_load %arg19[%get3A_480, %get3A_481] {strides = array<i32>} : memref<64x128xf32, #tpu.memory_space<vmem>>, vector<16xf32>,
      %mul3A_483 = arith.mulf %mul3A_479, %get3A_482 : vector<16xf32>
      %add3A_484 = arith.addf %add3A_472, %mul3A_483 : vector<16xf32>
      %get3A_485 = arith.index_cast %scan3A_438 : i32 to index
      %get3A_486 = arith.constant 64 : index
      %get3A_487 = tpu.vector_load %arg17[%get3A_485, %get3A_486] {strides = array<i32>} : memref<64x128xf32, #tpu.memory_space<vmem>>, vector<16xf32>,
      %get3A_488 = arith.index_cast %scan3A_438 : i32 to index
      %get3A_489 = arith.constant 64 : index
      %get3A_490 = tpu.vector_load %arg18[%get3A_488, %get3A_489] {strides = array<i32>} : memref<64x128xf32, #tpu.memory_space<vmem>>, vector<16xf32>,
      %mul3A_491 = arith.mulf %get3A_487, %get3A_490 : vector<16xf32>
      %get3A_492 = arith.index_cast %scan3A_438 : i32 to index
      %get3A_493 = arith.constant 64 : index
      %get3A_494 = tpu.vector_load %arg19[%get3A_492, %get3A_493] {strides = array<i32>} : memref<64x128xf32, #tpu.memory_space<vmem>>, vector<16xf32>,
      %mul3A_495 = arith.mulf %mul3A_491, %get3A_494 : vector<16xf32>
      %add3A_496 = arith.addf %add3A_484, %mul3A_495 : vector<16xf32>
      %get3A_497 = arith.index_cast %scan3A_438 : i32 to index
      %get3A_498 = arith.constant 80 : index
      %get3A_499 = tpu.vector_load %arg17[%get3A_497, %get3A_498] {strides = array<i32>} : memref<64x128xf32, #tpu.memory_space<vmem>>, vector<16xf32>,
      %get3A_500 = arith.index_cast %scan3A_438 : i32 to index
      %get3A_501 = arith.constant 80 : index
      %get3A_502 = tpu.vector_load %arg18[%get3A_500, %get3A_501] {strides = array<i32>} : memref<64x128xf32, #tpu.memory_space<vmem>>, vector<16xf32>,
      %mul3A_503 = arith.mulf %get3A_499, %get3A_502 : vector<16xf32>
      %get3A_504 = arith.index_cast %scan3A_438 : i32 to index
      %get3A_505 = arith.constant 80 : index
      %get3A_506 = tpu.vector_load %arg19[%get3A_504, %get3A_505] {strides = array<i32>} : memref<64x128xf32, #tpu.memory_space<vmem>>, vector<16xf32>,
      %mul3A_507 = arith.mulf %mul3A_503, %get3A_506 : vector<16xf32>
      %add3A_508 = arith.addf %add3A_496, %mul3A_507 : vector<16xf32>
      %get3A_509 = arith.index_cast %scan3A_438 : i32 to index
      %get3A_510 = arith.constant 96 : index
      %get3A_511 = tpu.vector_load %arg17[%get3A_509, %get3A_510] {strides = array<i32>} : memref<64x128xf32, #tpu.memory_space<vmem>>, vector<16xf32>,
      %get3A_512 = arith.index_cast %scan3A_438 : i32 to index
      %get3A_513 = arith.constant 96 : index
      %get3A_514 = tpu.vector_load %arg18[%get3A_512, %get3A_513] {strides = array<i32>} : memref<64x128xf32, #tpu.memory_space<vmem>>, vector<16xf32>,
      %mul3A_515 = arith.mulf %get3A_511, %get3A_514 : vector<16xf32>
      %get3A_516 = arith.index_cast %scan3A_438 : i32 to index
      %get3A_517 = arith.constant 96 : index
      %get3A_518 = tpu.vector_load %arg19[%get3A_516, %get3A_517] {strides = array<i32>} : memref<64x128xf32, #tpu.memory_space<vmem>>, vector<16xf32>,
      %mul3A_519 = arith.mulf %mul3A_515, %get3A_518 : vector<16xf32>
      %add3A_520 = arith.addf %add3A_508, %mul3A_519 : vector<16xf32>
      %get3A_521 = arith.index_cast %scan3A_438 : i32 to index
      %get3A_522 = arith.constant 112 : index
      %get3A_523 = tpu.vector_load %arg17[%get3A_521, %get3A_522] {strides = array<i32>} : memref<64x128xf32, #tpu.memory_space<vmem>>, vector<16xf32>,
      %get3A_524 = arith.index_cast %scan3A_438 : i32 to index
      %get3A_525 = arith.constant 112 : index
      %get3A_526 = tpu.vector_load %arg18[%get3A_524, %get3A_525] {strides = array<i32>} : memref<64x128xf32, #tpu.memory_space<vmem>>, vector<16xf32>,
      %mul3A_527 = arith.mulf %get3A_523, %get3A_526 : vector<16xf32>
      %get3A_528 = arith.index_cast %scan3A_438 : i32 to index
      %get3A_529 = arith.constant 112 : index
      %get3A_530 = tpu.vector_load %arg19[%get3A_528, %get3A_529] {strides = array<i32>} : memref<64x128xf32, #tpu.memory_space<vmem>>, vector<16xf32>,
      %mul3A_531 = arith.mulf %mul3A_527, %get3A_530 : vector<16xf32>
      %add3A_532 = arith.addf %add3A_520, %mul3A_531 : vector<16xf32>
      %mul3A_533 = arith.constant 16 : i32
      %mul3A_534 = arith.muli %scan3A_438, %mul3A_533 : i32
      %swap3A = arith.index_cast %mul3A_534 : i32 to index
      %swap3A_535 = tpu.vector_load %arg23[%swap3A] {strides = array<i32>} : memref<1024xf32, #tpu.memory_space<vmem>>, vector<16xf32>,
      tpu.vector_store %arg23[%swap3A], %add3A_532 {strides = array<i32>} : memref<1024xf32, #tpu.memory_space<vmem>>, vector<16xf32>,
    }
    %scan3A_398 = arith.constant 64 : i32
    %scan3A_399 = arith.constant 0 : i32
    %scan3A_400 = arith.constant 0 : i32
    %scan3A_401 = arith.constant 4 : i32
    %scan3A_402 = arith.addi %scan3A_400, %scan3A_401 : i32
    %scan3A_403 = arith.constant 1 : i32
    scf.for %scan3A_438 = %scan3A_400 to %scan3A_402 step %scan3A_403  : i32 {
      %iota3A = tpu.iota {dimensions = array<i32: 0>} : vector<16xi32>
      %mul3A_439 = arith.constant 16 : i32
      %mul3A_440 = arith.muli %scan3A_438, %mul3A_439 : i32
      %add3A_441 = vector.broadcast %mul3A_440 : i32 to vector<16xi32>
      %add3A_442 = arith.addi %add3A_441, %iota3A : vector<16xi32>
      %mul3A_443 = arith.constant 16 : i32
      %mul3A_444 = vector.broadcast %mul3A_443 : i32 to vector<16xi32>
      %mul3A_445 = arith.muli %add3A_442, %mul3A_444 : vector<16xi32>
      %add3A_446 = arith.addi %mul3A_445, %iota3A : vector<16xi32>
      %gather3A = tpu.vector_load_idx %arg23[%add3A_446] : memref<1024xf32, #tpu.memory_space<vmem>>[vector<16xi32>], vector<16xf32>,
      %add3A_447 = arith.constant 1 : i32
      %add3A_448 = vector.broadcast %add3A_447 : i32 to vector<16xi32>
      %add3A_449 = arith.addi %iota3A, %add3A_448 : vector<16xi32>
      %and3A = arith.constant 15 : i32
      %and3A_450 = vector.broadcast %and3A : i32 to vector<16xi32>
      %and3A_451 = arith.andi %add3A_449, %and3A_450 : vector<16xi32>
      %add3A_452 = arith.addi %mul3A_445, %and3A_451 : vector<16xi32>
      %gather3A_453 = tpu.vector_load_idx %arg23[%add3A_452] : memref<1024xf32, #tpu.memory_space<vmem>>[vector<16xi32>], vector<16xf32>,
      %add3A_454 = arith.addf %gather3A, %gather3A_453 : vector<16xf32>
      %add3A_455 = arith.constant 2 : i32
      %add3A_456 = vector.broadcast %add3A_455 : i32 to vector<16xi32>
      %add3A_457 = arith.addi %iota3A, %add3A_456 : vector<16xi32>
      %and3A_458 = arith.constant 15 : i32
      %and3A_459 = vector.broadcast %and3A_458 : i32 to vector<16xi32>
      %and3A_460 = arith.andi %add3A_457, %and3A_459 : vector<16xi32>
      %add3A_461 = arith.addi %mul3A_445, %and3A_460 : vector<16xi32>
      %gather3A_462 = tpu.vector_load_idx %arg23[%add3A_461] : memref<1024xf32, #tpu.memory_space<vmem>>[vector<16xi32>], vector<16xf32>,
      %add3A_463 = arith.addf %add3A_454, %gather3A_462 : vector<16xf32>
      %add3A_464 = arith.constant 3 : i32
      %add3A_465 = vector.broadcast %add3A_464 : i32 to vector<16xi32>
      %add3A_466 = arith.addi %iota3A, %add3A_465 : vector<16xi32>
      %and3A_467 = arith.constant 15 : i32
      %and3A_468 = vector.broadcast %and3A_467 : i32 to vector<16xi32>
      %and3A_469 = arith.andi %add3A_466, %and3A_468 : vector<16xi32>
      %add3A_470 = arith.addi %mul3A_445, %and3A_469 : vector<16xi32>
      %gather3A_471 = tpu.vector_load_idx %arg23[%add3A_470] : memref<1024xf32, #tpu.memory_space<vmem>>[vector<16xi32>], vector<16xf32>,
      %add3A_472 = arith.addf %add3A_463, %gather3A_471 : vector<16xf32>
      %add3A_473 = arith.constant 4 : i32
      %add3A_474 = vector.broadcast %add3A_473 : i32 to vector<16xi32>
      %add3A_475 = arith.addi %iota3A, %add3A_474 : vector<16xi32>
      %and3A_476 = arith.constant 15 : i32
      %and3A_477 = vector.broadcast %and3A_476 : i32 to vector<16xi32>
      %and3A_478 = arith.andi %add3A_475, %and3A_477 : vector<16xi32>
      %add3A_479 = arith.addi %mul3A_445, %and3A_478 : vector<16xi32>
      %gather3A_480 = tpu.vector_load_idx %arg23[%add3A_479] : memref<1024xf32, #tpu.memory_space<vmem>>[vector<16xi32>], vector<16xf32>,
      %add3A_481 = arith.addf %add3A_472, %gather3A_480 : vector<16xf32>
      %add3A_482 = arith.constant 5 : i32
      %add3A_483 = vector.broadcast %add3A_482 : i32 to vector<16xi32>
      %add3A_484 = arith.addi %iota3A, %add3A_483 : vector<16xi32>
      %and3A_485 = arith.constant 15 : i32
      %and3A_486 = vector.broadcast %and3A_485 : i32 to vector<16xi32>
      %and3A_487 = arith.andi %add3A_484, %and3A_486 : vector<16xi32>
      %add3A_488 = arith.addi %mul3A_445, %and3A_487 : vector<16xi32>
      %gather3A_489 = tpu.vector_load_idx %arg23[%add3A_488] : memref<1024xf32, #tpu.memory_space<vmem>>[vector<16xi32>], vector<16xf32>,
      %add3A_490 = arith.addf %add3A_481, %gather3A_489 : vector<16xf32>
      %add3A_491 = arith.constant 6 : i32
      %add3A_492 = vector.broadcast %add3A_491 : i32 to vector<16xi32>
      %add3A_493 = arith.addi %iota3A, %add3A_492 : vector<16xi32>
      %and3A_494 = arith.constant 15 : i32
      %and3A_495 = vector.broadcast %and3A_494 : i32 to vector<16xi32>
      %and3A_496 = arith.andi %add3A_493, %and3A_495 : vector<16xi32>
      %add3A_497 = arith.addi %mul3A_445, %and3A_496 : vector<16xi32>
      %gather3A_498 = tpu.vector_load_idx %arg23[%add3A_497] : memref<1024xf32, #tpu.memory_space<vmem>>[vector<16xi32>], vector<16xf32>,
      %add3A_499 = arith.addf %add3A_490, %gather3A_498 : vector<16xf32>
      %add3A_500 = arith.constant 7 : i32
      %add3A_501 = vector.broadcast %add3A_500 : i32 to vector<16xi32>
      %add3A_502 = arith.addi %iota3A, %add3A_501 : vector<16xi32>
      %and3A_503 = arith.constant 15 : i32
      %and3A_504 = vector.broadcast %and3A_503 : i32 to vector<16xi32>
      %and3A_505 = arith.andi %add3A_502, %and3A_504 : vector<16xi32>
      %add3A_506 = arith.addi %mul3A_445, %and3A_505 : vector<16xi32>
      %gather3A_507 = tpu.vector_load_idx %arg23[%add3A_506] : memref<1024xf32, #tpu.memory_space<vmem>>[vector<16xi32>], vector<16xf32>,
      %add3A_508 = arith.addf %add3A_499, %gather3A_507 : vector<16xf32>
      %add3A_509 = arith.constant 8 : i32
      %add3A_510 = vector.broadcast %add3A_509 : i32 to vector<16xi32>
      %add3A_511 = arith.addi %iota3A, %add3A_510 : vector<16xi32>
      %and3A_512 = arith.constant 15 : i32
      %and3A_513 = vector.broadcast %and3A_512 : i32 to vector<16xi32>
      %and3A_514 = arith.andi %add3A_511, %and3A_513 : vector<16xi32>
      %add3A_515 = arith.addi %mul3A_445, %and3A_514 : vector<16xi32>
      %gather3A_516 = tpu.vector_load_idx %arg23[%add3A_515] : memref<1024xf32, #tpu.memory_space<vmem>>[vector<16xi32>], vector<16xf32>,
      %add3A_517 = arith.addf %add3A_508, %gather3A_516 : vector<16xf32>
      %add3A_518 = arith.constant 9 : i32
      %add3A_519 = vector.broadcast %add3A_518 : i32 to vector<16xi32>
      %add3A_520 = arith.addi %iota3A, %add3A_519 : vector<16xi32>
      %and3A_521 = arith.constant 15 : i32
      %and3A_522 = vector.broadcast %and3A_521 : i32 to vector<16xi32>
      %and3A_523 = arith.andi %add3A_520, %and3A_522 : vector<16xi32>
      %add3A_524 = arith.addi %mul3A_445, %and3A_523 : vector<16xi32>
      %gather3A_525 = tpu.vector_load_idx %arg23[%add3A_524] : memref<1024xf32, #tpu.memory_space<vmem>>[vector<16xi32>], vector<16xf32>,
      %add3A_526 = arith.addf %add3A_517, %gather3A_525 : vector<16xf32>
      %add3A_527 = arith.constant 10 : i32
      %add3A_528 = vector.broadcast %add3A_527 : i32 to vector<16xi32>
      %add3A_529 = arith.addi %iota3A, %add3A_528 : vector<16xi32>
      %and3A_530 = arith.constant 15 : i32
      %and3A_531 = vector.broadcast %and3A_530 : i32 to vector<16xi32>
      %and3A_532 = arith.andi %add3A_529, %and3A_531 : vector<16xi32>
      %add3A_533 = arith.addi %mul3A_445, %and3A_532 : vector<16xi32>
      %gather3A_534 = tpu.vector_load_idx %arg23[%add3A_533] : memref<1024xf32, #tpu.memory_space<vmem>>[vector<16xi32>], vector<16xf32>,
      %add3A_535 = arith.addf %add3A_526, %gather3A_534 : vector<16xf32>
      %add3A_536 = arith.constant 11 : i32
      %add3A_537 = vector.broadcast %add3A_536 : i32 to vector<16xi32>
      %add3A_538 = arith.addi %iota3A, %add3A_537 : vector<16xi32>
      %and3A_539 = arith.constant 15 : i32
      %and3A_540 = vector.broadcast %and3A_539 : i32 to vector<16xi32>
      %and3A_541 = arith.andi %add3A_538, %and3A_540 : vector<16xi32>
      %add3A_542 = arith.addi %mul3A_445, %and3A_541 : vector<16xi32>
      %gather3A_543 = tpu.vector_load_idx %arg23[%add3A_542] : memref<1024xf32, #tpu.memory_space<vmem>>[vector<16xi32>], vector<16xf32>,
      %add3A_544 = arith.addf %add3A_535, %gather3A_543 : vector<16xf32>
      %add3A_545 = arith.constant 12 : i32
      %add3A_546 = vector.broadcast %add3A_545 : i32 to vector<16xi32>
      %add3A_547 = arith.addi %iota3A, %add3A_546 : vector<16xi32>
      %and3A_548 = arith.constant 15 : i32
      %and3A_549 = vector.broadcast %and3A_548 : i32 to vector<16xi32>
      %and3A_550 = arith.andi %add3A_547, %and3A_549 : vector<16xi32>
      %add3A_551 = arith.addi %mul3A_445, %and3A_550 : vector<16xi32>
      %gather3A_552 = tpu.vector_load_idx %arg23[%add3A_551] : memref<1024xf32, #tpu.memory_space<vmem>>[vector<16xi32>], vector<16xf32>,
      %add3A_553 = arith.addf %add3A_544, %gather3A_552 : vector<16xf32>
      %add3A_554 = arith.constant 13 : i32
      %add3A_555 = vector.broadcast %add3A_554 : i32 to vector<16xi32>
      %add3A_556 = arith.addi %iota3A, %add3A_555 : vector<16xi32>
      %and3A_557 = arith.constant 15 : i32
      %and3A_558 = vector.broadcast %and3A_557 : i32 to vector<16xi32>
      %and3A_559 = arith.andi %add3A_556, %and3A_558 : vector<16xi32>
      %add3A_560 = arith.addi %mul3A_445, %and3A_559 : vector<16xi32>
      %gather3A_561 = tpu.vector_load_idx %arg23[%add3A_560] : memref<1024xf32, #tpu.memory_space<vmem>>[vector<16xi32>], vector<16xf32>,
      %add3A_562 = arith.addf %add3A_553, %gather3A_561 : vector<16xf32>
      %add3A_563 = arith.constant 14 : i32
      %add3A_564 = vector.broadcast %add3A_563 : i32 to vector<16xi32>
      %add3A_565 = arith.addi %iota3A, %add3A_564 : vector<16xi32>
      %and3A_566 = arith.constant 15 : i32
      %and3A_567 = vector.broadcast %and3A_566 : i32 to vector<16xi32>
      %and3A_568 = arith.andi %add3A_565, %and3A_567 : vector<16xi32>
      %add3A_569 = arith.addi %mul3A_445, %and3A_568 : vector<16xi32>
      %gather3A_570 = tpu.vector_load_idx %arg23[%add3A_569] : memref<1024xf32, #tpu.memory_space<vmem>>[vector<16xi32>], vector<16xf32>,
      %add3A_571 = arith.addf %add3A_562, %gather3A_570 : vector<16xf32>
      %add3A_572 = arith.constant 15 : i32
      %add3A_573 = vector.broadcast %add3A_572 : i32 to vector<16xi32>
      %add3A_574 = arith.addi %iota3A, %add3A_573 : vector<16xi32>
      %and3A_575 = arith.constant 15 : i32
      %and3A_576 = vector.broadcast %and3A_575 : i32 to vector<16xi32>
      %and3A_577 = arith.andi %add3A_574, %and3A_576 : vector<16xi32>
      %add3A_578 = arith.addi %mul3A_445, %and3A_577 : vector<16xi32>
      %gather3A_579 = tpu.vector_load_idx %arg23[%add3A_578] : memref<1024xf32, #tpu.memory_space<vmem>>[vector<16xi32>], vector<16xf32>,
      %add3A_580 = arith.addf %add3A_571, %gather3A_579 : vector<16xf32>
      %mul3A_581 = arith.constant 16 : i32
      %mul3A_582 = arith.muli %scan3A_438, %mul3A_581 : i32
      %add3A_583 = arith.constant 384 : i32
      %add3A_584 = arith.addi %add3A_583, %mul3A_582 : i32
      %swap3A = arith.index_cast %add3A_584 : i32 to index
      %swap3A_585 = tpu.vector_load %arg24[%swap3A] {strides = array<i32>} : memref<512xf32, #tpu.memory_space<vmem>>, vector<16xf32>,
      tpu.vector_store %arg24[%swap3A], %add3A_580 {strides = array<i32>} : memref<512xf32, #tpu.memory_space<vmem>>, vector<16xf32>,
    }
    %scan3A_404 = arith.constant 4 : i32
    %dma_wait3A_405 = arith.constant 7 : i32
    %dma_wait3A_406 = arith.constant 0 : i32
    %dma_wait3A_407 = tpu.memref_slice %arg8[%dma_wait3A_405, %dma_wait3A_406] : memref<8x64xi32, #tpu.memory_space<vmem>> -> memref<1x64xi32, #tpu.memory_space<vmem>>
    %dma_wait3A_408 = tpu.memref_squeeze %dma_wait3A_407 : memref<1x64xi32, #tpu.memory_space<vmem>> -> memref<64xi32, #tpu.memory_space<vmem>>
    %dma_wait3A_409 = arith.constant 0 : i32
    %dma_wait3A_410 = arith.constant 0 : i32
    %dma_wait3A_411 = tpu.memref_slice %arg5[%dma_wait3A_409, %dma_wait3A_410] : memref<1000000x128xf32, #tpu.memory_space<hbm>> -> memref<1000000x128xf32, #tpu.memory_space<hbm>>
    tpu.wait_indirect_dma semaphore(%arg28 : memref<!tpu.dma_semaphore, #tpu.memory_space<semaphore_mem>>) src(%dma_wait3A_411 : memref<1000000x128xf32, #tpu.memory_space<hbm>>) dst(%arg20 : memref<64x128xf32, #tpu.memory_space<vmem>>)
    %dma_wait3A_412 = arith.constant 7 : i32
    %dma_wait3A_413 = arith.constant 0 : i32
    %dma_wait3A_414 = tpu.memref_slice %arg9[%dma_wait3A_412, %dma_wait3A_413] : memref<8x64xi32, #tpu.memory_space<vmem>> -> memref<1x64xi32, #tpu.memory_space<vmem>>
    %dma_wait3A_415 = tpu.memref_squeeze %dma_wait3A_414 : memref<1x64xi32, #tpu.memory_space<vmem>> -> memref<64xi32, #tpu.memory_space<vmem>>
    %dma_wait3A_416 = arith.constant 0 : i32
    %dma_wait3A_417 = arith.constant 0 : i32
    %dma_wait3A_418 = tpu.memref_slice %arg6[%dma_wait3A_416, %dma_wait3A_417] : memref<1000x128xf32, #tpu.memory_space<hbm>> -> memref<1000x128xf32, #tpu.memory_space<hbm>>
    tpu.wait_indirect_dma semaphore(%arg28 : memref<!tpu.dma_semaphore, #tpu.memory_space<semaphore_mem>>) src(%dma_wait3A_418 : memref<1000x128xf32, #tpu.memory_space<hbm>>) dst(%arg21 : memref<64x128xf32, #tpu.memory_space<vmem>>)
    %dma_wait3A_419 = arith.constant 7 : i32
    %dma_wait3A_420 = arith.constant 0 : i32
    %dma_wait3A_421 = tpu.memref_slice %arg10[%dma_wait3A_419, %dma_wait3A_420] : memref<8x64xi32, #tpu.memory_space<vmem>> -> memref<1x64xi32, #tpu.memory_space<vmem>>
    %dma_wait3A_422 = tpu.memref_squeeze %dma_wait3A_421 : memref<1x64xi32, #tpu.memory_space<vmem>> -> memref<64xi32, #tpu.memory_space<vmem>>
    %dma_wait3A_423 = arith.constant 0 : i32
    %dma_wait3A_424 = arith.constant 0 : i32
    %dma_wait3A_425 = tpu.memref_slice %arg5[%dma_wait3A_423, %dma_wait3A_424] : memref<1000000x128xf32, #tpu.memory_space<hbm>> -> memref<1000000x128xf32, #tpu.memory_space<hbm>>
    tpu.wait_indirect_dma semaphore(%arg28 : memref<!tpu.dma_semaphore, #tpu.memory_space<semaphore_mem>>) src(%dma_wait3A_425 : memref<1000000x128xf32, #tpu.memory_space<hbm>>) dst(%arg22 : memref<64x128xf32, #tpu.memory_space<vmem>>)
    %scan3A_426 = arith.constant 0 : i32
    %scan3A_427 = arith.constant 0 : i32
    %scan3A_428 = arith.constant 64 : i32
    %scan3A_429 = arith.addi %scan3A_427, %scan3A_428 : i32
    %scan3A_430 = arith.constant 1 : i32
    scf.for %scan3A_438 = %scan3A_427 to %scan3A_429 step %scan3A_430  : i32 {
      %get3A = arith.index_cast %scan3A_438 : i32 to index
      %get3A_439 = arith.constant 0 : index
      %get3A_440 = tpu.vector_load %arg20[%get3A, %get3A_439] {strides = array<i32>} : memref<64x128xf32, #tpu.memory_space<vmem>>, vector<16xf32>,
      %get3A_441 = arith.index_cast %scan3A_438 : i32 to index
      %get3A_442 = arith.constant 0 : index
      %get3A_443 = tpu.vector_load %arg21[%get3A_441, %get3A_442] {strides = array<i32>} : memref<64x128xf32, #tpu.memory_space<vmem>>, vector<16xf32>,
      %mul3A_444 = arith.mulf %get3A_440, %get3A_443 : vector<16xf32>
      %get3A_445 = arith.index_cast %scan3A_438 : i32 to index
      %get3A_446 = arith.constant 0 : index
      %get3A_447 = tpu.vector_load %arg22[%get3A_445, %get3A_446] {strides = array<i32>} : memref<64x128xf32, #tpu.memory_space<vmem>>, vector<16xf32>,
      %mul3A_448 = arith.mulf %mul3A_444, %get3A_447 : vector<16xf32>
      %get3A_449 = arith.index_cast %scan3A_438 : i32 to index
      %get3A_450 = arith.constant 16 : index
      %get3A_451 = tpu.vector_load %arg20[%get3A_449, %get3A_450] {strides = array<i32>} : memref<64x128xf32, #tpu.memory_space<vmem>>, vector<16xf32>,
      %get3A_452 = arith.index_cast %scan3A_438 : i32 to index
      %get3A_453 = arith.constant 16 : index
      %get3A_454 = tpu.vector_load %arg21[%get3A_452, %get3A_453] {strides = array<i32>} : memref<64x128xf32, #tpu.memory_space<vmem>>, vector<16xf32>,
      %mul3A_455 = arith.mulf %get3A_451, %get3A_454 : vector<16xf32>
      %get3A_456 = arith.index_cast %scan3A_438 : i32 to index
      %get3A_457 = arith.constant 16 : index
      %get3A_458 = tpu.vector_load %arg22[%get3A_456, %get3A_457] {strides = array<i32>} : memref<64x128xf32, #tpu.memory_space<vmem>>, vector<16xf32>,
      %mul3A_459 = arith.mulf %mul3A_455, %get3A_458 : vector<16xf32>
      %add3A_460 = arith.addf %mul3A_448, %mul3A_459 : vector<16xf32>
      %get3A_461 = arith.index_cast %scan3A_438 : i32 to index
      %get3A_462 = arith.constant 32 : index
      %get3A_463 = tpu.vector_load %arg20[%get3A_461, %get3A_462] {strides = array<i32>} : memref<64x128xf32, #tpu.memory_space<vmem>>, vector<16xf32>,
      %get3A_464 = arith.index_cast %scan3A_438 : i32 to index
      %get3A_465 = arith.constant 32 : index
      %get3A_466 = tpu.vector_load %arg21[%get3A_464, %get3A_465] {strides = array<i32>} : memref<64x128xf32, #tpu.memory_space<vmem>>, vector<16xf32>,
      %mul3A_467 = arith.mulf %get3A_463, %get3A_466 : vector<16xf32>
      %get3A_468 = arith.index_cast %scan3A_438 : i32 to index
      %get3A_469 = arith.constant 32 : index
      %get3A_470 = tpu.vector_load %arg22[%get3A_468, %get3A_469] {strides = array<i32>} : memref<64x128xf32, #tpu.memory_space<vmem>>, vector<16xf32>,
      %mul3A_471 = arith.mulf %mul3A_467, %get3A_470 : vector<16xf32>
      %add3A_472 = arith.addf %add3A_460, %mul3A_471 : vector<16xf32>
      %get3A_473 = arith.index_cast %scan3A_438 : i32 to index
      %get3A_474 = arith.constant 48 : index
      %get3A_475 = tpu.vector_load %arg20[%get3A_473, %get3A_474] {strides = array<i32>} : memref<64x128xf32, #tpu.memory_space<vmem>>, vector<16xf32>,
      %get3A_476 = arith.index_cast %scan3A_438 : i32 to index
      %get3A_477 = arith.constant 48 : index
      %get3A_478 = tpu.vector_load %arg21[%get3A_476, %get3A_477] {strides = array<i32>} : memref<64x128xf32, #tpu.memory_space<vmem>>, vector<16xf32>,
      %mul3A_479 = arith.mulf %get3A_475, %get3A_478 : vector<16xf32>
      %get3A_480 = arith.index_cast %scan3A_438 : i32 to index
      %get3A_481 = arith.constant 48 : index
      %get3A_482 = tpu.vector_load %arg22[%get3A_480, %get3A_481] {strides = array<i32>} : memref<64x128xf32, #tpu.memory_space<vmem>>, vector<16xf32>,
      %mul3A_483 = arith.mulf %mul3A_479, %get3A_482 : vector<16xf32>
      %add3A_484 = arith.addf %add3A_472, %mul3A_483 : vector<16xf32>
      %get3A_485 = arith.index_cast %scan3A_438 : i32 to index
      %get3A_486 = arith.constant 64 : index
      %get3A_487 = tpu.vector_load %arg20[%get3A_485, %get3A_486] {strides = array<i32>} : memref<64x128xf32, #tpu.memory_space<vmem>>, vector<16xf32>,
      %get3A_488 = arith.index_cast %scan3A_438 : i32 to index
      %get3A_489 = arith.constant 64 : index
      %get3A_490 = tpu.vector_load %arg21[%get3A_488, %get3A_489] {strides = array<i32>} : memref<64x128xf32, #tpu.memory_space<vmem>>, vector<16xf32>,
      %mul3A_491 = arith.mulf %get3A_487, %get3A_490 : vector<16xf32>
      %get3A_492 = arith.index_cast %scan3A_438 : i32 to index
      %get3A_493 = arith.constant 64 : index
      %get3A_494 = tpu.vector_load %arg22[%get3A_492, %get3A_493] {strides = array<i32>} : memref<64x128xf32, #tpu.memory_space<vmem>>, vector<16xf32>,
      %mul3A_495 = arith.mulf %mul3A_491, %get3A_494 : vector<16xf32>
      %add3A_496 = arith.addf %add3A_484, %mul3A_495 : vector<16xf32>
      %get3A_497 = arith.index_cast %scan3A_438 : i32 to index
      %get3A_498 = arith.constant 80 : index
      %get3A_499 = tpu.vector_load %arg20[%get3A_497, %get3A_498] {strides = array<i32>} : memref<64x128xf32, #tpu.memory_space<vmem>>, vector<16xf32>,
      %get3A_500 = arith.index_cast %scan3A_438 : i32 to index
      %get3A_501 = arith.constant 80 : index
      %get3A_502 = tpu.vector_load %arg21[%get3A_500, %get3A_501] {strides = array<i32>} : memref<64x128xf32, #tpu.memory_space<vmem>>, vector<16xf32>,
      %mul3A_503 = arith.mulf %get3A_499, %get3A_502 : vector<16xf32>
      %get3A_504 = arith.index_cast %scan3A_438 : i32 to index
      %get3A_505 = arith.constant 80 : index
      %get3A_506 = tpu.vector_load %arg22[%get3A_504, %get3A_505] {strides = array<i32>} : memref<64x128xf32, #tpu.memory_space<vmem>>, vector<16xf32>,
      %mul3A_507 = arith.mulf %mul3A_503, %get3A_506 : vector<16xf32>
      %add3A_508 = arith.addf %add3A_496, %mul3A_507 : vector<16xf32>
      %get3A_509 = arith.index_cast %scan3A_438 : i32 to index
      %get3A_510 = arith.constant 96 : index
      %get3A_511 = tpu.vector_load %arg20[%get3A_509, %get3A_510] {strides = array<i32>} : memref<64x128xf32, #tpu.memory_space<vmem>>, vector<16xf32>,
      %get3A_512 = arith.index_cast %scan3A_438 : i32 to index
      %get3A_513 = arith.constant 96 : index
      %get3A_514 = tpu.vector_load %arg21[%get3A_512, %get3A_513] {strides = array<i32>} : memref<64x128xf32, #tpu.memory_space<vmem>>, vector<16xf32>,
      %mul3A_515 = arith.mulf %get3A_511, %get3A_514 : vector<16xf32>
      %get3A_516 = arith.index_cast %scan3A_438 : i32 to index
      %get3A_517 = arith.constant 96 : index
      %get3A_518 = tpu.vector_load %arg22[%get3A_516, %get3A_517] {strides = array<i32>} : memref<64x128xf32, #tpu.memory_space<vmem>>, vector<16xf32>,
      %mul3A_519 = arith.mulf %mul3A_515, %get3A_518 : vector<16xf32>
      %add3A_520 = arith.addf %add3A_508, %mul3A_519 : vector<16xf32>
      %get3A_521 = arith.index_cast %scan3A_438 : i32 to index
      %get3A_522 = arith.constant 112 : index
      %get3A_523 = tpu.vector_load %arg20[%get3A_521, %get3A_522] {strides = array<i32>} : memref<64x128xf32, #tpu.memory_space<vmem>>, vector<16xf32>,
      %get3A_524 = arith.index_cast %scan3A_438 : i32 to index
      %get3A_525 = arith.constant 112 : index
      %get3A_526 = tpu.vector_load %arg21[%get3A_524, %get3A_525] {strides = array<i32>} : memref<64x128xf32, #tpu.memory_space<vmem>>, vector<16xf32>,
      %mul3A_527 = arith.mulf %get3A_523, %get3A_526 : vector<16xf32>
      %get3A_528 = arith.index_cast %scan3A_438 : i32 to index
      %get3A_529 = arith.constant 112 : index
      %get3A_530 = tpu.vector_load %arg22[%get3A_528, %get3A_529] {strides = array<i32>} : memref<64x128xf32, #tpu.memory_space<vmem>>, vector<16xf32>,
      %mul3A_531 = arith.mulf %mul3A_527, %get3A_530 : vector<16xf32>
      %add3A_532 = arith.addf %add3A_520, %mul3A_531 : vector<16xf32>
      %mul3A_533 = arith.constant 16 : i32
      %mul3A_534 = arith.muli %scan3A_438, %mul3A_533 : i32
      %swap3A = arith.index_cast %mul3A_534 : i32 to index
      %swap3A_535 = tpu.vector_load %arg23[%swap3A] {strides = array<i32>} : memref<1024xf32, #tpu.memory_space<vmem>>, vector<16xf32>,
      tpu.vector_store %arg23[%swap3A], %add3A_532 {strides = array<i32>} : memref<1024xf32, #tpu.memory_space<vmem>>, vector<16xf32>,
    }
    %scan3A_431 = arith.constant 64 : i32
    %scan3A_432 = arith.constant 0 : i32
    %scan3A_433 = arith.constant 0 : i32
    %scan3A_434 = arith.constant 4 : i32
    %scan3A_435 = arith.addi %scan3A_433, %scan3A_434 : i32
    %scan3A_436 = arith.constant 1 : i32
    scf.for %scan3A_438 = %scan3A_433 to %scan3A_435 step %scan3A_436  : i32 {
      %iota3A = tpu.iota {dimensions = array<i32: 0>} : vector<16xi32>
      %mul3A_439 = arith.constant 16 : i32
      %mul3A_440 = arith.muli %scan3A_438, %mul3A_439 : i32
      %add3A_441 = vector.broadcast %mul3A_440 : i32 to vector<16xi32>
      %add3A_442 = arith.addi %add3A_441, %iota3A : vector<16xi32>
      %mul3A_443 = arith.constant 16 : i32
      %mul3A_444 = vector.broadcast %mul3A_443 : i32 to vector<16xi32>
      %mul3A_445 = arith.muli %add3A_442, %mul3A_444 : vector<16xi32>
      %add3A_446 = arith.addi %mul3A_445, %iota3A : vector<16xi32>
      %gather3A = tpu.vector_load_idx %arg23[%add3A_446] : memref<1024xf32, #tpu.memory_space<vmem>>[vector<16xi32>], vector<16xf32>,
      %add3A_447 = arith.constant 1 : i32
      %add3A_448 = vector.broadcast %add3A_447 : i32 to vector<16xi32>
      %add3A_449 = arith.addi %iota3A, %add3A_448 : vector<16xi32>
      %and3A = arith.constant 15 : i32
      %and3A_450 = vector.broadcast %and3A : i32 to vector<16xi32>
      %and3A_451 = arith.andi %add3A_449, %and3A_450 : vector<16xi32>
      %add3A_452 = arith.addi %mul3A_445, %and3A_451 : vector<16xi32>
      %gather3A_453 = tpu.vector_load_idx %arg23[%add3A_452] : memref<1024xf32, #tpu.memory_space<vmem>>[vector<16xi32>], vector<16xf32>,
      %add3A_454 = arith.addf %gather3A, %gather3A_453 : vector<16xf32>
      %add3A_455 = arith.constant 2 : i32
      %add3A_456 = vector.broadcast %add3A_455 : i32 to vector<16xi32>
      %add3A_457 = arith.addi %iota3A, %add3A_456 : vector<16xi32>
      %and3A_458 = arith.constant 15 : i32
      %and3A_459 = vector.broadcast %and3A_458 : i32 to vector<16xi32>
      %and3A_460 = arith.andi %add3A_457, %and3A_459 : vector<16xi32>
      %add3A_461 = arith.addi %mul3A_445, %and3A_460 : vector<16xi32>
      %gather3A_462 = tpu.vector_load_idx %arg23[%add3A_461] : memref<1024xf32, #tpu.memory_space<vmem>>[vector<16xi32>], vector<16xf32>,
      %add3A_463 = arith.addf %add3A_454, %gather3A_462 : vector<16xf32>
      %add3A_464 = arith.constant 3 : i32
      %add3A_465 = vector.broadcast %add3A_464 : i32 to vector<16xi32>
      %add3A_466 = arith.addi %iota3A, %add3A_465 : vector<16xi32>
      %and3A_467 = arith.constant 15 : i32
      %and3A_468 = vector.broadcast %and3A_467 : i32 to vector<16xi32>
      %and3A_469 = arith.andi %add3A_466, %and3A_468 : vector<16xi32>
      %add3A_470 = arith.addi %mul3A_445, %and3A_469 : vector<16xi32>
      %gather3A_471 = tpu.vector_load_idx %arg23[%add3A_470] : memref<1024xf32, #tpu.memory_space<vmem>>[vector<16xi32>], vector<16xf32>,
      %add3A_472 = arith.addf %add3A_463, %gather3A_471 : vector<16xf32>
      %add3A_473 = arith.constant 4 : i32
      %add3A_474 = vector.broadcast %add3A_473 : i32 to vector<16xi32>
      %add3A_475 = arith.addi %iota3A, %add3A_474 : vector<16xi32>
      %and3A_476 = arith.constant 15 : i32
      %and3A_477 = vector.broadcast %and3A_476 : i32 to vector<16xi32>
      %and3A_478 = arith.andi %add3A_475, %and3A_477 : vector<16xi32>
      %add3A_479 = arith.addi %mul3A_445, %and3A_478 : vector<16xi32>
      %gather3A_480 = tpu.vector_load_idx %arg23[%add3A_479] : memref<1024xf32, #tpu.memory_space<vmem>>[vector<16xi32>], vector<16xf32>,
      %add3A_481 = arith.addf %add3A_472, %gather3A_480 : vector<16xf32>
      %add3A_482 = arith.constant 5 : i32
      %add3A_483 = vector.broadcast %add3A_482 : i32 to vector<16xi32>
      %add3A_484 = arith.addi %iota3A, %add3A_483 : vector<16xi32>
      %and3A_485 = arith.constant 15 : i32
      %and3A_486 = vector.broadcast %and3A_485 : i32 to vector<16xi32>
      %and3A_487 = arith.andi %add3A_484, %and3A_486 : vector<16xi32>
      %add3A_488 = arith.addi %mul3A_445, %and3A_487 : vector<16xi32>
      %gather3A_489 = tpu.vector_load_idx %arg23[%add3A_488] : memref<1024xf32, #tpu.memory_space<vmem>>[vector<16xi32>], vector<16xf32>,
      %add3A_490 = arith.addf %add3A_481, %gather3A_489 : vector<16xf32>
      %add3A_491 = arith.constant 6 : i32
      %add3A_492 = vector.broadcast %add3A_491 : i32 to vector<16xi32>
      %add3A_493 = arith.addi %iota3A, %add3A_492 : vector<16xi32>
      %and3A_494 = arith.constant 15 : i32
      %and3A_495 = vector.broadcast %and3A_494 : i32 to vector<16xi32>
      %and3A_496 = arith.andi %add3A_493, %and3A_495 : vector<16xi32>
      %add3A_497 = arith.addi %mul3A_445, %and3A_496 : vector<16xi32>
      %gather3A_498 = tpu.vector_load_idx %arg23[%add3A_497] : memref<1024xf32, #tpu.memory_space<vmem>>[vector<16xi32>], vector<16xf32>,
      %add3A_499 = arith.addf %add3A_490, %gather3A_498 : vector<16xf32>
      %add3A_500 = arith.constant 7 : i32
      %add3A_501 = vector.broadcast %add3A_500 : i32 to vector<16xi32>
      %add3A_502 = arith.addi %iota3A, %add3A_501 : vector<16xi32>
      %and3A_503 = arith.constant 15 : i32
      %and3A_504 = vector.broadcast %and3A_503 : i32 to vector<16xi32>
      %and3A_505 = arith.andi %add3A_502, %and3A_504 : vector<16xi32>
      %add3A_506 = arith.addi %mul3A_445, %and3A_505 : vector<16xi32>
      %gather3A_507 = tpu.vector_load_idx %arg23[%add3A_506] : memref<1024xf32, #tpu.memory_space<vmem>>[vector<16xi32>], vector<16xf32>,
      %add3A_508 = arith.addf %add3A_499, %gather3A_507 : vector<16xf32>
      %add3A_509 = arith.constant 8 : i32
      %add3A_510 = vector.broadcast %add3A_509 : i32 to vector<16xi32>
      %add3A_511 = arith.addi %iota3A, %add3A_510 : vector<16xi32>
      %and3A_512 = arith.constant 15 : i32
      %and3A_513 = vector.broadcast %and3A_512 : i32 to vector<16xi32>
      %and3A_514 = arith.andi %add3A_511, %and3A_513 : vector<16xi32>
      %add3A_515 = arith.addi %mul3A_445, %and3A_514 : vector<16xi32>
      %gather3A_516 = tpu.vector_load_idx %arg23[%add3A_515] : memref<1024xf32, #tpu.memory_space<vmem>>[vector<16xi32>], vector<16xf32>,
      %add3A_517 = arith.addf %add3A_508, %gather3A_516 : vector<16xf32>
      %add3A_518 = arith.constant 9 : i32
      %add3A_519 = vector.broadcast %add3A_518 : i32 to vector<16xi32>
      %add3A_520 = arith.addi %iota3A, %add3A_519 : vector<16xi32>
      %and3A_521 = arith.constant 15 : i32
      %and3A_522 = vector.broadcast %and3A_521 : i32 to vector<16xi32>
      %and3A_523 = arith.andi %add3A_520, %and3A_522 : vector<16xi32>
      %add3A_524 = arith.addi %mul3A_445, %and3A_523 : vector<16xi32>
      %gather3A_525 = tpu.vector_load_idx %arg23[%add3A_524] : memref<1024xf32, #tpu.memory_space<vmem>>[vector<16xi32>], vector<16xf32>,
      %add3A_526 = arith.addf %add3A_517, %gather3A_525 : vector<16xf32>
      %add3A_527 = arith.constant 10 : i32
      %add3A_528 = vector.broadcast %add3A_527 : i32 to vector<16xi32>
      %add3A_529 = arith.addi %iota3A, %add3A_528 : vector<16xi32>
      %and3A_530 = arith.constant 15 : i32
      %and3A_531 = vector.broadcast %and3A_530 : i32 to vector<16xi32>
      %and3A_532 = arith.andi %add3A_529, %and3A_531 : vector<16xi32>
      %add3A_533 = arith.addi %mul3A_445, %and3A_532 : vector<16xi32>
      %gather3A_534 = tpu.vector_load_idx %arg23[%add3A_533] : memref<1024xf32, #tpu.memory_space<vmem>>[vector<16xi32>], vector<16xf32>,
      %add3A_535 = arith.addf %add3A_526, %gather3A_534 : vector<16xf32>
      %add3A_536 = arith.constant 11 : i32
      %add3A_537 = vector.broadcast %add3A_536 : i32 to vector<16xi32>
      %add3A_538 = arith.addi %iota3A, %add3A_537 : vector<16xi32>
      %and3A_539 = arith.constant 15 : i32
      %and3A_540 = vector.broadcast %and3A_539 : i32 to vector<16xi32>
      %and3A_541 = arith.andi %add3A_538, %and3A_540 : vector<16xi32>
      %add3A_542 = arith.addi %mul3A_445, %and3A_541 : vector<16xi32>
      %gather3A_543 = tpu.vector_load_idx %arg23[%add3A_542] : memref<1024xf32, #tpu.memory_space<vmem>>[vector<16xi32>], vector<16xf32>,
      %add3A_544 = arith.addf %add3A_535, %gather3A_543 : vector<16xf32>
      %add3A_545 = arith.constant 12 : i32
      %add3A_546 = vector.broadcast %add3A_545 : i32 to vector<16xi32>
      %add3A_547 = arith.addi %iota3A, %add3A_546 : vector<16xi32>
      %and3A_548 = arith.constant 15 : i32
      %and3A_549 = vector.broadcast %and3A_548 : i32 to vector<16xi32>
      %and3A_550 = arith.andi %add3A_547, %and3A_549 : vector<16xi32>
      %add3A_551 = arith.addi %mul3A_445, %and3A_550 : vector<16xi32>
      %gather3A_552 = tpu.vector_load_idx %arg23[%add3A_551] : memref<1024xf32, #tpu.memory_space<vmem>>[vector<16xi32>], vector<16xf32>,
      %add3A_553 = arith.addf %add3A_544, %gather3A_552 : vector<16xf32>
      %add3A_554 = arith.constant 13 : i32
      %add3A_555 = vector.broadcast %add3A_554 : i32 to vector<16xi32>
      %add3A_556 = arith.addi %iota3A, %add3A_555 : vector<16xi32>
      %and3A_557 = arith.constant 15 : i32
      %and3A_558 = vector.broadcast %and3A_557 : i32 to vector<16xi32>
      %and3A_559 = arith.andi %add3A_556, %and3A_558 : vector<16xi32>
      %add3A_560 = arith.addi %mul3A_445, %and3A_559 : vector<16xi32>
      %gather3A_561 = tpu.vector_load_idx %arg23[%add3A_560] : memref<1024xf32, #tpu.memory_space<vmem>>[vector<16xi32>], vector<16xf32>,
      %add3A_562 = arith.addf %add3A_553, %gather3A_561 : vector<16xf32>
      %add3A_563 = arith.constant 14 : i32
      %add3A_564 = vector.broadcast %add3A_563 : i32 to vector<16xi32>
      %add3A_565 = arith.addi %iota3A, %add3A_564 : vector<16xi32>
      %and3A_566 = arith.constant 15 : i32
      %and3A_567 = vector.broadcast %and3A_566 : i32 to vector<16xi32>
      %and3A_568 = arith.andi %add3A_565, %and3A_567 : vector<16xi32>
      %add3A_569 = arith.addi %mul3A_445, %and3A_568 : vector<16xi32>
      %gather3A_570 = tpu.vector_load_idx %arg23[%add3A_569] : memref<1024xf32, #tpu.memory_space<vmem>>[vector<16xi32>], vector<16xf32>,
      %add3A_571 = arith.addf %add3A_562, %gather3A_570 : vector<16xf32>
      %add3A_572 = arith.constant 15 : i32
      %add3A_573 = vector.broadcast %add3A_572 : i32 to vector<16xi32>
      %add3A_574 = arith.addi %iota3A, %add3A_573 : vector<16xi32>
      %and3A_575 = arith.constant 15 : i32
      %and3A_576 = vector.broadcast %and3A_575 : i32 to vector<16xi32>
      %and3A_577 = arith.andi %add3A_574, %and3A_576 : vector<16xi32>
      %add3A_578 = arith.addi %mul3A_445, %and3A_577 : vector<16xi32>
      %gather3A_579 = tpu.vector_load_idx %arg23[%add3A_578] : memref<1024xf32, #tpu.memory_space<vmem>>[vector<16xi32>], vector<16xf32>,
      %add3A_580 = arith.addf %add3A_571, %gather3A_579 : vector<16xf32>
      %mul3A_581 = arith.constant 16 : i32
      %mul3A_582 = arith.muli %scan3A_438, %mul3A_581 : i32
      %add3A_583 = arith.constant 448 : i32
      %add3A_584 = arith.addi %add3A_583, %mul3A_582 : i32
      %swap3A = arith.index_cast %add3A_584 : i32 to index
      %swap3A_585 = tpu.vector_load %arg24[%swap3A] {strides = array<i32>} : memref<512xf32, #tpu.memory_space<vmem>>, vector<16xf32>,
      tpu.vector_store %arg24[%swap3A], %add3A_580 {strides = array<i32>} : memref<512xf32, #tpu.memory_space<vmem>>, vector<16xf32>,
    }
    %scan3A_437 = arith.constant 4 : i32
    "tpu.region"() ({
      %run_scoped3A = tpu.sem_alloc : memref<!tpu.dma_semaphore, #tpu.memory_space<semaphore_mem>>
      %dma_start3A_438 = tpu.memref_slice %arg7[%mul3A_2] : memref<16384xf32, #tpu.memory_space<hbm>> -> memref<512xf32, #tpu.memory_space<hbm>>
      %dma_start3A_439 = tpu.memref_slice %arg7[%mul3A_2] : memref<16384xf32, #tpu.memory_space<hbm>> -> memref<512xf32, #tpu.memory_space<hbm>>
      tpu.enqueue_dma source(%arg24 : memref<512xf32, #tpu.memory_space<vmem>>) target(%dma_start3A_439 : memref<512xf32, #tpu.memory_space<hbm>>) target_semaphore(%run_scoped3A : memref<!tpu.dma_semaphore, #tpu.memory_space<semaphore_mem>>)
      %dma_wait3A_440 = tpu.memref_slice %arg7[%mul3A_2] : memref<16384xf32, #tpu.memory_space<hbm>> -> memref<512xf32, #tpu.memory_space<hbm>>
      %dma_wait3A_441 = tpu.memref_slice %arg7[%mul3A_2] : memref<16384xf32, #tpu.memory_space<hbm>> -> memref<512xf32, #tpu.memory_space<hbm>>
      tpu.wait_dma2 semaphore(%run_scoped3A : memref<!tpu.dma_semaphore, #tpu.memory_space<semaphore_mem>>) src(%arg24 : memref<512xf32, #tpu.memory_space<vmem>>) dst(%dma_wait3A_441 : memref<512xf32, #tpu.memory_space<hbm>>)
      tpu.yield
    }) : () -> ()
    return
  }
}

</mosaic_0001>

<sc_bundles>
// kernel: kernel.3.cloned.1.call-start
scs
__scs_entry_jumppad:
0x0: {  	(pc) =	sbr.rel $0x88, $3  }
0x1: {  	(tag) =	ssettag $0x0;
	lr =	simm.s32 $0x1  }
0x2: {  	[smem:$0x3F9E] =	sst lr;
	_ =	strace $0xD0000000  }
0x3: {  	_ = 	snop  }
0x4: {  	_ = 	snop  }
0x5: {  	_ = 	snop  }
0x6: {  	_ = 	snop  }
0x7: {  	_ = 	snop  }
__scs_overlays_trampoline_lowered:
0x8: {  	[smem:$0x3FAD] =	sst s0  }
0x9: {  	[smem:$0x3FAE] =	sst s1  }
0xa: {  	[smem:$0x3FAF] =	sst s2  }
0xb: {  	[smem:$0x3FB0] =	sst s3  }
0xc: {  	[smem:$0x3FB1] =	sst s4  }
0xd: {  	[smem:$0x3FB2] =	sst s5  }
0xe: {  	[smem:$0x3FB3] =	sst s6  }
0xf: {  	[smem:$0x3FB4] =	sst s7  }
0x10: {  	[smem:$0x3FB5] =	sst s8  }
0x11: {  	[smem:$0x3FB6] =	sst s9;
	s0 =	simm.s32 @!p0 $0x0  }
0x12: {  	s1 =	sld [smem:$0x3F9C];
	s0 =	simm.s32 @p0 $0x1  }
0x13: {  	[smem:$0x3FB7] =	sst s0;
	s0 =	simm.s32 @!p1 $0x0  }
0x14: {  	s2 =	sld [smem:$0x3F9B];
	s0 =	simm.s32 @p1 $0x1  }
0x15: {  	[smem:$0x3FB8] =	sst s0;
	s0 =	simm.s32 @!p2 $0x0  }
0x16: {  	s3 =	sld [smem:$0x3FDB];
	s0 =	simm.s32 @p2 $0x1  }
0x17: {  	s4 =	simm.s32 $0x1BF5;
	[smem:$0x3FBA] =	sst s0  }
0x18: {  	s0 =	sld [smem:$0x3F9D];
	_ =	swait.ge [sflag:s4], $0x0  }
0x19: {  	s7 =	sld [smem:$0x3F9E]  }
0x1a: {  	s8 =	sadd.s32 $0xFFFFE003, lr  }
0x1b: {  	s9 =	sadd.s32 $0xFFFFFEF7, lr;
	s5 =	simm.s32 $0xFFFFFFFF;
	p2 =	slt.u32 s8, $0xFFFFF086  }
0x1c: {  	p1 =	slt.u32 s9, $0xF7A;
	s5 =	simm.s32 @!p2 $0x0  }
0x1d: {  	s5 =	simm.s32 @p1 $0x1;
	p0 =	seq.s32 s7, s2  }
0x1e: {  	s7 =	smul.u32 @!p0 $0xF7A, s2;
	p2 =	seq.s32 @!p0 s5, $0x0  }
0x1f: {  	s9 =	smul.u32 $0xF7A, s1;
	s8 =	simm.s32 @!p0 $0x1BF5;
	p2 =	por !p2, p0  }
0x20: {  	[sflag:s8] =	ssyncset.s32 @!p0 $0xFFFFF086;
	s6 =	sadd.s32 @!p0 s3, s7;
	s7 =	simm.s32 @!p0 $0x108  }
0x21: {  	s3 =	sadd.s32 s3, s9;
	s6 =	sadd.s32 @!p0 $0x88, s6;
	s7 =	simm.s32 @p2 $0x1082  }
0x22: {  	[simem:s7], [sflag:s8] =	dma.local @!p0 [hbm:s6], $0xF7A  }
0x23: {  	s9 =	sor.u32 $0xD0000000, s2;
	s6 =	simm.s32 $0x108;
	_ =	swait.ge @!p0 [sflag:s8], $0x0  }
0x24: {  	s3 =	sadd.s32 $0x88, s3;
	s6 =	simm.s32 @!p1 $0x1082;
	[sflag:s4] =	ssyncset.s32 $0xFFFFF086  }
0x25: {  	[simem:s6], [sflag:s4] =	dma.local [hbm:s3], $0xF7A  }
0x26: {  	[smem:$0x3F9E] =	sst s1;
	(tag) =	ssettag s2;
	_ =	strace s9  }
0x27: {  	s1 =	sld [smem:$0x3FAE]  }
0x28: {  	s2 =	sld [smem:$0x3FAF]  }
0x29: {  	s4 =	sld [smem:$0x3FB1]  }
0x2a: {  	p0 =	seq.s32 s5, $0x0;
	s5 =	sld [smem:$0x3FB2]  }
0x2b: {  	s6 =	sld [smem:$0x3FB3]  }
0x2c: {  	s7 =	sld [smem:$0x3FB4]  }
0x2d: {  	s3 =	simm.s32 $0x108;
	s8 =	sld [smem:$0x3FB5]  }
0x2e: {  	s3 =	simm.s32 @!p0 $0x1082;
	s9 =	sld [smem:$0x3FB6]  }
0x2f: {  	lr =	sadd.s32 s0, s3;
	s0 =	sld [smem:$0x3FAD]  }
0x30: {  	s3 =	sld [smem:$0x3FB0]  }
0x31: {  	[smem:$0x3FB9] =	sst s10  }
0x32: {  	s10 =	sld [smem:$0x3FB7];
	_ =	sdelay $0x3  }
0x33: {  	p0 =	seq.s32 s10, $0x1;
	s10 =	sld [smem:$0x3FB9];
	_ =	sdelay $0x3  }
0x34: {  	[smem:$0x3FB9] =	sst s10  }
0x35: {  	s10 =	sld [smem:$0x3FB8];
	_ =	sdelay $0x3  }
0x36: {  	p1 =	seq.s32 s10, $0x1;
	s10 =	sld [smem:$0x3FB9];
	_ =	sdelay $0x3  }
0x37: {  	[smem:$0x3FB9] =	sst s10  }
0x38: {  	s10 =	sld [smem:$0x3FBA]  }
0x39: {  	_ = 	snop;
	(pc) =	sbr.ind lr, $3  }
0x3a: {  	_ = 	snop  }
0x3b: {  	_ = 	snop  }
0x3c: {  	p2 =	seq.s32 s10, $0x1;
	s10 =	sld [smem:$0x3FB9]  }
0x3d: {  	_ =	shalt  }
0x3e: {  	_ =	shalt  }
0x3f: {  	_ =	shalt  }
0x40: {  	_ =	shalt  }
0x41: {  	_ =	shalt  }
0x42: {  	_ =	shalt  }
0x43: {  	_ =	shalt  }
0x44: {  	_ =	shalt  }
0x45: {  	_ =	shalt  }
0x46: {  	_ =	shalt  }
0x47: {  	_ =	shalt  }
0x48: {  	_ =	shalt  }
0x49: {  	_ =	shalt  }
0x4a: {  	_ =	shalt  }
0x4b: {  	_ =	shalt  }
0x4c: {  	_ =	shalt  }
0x4d: {  	_ =	shalt  }
0x4e: {  	_ =	shalt  }
0x4f: {  	_ =	shalt  }
0x50: {  	_ =	shalt  }
0x51: {  	_ =	shalt  }
0x52: {  	_ =	shalt  }
0x53: {  	_ =	shalt  }
0x54: {  	_ =	shalt  }
0x55: {  	_ =	shalt  }
0x56: {  	_ =	shalt  }
0x57: {  	_ =	shalt  }
0x58: {  	_ =	shalt  }
0x59: {  	_ =	shalt  }
0x5a: {  	_ =	shalt  }
0x5b: {  	_ =	shalt  }
0x5c: {  	_ =	shalt  }
0x5d: {  	_ =	shalt  }
0x5e: {  	_ =	shalt  }
0x5f: {  	_ =	shalt  }
0x60: {  	_ =	shalt  }
0x61: {  	_ =	shalt  }
0x62: {  	_ =	shalt  }
0x63: {  	_ =	shalt  }
0x64: {  	_ =	shalt  }
0x65: {  	_ =	shalt  }
0x66: {  	_ =	shalt  }
0x67: {  	_ =	shalt  }
0x68: {  	_ =	shalt  }
0x69: {  	_ =	shalt  }
0x6a: {  	_ =	shalt  }
0x6b: {  	_ =	shalt  }
0x6c: {  	_ =	shalt  }
0x6d: {  	_ =	shalt  }
0x6e: {  	_ =	shalt  }
0x6f: {  	_ =	shalt  }
0x70: {  	_ =	shalt  }
0x71: {  	_ =	shalt  }
0x72: {  	_ =	shalt  }
0x73: {  	_ =	shalt  }
0x74: {  	_ =	shalt  }
0x75: {  	_ =	shalt  }
0x76: {  	_ =	shalt  }
0x77: {  	_ =	shalt  }
0x78: {  	_ =	shalt  }
0x79: {  	_ =	shalt  }
0x7a: {  	_ =	shalt  }
0x7b: {  	_ =	shalt  }
0x7c: {  	_ =	shalt  }
0x7d: {  	_ =	shalt  }
0x7e: {  	_ =	shalt  }
0x7f: {  	_ =	shalt  }
0x80: {  	_ =	shalt  }
0x81: {  	_ =	shalt  }
0x82: {  	_ =	shalt  }
0x83: {  	_ =	shalt  }
0x84: {  	_ =	shalt  }
0x85: {  	_ =	shalt  }
0x86: {  	_ =	shalt  }
0x87: {  	_ =	shalt  }
.Lfunc_end0:
.L_simem_size_0:
called_computation_lowered:
.L_overlay_start_0:
0x88: {  	s2 =	sld [smem:$0x3FD9]  }
0x89: {  	s3 =	sld [smem:$0x3FFE];
	_ =	sdelay $0x1  }
0x8a: {  	s1 =	srdreg.scid  }
0x8b: {  	s0 =	sand.u32 $0x1, s1  }
0x8c: {  	s17 =	sshll.u32 s0, $0xA;
	s2 =	sadd.s32 s3, s2  }
0x8d: {  	s2 =	sadd.s32 s2, s17  }
0x8e: {  	[smem:$0x3FC5] =	sst s2  }
0x8f: {  	_ = 	snop  }
0x90: {  	s2 =	sld [smem:$0x3FC8]  }
0x91: {  	s18 =	sld [smem:$0x3FC7]  }
0x92: {  	s4 =	sld [smem:$0x3FD0];
	(tm) =	ssettm $0x1  }
0x93: {  	s5 =	sld [smem:$0x3FFB];
	_ =	sdelay $0x3  }
0x94: {  	_ =	strace s5  }
0x95: {  	s5 =	sld [smem:$0x3FFC];
	_ =	sdelay $0x3  }
0x96: {  	_ =	strace s5  }
0x97: {  	s5 =	sld [smem:$0x3FFD];
	_ =	sdelay $0x3  }
0x98: {  	_ =	strace s5  }
0x99: {  	_ =	strace $0x8FFFFFFF  }
0x9a: {  	s19 =	sld [smem:$0x3FDB];
	_ =	sdelay $0x1  }
0x9b: {  	s6 =	simm.s32 $_scs_section_size  }
0x9c: {  	s7 =	simm.s32 $_size__tile_overlayer_lowered;
	s8 =	simm.s32 $_tile_overlayer_lowered  }
0x9d: {  	s22 =	simm.s32 $0x1BFF;
	s21 =	sshll.u32 s8, $0x1;
	s5 =	sadd.s32 s6, s19  }
0x9e: {  	s9 =	simm.s32 $0x0;
	s20 =	sshll.u32 s7, $0x1;
	s7 =	sadd.s32 s21, s5  }
0x9f: {  	[timem:s9], [sflag:s22] =	dma.local [hbm:s7], s20  }
0xa0: {  	_ =	swait.ge [sflag:s22], s20  }
0xa1: {  	s6 =	ssub.s32 $0x0, s20;
	[sflag:s22] =	ssyncset.done $0x0  }
0xa2: {  	[sflag:s22] =	ssyncadd.s32 s6;
	_ =	sdelay $0x1  }
0xa3: {  	s23 =	simm.s32 $0x1B8B  }
0xa4: {  	_ =	swait.ge [sflag:s23], $0x1  }
0xa5: {  	[sflag:s23] =	ssyncset.done $0x0  }
0xa6: {  	s25 =	simm.s32 $0x1B8E;
	s24 =	sld [smem:$0x3FFE];
	[sflag:s23] =	ssyncadd.s32 $0xFFFFFFFF  }
0xa7: {  	s26 =	simm.s32 $execute0_lowered;
	[smem:$0x3FD2] =	sst s25  }
0xa8: {  	s7 =	sshll.u32 s26, $0x1;
	_ =	strace $0x80000046;
	[dreg:$0x1] =	wrdreg $0xFFFFFFFF  }
0xa9: {  	s28 =	simm.s32 $_size_execute0_lowered;
	s5 =	sadd.s32 s5, s7;
	[dreg:$0x0] =	wrdreg $0x0  }
0xaa: {  	s7 =	sshll.u32 s28, $0x1;
	[dreg:$0x2] =	wrdreg s5  }
0xab: {  	[dreg:$0x3] =	wrdreg s7  }
0xac: {  	[dreg:$0x4] =	wrdreg $0xC0  }
0xad: {  	_ =	task [dreg:s9], $0x5FFFF  }
0xae: {  	[dreg:$0x1] =	wrdreg $0xFFFFFFFF  }
0xaf: {  	[dreg:$0x0] =	wrdreg $0x60  }
0xb0: {  	[dreg:$0x2] =	wrdreg s24  }
0xb1: {  	[dreg:$0x3] =	wrdreg s2  }
0xb2: {  	[dreg:$0x4] =	wrdreg s18  }
0xb3: {  	[dreg:$0x5] =	wrdreg s4  }
0xb4: {  	[dreg:$0x6] =	wrdreg $0x9  }
0xb5: {  	_ =	task.clear_ibuf [dreg:s9], $0x7FFFF;
	_ =	strace $0x90000046  }
0xb6: {  	s29 =	simm.s32 $0x9;
	_ =	strace $0x80000048  }
0xb7: {  	_ =	swait.ge [sflag:s29], $0x1  }
0xb8: {  	[sflag:s29] =	ssyncadd.s32 $0xFFFFFFFF  }
0xb9: {  	_ =	strace $0x90000048  }
0xba: {  	_ =	sfence  }
0xbb: {  	s30 =	sld [smem:$0x0];
	_ =	sdelay $0x2  }
0xbc: {  	s31 =	sshll.u32 s1, $0xD;
	s1 =	sshrl.u32 s1, $0x2  }
0xbd: {  	s3 =	sand.u32 $0x4000, s31;
	s1 =	sadd.s32 s1, s30  }
0xbe: {  	s0 =	sor.u32 s3, s0;
	s1 =	sshll.u32 s1, $0x11  }
0xbf: {  	s0 =	sor.u32 s1, s0  }
0xc0: {  	s0 =	sadd.s32 $0x8F2B, s0  }
0xc1: {  	[sflag:s0] =	ssyncadd.remote.s32 $0x1  }
0xc2: {  	_ =	sfence.sel $0xFFFF  }
0xc3: {  	[dreg:$0x0] =	wrdreg $0xFFFFFFFF;
	(pc) =	sbr.abs _section_cstart, $3  }
0xc4: {  	[dreg:$0x1] =	wrdreg $0xFFFFFFFF  }
0xc5: {  	_ =	task.clear_ibuf [dreg:s9], $0x2FFFF;
	_ =	strace $0x9FFFFFFF  }
0xc6: {  	(tm) =	ssettm $0x7FFFFFFF  }
0xc7: {  	_ =	shalt  }
tec
execute0_lowered:
.L_overlay_start_1:
0x0: {  	(tag) =	ssettag $0x1  }
0x1: {  	v1 =	vimm.s32 $0xFEDCBA9;
	v0 =	vlaneseq.u32  }
0x2: {  	v3 =	vimm.s32 $0x87654321;
	v4 =	vimm.s32 $0x98765432;
	v5 =	vimm.s32 $0x210FEDCB  }
0x3: {  	v6 =	vimm.s32 $0xA9876543;
	v16 =	vimm.s32 $0xCBA98765;
	v18 =	vimm.s32 $0x6543210F  }
0x4: {  	v19 =	vimm.s32 $0xEDCBA987;
	v20 =	vimm.s32 $0xFEDCBA98;
	v21 =	vimm.s32 $0x76543210  }
0x5: {  	v2 =	vunpack.c.l.s4.s8 v1;
	v1 =	vmul.u32 $0x10, v0;
	v4 =	vunpack.c.l.s4.s8 v4  }
0x6: {  	v5 =	vunpack.c.l.s4.s8 v5;
	v18 =	vunpack.c.l.s4.s8 v18;
	v19 =	vunpack.c.l.s4.s8 v19  }
0x7: {  	v20 =	vunpack.c.l.s4.s8 v20;
	v8 =	vunpack.c.0.s8.s32 v2;
	v2 =	vunpack.c.l.s4.s8 v3  }
0x8: {  	v3 =	vimm.s32 $0x10FEDCBA;
	v11 =	vunpack.c.0.s8.s32 v4;
	v12 =	vunpack.c.0.s8.s32 v5  }
0x9: {  	v18 =	vunpack.c.0.s8.s32 v18;
	v19 =	vunpack.c.0.s8.s32 v19;
	v3 =	vunpack.c.l.s4.s8 v3  }
0xa: {  	v20 =	vunpack.c.0.s8.s32 v20;
	v9 =	vunpack.c.0.s8.s32 v2;
	v2 =	vunpack.c.l.s4.s8 v6  }
0xb: {  	v24 =	vcombine.low v19, v18;
	v10 =	vunpack.c.0.s8.s32 v3;
	v3 =	vimm.s32 $0x3210FEDC  }
0xc: {  	s2 =	rddreg [dreg:$0x0];
	v20 =	vand.u32 $0xF, v20;
	v13 =	vunpack.c.0.s8.s32 v2;
	v2 =	vunpack.c.l.s4.s8 v3  }
0xd: {  	s0 =	rddreg [dreg:$0x1];
	v3 =	vimm.s32 $0xBA987654;
	v4 =	vcombine.low v9, v8;
	v63 =	vcombine.low v8, v9  }
0xe: {  	s1 =	rddreg [dreg:$0x2];
	v9 =	vand.u32 $0xF, v24;
	v5 =	vcombine.low v11, v10;
	v3 =	vunpack.c.l.s4.s8 v3  }
0xf: {  	s3 =	rddreg [dreg:$0x3];
	s5 =	srdreg.scid;
	v11 =	vcombine.low v10, v11;
	v6 =	vcombine.low v13, v12;
	v14 =	vunpack.c.0.s8.s32 v2  }
0x10: {  	s6 =	stileid.u32;
	s4 =	simm.s32 $0x0;
	s10 =	simm.s32 $0x5;
	v2 =	vimm.s32 $0x43210FED;
	v12 =	vcombine.low v12, v13;
	v15 =	vunpack.c.0.s8.s32 v3  }
0x11: {  	s13 =	simm.s32 $0x40;
	s15 =	simm.s32 $0x2C00;
	s16 =	simm.s32 $0x4C00;
	v7 =	vunpack.c.l.s4.s8 v2;
	v3 =	vand.u32 $0xF, v5;
	v5 =	vunpack.c.l.s4.s8 v16  }
0x12: {  	s17 =	simm.s32 $0x6C00;
	s20 =	simm.s32 $0x8C00;
	s22 =	simm.s32 $0xAC00;
	v10 =	vand.u32 $0xF, v63;
	v2 =	vand.u32 $0xF, v4;
	v11 =	vand.u32 $0xF, v11  }
0x13: {  	s24 =	simm.s32 $0xCC00;
	s29 =	simm.s32 $0x10C00;
	s18 =	simm.s32 $0x14C00;
	v4 =	vand.u32 $0xF, v6;
	v16 =	vunpack.c.0.s8.s32 v7;
	v17 =	vunpack.c.0.s8.s32 v5  }
0x14: {  	s30 =	simm.s32 $0x1;
	s21 =	simm.s32 $0x16C00;
	s23 =	simm.s32 $0x18C00;
	v5 =	vimm.s32 $0x543210FE;
	v7 =	vimm.s32 $0xDCBA9876;
	v13 =	vcombine.low v14, v15  }
0x15: {  	s25 =	simm.s32 $0x2;
	s19 =	simm.s32 $0x3;
	s28 =	simm.s32 $0x4;
	v12 =	vand.u32 $0xF, v12;
	v5 =	vunpack.c.l.s4.s8 v5;
	v7 =	vunpack.c.l.s4.s8 v7  }
0x16: {  	s5 =	sand.u32 $0x1, s5;
	s6 =	sshll.u32 s6, $0x1;
	[smem:$0x7FF] =	sst s4;
	v6 =	vcombine.low v15, v14;
	v14 =	vcombine.low v16, v17;
	v13 =	vand.u32 $0xF, v13  }
0x17: {  	s7 =	ssub.s32 $0x2, s5;
	s6 =	sor.u32 s5, s6;
	_ =	strace $0x80000047;
	v22 =	vunpack.c.0.s8.s32 v5;
	v23 =	vunpack.c.0.s8.s32 v7;
	v7 =	vunpack.c.l.s4.s8 v21  }
0x18: {  	s26 =	sshrl.u32 s7, $0x1;
	s8 =	sshll.u32 s6, $0x7;
	s31 =	sshll.u32 s6, $0x6;
	v5 =	vand.u32 $0xF, v6;
	v6 =	vcombine.low v17, v16;
	v16 =	vcombine.low v18, v19  }
0x19: {  	s9 =	ssub.s32 s7, s26;
	s5 =	sadd.s32 s2, s8;
	s8 =	sadd.s32 s3, s31;
	v7 =	vunpack.c.0.s8.s32 v7;
	v62 =	vcombine.low v23, v22;
	v15 =	vcombine.low v22, v23  }
0x1a: {  	s26 =	simm.s32 $0xEC00;
	s2 =	simm.s32 $0x12C00;
	s3 =	simm.s32 $0x0;
	v14 =	vand.u32 $0xF, v14;
	v6 =	vand.u32 $0xF, v6;
	v16 =	vand.u32 $0xF, v16  }
0x1b: {  	s6 =	sadd.s32 $0x2000, s5;
	s7 =	sadd.s32 $0x1000, s5;
	s9 =	smax.u32 s9, $0x1;
	v7 =	vcombine.low v20, v7;
	v8 =	vand.u32 $0xF, v62;
	v15 =	vand.u32 $0xF, v15  }
.LBB2_1:
0x1c: {  	[tilespmem:s4], [sflag:$0x5] =	stream.linear.gather [hbm4b:s6+s4], $0x400, $0x38;
	[tilespmem:$0x19200] =	vst v63  }
0x1d: {  	_ =	swait.ge [sflag:s10], $0x400  }
0x1e: {  	[sflag:s10] =	ssyncset.done $0x0  }
0x1f: {  	s11 =	simm.s32 $0x400;
	[sflag:s10] =	ssyncadd.s32 $0xFFFFFC00  }
0x20: {  	[tilespmem:s11], [sflag:$0x5] =	stream.linear.gather [hbm4b:s7+s4], $0x400, $0x38;
	[tilespmem:$0x19200] =	vst v63  }
0x21: {  	_ =	swait.ge [sflag:s10], $0x400  }
0x22: {  	[sflag:s10] =	ssyncset.done $0x0  }
0x23: {  	s12 =	simm.s32 $0x800;
	[sflag:s10] =	ssyncadd.s32 $0xFFFFFC00  }
0x24: {  	[tilespmem:s12], [sflag:$0x5] =	stream.linear.gather [hbm4b:s5+s4], $0x400, $0x38;
	[tilespmem:$0x19200] =	vst v63  }
0x25: {  	_ =	swait.ge [sflag:s10], $0x400  }
0x26: {  	[sflag:s10] =	ssyncset.done $0x0  }
0x27: {  	s14 =	simm.s32 $0xC00;
	[sflag:s10] =	ssyncadd.s32 $0xFFFFFC00  }
0x28: {  	[tilespmem:s14], [sflag:$0x1] =	stream.indirect.gather [hbm4b:s0+s13], $0x80, s4, s13, $0xb8;
	[tilespmem:$0x19200] =	vst v63  }
0x29: {  	_ = 	snop  }
0x2a: {  	[tilespmem:s15], [sflag:$0x1] =	stream.indirect.gather [hbm4b:s1+s13], $0x80, s11, s13, $0xb8;
	[tilespmem:$0x19200] =	vst v63  }
0x2b: {  	_ = 	snop  }
0x2c: {  	[tilespmem:s16], [sflag:$0x1] =	stream.indirect.gather [hbm4b:s0+s13], $0x80, s12, s13, $0xb8;
	[tilespmem:$0x19200] =	vst v63  }
0x2d: {  	s12 =	simm.s32 $0x80  }
0x2e: {  	[tilespmem:s17], [sflag:$0x2] =	stream.indirect.gather [hbm4b:s0+s13], $0x80, s12, s13, $0xb8;
	[tilespmem:$0x19200] =	vst v63  }
0x2f: {  	s14 =	simm.s32 $0x480  }
0x30: {  	[tilespmem:s20], [sflag:$0x2] =	stream.indirect.gather [hbm4b:s1+s13], $0x80, s14, s13, $0xb8;
	[tilespmem:$0x19200] =	vst v63  }
0x31: {  	s12 =	simm.s32 $0x880  }
0x32: {  	[tilespmem:s22], [sflag:$0x2] =	stream.indirect.gather [hbm4b:s0+s13], $0x80, s12, s13, $0xb8;
	[tilespmem:$0x19200] =	vst v63  }
0x33: {  	s14 =	simm.s32 $0x100  }
0x34: {  	[tilespmem:s24], [sflag:$0x3] =	stream.indirect.gather [hbm4b:s0+s13], $0x80, s14, s13, $0xb8;
	[tilespmem:$0x19200] =	vst v63  }
0x35: {  	s12 =	simm.s32 $0x500  }
0x36: {  	[tilespmem:s26], [sflag:$0x3] =	stream.indirect.gather [hbm4b:s1+s13], $0x80, s12, s13, $0xb8;
	[tilespmem:$0x19200] =	vst v63  }
0x37: {  	s14 =	simm.s32 $0x900  }
0x38: {  	[tilespmem:s29], [sflag:$0x3] =	stream.indirect.gather [hbm4b:s0+s13], $0x80, s14, s13, $0xb8;
	[tilespmem:$0x19200] =	vst v63  }
0x39: {  	_ =	swait.ge [sflag:s30], $0x2000  }
0x3a: {  	[sflag:s30] =	ssyncset.done $0x0  }
0x3b: {  	[sflag:s30] =	ssyncadd.s32 $0xFFFFE000  }
0x3c: {  	_ =	swait.ge [sflag:s30], $0x2000  }
0x3d: {  	[sflag:s30] =	ssyncset.done $0x0  }
0x3e: {  	[sflag:s30] =	ssyncadd.s32 $0xFFFFE000  }
0x3f: {  	_ =	swait.ge [sflag:s30], $0x2000  }
0x40: {  	[sflag:s30] =	ssyncset.done $0x0  }
0x41: {  	s12 =	simm.s32 $0x180;
	[sflag:s30] =	ssyncadd.s32 $0xFFFFE000  }
0x42: {  	[tilespmem:s2], [sflag:$0x4] =	stream.indirect.gather [hbm4b:s0+s13], $0x80, s12, s13, $0xb8;
	[tilespmem:$0x19200] =	vst v63  }
0x43: {  	s14 =	simm.s32 $0x580  }
0x44: {  	[tilespmem:s18], [sflag:$0x4] =	stream.indirect.gather [hbm4b:s1+s13], $0x80, s14, s13, $0xb8;
	[tilespmem:$0x19200] =	vst v63  }
0x45: {  	s12 =	simm.s32 $0x980;
	s14 =	simm.s32 $0x0  }
0x46: {  	[tilespmem:s21], [sflag:$0x4] =	stream.indirect.gather [hbm4b:s0+s13], $0x80, s12, s13, $0xb8;
	[tilespmem:$0x19200] =	vst v63  }
0x47: {  	v17 =	vld [tilespmem:s14+$0x4C60]  }
0x48: {  	v18 =	vld [tilespmem:s14+$0x4C50]  }
0x49: {  	v19 =	vld [tilespmem:s14+$0x4C40]  }
0x4a: {  	v20 =	vld [tilespmem:s14+$0x4C30]  }
0x4b: {  	v21 =	vld [tilespmem:s14+$0x4C20]  }
0x4c: {  	v22 =	vld [tilespmem:s14+$0x4C00]  }
0x4d: {  	v23 =	vld [tilespmem:s14+$0xC20]  }
0x4e: {  	v24 =	vld [tilespmem:s14+$0x2C00]  }
0x4f: {  	v25 =	vld [tilespmem:s14+$0xC00]  }
0x50: {  	v26 =	vld [tilespmem:s14+$0xC10]  }
0x51: {  	v27 =	vld [tilespmem:s14+$0x2C10]  }
0x52: {  	v28 =	vld [tilespmem:s14+$0x2C20]  }
0x53: {  	v29 =	vld [tilespmem:s14+$0x4C10]  }
0x54: {  	v30 =	vld [tilespmem:s14+$0xC30]  }
0x55: {  	v31 =	vld [tilespmem:s14+$0x2C30]  }
0x56: {  	v24 =	vmul.f32 v24, v25;
	v25 =	vmul.f32 v27, v26;
	v26 =	vld [tilespmem:s14+$0xC40]  }
0x57: {  	v23 =	vmul.f32 v28, v23;
	v27 =	vld [tilespmem:s14+$0x2C40]  }
0x58: {  	v62 =	vld [tilespmem:s14+$0x2C50];
	v22 =	vmul.f32 v22, v24;
	v24 =	vmul.f32 v29, v25  }
0x59: {  	v25 =	vld [tilespmem:s14+$0xC50]  }
0x5a: {  	v63 =	vld [tilespmem:s14+$0x2C60];
	v21 =	vmul.f32 v21, v23;
	v23 =	vmul.f32 v31, v30;
	v22 =	vadd.f32 v24, v22  }
0x5b: {  	v24 =	vld [tilespmem:s14+$0xC60]  }
0x5c: {  	v20 =	vmul.f32 v20, v23;
	v23 =	vld [tilespmem:s14+$0xC70];
	v21 =	vadd.f32 v21, v22;
	v22 =	vmul.f32 v27, v26  }
0x5d: {  	v26 =	vld [tilespmem:s14+$0x2C70]  }
0x5e: {  	v20 =	vadd.f32 v20, v21;
	v19 =	vmul.f32 v19, v22;
	v21 =	vmul.f32 v62, v25  }
0x5f: {  	v22 =	vld [tilespmem:s14+$0x4C70]  }
0x60: {  	v19 =	vadd.f32 v19, v20;
	v18 =	vmul.f32 v18, v21;
	v20 =	vmul.f32 v63, v24;
	_ =	sdelay $0x1  }
0x61: {  	v18 =	vadd.f32 v18, v19;
	v17 =	vmul.f32 v17, v20;
	v19 =	vmul.f32 v26, v23;
	_ =	sdelay $0x1  }
0x62: {  	v17 =	vadd.f32 v17, v18;
	v18 =	vmul.f32 v22, v19;
	_ =	sdelay $0x1  }
0x63: {  	v17 =	vadd.f32 v18, v17;
	_ =	sdelay $0x1  }
0x64: {  	s11 =	simm.s32 $0x80;
	[tilespmem:s23+$0x0] =	vst v17  }
0x65: {  	v17 =	vld [tilespmem:s11+$0x4C60]  }
0x66: {  	v18 =	vld [tilespmem:s11+$0x4C50]  }
0x67: {  	v19 =	vld [tilespmem:s11+$0x4C40]  }
0x68: {  	v20 =	vld [tilespmem:s11+$0x4C30]  }
0x69: {  	v21 =	vld [tilespmem:s11+$0x4C20]  }
0x6a: {  	v22 =	vld [tilespmem:s11+$0x4C00]  }
0x6b: {  	v23 =	vld [tilespmem:s11+$0xC20]  }
0x6c: {  	v24 =	vld [tilespmem:s11+$0x2C00]  }
0x6d: {  	v25 =	vld [tilespmem:s11+$0xC00]  }
0x6e: {  	s31 =	simm.s32 $0x18C00;
	s12 =	simm.s32 $0x400;
	v26 =	vld [tilespmem:s11+$0xC10]  }
.LBB2_2:
0x6f: {  	p0 =	sne.s32 s12, $0x7E00;
	v27 =	vld [tilespmem:s11+$0x2C10]  }
0x70: {  	v28 =	vld [tilespmem:s11+$0x2C20]  }
0x71: {  	v29 =	vld [tilespmem:s11+$0x4C10]  }
0x72: {  	v30 =	vld [tilespmem:s11+$0xC30]  }
0x73: {  	v31 =	vld [tilespmem:s11+$0x2C30]  }
0x74: {  	v24 =	vmul.f32 v24, v25;
	v25 =	vmul.f32 v27, v26;
	v26 =	vld [tilespmem:s11+$0xC40]  }
0x75: {  	v23 =	vmul.f32 v28, v23;
	v27 =	vld [tilespmem:s11+$0x2C40]  }
0x76: {  	v22 =	vmul.f32 v22, v24;
	v24 =	vmul.f32 v29, v25;
	v25 =	vld [tilespmem:s11+$0xC50]  }
0x77: {  	v28 =	vld [tilespmem:s11+$0x2C50]  }
0x78: {  	v21 =	vmul.f32 v21, v23;
	v22 =	vadd.f32 v24, v22;
	v23 =	vmul.f32 v31, v30;
	v24 =	vld [tilespmem:s11+$0xC60]  }
0x79: {  	v29 =	vld [tilespmem:s11+$0x2C60]  }
0x7a: {  	v21 =	vadd.f32 v21, v22;
	v20 =	vmul.f32 v20, v23;
	v22 =	vmul.f32 v27, v26;
	v23 =	vld [tilespmem:s11+$0xC70]  }
0x7b: {  	v26 =	vld [tilespmem:s11+$0x2C70]  }
0x7c: {  	v20 =	vadd.f32 v20, v21;
	v19 =	vmul.f32 v19, v22;
	v21 =	vmul.f32 v28, v25  }
0x7d: {  	v22 =	vld [tilespmem:s11+$0x4C70]  }
0x7e: {  	v19 =	vadd.f32 v19, v20;
	v18 =	vmul.f32 v18, v21;
	v20 =	vmul.f32 v29, v24;
	_ =	sdelay $0x1  }
0x7f: {  	v18 =	vadd.f32 v18, v19;
	v17 =	vmul.f32 v17, v20;
	v19 =	vmul.f32 v26, v23;
	_ =	sdelay $0x1  }
0x80: {  	v17 =	vadd.f32 v17, v18;
	v18 =	vmul.f32 v22, v19;
	_ =	sdelay $0x1  }
0x81: {  	v17 =	vadd.f32 v18, v17  }
0x82: {  	s31 =	sadd.s32 $0x10, s31  }
0x83: {  	s11 =	sshra.s32 s12, $0x2;
	[tilespmem:s31+$0x0] =	vst v17  }
0x84: {  	v17 =	vld [tilespmem:s11+$0x4C60]  }
0x85: {  	v18 =	vld [tilespmem:s11+$0x4C50]  }
0x86: {  	v19 =	vld [tilespmem:s11+$0x4C40]  }
0x87: {  	v20 =	vld [tilespmem:s11+$0x4C30]  }
0x88: {  	v21 =	vld [tilespmem:s11+$0x4C20]  }
.Ltmp0:
0x89: {  	v22 =	vld [tilespmem:s11+$0x4C00];
	(pc) =	sbr.rel @p0 .LBB2_2-.Ltmp0, $4  }
0x8a: {  	v23 =	vld [tilespmem:s11+$0xC20]  }
0x8b: {  	v24 =	vld [tilespmem:s11+$0x2C00]  }
0x8c: {  	v25 =	vld [tilespmem:s11+$0xC00]  }
0x8d: {  	s12 =	sadd.s32 $0x200, s12;
	v26 =	vld [tilespmem:s11+$0xC10]  }
0x8e: {  	v27 =	vld [tilespmem:s11+$0x2C10]  }
0x8f: {  	v28 =	vld [tilespmem:s11+$0x2C20]  }
0x90: {  	v29 =	vld [tilespmem:s11+$0x4C10]  }
0x91: {  	v30 =	vld [tilespmem:s11+$0xC30]  }
0x92: {  	v31 =	vld [tilespmem:s11+$0x2C30]  }
0x93: {  	v24 =	vmul.f32 v24, v25;
	v25 =	vmul.f32 v27, v26;
	v26 =	vld [tilespmem:s11+$0xC40]  }
0x94: {  	v23 =	vmul.f32 v28, v23;
	v27 =	vld [tilespmem:s11+$0x2C40]  }
0x95: {  	v62 =	vld [tilespmem:s11+$0x2C50];
	v22 =	vmul.f32 v22, v24;
	v24 =	vmul.f32 v29, v25  }
0x96: {  	v25 =	vld [tilespmem:s11+$0xC50]  }
0x97: {  	v21 =	vmul.f32 v21, v23;
	v23 =	vmul.f32 v31, v30;
	v22 =	vadd.f32 v24, v22  }
0x98: {  	v63 =	vld [tilespmem:s11+$0x2C60]  }
0x99: {  	v24 =	vld [tilespmem:s11+$0xC60];
	v20 =	vmul.f32 v20, v23;
	v21 =	vadd.f32 v21, v22;
	v22 =	vmul.f32 v27, v26  }
0x9a: {  	v23 =	vld [tilespmem:s11+$0xC70]  }
0x9b: {  	v26 =	vld [tilespmem:s11+$0x2C70];
	v20 =	vadd.f32 v20, v21;
	v19 =	vmul.f32 v19, v22;
	v21 =	vmul.f32 v62, v25;
	_ =	sdelay $0x1  }
0x9c: {  	v22 =	vld [tilespmem:s11+$0x4C70];
	v19 =	vadd.f32 v19, v20;
	v18 =	vmul.f32 v18, v21  }
0x9d: {  	s14 =	simm.s32 $0x0;
	v20 =	vmul.f32 v63, v24  }
0x9e: {  	v18 =	vadd.f32 v18, v19;
	v19 =	vmov s14  }
0x9f: {  	v17 =	vmul.f32 v17, v20;
	v20 =	vmul.f32 v26, v23;
	v19 =	vshll.u32 v19, $0x4  }
0xa0: {  	v19 =	vor.u32 v1, v19  }
0xa1: {  	v17 =	vadd.f32 v17, v18;
	v18 =	vmul.f32 v22, v20;
	v20 =	vor.u32 v0, v19  }
0xa2: {  	v21 =	vor.u32 v2, v19  }
0xa3: {  	v17 =	vadd.f32 v18, v17  }
0xa4: {  	s12 =	sadd.s32 $0x10, s31;
	v18 =	vor.u32 v3, v19  }
0xa5: {  	[tilespmem:s12+$0x0] =	vst v17  }
0xa6: {  	v17 =	vor.u32 v4, v19;
	v20 =	vld.idx.msk [tilespmem:v20+s23+$0x0], $0xffff  }
0xa7: {  	v21 =	vld.idx.msk [tilespmem:v21+s23+$0x0], $0xffff  }
0xa8: {  	v22 =	vor.u32 v5, v19  }
0xa9: {  	v18 =	vld.idx.msk [tilespmem:v18+s23+$0x0], $0xffff  }
0xaa: {  	v23 =	vor.u32 v6, v19  }
0xab: {  	v17 =	vld.idx.msk [tilespmem:v17+s23+$0x0], $0xffff  }
0xac: {  	v24 =	vor.u32 v8, v19;
	v20 =	vadd.f32 v21, v20  }
0xad: {  	v21 =	vld.idx.msk [tilespmem:v22+s23+$0x0], $0xffff  }
0xae: {  	v22 =	vor.u32 v9, v19;
	v18 =	vadd.f32 v18, v20  }
0xaf: {  	v20 =	vld.idx.msk [tilespmem:v23+s23+$0x0], $0xffff  }
0xb0: {  	v23 =	vor.u32 v7, v19;
	v17 =	vadd.f32 v17, v18  }
0xb1: {  	v18 =	vld.idx.msk [tilespmem:v24+s23+$0x0], $0xffff  }
0xb2: {  	v24 =	vor.u32 v10, v19;
	v17 =	vadd.f32 v21, v17  }
0xb3: {  	v21 =	vld.idx.msk [tilespmem:v22+s23+$0x0], $0xffff  }
0xb4: {  	v22 =	vor.u32 v11, v19;
	v17 =	vadd.f32 v20, v17  }
0xb5: {  	v20 =	vld.idx.msk [tilespmem:v23+s23+$0x0], $0xffff  }
0xb6: {  	v23 =	vor.u32 v12, v19;
	v17 =	vadd.f32 v18, v17  }
0xb7: {  	v18 =	vld.idx.msk [tilespmem:v24+s23+$0x0], $0xffff  }
0xb8: {  	v24 =	vor.u32 v13, v19;
	v17 =	vadd.f32 v21, v17  }
0xb9: {  	v21 =	vld.idx.msk [tilespmem:v22+s23+$0x0], $0xffff  }
0xba: {  	v22 =	vor.u32 v14, v19;
	v17 =	vadd.f32 v20, v17  }
0xbb: {  	v20 =	vld.idx.msk [tilespmem:v23+s23+$0x0], $0xffff  }
0xbc: {  	v23 =	vor.u32 v15, v19;
	v17 =	vadd.f32 v18, v17  }
0xbd: {  	v18 =	vld.idx.msk [tilespmem:v24+s23+$0x0], $0xffff  }
0xbe: {  	v19 =	vor.u32 v16, v19;
	v17 =	vadd.f32 v21, v17  }
0xbf: {  	v21 =	vld.idx.msk [tilespmem:v22+s23+$0x0], $0xffff  }
0xc0: {  	v17 =	vadd.f32 v20, v17  }
0xc1: {  	v20 =	vld.idx.msk [tilespmem:v23+s23+$0x0], $0xffff  }
0xc2: {  	s14 =	simm.s32 $0x10;
	v17 =	vadd.f32 v18, v17  }
0xc3: {  	v25 =	vld.idx.msk [tilespmem:v19+s23+$0x0], $0xffff;
	v18 =	vmov s14  }
0xc4: {  	v18 =	vshll.u32 v18, $0x4;
	v19 =	vadd.f32 v21, v17  }
0xc5: {  	v17 =	vor.u32 v1, v18  }
0xc6: {  	v24 =	vor.u32 v0, v17;
	v21 =	vor.u32 v2, v17;
	v26 =	vadd.f32 v20, v19  }
0xc7: {  	v23 =	vor.u32 v3, v17;
	v22 =	vor.u32 v4, v17;
	v18 =	vor.u32 v8, v17  }
0xc8: {  	s31 =	simm.s32 $0x19000;
	s11 =	simm.s32 $0x20;
	s12 =	simm.s32 $0x19000;
	v20 =	vor.u32 v5, v17;
	v19 =	vor.u32 v6, v17;
	v25 =	vadd.f32 v25, v26  }
.LBB2_4:
0xc9: {  	p0 =	sne.s32 s11, $0x30  }
0xca: {  	v26 =	vor.u32 v9, v17;
	v27 =	vor.u32 v7, v17;
	v28 =	vor.u32 v10, v17;
	s31 =	sadd.s32 $0x10, s31;
	s14 =	smov.u32 s11;
	s11 =	sadd.s32 $0x10, s11  }
0xcb: {  	v29 =	vor.u32 v11, v17;
	v30 =	vor.u32 v12, v17;
	v31 =	vor.u32 v13, v17;
	[tilespmem:s12+$0x0] =	vst v25;
	s12 =	smov.u32 s31  }
0xcc: {  	v32 =	vor.u32 v15, v17;
	v25 =	vor.u32 v14, v17;
	v17 =	vor.u32 v16, v17;
	v24 =	vld.idx.msk [tilespmem:v24+s23+$0x0], $0xffff  }
0xcd: {  	v21 =	vld.idx.msk [tilespmem:v21+s23+$0x0], $0xffff  }
0xce: {  	v23 =	vld.idx.msk [tilespmem:v23+s23+$0x0], $0xffff;
	_ =	sdelay $0x1  }
0xcf: {  	v22 =	vld.idx.msk [tilespmem:v22+s23+$0x0], $0xffff;
	_ =	sdelay $0x1  }
0xd0: {  	v20 =	vld.idx.msk [tilespmem:v20+s23+$0x0], $0xffff  }
0xd1: {  	v21 =	vadd.f32 v21, v24  }
0xd2: {  	v19 =	vld.idx.msk [tilespmem:v19+s23+$0x0], $0xffff  }
0xd3: {  	v21 =	vadd.f32 v23, v21  }
0xd4: {  	v18 =	vld.idx.msk [tilespmem:v18+s23+$0x0], $0xffff  }
0xd5: {  	v21 =	vadd.f32 v22, v21  }
0xd6: {  	v22 =	vld.idx.msk [tilespmem:v26+s23+$0x0], $0xffff  }
0xd7: {  	v20 =	vadd.f32 v20, v21  }
0xd8: {  	v21 =	vld.idx.msk [tilespmem:v27+s23+$0x0], $0xffff  }
0xd9: {  	v19 =	vadd.f32 v19, v20  }
0xda: {  	v20 =	vld.idx.msk [tilespmem:v28+s23+$0x0], $0xffff  }
0xdb: {  	v18 =	vadd.f32 v18, v19  }
0xdc: {  	v19 =	vld.idx.msk [tilespmem:v29+s23+$0x0], $0xffff  }
0xdd: {  	v18 =	vadd.f32 v22, v18  }
0xde: {  	v22 =	vld.idx.msk [tilespmem:v30+s23+$0x0], $0xffff  }
0xdf: {  	v18 =	vadd.f32 v21, v18  }
0xe0: {  	v21 =	vld.idx.msk [tilespmem:v31+s23+$0x0], $0xffff  }
0xe1: {  	v18 =	vadd.f32 v20, v18  }
0xe2: {  	v20 =	vld.idx.msk [tilespmem:v25+s23+$0x0], $0xffff  }
0xe3: {  	v18 =	vadd.f32 v19, v18  }
0xe4: {  	v19 =	vld.idx.msk [tilespmem:v32+s23+$0x0], $0xffff  }
0xe5: {  	v18 =	vadd.f32 v22, v18  }
0xe6: {  	v25 =	vld.idx.msk [tilespmem:v17+s23+$0x0], $0xffff  }
0xe7: {  	v17 =	vadd.f32 v21, v18  }
0xe8: {  	v18 =	vmov s14  }
.Ltmp1:
0xe9: {  	v18 =	vshll.u32 v18, $0x4;
	v20 =	vadd.f32 v20, v17;
	(pc) =	sbr.rel @p0 .LBB2_4-.Ltmp1, $4  }
0xea: {  	v17 =	vor.u32 v1, v18  }
0xeb: {  	v24 =	vor.u32 v0, v17;
	v21 =	vor.u32 v2, v17;
	v26 =	vadd.f32 v19, v20  }
0xec: {  	v23 =	vor.u32 v3, v17;
	v22 =	vor.u32 v4, v17;
	v20 =	vor.u32 v5, v17  }
0xed: {  	v18 =	vor.u32 v8, v17;
	v19 =	vor.u32 v6, v17;
	v25 =	vadd.f32 v25, v26  }
0xee: {  	_ =	sdelay $0x2  }
0xef: {  	[tilespmem:s12+$0x0] =	vst v25  }
0xf0: {  	v24 =	vld.idx.msk [tilespmem:v24+s23+$0x0], $0xffff  }
0xf1: {  	v21 =	vld.idx.msk [tilespmem:v21+s23+$0x0], $0xffff;
	_ =	sdelay $0x1  }
0xf2: {  	v23 =	vld.idx.msk [tilespmem:v23+s23+$0x0], $0xffff;
	_ =	sdelay $0x1  }
0xf3: {  	v22 =	vld.idx.msk [tilespmem:v22+s23+$0x0], $0xffff  }
0xf4: {  	v21 =	vadd.f32 v21, v24  }
0xf5: {  	v20 =	vld.idx.msk [tilespmem:v20+s23+$0x0], $0xffff  }
0xf6: {  	v24 =	vor.u32 v9, v17;
	v21 =	vadd.f32 v23, v21  }
0xf7: {  	v19 =	vld.idx.msk [tilespmem:v19+s23+$0x0], $0xffff  }
0xf8: {  	v23 =	vor.u32 v7, v17;
	v21 =	vadd.f32 v22, v21  }
0xf9: {  	v18 =	vld.idx.msk [tilespmem:v18+s23+$0x0], $0xffff  }
0xfa: {  	v22 =	vor.u32 v10, v17;
	v20 =	vadd.f32 v20, v21  }
0xfb: {  	v21 =	vld.idx.msk [tilespmem:v24+s23+$0x0], $0xffff  }
0xfc: {  	v24 =	vor.u32 v11, v17;
	v19 =	vadd.f32 v19, v20  }
0xfd: {  	v20 =	vld.idx.msk [tilespmem:v23+s23+$0x0], $0xffff  }
0xfe: {  	v23 =	vor.u32 v12, v17;
	v18 =	vadd.f32 v18, v19  }
0xff: {  	v19 =	vld.idx.msk [tilespmem:v22+s23+$0x0], $0xffff  }
0x100: {  	v22 =	vor.u32 v13, v17;
	v18 =	vadd.f32 v21, v18  }
0x101: {  	v21 =	vld.idx.msk [tilespmem:v24+s23+$0x0], $0xffff  }
0x102: {  	v24 =	vor.u32 v14, v17;
	v18 =	vadd.f32 v20, v18  }
0x103: {  	v20 =	vld.idx.msk [tilespmem:v23+s23+$0x0], $0xffff  }
0x104: {  	v23 =	vor.u32 v15, v17;
	v18 =	vadd.f32 v19, v18  }
0x105: {  	v19 =	vld.idx.msk [tilespmem:v22+s23+$0x0], $0xffff  }
0x106: {  	v17 =	vor.u32 v16, v17;
	v18 =	vadd.f32 v21, v18  }
0x107: {  	v21 =	vld.idx.msk [tilespmem:v24+s23+$0x0], $0xffff  }
0x108: {  	v18 =	vadd.f32 v20, v18  }
0x109: {  	v20 =	vld.idx.msk [tilespmem:v23+s23+$0x0], $0xffff  }
0x10a: {  	v18 =	vadd.f32 v19, v18  }
0x10b: {  	v17 =	vld.idx.msk [tilespmem:v17+s23+$0x0], $0xffff  }
0x10c: {  	v18 =	vadd.f32 v21, v18;
	_ =	sdelay $0x1  }
0x10d: {  	v18 =	vadd.f32 v20, v18;
	_ =	sdelay $0x1  }
0x10e: {  	v17 =	vadd.f32 v17, v18  }
0x10f: {  	s11 =	sadd.s32 $0x10, s31  }
0x110: {  	[tilespmem:s11+$0x0] =	vst v17  }
0x111: {  	_ =	swait.ge [sflag:s25], $0x2000  }
0x112: {  	[sflag:s25] =	ssyncset.done $0x0  }
0x113: {  	[sflag:s25] =	ssyncadd.s32 $0xFFFFE000  }
0x114: {  	_ =	swait.ge [sflag:s25], $0x2000  }
0x115: {  	[sflag:s25] =	ssyncset.done $0x0  }
0x116: {  	[sflag:s25] =	ssyncadd.s32 $0xFFFFE000  }
0x117: {  	_ =	swait.ge [sflag:s25], $0x2000  }
0x118: {  	[sflag:s25] =	ssyncset.done $0x0  }
0x119: {  	s14 =	simm.s32 $0x200;
	s12 =	simm.s32 $0xC00;
	[sflag:s25] =	ssyncadd.s32 $0xFFFFE000  }
0x11a: {  	[tilespmem:s12], [sflag:$0x1] =	stream.indirect.gather [hbm4b:s0+s13], $0x80, s14, s13, $0xb8;
	[tilespmem:$0x19200] =	vst v63  }
0x11b: {  	s14 =	simm.s32 $0x600  }
0x11c: {  	[tilespmem:s15], [sflag:$0x1] =	stream.indirect.gather [hbm4b:s1+s13], $0x80, s14, s13, $0xb8;
	[tilespmem:$0x19200] =	vst v63  }
0x11d: {  	s12 =	simm.s32 $0xA00;
	s14 =	simm.s32 $0x0  }
0x11e: {  	[tilespmem:s16], [sflag:$0x1] =	stream.indirect.gather [hbm4b:s0+s13], $0x80, s12, s13, $0xb8;
	[tilespmem:$0x19200] =	vst v63  }
0x11f: {  	v17 =	vld [tilespmem:s14+$0xAC60]  }
0x120: {  	v18 =	vld [tilespmem:s14+$0xAC50]  }
0x121: {  	v19 =	vld [tilespmem:s14+$0xAC40]  }
0x122: {  	v20 =	vld [tilespmem:s14+$0xAC30]  }
0x123: {  	v21 =	vld [tilespmem:s14+$0xAC20]  }
0x124: {  	v22 =	vld [tilespmem:s14+$0xAC00]  }
0x125: {  	v23 =	vld [tilespmem:s14+$0x6C20]  }
0x126: {  	v24 =	vld [tilespmem:s14+$0x8C00]  }
0x127: {  	v25 =	vld [tilespmem:s14+$0x6C00]  }
0x128: {  	v26 =	vld [tilespmem:s14+$0x6C10]  }
0x129: {  	v27 =	vld [tilespmem:s14+$0x8C10]  }
0x12a: {  	v28 =	vld [tilespmem:s14+$0x8C20]  }
0x12b: {  	v29 =	vld [tilespmem:s14+$0xAC10]  }
0x12c: {  	v30 =	vld [tilespmem:s14+$0x6C30]  }
0x12d: {  	v31 =	vld [tilespmem:s14+$0x8C30]  }
0x12e: {  	v24 =	vmul.f32 v24, v25;
	v25 =	vmul.f32 v27, v26;
	v26 =	vld [tilespmem:s14+$0x6C40]  }
0x12f: {  	v23 =	vmul.f32 v28, v23;
	v27 =	vld [tilespmem:s14+$0x8C40]  }
0x130: {  	v62 =	vld [tilespmem:s14+$0x8C50];
	v22 =	vmul.f32 v22, v24;
	v24 =	vmul.f32 v29, v25  }
0x131: {  	v25 =	vld [tilespmem:s14+$0x6C50]  }
0x132: {  	v63 =	vld [tilespmem:s14+$0x8C60];
	v21 =	vmul.f32 v21, v23;
	v23 =	vmul.f32 v31, v30;
	v22 =	vadd.f32 v24, v22  }
0x133: {  	v24 =	vld [tilespmem:s14+$0x6C60]  }
0x134: {  	v20 =	vmul.f32 v20, v23;
	v23 =	vld [tilespmem:s14+$0x6C70];
	v21 =	vadd.f32 v21, v22;
	v22 =	vmul.f32 v27, v26  }
0x135: {  	v26 =	vld [tilespmem:s14+$0x8C70]  }
0x136: {  	v20 =	vadd.f32 v20, v21;
	v19 =	vmul.f32 v19, v22;
	v21 =	vmul.f32 v62, v25  }
0x137: {  	v22 =	vld [tilespmem:s14+$0xAC70]  }
0x138: {  	v19 =	vadd.f32 v19, v20;
	v18 =	vmul.f32 v18, v21;
	v20 =	vmul.f32 v63, v24;
	_ =	sdelay $0x1  }
0x139: {  	v18 =	vadd.f32 v18, v19;
	v17 =	vmul.f32 v17, v20;
	v19 =	vmul.f32 v26, v23;
	_ =	sdelay $0x1  }
0x13a: {  	v17 =	vadd.f32 v17, v18;
	v18 =	vmul.f32 v22, v19;
	_ =	sdelay $0x1  }
0x13b: {  	v17 =	vadd.f32 v18, v17  }
0x13c: {  	s31 =	simm.s32 $0x18C00  }
0x13d: {  	s12 =	simm.s32 $0x80;
	[tilespmem:s31+$0x0] =	vst v17  }
0x13e: {  	v17 =	vld [tilespmem:s12+$0xAC60]  }
0x13f: {  	v18 =	vld [tilespmem:s12+$0xAC50]  }
0x140: {  	v19 =	vld [tilespmem:s12+$0xAC40]  }
0x141: {  	v20 =	vld [tilespmem:s12+$0xAC30]  }
0x142: {  	v21 =	vld [tilespmem:s12+$0xAC20]  }
0x143: {  	v22 =	vld [tilespmem:s12+$0xAC00]  }
0x144: {  	v23 =	vld [tilespmem:s12+$0x6C20]  }
0x145: {  	v24 =	vld [tilespmem:s12+$0x8C00]  }
0x146: {  	v25 =	vld [tilespmem:s12+$0x6C00]  }
0x147: {  	s11 =	simm.s32 $0x0;
	s14 =	simm.s32 $0x400;
	v26 =	vld [tilespmem:s12+$0x6C10]  }
.LBB2_6:
0x148: {  	p0 =	sne.s32 s14, $0x7E00;
	v27 =	vld [tilespmem:s12+$0x8C10]  }
0x149: {  	v28 =	vld [tilespmem:s12+$0x8C20]  }
0x14a: {  	v29 =	vld [tilespmem:s12+$0xAC10]  }
0x14b: {  	v30 =	vld [tilespmem:s12+$0x6C30]  }
0x14c: {  	v31 =	vld [tilespmem:s12+$0x8C30]  }
0x14d: {  	v24 =	vmul.f32 v24, v25;
	v25 =	vmul.f32 v27, v26;
	v26 =	vld [tilespmem:s12+$0x6C40]  }
0x14e: {  	v23 =	vmul.f32 v28, v23;
	v27 =	vld [tilespmem:s12+$0x8C40]  }
0x14f: {  	v22 =	vmul.f32 v22, v24;
	v24 =	vmul.f32 v29, v25;
	v25 =	vld [tilespmem:s12+$0x6C50]  }
0x150: {  	v28 =	vld [tilespmem:s12+$0x8C50]  }
0x151: {  	v21 =	vmul.f32 v21, v23;
	v22 =	vadd.f32 v24, v22;
	v23 =	vmul.f32 v31, v30;
	v24 =	vld [tilespmem:s12+$0x6C60]  }
0x152: {  	v29 =	vld [tilespmem:s12+$0x8C60]  }
0x153: {  	v21 =	vadd.f32 v21, v22;
	v20 =	vmul.f32 v20, v23;
	v22 =	vmul.f32 v27, v26;
	v23 =	vld [tilespmem:s12+$0x6C70]  }
0x154: {  	v26 =	vld [tilespmem:s12+$0x8C70]  }
0x155: {  	v20 =	vadd.f32 v20, v21;
	v19 =	vmul.f32 v19, v22;
	v21 =	vmul.f32 v28, v25  }
0x156: {  	v22 =	vld [tilespmem:s12+$0xAC70]  }
0x157: {  	v19 =	vadd.f32 v19, v20;
	v18 =	vmul.f32 v18, v21;
	v20 =	vmul.f32 v29, v24;
	_ =	sdelay $0x1  }
0x158: {  	v18 =	vadd.f32 v18, v19;
	v17 =	vmul.f32 v17, v20;
	v19 =	vmul.f32 v26, v23;
	_ =	sdelay $0x1  }
0x159: {  	v17 =	vadd.f32 v17, v18;
	v18 =	vmul.f32 v22, v19;
	_ =	sdelay $0x1  }
0x15a: {  	v17 =	vadd.f32 v18, v17  }
0x15b: {  	s31 =	sadd.s32 $0x10, s31  }
0x15c: {  	s12 =	sshra.s32 s14, $0x2;
	[tilespmem:s31+$0x0] =	vst v17  }
0x15d: {  	v17 =	vld [tilespmem:s12+$0xAC60]  }
0x15e: {  	v18 =	vld [tilespmem:s12+$0xAC50]  }
0x15f: {  	v19 =	vld [tilespmem:s12+$0xAC40]  }
0x160: {  	v20 =	vld [tilespmem:s12+$0xAC30]  }
0x161: {  	v21 =	vld [tilespmem:s12+$0xAC20]  }
.Ltmp2:
0x162: {  	v22 =	vld [tilespmem:s12+$0xAC00];
	(pc) =	sbr.rel @p0 .LBB2_6-.Ltmp2, $4  }
0x163: {  	v23 =	vld [tilespmem:s12+$0x6C20]  }
0x164: {  	v24 =	vld [tilespmem:s12+$0x8C00]  }
0x165: {  	v25 =	vld [tilespmem:s12+$0x6C00]  }
0x166: {  	s14 =	sadd.s32 $0x200, s14;
	v26 =	vld [tilespmem:s12+$0x6C10]  }
0x167: {  	v27 =	vld [tilespmem:s12+$0x8C10]  }
0x168: {  	v28 =	vld [tilespmem:s12+$0x8C20]  }
0x169: {  	v29 =	vld [tilespmem:s12+$0xAC10]  }
0x16a: {  	v30 =	vld [tilespmem:s12+$0x6C30]  }
0x16b: {  	v31 =	vld [tilespmem:s12+$0x8C30]  }
0x16c: {  	v24 =	vmul.f32 v24, v25;
	v25 =	vmul.f32 v27, v26;
	v26 =	vld [tilespmem:s12+$0x6C40]  }
0x16d: {  	v23 =	vmul.f32 v28, v23;
	v27 =	vld [tilespmem:s12+$0x8C40]  }
0x16e: {  	v62 =	vld [tilespmem:s12+$0x8C50];
	v22 =	vmul.f32 v22, v24;
	v24 =	vmul.f32 v29, v25  }
0x16f: {  	v25 =	vld [tilespmem:s12+$0x6C50]  }
0x170: {  	v21 =	vmul.f32 v21, v23;
	v23 =	vmul.f32 v31, v30;
	v22 =	vadd.f32 v24, v22  }
0x171: {  	v63 =	vld [tilespmem:s12+$0x8C60]  }
0x172: {  	v24 =	vld [tilespmem:s12+$0x6C60];
	v20 =	vmul.f32 v20, v23;
	v21 =	vadd.f32 v21, v22;
	v22 =	vmul.f32 v27, v26  }
0x173: {  	v23 =	vld [tilespmem:s12+$0x6C70]  }
0x174: {  	v26 =	vld [tilespmem:s12+$0x8C70];
	v20 =	vadd.f32 v20, v21;
	v19 =	vmul.f32 v19, v22;
	v21 =	vmul.f32 v62, v25;
	_ =	sdelay $0x1  }
0x175: {  	v22 =	vld [tilespmem:s12+$0xAC70];
	v19 =	vadd.f32 v19, v20;
	v18 =	vmul.f32 v18, v21  }
0x176: {  	v20 =	vmul.f32 v63, v24  }
0x177: {  	v18 =	vadd.f32 v18, v19;
	v19 =	vmov s11  }
0x178: {  	v17 =	vmul.f32 v17, v20;
	v20 =	vmul.f32 v26, v23;
	v19 =	vshll.u32 v19, $0x4  }
0x179: {  	v19 =	vor.u32 v1, v19  }
0x17a: {  	v17 =	vadd.f32 v17, v18;
	v18 =	vmul.f32 v22, v20;
	v20 =	vor.u32 v0, v19  }
0x17b: {  	v21 =	vor.u32 v2, v19  }
0x17c: {  	v17 =	vadd.f32 v18, v17  }
0x17d: {  	s12 =	sadd.s32 $0x10, s31;
	v18 =	vor.u32 v3, v19  }
0x17e: {  	[tilespmem:s12+$0x0] =	vst v17  }
0x17f: {  	v17 =	vor.u32 v4, v19;
	v20 =	vld.idx.msk [tilespmem:v20+s23+$0x0], $0xffff  }
0x180: {  	v21 =	vld.idx.msk [tilespmem:v21+s23+$0x0], $0xffff  }
0x181: {  	v22 =	vor.u32 v5, v19  }
0x182: {  	v18 =	vld.idx.msk [tilespmem:v18+s23+$0x0], $0xffff  }
0x183: {  	v23 =	vor.u32 v6, v19  }
0x184: {  	v17 =	vld.idx.msk [tilespmem:v17+s23+$0x0], $0xffff  }
0x185: {  	v24 =	vor.u32 v8, v19;
	v20 =	vadd.f32 v21, v20  }
0x186: {  	v21 =	vld.idx.msk [tilespmem:v22+s23+$0x0], $0xffff  }
0x187: {  	v22 =	vor.u32 v9, v19;
	v18 =	vadd.f32 v18, v20  }
0x188: {  	v20 =	vld.idx.msk [tilespmem:v23+s23+$0x0], $0xffff  }
0x189: {  	v23 =	vor.u32 v7, v19;
	v17 =	vadd.f32 v17, v18  }
0x18a: {  	v18 =	vld.idx.msk [tilespmem:v24+s23+$0x0], $0xffff  }
0x18b: {  	v24 =	vor.u32 v10, v19;
	v17 =	vadd.f32 v21, v17  }
0x18c: {  	v21 =	vld.idx.msk [tilespmem:v22+s23+$0x0], $0xffff  }
0x18d: {  	v22 =	vor.u32 v11, v19;
	v17 =	vadd.f32 v20, v17  }
0x18e: {  	v20 =	vld.idx.msk [tilespmem:v23+s23+$0x0], $0xffff  }
0x18f: {  	v23 =	vor.u32 v12, v19;
	v17 =	vadd.f32 v18, v17  }
0x190: {  	v18 =	vld.idx.msk [tilespmem:v24+s23+$0x0], $0xffff  }
0x191: {  	v24 =	vor.u32 v13, v19;
	v17 =	vadd.f32 v21, v17  }
0x192: {  	v21 =	vld.idx.msk [tilespmem:v22+s23+$0x0], $0xffff  }
0x193: {  	v22 =	vor.u32 v14, v19;
	v17 =	vadd.f32 v20, v17  }
0x194: {  	v20 =	vld.idx.msk [tilespmem:v23+s23+$0x0], $0xffff  }
0x195: {  	v23 =	vor.u32 v15, v19;
	v17 =	vadd.f32 v18, v17  }
0x196: {  	v18 =	vld.idx.msk [tilespmem:v24+s23+$0x0], $0xffff  }
0x197: {  	v19 =	vor.u32 v16, v19;
	v17 =	vadd.f32 v21, v17  }
0x198: {  	v21 =	vld.idx.msk [tilespmem:v22+s23+$0x0], $0xffff  }
0x199: {  	v17 =	vadd.f32 v20, v17  }
0x19a: {  	v20 =	vld.idx.msk [tilespmem:v23+s23+$0x0], $0xffff  }
0x19b: {  	s14 =	simm.s32 $0x10;
	v17 =	vadd.f32 v18, v17  }
0x19c: {  	v25 =	vld.idx.msk [tilespmem:v19+s23+$0x0], $0xffff;
	v18 =	vmov s14  }
0x19d: {  	v18 =	vshll.u32 v18, $0x4;
	v19 =	vadd.f32 v21, v17  }
0x19e: {  	v17 =	vor.u32 v1, v18  }
0x19f: {  	v24 =	vor.u32 v0, v17;
	v21 =	vor.u32 v2, v17;
	v26 =	vadd.f32 v20, v19  }
0x1a0: {  	v23 =	vor.u32 v3, v17;
	v22 =	vor.u32 v4, v17;
	v18 =	vor.u32 v8, v17  }
0x1a1: {  	s31 =	simm.s32 $0x19040;
	s11 =	simm.s32 $0x20;
	s12 =	simm.s32 $0x19040;
	v20 =	vor.u32 v5, v17;
	v19 =	vor.u32 v6, v17;
	v25 =	vadd.f32 v25, v26  }
.LBB2_8:
0x1a2: {  	p0 =	sne.s32 s11, $0x30  }
0x1a3: {  	v26 =	vor.u32 v9, v17;
	v27 =	vor.u32 v7, v17;
	v28 =	vor.u32 v10, v17;
	s31 =	sadd.s32 $0x10, s31;
	s14 =	smov.u32 s11;
	s11 =	sadd.s32 $0x10, s11  }
0x1a4: {  	v29 =	vor.u32 v11, v17;
	v30 =	vor.u32 v12, v17;
	v31 =	vor.u32 v13, v17;
	[tilespmem:s12+$0x0] =	vst v25;
	s12 =	smov.u32 s31  }
0x1a5: {  	v32 =	vor.u32 v15, v17;
	v25 =	vor.u32 v14, v17;
	v17 =	vor.u32 v16, v17;
	v24 =	vld.idx.msk [tilespmem:v24+s23+$0x0], $0xffff  }
0x1a6: {  	v21 =	vld.idx.msk [tilespmem:v21+s23+$0x0], $0xffff  }
0x1a7: {  	v23 =	vld.idx.msk [tilespmem:v23+s23+$0x0], $0xffff;
	_ =	sdelay $0x1  }
0x1a8: {  	v22 =	vld.idx.msk [tilespmem:v22+s23+$0x0], $0xffff;
	_ =	sdelay $0x1  }
0x1a9: {  	v20 =	vld.idx.msk [tilespmem:v20+s23+$0x0], $0xffff  }
0x1aa: {  	v21 =	vadd.f32 v21, v24  }
0x1ab: {  	v19 =	vld.idx.msk [tilespmem:v19+s23+$0x0], $0xffff  }
0x1ac: {  	v21 =	vadd.f32 v23, v21  }
0x1ad: {  	v18 =	vld.idx.msk [tilespmem:v18+s23+$0x0], $0xffff  }
0x1ae: {  	v21 =	vadd.f32 v22, v21  }
0x1af: {  	v22 =	vld.idx.msk [tilespmem:v26+s23+$0x0], $0xffff  }
0x1b0: {  	v20 =	vadd.f32 v20, v21  }
0x1b1: {  	v21 =	vld.idx.msk [tilespmem:v27+s23+$0x0], $0xffff  }
0x1b2: {  	v19 =	vadd.f32 v19, v20  }
0x1b3: {  	v20 =	vld.idx.msk [tilespmem:v28+s23+$0x0], $0xffff  }
0x1b4: {  	v18 =	vadd.f32 v18, v19  }
0x1b5: {  	v19 =	vld.idx.msk [tilespmem:v29+s23+$0x0], $0xffff  }
0x1b6: {  	v18 =	vadd.f32 v22, v18  }
0x1b7: {  	v22 =	vld.idx.msk [tilespmem:v30+s23+$0x0], $0xffff  }
0x1b8: {  	v18 =	vadd.f32 v21, v18  }
0x1b9: {  	v21 =	vld.idx.msk [tilespmem:v31+s23+$0x0], $0xffff  }
0x1ba: {  	v18 =	vadd.f32 v20, v18  }
0x1bb: {  	v20 =	vld.idx.msk [tilespmem:v25+s23+$0x0], $0xffff  }
0x1bc: {  	v18 =	vadd.f32 v19, v18  }
0x1bd: {  	v19 =	vld.idx.msk [tilespmem:v32+s23+$0x0], $0xffff  }
0x1be: {  	v18 =	vadd.f32 v22, v18  }
0x1bf: {  	v25 =	vld.idx.msk [tilespmem:v17+s23+$0x0], $0xffff  }
0x1c0: {  	v17 =	vadd.f32 v21, v18  }
0x1c1: {  	v18 =	vmov s14  }
.Ltmp3:
0x1c2: {  	v18 =	vshll.u32 v18, $0x4;
	v20 =	vadd.f32 v20, v17;
	(pc) =	sbr.rel @p0 .LBB2_8-.Ltmp3, $4  }
0x1c3: {  	v17 =	vor.u32 v1, v18  }
0x1c4: {  	v24 =	vor.u32 v0, v17;
	v21 =	vor.u32 v2, v17;
	v26 =	vadd.f32 v19, v20  }
0x1c5: {  	v23 =	vor.u32 v3, v17;
	v22 =	vor.u32 v4, v17;
	v20 =	vor.u32 v5, v17  }
0x1c6: {  	v18 =	vor.u32 v8, v17;
	v19 =	vor.u32 v6, v17;
	v25 =	vadd.f32 v25, v26  }
0x1c7: {  	_ =	sdelay $0x2  }
0x1c8: {  	[tilespmem:s12+$0x0] =	vst v25  }
0x1c9: {  	v24 =	vld.idx.msk [tilespmem:v24+s23+$0x0], $0xffff  }
0x1ca: {  	v21 =	vld.idx.msk [tilespmem:v21+s23+$0x0], $0xffff;
	_ =	sdelay $0x1  }
0x1cb: {  	v23 =	vld.idx.msk [tilespmem:v23+s23+$0x0], $0xffff;
	_ =	sdelay $0x1  }
0x1cc: {  	v22 =	vld.idx.msk [tilespmem:v22+s23+$0x0], $0xffff  }
0x1cd: {  	v21 =	vadd.f32 v21, v24  }
0x1ce: {  	v20 =	vld.idx.msk [tilespmem:v20+s23+$0x0], $0xffff  }
0x1cf: {  	v24 =	vor.u32 v9, v17;
	v21 =	vadd.f32 v23, v21  }
0x1d0: {  	v19 =	vld.idx.msk [tilespmem:v19+s23+$0x0], $0xffff  }
0x1d1: {  	v23 =	vor.u32 v7, v17;
	v21 =	vadd.f32 v22, v21  }
0x1d2: {  	v18 =	vld.idx.msk [tilespmem:v18+s23+$0x0], $0xffff  }
0x1d3: {  	v22 =	vor.u32 v10, v17;
	v20 =	vadd.f32 v20, v21  }
0x1d4: {  	v21 =	vld.idx.msk [tilespmem:v24+s23+$0x0], $0xffff  }
0x1d5: {  	v24 =	vor.u32 v11, v17;
	v19 =	vadd.f32 v19, v20  }
0x1d6: {  	v20 =	vld.idx.msk [tilespmem:v23+s23+$0x0], $0xffff  }
0x1d7: {  	v23 =	vor.u32 v12, v17;
	v18 =	vadd.f32 v18, v19  }
0x1d8: {  	v19 =	vld.idx.msk [tilespmem:v22+s23+$0x0], $0xffff  }
0x1d9: {  	v22 =	vor.u32 v13, v17;
	v18 =	vadd.f32 v21, v18  }
0x1da: {  	v21 =	vld.idx.msk [tilespmem:v24+s23+$0x0], $0xffff  }
0x1db: {  	v24 =	vor.u32 v14, v17;
	v18 =	vadd.f32 v20, v18  }
0x1dc: {  	v20 =	vld.idx.msk [tilespmem:v23+s23+$0x0], $0xffff  }
0x1dd: {  	v23 =	vor.u32 v15, v17;
	v18 =	vadd.f32 v19, v18  }
0x1de: {  	v19 =	vld.idx.msk [tilespmem:v22+s23+$0x0], $0xffff  }
0x1df: {  	v17 =	vor.u32 v16, v17;
	v18 =	vadd.f32 v21, v18  }
0x1e0: {  	v21 =	vld.idx.msk [tilespmem:v24+s23+$0x0], $0xffff  }
0x1e1: {  	v18 =	vadd.f32 v20, v18  }
0x1e2: {  	v20 =	vld.idx.msk [tilespmem:v23+s23+$0x0], $0xffff  }
0x1e3: {  	v18 =	vadd.f32 v19, v18  }
0x1e4: {  	v17 =	vld.idx.msk [tilespmem:v17+s23+$0x0], $0xffff  }
0x1e5: {  	v18 =	vadd.f32 v21, v18;
	_ =	sdelay $0x1  }
0x1e6: {  	v18 =	vadd.f32 v20, v18;
	_ =	sdelay $0x1  }
0x1e7: {  	v17 =	vadd.f32 v17, v18  }
0x1e8: {  	s11 =	sadd.s32 $0x10, s31  }
0x1e9: {  	[tilespmem:s11+$0x0] =	vst v17  }
0x1ea: {  	_ =	swait.ge [sflag:s19], $0x2000  }
0x1eb: {  	[sflag:s19] =	ssyncset.done $0x0  }
0x1ec: {  	[sflag:s19] =	ssyncadd.s32 $0xFFFFE000  }
0x1ed: {  	_ =	swait.ge [sflag:s19], $0x2000  }
0x1ee: {  	[sflag:s19] =	ssyncset.done $0x0  }
0x1ef: {  	[sflag:s19] =	ssyncadd.s32 $0xFFFFE000  }
0x1f0: {  	_ =	swait.ge [sflag:s19], $0x2000  }
0x1f1: {  	[sflag:s19] =	ssyncset.done $0x0  }
0x1f2: {  	s12 =	simm.s32 $0x280;
	[sflag:s19] =	ssyncadd.s32 $0xFFFFE000  }
0x1f3: {  	[tilespmem:s17], [sflag:$0x2] =	stream.indirect.gather [hbm4b:s0+s13], $0x80, s12, s13, $0xb8;
	[tilespmem:$0x19200] =	vst v63  }
0x1f4: {  	s14 =	simm.s32 $0x680  }
0x1f5: {  	[tilespmem:s20], [sflag:$0x2] =	stream.indirect.gather [hbm4b:s1+s13], $0x80, s14, s13, $0xb8;
	[tilespmem:$0x19200] =	vst v63  }
0x1f6: {  	s12 =	simm.s32 $0xA80;
	s14 =	simm.s32 $0x0  }
0x1f7: {  	[tilespmem:s22], [sflag:$0x2] =	stream.indirect.gather [hbm4b:s0+s13], $0x80, s12, s13, $0xb8;
	[tilespmem:$0x19200] =	vst v63  }
0x1f8: {  	v17 =	vld [tilespmem:s14+$0x10C60]  }
0x1f9: {  	v18 =	vld [tilespmem:s14+$0x10C50]  }
0x1fa: {  	v19 =	vld [tilespmem:s14+$0x10C40]  }
0x1fb: {  	v20 =	vld [tilespmem:s14+$0x10C30]  }
0x1fc: {  	v21 =	vld [tilespmem:s14+$0x10C20]  }
0x1fd: {  	v22 =	vld [tilespmem:s14+$0x10C00]  }
0x1fe: {  	v23 =	vld [tilespmem:s14+$0xCC20]  }
0x1ff: {  	v24 =	vld [tilespmem:s14+$0xEC00]  }
0x200: {  	v25 =	vld [tilespmem:s14+$0xCC00]  }
0x201: {  	v26 =	vld [tilespmem:s14+$0xCC10]  }
0x202: {  	v27 =	vld [tilespmem:s14+$0xEC10]  }
0x203: {  	v28 =	vld [tilespmem:s14+$0xEC20]  }
0x204: {  	v29 =	vld [tilespmem:s14+$0x10C10]  }
0x205: {  	v30 =	vld [tilespmem:s14+$0xCC30]  }
0x206: {  	v31 =	vld [tilespmem:s14+$0xEC30]  }
0x207: {  	v24 =	vmul.f32 v24, v25;
	v25 =	vmul.f32 v27, v26;
	v26 =	vld [tilespmem:s14+$0xCC40]  }
0x208: {  	v23 =	vmul.f32 v28, v23;
	v27 =	vld [tilespmem:s14+$0xEC40]  }
0x209: {  	v62 =	vld [tilespmem:s14+$0xEC50];
	v22 =	vmul.f32 v22, v24;
	v24 =	vmul.f32 v29, v25  }
0x20a: {  	v25 =	vld [tilespmem:s14+$0xCC50]  }
0x20b: {  	v63 =	vld [tilespmem:s14+$0xEC60];
	v21 =	vmul.f32 v21, v23;
	v23 =	vmul.f32 v31, v30;
	v22 =	vadd.f32 v24, v22  }
0x20c: {  	v24 =	vld [tilespmem:s14+$0xCC60]  }
0x20d: {  	v20 =	vmul.f32 v20, v23;
	v23 =	vld [tilespmem:s14+$0xCC70];
	v21 =	vadd.f32 v21, v22;
	v22 =	vmul.f32 v27, v26  }
0x20e: {  	v26 =	vld [tilespmem:s14+$0xEC70]  }
0x20f: {  	v20 =	vadd.f32 v20, v21;
	v19 =	vmul.f32 v19, v22;
	v21 =	vmul.f32 v62, v25  }
0x210: {  	v22 =	vld [tilespmem:s14+$0x10C70]  }
0x211: {  	v19 =	vadd.f32 v19, v20;
	v18 =	vmul.f32 v18, v21;
	v20 =	vmul.f32 v63, v24;
	_ =	sdelay $0x1  }
0x212: {  	v18 =	vadd.f32 v18, v19;
	v17 =	vmul.f32 v17, v20;
	v19 =	vmul.f32 v26, v23;
	_ =	sdelay $0x1  }
0x213: {  	v17 =	vadd.f32 v17, v18;
	v18 =	vmul.f32 v22, v19;
	_ =	sdelay $0x1  }
0x214: {  	v17 =	vadd.f32 v18, v17  }
0x215: {  	s31 =	simm.s32 $0x18C00  }
0x216: {  	s12 =	simm.s32 $0x80;
	[tilespmem:s31+$0x0] =	vst v17  }
0x217: {  	v17 =	vld [tilespmem:s12+$0x10C60]  }
0x218: {  	v18 =	vld [tilespmem:s12+$0x10C50]  }
0x219: {  	v19 =	vld [tilespmem:s12+$0x10C40]  }
0x21a: {  	v20 =	vld [tilespmem:s12+$0x10C30]  }
0x21b: {  	v21 =	vld [tilespmem:s12+$0x10C20]  }
0x21c: {  	v22 =	vld [tilespmem:s12+$0x10C00]  }
0x21d: {  	v23 =	vld [tilespmem:s12+$0xCC20]  }
0x21e: {  	v24 =	vld [tilespmem:s12+$0xEC00]  }
0x21f: {  	v25 =	vld [tilespmem:s12+$0xCC00]  }
0x220: {  	s11 =	simm.s32 $0x0;
	s14 =	simm.s32 $0x400;
	v26 =	vld [tilespmem:s12+$0xCC10]  }
.LBB2_10:
0x221: {  	p0 =	sne.s32 s14, $0x7E00;
	v27 =	vld [tilespmem:s12+$0xEC10]  }
0x222: {  	v28 =	vld [tilespmem:s12+$0xEC20]  }
0x223: {  	v29 =	vld [tilespmem:s12+$0x10C10]  }
0x224: {  	v30 =	vld [tilespmem:s12+$0xCC30]  }
0x225: {  	v31 =	vld [tilespmem:s12+$0xEC30]  }
0x226: {  	v24 =	vmul.f32 v24, v25;
	v25 =	vmul.f32 v27, v26;
	v26 =	vld [tilespmem:s12+$0xCC40]  }
0x227: {  	v23 =	vmul.f32 v28, v23;
	v27 =	vld [tilespmem:s12+$0xEC40]  }
0x228: {  	v22 =	vmul.f32 v22, v24;
	v24 =	vmul.f32 v29, v25;
	v25 =	vld [tilespmem:s12+$0xCC50]  }
0x229: {  	v28 =	vld [tilespmem:s12+$0xEC50]  }
0x22a: {  	v21 =	vmul.f32 v21, v23;
	v22 =	vadd.f32 v24, v22;
	v23 =	vmul.f32 v31, v30;
	v24 =	vld [tilespmem:s12+$0xCC60]  }
0x22b: {  	v29 =	vld [tilespmem:s12+$0xEC60]  }
0x22c: {  	v21 =	vadd.f32 v21, v22;
	v20 =	vmul.f32 v20, v23;
	v22 =	vmul.f32 v27, v26;
	v23 =	vld [tilespmem:s12+$0xCC70]  }
0x22d: {  	v26 =	vld [tilespmem:s12+$0xEC70]  }
0x22e: {  	v20 =	vadd.f32 v20, v21;
	v19 =	vmul.f32 v19, v22;
	v21 =	vmul.f32 v28, v25  }
0x22f: {  	v22 =	vld [tilespmem:s12+$0x10C70]  }
0x230: {  	v19 =	vadd.f32 v19, v20;
	v18 =	vmul.f32 v18, v21;
	v20 =	vmul.f32 v29, v24;
	_ =	sdelay $0x1  }
0x231: {  	v18 =	vadd.f32 v18, v19;
	v17 =	vmul.f32 v17, v20;
	v19 =	vmul.f32 v26, v23;
	_ =	sdelay $0x1  }
0x232: {  	v17 =	vadd.f32 v17, v18;
	v18 =	vmul.f32 v22, v19;
	_ =	sdelay $0x1  }
0x233: {  	v17 =	vadd.f32 v18, v17  }
0x234: {  	s31 =	sadd.s32 $0x10, s31  }
0x235: {  	s12 =	sshra.s32 s14, $0x2;
	[tilespmem:s31+$0x0] =	vst v17  }
0x236: {  	v17 =	vld [tilespmem:s12+$0x10C60]  }
0x237: {  	v18 =	vld [tilespmem:s12+$0x10C50]  }
0x238: {  	v19 =	vld [tilespmem:s12+$0x10C40]  }
0x239: {  	v20 =	vld [tilespmem:s12+$0x10C30]  }
0x23a: {  	v21 =	vld [tilespmem:s12+$0x10C20]  }
.Ltmp4:
0x23b: {  	v22 =	vld [tilespmem:s12+$0x10C00];
	(pc) =	sbr.rel @p0 .LBB2_10-.Ltmp4, $4  }
0x23c: {  	v23 =	vld [tilespmem:s12+$0xCC20]  }
0x23d: {  	v24 =	vld [tilespmem:s12+$0xEC00]  }
0x23e: {  	v25 =	vld [tilespmem:s12+$0xCC00]  }
0x23f: {  	s14 =	sadd.s32 $0x200, s14;
	v26 =	vld [tilespmem:s12+$0xCC10]  }
0x240: {  	v27 =	vld [tilespmem:s12+$0xEC10]  }
0x241: {  	v28 =	vld [tilespmem:s12+$0xEC20]  }
0x242: {  	v29 =	vld [tilespmem:s12+$0x10C10]  }
0x243: {  	v30 =	vld [tilespmem:s12+$0xCC30]  }
0x244: {  	v31 =	vld [tilespmem:s12+$0xEC30]  }
0x245: {  	v24 =	vmul.f32 v24, v25;
	v25 =	vmul.f32 v27, v26;
	v26 =	vld [tilespmem:s12+$0xCC40]  }
0x246: {  	v23 =	vmul.f32 v28, v23;
	v27 =	vld [tilespmem:s12+$0xEC40]  }
0x247: {  	v62 =	vld [tilespmem:s12+$0xEC50];
	v22 =	vmul.f32 v22, v24;
	v24 =	vmul.f32 v29, v25  }
0x248: {  	v25 =	vld [tilespmem:s12+$0xCC50]  }
0x249: {  	v21 =	vmul.f32 v21, v23;
	v23 =	vmul.f32 v31, v30;
	v22 =	vadd.f32 v24, v22  }
0x24a: {  	v63 =	vld [tilespmem:s12+$0xEC60]  }
0x24b: {  	v24 =	vld [tilespmem:s12+$0xCC60];
	v20 =	vmul.f32 v20, v23;
	v21 =	vadd.f32 v21, v22;
	v22 =	vmul.f32 v27, v26  }
0x24c: {  	v23 =	vld [tilespmem:s12+$0xCC70]  }
0x24d: {  	v26 =	vld [tilespmem:s12+$0xEC70];
	v20 =	vadd.f32 v20, v21;
	v19 =	vmul.f32 v19, v22;
	v21 =	vmul.f32 v62, v25;
	_ =	sdelay $0x1  }
0x24e: {  	v22 =	vld [tilespmem:s12+$0x10C70];
	v19 =	vadd.f32 v19, v20;
	v18 =	vmul.f32 v18, v21  }
0x24f: {  	v20 =	vmul.f32 v63, v24  }
0x250: {  	v18 =	vadd.f32 v18, v19;
	v19 =	vmov s11  }
0x251: {  	v17 =	vmul.f32 v17, v20;
	v20 =	vmul.f32 v26, v23;
	v19 =	vshll.u32 v19, $0x4  }
0x252: {  	v19 =	vor.u32 v1, v19  }
0x253: {  	v17 =	vadd.f32 v17, v18;
	v18 =	vmul.f32 v22, v20;
	v20 =	vor.u32 v0, v19  }
0x254: {  	v21 =	vor.u32 v2, v19  }
0x255: {  	v17 =	vadd.f32 v18, v17  }
0x256: {  	s12 =	sadd.s32 $0x10, s31;
	v18 =	vor.u32 v3, v19  }
0x257: {  	[tilespmem:s12+$0x0] =	vst v17  }
0x258: {  	v17 =	vor.u32 v4, v19;
	v20 =	vld.idx.msk [tilespmem:v20+s23+$0x0], $0xffff  }
0x259: {  	v21 =	vld.idx.msk [tilespmem:v21+s23+$0x0], $0xffff  }
0x25a: {  	v22 =	vor.u32 v5, v19  }
0x25b: {  	v18 =	vld.idx.msk [tilespmem:v18+s23+$0x0], $0xffff  }
0x25c: {  	v23 =	vor.u32 v6, v19  }
0x25d: {  	v17 =	vld.idx.msk [tilespmem:v17+s23+$0x0], $0xffff  }
0x25e: {  	v24 =	vor.u32 v8, v19;
	v20 =	vadd.f32 v21, v20  }
0x25f: {  	v21 =	vld.idx.msk [tilespmem:v22+s23+$0x0], $0xffff  }
0x260: {  	v22 =	vor.u32 v9, v19;
	v18 =	vadd.f32 v18, v20  }
0x261: {  	v20 =	vld.idx.msk [tilespmem:v23+s23+$0x0], $0xffff  }
0x262: {  	v23 =	vor.u32 v7, v19;
	v17 =	vadd.f32 v17, v18  }
0x263: {  	v18 =	vld.idx.msk [tilespmem:v24+s23+$0x0], $0xffff  }
0x264: {  	v24 =	vor.u32 v10, v19;
	v17 =	vadd.f32 v21, v17  }
0x265: {  	v21 =	vld.idx.msk [tilespmem:v22+s23+$0x0], $0xffff  }
0x266: {  	v22 =	vor.u32 v11, v19;
	v17 =	vadd.f32 v20, v17  }
0x267: {  	v20 =	vld.idx.msk [tilespmem:v23+s23+$0x0], $0xffff  }
0x268: {  	v23 =	vor.u32 v12, v19;
	v17 =	vadd.f32 v18, v17  }
0x269: {  	v18 =	vld.idx.msk [tilespmem:v24+s23+$0x0], $0xffff  }
0x26a: {  	v24 =	vor.u32 v13, v19;
	v17 =	vadd.f32 v21, v17  }
0x26b: {  	v21 =	vld.idx.msk [tilespmem:v22+s23+$0x0], $0xffff  }
0x26c: {  	v22 =	vor.u32 v14, v19;
	v17 =	vadd.f32 v20, v17  }
0x26d: {  	v20 =	vld.idx.msk [tilespmem:v23+s23+$0x0], $0xffff  }
0x26e: {  	v23 =	vor.u32 v15, v19;
	v17 =	vadd.f32 v18, v17  }
0x26f: {  	v18 =	vld.idx.msk [tilespmem:v24+s23+$0x0], $0xffff  }
0x270: {  	v19 =	vor.u32 v16, v19;
	v17 =	vadd.f32 v21, v17  }
0x271: {  	v21 =	vld.idx.msk [tilespmem:v22+s23+$0x0], $0xffff  }
0x272: {  	v17 =	vadd.f32 v20, v17  }
0x273: {  	v20 =	vld.idx.msk [tilespmem:v23+s23+$0x0], $0xffff  }
0x274: {  	s14 =	simm.s32 $0x10;
	v17 =	vadd.f32 v18, v17  }
0x275: {  	v25 =	vld.idx.msk [tilespmem:v19+s23+$0x0], $0xffff;
	v18 =	vmov s14  }
0x276: {  	v18 =	vshll.u32 v18, $0x4;
	v19 =	vadd.f32 v21, v17  }
0x277: {  	v17 =	vor.u32 v1, v18  }
0x278: {  	v24 =	vor.u32 v0, v17;
	v21 =	vor.u32 v2, v17;
	v26 =	vadd.f32 v20, v19  }
0x279: {  	v23 =	vor.u32 v3, v17;
	v22 =	vor.u32 v4, v17;
	v18 =	vor.u32 v8, v17  }
0x27a: {  	s31 =	simm.s32 $0x19080;
	s11 =	simm.s32 $0x20;
	s12 =	simm.s32 $0x19080;
	v20 =	vor.u32 v5, v17;
	v19 =	vor.u32 v6, v17;
	v25 =	vadd.f32 v25, v26  }
.LBB2_12:
0x27b: {  	p0 =	sne.s32 s11, $0x30  }
0x27c: {  	v26 =	vor.u32 v9, v17;
	v27 =	vor.u32 v7, v17;
	v28 =	vor.u32 v10, v17;
	s31 =	sadd.s32 $0x10, s31;
	s14 =	smov.u32 s11;
	s11 =	sadd.s32 $0x10, s11  }
0x27d: {  	v29 =	vor.u32 v11, v17;
	v30 =	vor.u32 v12, v17;
	v31 =	vor.u32 v13, v17;
	[tilespmem:s12+$0x0] =	vst v25;
	s12 =	smov.u32 s31  }
0x27e: {  	v32 =	vor.u32 v15, v17;
	v25 =	vor.u32 v14, v17;
	v17 =	vor.u32 v16, v17;
	v24 =	vld.idx.msk [tilespmem:v24+s23+$0x0], $0xffff  }
0x27f: {  	v21 =	vld.idx.msk [tilespmem:v21+s23+$0x0], $0xffff  }
0x280: {  	v23 =	vld.idx.msk [tilespmem:v23+s23+$0x0], $0xffff;
	_ =	sdelay $0x1  }
0x281: {  	v22 =	vld.idx.msk [tilespmem:v22+s23+$0x0], $0xffff;
	_ =	sdelay $0x1  }
0x282: {  	v20 =	vld.idx.msk [tilespmem:v20+s23+$0x0], $0xffff  }
0x283: {  	v21 =	vadd.f32 v21, v24  }
0x284: {  	v19 =	vld.idx.msk [tilespmem:v19+s23+$0x0], $0xffff  }
0x285: {  	v21 =	vadd.f32 v23, v21  }
0x286: {  	v18 =	vld.idx.msk [tilespmem:v18+s23+$0x0], $0xffff  }
0x287: {  	v21 =	vadd.f32 v22, v21  }
0x288: {  	v22 =	vld.idx.msk [tilespmem:v26+s23+$0x0], $0xffff  }
0x289: {  	v20 =	vadd.f32 v20, v21  }
0x28a: {  	v21 =	vld.idx.msk [tilespmem:v27+s23+$0x0], $0xffff  }
0x28b: {  	v19 =	vadd.f32 v19, v20  }
0x28c: {  	v20 =	vld.idx.msk [tilespmem:v28+s23+$0x0], $0xffff  }
0x28d: {  	v18 =	vadd.f32 v18, v19  }
0x28e: {  	v19 =	vld.idx.msk [tilespmem:v29+s23+$0x0], $0xffff  }
0x28f: {  	v18 =	vadd.f32 v22, v18  }
0x290: {  	v22 =	vld.idx.msk [tilespmem:v30+s23+$0x0], $0xffff  }
0x291: {  	v18 =	vadd.f32 v21, v18  }
0x292: {  	v21 =	vld.idx.msk [tilespmem:v31+s23+$0x0], $0xffff  }
0x293: {  	v18 =	vadd.f32 v20, v18  }
0x294: {  	v20 =	vld.idx.msk [tilespmem:v25+s23+$0x0], $0xffff  }
0x295: {  	v18 =	vadd.f32 v19, v18  }
0x296: {  	v19 =	vld.idx.msk [tilespmem:v32+s23+$0x0], $0xffff  }
0x297: {  	v18 =	vadd.f32 v22, v18  }
0x298: {  	v25 =	vld.idx.msk [tilespmem:v17+s23+$0x0], $0xffff  }
0x299: {  	v17 =	vadd.f32 v21, v18  }
0x29a: {  	v18 =	vmov s14  }
.Ltmp5:
0x29b: {  	v18 =	vshll.u32 v18, $0x4;
	v20 =	vadd.f32 v20, v17;
	(pc) =	sbr.rel @p0 .LBB2_12-.Ltmp5, $4  }
0x29c: {  	v17 =	vor.u32 v1, v18  }
0x29d: {  	v24 =	vor.u32 v0, v17;
	v21 =	vor.u32 v2, v17;
	v26 =	vadd.f32 v19, v20  }
0x29e: {  	v23 =	vor.u32 v3, v17;
	v22 =	vor.u32 v4, v17;
	v20 =	vor.u32 v5, v17  }
0x29f: {  	v18 =	vor.u32 v8, v17;
	v19 =	vor.u32 v6, v17;
	v25 =	vadd.f32 v25, v26  }
0x2a0: {  	_ =	sdelay $0x2  }
0x2a1: {  	[tilespmem:s12+$0x0] =	vst v25  }
0x2a2: {  	v24 =	vld.idx.msk [tilespmem:v24+s23+$0x0], $0xffff  }
0x2a3: {  	v21 =	vld.idx.msk [tilespmem:v21+s23+$0x0], $0xffff;
	_ =	sdelay $0x1  }
0x2a4: {  	v23 =	vld.idx.msk [tilespmem:v23+s23+$0x0], $0xffff;
	_ =	sdelay $0x1  }
0x2a5: {  	v22 =	vld.idx.msk [tilespmem:v22+s23+$0x0], $0xffff  }
0x2a6: {  	v21 =	vadd.f32 v21, v24  }
0x2a7: {  	v20 =	vld.idx.msk [tilespmem:v20+s23+$0x0], $0xffff  }
0x2a8: {  	v24 =	vor.u32 v9, v17;
	v21 =	vadd.f32 v23, v21  }
0x2a9: {  	v19 =	vld.idx.msk [tilespmem:v19+s23+$0x0], $0xffff  }
0x2aa: {  	v23 =	vor.u32 v7, v17;
	v21 =	vadd.f32 v22, v21  }
0x2ab: {  	v18 =	vld.idx.msk [tilespmem:v18+s23+$0x0], $0xffff  }
0x2ac: {  	v22 =	vor.u32 v10, v17;
	v20 =	vadd.f32 v20, v21  }
0x2ad: {  	v21 =	vld.idx.msk [tilespmem:v24+s23+$0x0], $0xffff  }
0x2ae: {  	v24 =	vor.u32 v11, v17;
	v19 =	vadd.f32 v19, v20  }
0x2af: {  	v20 =	vld.idx.msk [tilespmem:v23+s23+$0x0], $0xffff  }
0x2b0: {  	v23 =	vor.u32 v12, v17;
	v18 =	vadd.f32 v18, v19  }
0x2b1: {  	v19 =	vld.idx.msk [tilespmem:v22+s23+$0x0], $0xffff  }
0x2b2: {  	v22 =	vor.u32 v13, v17;
	v18 =	vadd.f32 v21, v18  }
0x2b3: {  	v21 =	vld.idx.msk [tilespmem:v24+s23+$0x0], $0xffff  }
0x2b4: {  	v24 =	vor.u32 v14, v17;
	v18 =	vadd.f32 v20, v18  }
0x2b5: {  	v20 =	vld.idx.msk [tilespmem:v23+s23+$0x0], $0xffff  }
0x2b6: {  	v23 =	vor.u32 v15, v17;
	v18 =	vadd.f32 v19, v18  }
0x2b7: {  	v19 =	vld.idx.msk [tilespmem:v22+s23+$0x0], $0xffff  }
0x2b8: {  	v17 =	vor.u32 v16, v17;
	v18 =	vadd.f32 v21, v18  }
0x2b9: {  	v21 =	vld.idx.msk [tilespmem:v24+s23+$0x0], $0xffff  }
0x2ba: {  	v18 =	vadd.f32 v20, v18  }
0x2bb: {  	v20 =	vld.idx.msk [tilespmem:v23+s23+$0x0], $0xffff  }
0x2bc: {  	v18 =	vadd.f32 v19, v18  }
0x2bd: {  	v17 =	vld.idx.msk [tilespmem:v17+s23+$0x0], $0xffff  }
0x2be: {  	v18 =	vadd.f32 v21, v18;
	_ =	sdelay $0x1  }
0x2bf: {  	v18 =	vadd.f32 v20, v18;
	_ =	sdelay $0x1  }
0x2c0: {  	v17 =	vadd.f32 v17, v18  }
0x2c1: {  	s11 =	sadd.s32 $0x10, s31  }
0x2c2: {  	[tilespmem:s11+$0x0] =	vst v17  }
0x2c3: {  	_ =	swait.ge [sflag:s28], $0x2000  }
0x2c4: {  	[sflag:s28] =	ssyncset.done $0x0  }
0x2c5: {  	[sflag:s28] =	ssyncadd.s32 $0xFFFFE000  }
0x2c6: {  	_ =	swait.ge [sflag:s28], $0x2000  }
0x2c7: {  	[sflag:s28] =	ssyncset.done $0x0  }
0x2c8: {  	[sflag:s28] =	ssyncadd.s32 $0xFFFFE000  }
0x2c9: {  	_ =	swait.ge [sflag:s28], $0x2000  }
0x2ca: {  	[sflag:s28] =	ssyncset.done $0x0  }
0x2cb: {  	s12 =	simm.s32 $0x300;
	[sflag:s28] =	ssyncadd.s32 $0xFFFFE000  }
0x2cc: {  	[tilespmem:s24], [sflag:$0x3] =	stream.indirect.gather [hbm4b:s0+s13], $0x80, s12, s13, $0xb8;
	[tilespmem:$0x19200] =	vst v63  }
0x2cd: {  	s14 =	simm.s32 $0x700  }
0x2ce: {  	[tilespmem:s26], [sflag:$0x3] =	stream.indirect.gather [hbm4b:s1+s13], $0x80, s14, s13, $0xb8;
	[tilespmem:$0x19200] =	vst v63  }
0x2cf: {  	s12 =	simm.s32 $0xB00;
	s14 =	simm.s32 $0x0  }
0x2d0: {  	[tilespmem:s29], [sflag:$0x3] =	stream.indirect.gather [hbm4b:s0+s13], $0x80, s12, s13, $0xb8;
	[tilespmem:$0x19200] =	vst v63  }
0x2d1: {  	v17 =	vld [tilespmem:s14+$0x16C60]  }
0x2d2: {  	v18 =	vld [tilespmem:s14+$0x16C50]  }
0x2d3: {  	v19 =	vld [tilespmem:s14+$0x16C40]  }
0x2d4: {  	v20 =	vld [tilespmem:s14+$0x16C30]  }
0x2d5: {  	v21 =	vld [tilespmem:s14+$0x16C20]  }
0x2d6: {  	v22 =	vld [tilespmem:s14+$0x16C00]  }
0x2d7: {  	v23 =	vld [tilespmem:s14+$0x12C20]  }
0x2d8: {  	v24 =	vld [tilespmem:s14+$0x14C00]  }
0x2d9: {  	v25 =	vld [tilespmem:s14+$0x12C00]  }
0x2da: {  	v26 =	vld [tilespmem:s14+$0x12C10]  }
0x2db: {  	v27 =	vld [tilespmem:s14+$0x14C10]  }
0x2dc: {  	v28 =	vld [tilespmem:s14+$0x14C20]  }
0x2dd: {  	v29 =	vld [tilespmem:s14+$0x16C10]  }
0x2de: {  	v30 =	vld [tilespmem:s14+$0x12C30]  }
0x2df: {  	v31 =	vld [tilespmem:s14+$0x14C30]  }
0x2e0: {  	v24 =	vmul.f32 v24, v25;
	v25 =	vmul.f32 v27, v26;
	v26 =	vld [tilespmem:s14+$0x12C40]  }
0x2e1: {  	v23 =	vmul.f32 v28, v23;
	v27 =	vld [tilespmem:s14+$0x14C40]  }
0x2e2: {  	v62 =	vld [tilespmem:s14+$0x14C50];
	v22 =	vmul.f32 v22, v24;
	v24 =	vmul.f32 v29, v25  }
0x2e3: {  	v25 =	vld [tilespmem:s14+$0x12C50]  }
0x2e4: {  	v63 =	vld [tilespmem:s14+$0x14C60];
	v21 =	vmul.f32 v21, v23;
	v23 =	vmul.f32 v31, v30;
	v22 =	vadd.f32 v24, v22  }
0x2e5: {  	v24 =	vld [tilespmem:s14+$0x12C60]  }
0x2e6: {  	v20 =	vmul.f32 v20, v23;
	v23 =	vld [tilespmem:s14+$0x12C70];
	v21 =	vadd.f32 v21, v22;
	v22 =	vmul.f32 v27, v26  }
0x2e7: {  	v26 =	vld [tilespmem:s14+$0x14C70]  }
0x2e8: {  	v20 =	vadd.f32 v20, v21;
	v19 =	vmul.f32 v19, v22;
	v21 =	vmul.f32 v62, v25  }
0x2e9: {  	v22 =	vld [tilespmem:s14+$0x16C70]  }
0x2ea: {  	v19 =	vadd.f32 v19, v20;
	v18 =	vmul.f32 v18, v21;
	v20 =	vmul.f32 v63, v24;
	_ =	sdelay $0x1  }
0x2eb: {  	v18 =	vadd.f32 v18, v19;
	v17 =	vmul.f32 v17, v20;
	v19 =	vmul.f32 v26, v23;
	_ =	sdelay $0x1  }
0x2ec: {  	v17 =	vadd.f32 v17, v18;
	v18 =	vmul.f32 v22, v19;
	_ =	sdelay $0x1  }
0x2ed: {  	v17 =	vadd.f32 v18, v17  }
0x2ee: {  	s31 =	simm.s32 $0x18C00  }
0x2ef: {  	s12 =	simm.s32 $0x80;
	[tilespmem:s31+$0x0] =	vst v17  }
0x2f0: {  	v17 =	vld [tilespmem:s12+$0x16C60]  }
0x2f1: {  	v18 =	vld [tilespmem:s12+$0x16C50]  }
0x2f2: {  	v19 =	vld [tilespmem:s12+$0x16C40]  }
0x2f3: {  	v20 =	vld [tilespmem:s12+$0x16C30]  }
0x2f4: {  	v21 =	vld [tilespmem:s12+$0x16C20]  }
0x2f5: {  	v22 =	vld [tilespmem:s12+$0x16C00]  }
0x2f6: {  	v23 =	vld [tilespmem:s12+$0x12C20]  }
0x2f7: {  	v24 =	vld [tilespmem:s12+$0x14C00]  }
0x2f8: {  	v25 =	vld [tilespmem:s12+$0x12C00]  }
0x2f9: {  	s11 =	simm.s32 $0x0;
	s14 =	simm.s32 $0x400;
	v26 =	vld [tilespmem:s12+$0x12C10]  }
.LBB2_14:
0x2fa: {  	p0 =	sne.s32 s14, $0x7E00;
	v27 =	vld [tilespmem:s12+$0x14C10]  }
0x2fb: {  	v28 =	vld [tilespmem:s12+$0x14C20]  }
0x2fc: {  	v29 =	vld [tilespmem:s12+$0x16C10]  }
0x2fd: {  	v30 =	vld [tilespmem:s12+$0x12C30]  }
0x2fe: {  	v31 =	vld [tilespmem:s12+$0x14C30]  }
0x2ff: {  	v24 =	vmul.f32 v24, v25;
	v25 =	vmul.f32 v27, v26;
	v26 =	vld [tilespmem:s12+$0x12C40]  }
0x300: {  	v23 =	vmul.f32 v28, v23;
	v27 =	vld [tilespmem:s12+$0x14C40]  }
0x301: {  	v22 =	vmul.f32 v22, v24;
	v24 =	vmul.f32 v29, v25;
	v25 =	vld [tilespmem:s12+$0x12C50]  }
0x302: {  	v28 =	vld [tilespmem:s12+$0x14C50]  }
0x303: {  	v21 =	vmul.f32 v21, v23;
	v22 =	vadd.f32 v24, v22;
	v23 =	vmul.f32 v31, v30;
	v24 =	vld [tilespmem:s12+$0x12C60]  }
0x304: {  	v29 =	vld [tilespmem:s12+$0x14C60]  }
0x305: {  	v21 =	vadd.f32 v21, v22;
	v20 =	vmul.f32 v20, v23;
	v22 =	vmul.f32 v27, v26;
	v23 =	vld [tilespmem:s12+$0x12C70]  }
0x306: {  	v26 =	vld [tilespmem:s12+$0x14C70]  }
0x307: {  	v20 =	vadd.f32 v20, v21;
	v19 =	vmul.f32 v19, v22;
	v21 =	vmul.f32 v28, v25  }
0x308: {  	v22 =	vld [tilespmem:s12+$0x16C70]  }
0x309: {  	v19 =	vadd.f32 v19, v20;
	v18 =	vmul.f32 v18, v21;
	v20 =	vmul.f32 v29, v24;
	_ =	sdelay $0x1  }
0x30a: {  	v18 =	vadd.f32 v18, v19;
	v17 =	vmul.f32 v17, v20;
	v19 =	vmul.f32 v26, v23;
	_ =	sdelay $0x1  }
0x30b: {  	v17 =	vadd.f32 v17, v18;
	v18 =	vmul.f32 v22, v19;
	_ =	sdelay $0x1  }
0x30c: {  	v17 =	vadd.f32 v18, v17  }
0x30d: {  	s31 =	sadd.s32 $0x10, s31  }
0x30e: {  	s12 =	sshra.s32 s14, $0x2;
	[tilespmem:s31+$0x0] =	vst v17  }
0x30f: {  	v17 =	vld [tilespmem:s12+$0x16C60]  }
0x310: {  	v18 =	vld [tilespmem:s12+$0x16C50]  }
0x311: {  	v19 =	vld [tilespmem:s12+$0x16C40]  }
0x312: {  	v20 =	vld [tilespmem:s12+$0x16C30]  }
0x313: {  	v21 =	vld [tilespmem:s12+$0x16C20]  }
.Ltmp6:
0x314: {  	v22 =	vld [tilespmem:s12+$0x16C00];
	(pc) =	sbr.rel @p0 .LBB2_14-.Ltmp6, $4  }
0x315: {  	v23 =	vld [tilespmem:s12+$0x12C20]  }
0x316: {  	v24 =	vld [tilespmem:s12+$0x14C00]  }
0x317: {  	v25 =	vld [tilespmem:s12+$0x12C00]  }
0x318: {  	s14 =	sadd.s32 $0x200, s14;
	v26 =	vld [tilespmem:s12+$0x12C10]  }
0x319: {  	v27 =	vld [tilespmem:s12+$0x14C10]  }
0x31a: {  	v28 =	vld [tilespmem:s12+$0x14C20]  }
0x31b: {  	v29 =	vld [tilespmem:s12+$0x16C10]  }
0x31c: {  	v30 =	vld [tilespmem:s12+$0x12C30]  }
0x31d: {  	v31 =	vld [tilespmem:s12+$0x14C30]  }
0x31e: {  	v24 =	vmul.f32 v24, v25;
	v25 =	vmul.f32 v27, v26;
	v26 =	vld [tilespmem:s12+$0x12C40]  }
0x31f: {  	v23 =	vmul.f32 v28, v23;
	v27 =	vld [tilespmem:s12+$0x14C40]  }
0x320: {  	v62 =	vld [tilespmem:s12+$0x14C50];
	v22 =	vmul.f32 v22, v24;
	v24 =	vmul.f32 v29, v25  }
0x321: {  	v25 =	vld [tilespmem:s12+$0x12C50]  }
0x322: {  	v21 =	vmul.f32 v21, v23;
	v23 =	vmul.f32 v31, v30;
	v22 =	vadd.f32 v24, v22  }
0x323: {  	v63 =	vld [tilespmem:s12+$0x14C60]  }
0x324: {  	v24 =	vld [tilespmem:s12+$0x12C60];
	v20 =	vmul.f32 v20, v23;
	v21 =	vadd.f32 v21, v22;
	v22 =	vmul.f32 v27, v26  }
0x325: {  	v23 =	vld [tilespmem:s12+$0x12C70]  }
0x326: {  	v26 =	vld [tilespmem:s12+$0x14C70];
	v20 =	vadd.f32 v20, v21;
	v19 =	vmul.f32 v19, v22;
	v21 =	vmul.f32 v62, v25;
	_ =	sdelay $0x1  }
0x327: {  	v22 =	vld [tilespmem:s12+$0x16C70];
	v19 =	vadd.f32 v19, v20;
	v18 =	vmul.f32 v18, v21  }
0x328: {  	v20 =	vmul.f32 v63, v24  }
0x329: {  	v18 =	vadd.f32 v18, v19;
	v19 =	vmov s11  }
0x32a: {  	v17 =	vmul.f32 v17, v20;
	v20 =	vmul.f32 v26, v23;
	v19 =	vshll.u32 v19, $0x4  }
0x32b: {  	v19 =	vor.u32 v1, v19  }
0x32c: {  	v17 =	vadd.f32 v17, v18;
	v18 =	vmul.f32 v22, v20;
	v20 =	vor.u32 v0, v19  }
0x32d: {  	v21 =	vor.u32 v2, v19  }
0x32e: {  	v17 =	vadd.f32 v18, v17  }
0x32f: {  	s12 =	sadd.s32 $0x10, s31;
	v18 =	vor.u32 v3, v19  }
0x330: {  	[tilespmem:s12+$0x0] =	vst v17  }
0x331: {  	v17 =	vor.u32 v4, v19;
	v20 =	vld.idx.msk [tilespmem:v20+s23+$0x0], $0xffff  }
0x332: {  	v21 =	vld.idx.msk [tilespmem:v21+s23+$0x0], $0xffff  }
0x333: {  	v22 =	vor.u32 v5, v19  }
0x334: {  	v18 =	vld.idx.msk [tilespmem:v18+s23+$0x0], $0xffff  }
0x335: {  	v23 =	vor.u32 v6, v19  }
0x336: {  	v17 =	vld.idx.msk [tilespmem:v17+s23+$0x0], $0xffff  }
0x337: {  	v24 =	vor.u32 v8, v19;
	v20 =	vadd.f32 v21, v20  }
0x338: {  	v21 =	vld.idx.msk [tilespmem:v22+s23+$0x0], $0xffff  }
0x339: {  	v22 =	vor.u32 v9, v19;
	v18 =	vadd.f32 v18, v20  }
0x33a: {  	v20 =	vld.idx.msk [tilespmem:v23+s23+$0x0], $0xffff  }
0x33b: {  	v23 =	vor.u32 v7, v19;
	v17 =	vadd.f32 v17, v18  }
0x33c: {  	v18 =	vld.idx.msk [tilespmem:v24+s23+$0x0], $0xffff  }
0x33d: {  	v24 =	vor.u32 v10, v19;
	v17 =	vadd.f32 v21, v17  }
0x33e: {  	v21 =	vld.idx.msk [tilespmem:v22+s23+$0x0], $0xffff  }
0x33f: {  	v22 =	vor.u32 v11, v19;
	v17 =	vadd.f32 v20, v17  }
0x340: {  	v20 =	vld.idx.msk [tilespmem:v23+s23+$0x0], $0xffff  }
0x341: {  	v23 =	vor.u32 v12, v19;
	v17 =	vadd.f32 v18, v17  }
0x342: {  	v18 =	vld.idx.msk [tilespmem:v24+s23+$0x0], $0xffff  }
0x343: {  	v24 =	vor.u32 v13, v19;
	v17 =	vadd.f32 v21, v17  }
0x344: {  	v21 =	vld.idx.msk [tilespmem:v22+s23+$0x0], $0xffff  }
0x345: {  	v22 =	vor.u32 v14, v19;
	v17 =	vadd.f32 v20, v17  }
0x346: {  	v20 =	vld.idx.msk [tilespmem:v23+s23+$0x0], $0xffff  }
0x347: {  	v23 =	vor.u32 v15, v19;
	v17 =	vadd.f32 v18, v17  }
0x348: {  	v18 =	vld.idx.msk [tilespmem:v24+s23+$0x0], $0xffff  }
0x349: {  	v19 =	vor.u32 v16, v19;
	v17 =	vadd.f32 v21, v17  }
0x34a: {  	v21 =	vld.idx.msk [tilespmem:v22+s23+$0x0], $0xffff  }
0x34b: {  	v17 =	vadd.f32 v20, v17  }
0x34c: {  	v20 =	vld.idx.msk [tilespmem:v23+s23+$0x0], $0xffff  }
0x34d: {  	s14 =	simm.s32 $0x10;
	v17 =	vadd.f32 v18, v17  }
0x34e: {  	v25 =	vld.idx.msk [tilespmem:v19+s23+$0x0], $0xffff;
	v18 =	vmov s14  }
0x34f: {  	v18 =	vshll.u32 v18, $0x4;
	v19 =	vadd.f32 v21, v17  }
0x350: {  	v17 =	vor.u32 v1, v18  }
0x351: {  	v24 =	vor.u32 v0, v17;
	v21 =	vor.u32 v2, v17;
	v26 =	vadd.f32 v20, v19  }
0x352: {  	v23 =	vor.u32 v3, v17;
	v22 =	vor.u32 v4, v17;
	v18 =	vor.u32 v8, v17  }
0x353: {  	s31 =	simm.s32 $0x190C0;
	s11 =	simm.s32 $0x20;
	s12 =	simm.s32 $0x190C0;
	v20 =	vor.u32 v5, v17;
	v19 =	vor.u32 v6, v17;
	v25 =	vadd.f32 v25, v26  }
.LBB2_16:
0x354: {  	p0 =	sne.s32 s11, $0x30  }
0x355: {  	v26 =	vor.u32 v9, v17;
	v27 =	vor.u32 v7, v17;
	v28 =	vor.u32 v10, v17;
	s31 =	sadd.s32 $0x10, s31;
	s14 =	smov.u32 s11;
	s11 =	sadd.s32 $0x10, s11  }
0x356: {  	v29 =	vor.u32 v11, v17;
	v30 =	vor.u32 v12, v17;
	v31 =	vor.u32 v13, v17;
	[tilespmem:s12+$0x0] =	vst v25;
	s12 =	smov.u32 s31  }
0x357: {  	v32 =	vor.u32 v15, v17;
	v25 =	vor.u32 v14, v17;
	v17 =	vor.u32 v16, v17;
	v24 =	vld.idx.msk [tilespmem:v24+s23+$0x0], $0xffff  }
0x358: {  	v21 =	vld.idx.msk [tilespmem:v21+s23+$0x0], $0xffff  }
0x359: {  	v23 =	vld.idx.msk [tilespmem:v23+s23+$0x0], $0xffff;
	_ =	sdelay $0x1  }
0x35a: {  	v22 =	vld.idx.msk [tilespmem:v22+s23+$0x0], $0xffff;
	_ =	sdelay $0x1  }
0x35b: {  	v20 =	vld.idx.msk [tilespmem:v20+s23+$0x0], $0xffff  }
0x35c: {  	v21 =	vadd.f32 v21, v24  }
0x35d: {  	v19 =	vld.idx.msk [tilespmem:v19+s23+$0x0], $0xffff  }
0x35e: {  	v21 =	vadd.f32 v23, v21  }
0x35f: {  	v18 =	vld.idx.msk [tilespmem:v18+s23+$0x0], $0xffff  }
0x360: {  	v21 =	vadd.f32 v22, v21  }
0x361: {  	v22 =	vld.idx.msk [tilespmem:v26+s23+$0x0], $0xffff  }
0x362: {  	v20 =	vadd.f32 v20, v21  }
0x363: {  	v21 =	vld.idx.msk [tilespmem:v27+s23+$0x0], $0xffff  }
0x364: {  	v19 =	vadd.f32 v19, v20  }
0x365: {  	v20 =	vld.idx.msk [tilespmem:v28+s23+$0x0], $0xffff  }
0x366: {  	v18 =	vadd.f32 v18, v19  }
0x367: {  	v19 =	vld.idx.msk [tilespmem:v29+s23+$0x0], $0xffff  }
0x368: {  	v18 =	vadd.f32 v22, v18  }
0x369: {  	v22 =	vld.idx.msk [tilespmem:v30+s23+$0x0], $0xffff  }
0x36a: {  	v18 =	vadd.f32 v21, v18  }
0x36b: {  	v21 =	vld.idx.msk [tilespmem:v31+s23+$0x0], $0xffff  }
0x36c: {  	v18 =	vadd.f32 v20, v18  }
0x36d: {  	v20 =	vld.idx.msk [tilespmem:v25+s23+$0x0], $0xffff  }
0x36e: {  	v18 =	vadd.f32 v19, v18  }
0x36f: {  	v19 =	vld.idx.msk [tilespmem:v32+s23+$0x0], $0xffff  }
0x370: {  	v18 =	vadd.f32 v22, v18  }
0x371: {  	v25 =	vld.idx.msk [tilespmem:v17+s23+$0x0], $0xffff  }
0x372: {  	v17 =	vadd.f32 v21, v18  }
0x373: {  	v18 =	vmov s14  }
.Ltmp7:
0x374: {  	v18 =	vshll.u32 v18, $0x4;
	v20 =	vadd.f32 v20, v17;
	(pc) =	sbr.rel @p0 .LBB2_16-.Ltmp7, $4  }
0x375: {  	v17 =	vor.u32 v1, v18  }
0x376: {  	v24 =	vor.u32 v0, v17;
	v21 =	vor.u32 v2, v17;
	v26 =	vadd.f32 v19, v20  }
0x377: {  	v23 =	vor.u32 v3, v17;
	v22 =	vor.u32 v4, v17;
	v20 =	vor.u32 v5, v17  }
0x378: {  	v18 =	vor.u32 v8, v17;
	v19 =	vor.u32 v6, v17;
	v25 =	vadd.f32 v25, v26  }
0x379: {  	_ =	sdelay $0x2  }
0x37a: {  	[tilespmem:s12+$0x0] =	vst v25  }
0x37b: {  	v24 =	vld.idx.msk [tilespmem:v24+s23+$0x0], $0xffff  }
0x37c: {  	v21 =	vld.idx.msk [tilespmem:v21+s23+$0x0], $0xffff;
	_ =	sdelay $0x1  }
0x37d: {  	v23 =	vld.idx.msk [tilespmem:v23+s23+$0x0], $0xffff;
	_ =	sdelay $0x1  }
0x37e: {  	v22 =	vld.idx.msk [tilespmem:v22+s23+$0x0], $0xffff  }
0x37f: {  	v21 =	vadd.f32 v21, v24  }
0x380: {  	v20 =	vld.idx.msk [tilespmem:v20+s23+$0x0], $0xffff  }
0x381: {  	v24 =	vor.u32 v9, v17;
	v21 =	vadd.f32 v23, v21  }
0x382: {  	v19 =	vld.idx.msk [tilespmem:v19+s23+$0x0], $0xffff  }
0x383: {  	v23 =	vor.u32 v7, v17;
	v21 =	vadd.f32 v22, v21  }
0x384: {  	v18 =	vld.idx.msk [tilespmem:v18+s23+$0x0], $0xffff  }
0x385: {  	v22 =	vor.u32 v10, v17;
	v20 =	vadd.f32 v20, v21  }
0x386: {  	v21 =	vld.idx.msk [tilespmem:v24+s23+$0x0], $0xffff  }
0x387: {  	v24 =	vor.u32 v11, v17;
	v19 =	vadd.f32 v19, v20  }
0x388: {  	v20 =	vld.idx.msk [tilespmem:v23+s23+$0x0], $0xffff  }
0x389: {  	v23 =	vor.u32 v12, v17;
	v18 =	vadd.f32 v18, v19  }
0x38a: {  	v19 =	vld.idx.msk [tilespmem:v22+s23+$0x0], $0xffff  }
0x38b: {  	v22 =	vor.u32 v13, v17;
	v18 =	vadd.f32 v21, v18  }
0x38c: {  	v21 =	vld.idx.msk [tilespmem:v24+s23+$0x0], $0xffff  }
0x38d: {  	v24 =	vor.u32 v14, v17;
	v18 =	vadd.f32 v20, v18  }
0x38e: {  	v20 =	vld.idx.msk [tilespmem:v23+s23+$0x0], $0xffff  }
0x38f: {  	v23 =	vor.u32 v15, v17;
	v18 =	vadd.f32 v19, v18  }
0x390: {  	v19 =	vld.idx.msk [tilespmem:v22+s23+$0x0], $0xffff  }
0x391: {  	v17 =	vor.u32 v16, v17;
	v18 =	vadd.f32 v21, v18  }
0x392: {  	v21 =	vld.idx.msk [tilespmem:v24+s23+$0x0], $0xffff  }
0x393: {  	v18 =	vadd.f32 v20, v18  }
0x394: {  	v20 =	vld.idx.msk [tilespmem:v23+s23+$0x0], $0xffff  }
0x395: {  	v18 =	vadd.f32 v19, v18  }
0x396: {  	v17 =	vld.idx.msk [tilespmem:v17+s23+$0x0], $0xffff  }
0x397: {  	v18 =	vadd.f32 v21, v18;
	_ =	sdelay $0x1  }
0x398: {  	v18 =	vadd.f32 v20, v18;
	_ =	sdelay $0x1  }
0x399: {  	v17 =	vadd.f32 v17, v18  }
0x39a: {  	s11 =	sadd.s32 $0x10, s31  }
0x39b: {  	[tilespmem:s11+$0x0] =	vst v17  }
0x39c: {  	_ =	swait.ge [sflag:s30], $0x2000  }
0x39d: {  	[sflag:s30] =	ssyncset.done $0x0  }
0x39e: {  	[sflag:s30] =	ssyncadd.s32 $0xFFFFE000  }
0x39f: {  	_ =	swait.ge [sflag:s30], $0x2000  }
0x3a0: {  	[sflag:s30] =	ssyncset.done $0x0  }
0x3a1: {  	[sflag:s30] =	ssyncadd.s32 $0xFFFFE000  }
0x3a2: {  	_ =	swait.ge [sflag:s30], $0x2000  }
0x3a3: {  	[sflag:s30] =	ssyncset.done $0x0  }
0x3a4: {  	s12 =	simm.s32 $0x380;
	[sflag:s30] =	ssyncadd.s32 $0xFFFFE000  }
0x3a5: {  	[tilespmem:s2], [sflag:$0x4] =	stream.indirect.gather [hbm4b:s0+s13], $0x80, s12, s13, $0xb8;
	[tilespmem:$0x19200] =	vst v63  }
0x3a6: {  	s14 =	simm.s32 $0x780  }
0x3a7: {  	[tilespmem:s18], [sflag:$0x4] =	stream.indirect.gather [hbm4b:s1+s13], $0x80, s14, s13, $0xb8;
	[tilespmem:$0x19200] =	vst v63  }
0x3a8: {  	s12 =	simm.s32 $0xB80;
	s14 =	simm.s32 $0x0  }
0x3a9: {  	[tilespmem:s21], [sflag:$0x4] =	stream.indirect.gather [hbm4b:s0+s13], $0x80, s12, s13, $0xb8;
	[tilespmem:$0x19200] =	vst v63  }
0x3aa: {  	v17 =	vld [tilespmem:s14+$0x4C60]  }
0x3ab: {  	v18 =	vld [tilespmem:s14+$0x4C50]  }
0x3ac: {  	v19 =	vld [tilespmem:s14+$0x4C40]  }
0x3ad: {  	v20 =	vld [tilespmem:s14+$0x4C30]  }
0x3ae: {  	v21 =	vld [tilespmem:s14+$0x4C20]  }
0x3af: {  	v22 =	vld [tilespmem:s14+$0x4C00]  }
0x3b0: {  	v23 =	vld [tilespmem:s14+$0xC20]  }
0x3b1: {  	v24 =	vld [tilespmem:s14+$0x2C00]  }
0x3b2: {  	v25 =	vld [tilespmem:s14+$0xC00]  }
0x3b3: {  	v26 =	vld [tilespmem:s14+$0xC10]  }
0x3b4: {  	v27 =	vld [tilespmem:s14+$0x2C10]  }
0x3b5: {  	v28 =	vld [tilespmem:s14+$0x2C20]  }
0x3b6: {  	v29 =	vld [tilespmem:s14+$0x4C10]  }
0x3b7: {  	v30 =	vld [tilespmem:s14+$0xC30]  }
0x3b8: {  	v31 =	vld [tilespmem:s14+$0x2C30]  }
0x3b9: {  	v24 =	vmul.f32 v24, v25;
	v25 =	vmul.f32 v27, v26;
	v26 =	vld [tilespmem:s14+$0xC40]  }
0x3ba: {  	v23 =	vmul.f32 v28, v23;
	v27 =	vld [tilespmem:s14+$0x2C40]  }
0x3bb: {  	v62 =	vld [tilespmem:s14+$0x2C50];
	v22 =	vmul.f32 v22, v24;
	v24 =	vmul.f32 v29, v25  }
0x3bc: {  	v25 =	vld [tilespmem:s14+$0xC50]  }
0x3bd: {  	v63 =	vld [tilespmem:s14+$0x2C60];
	v21 =	vmul.f32 v21, v23;
	v23 =	vmul.f32 v31, v30;
	v22 =	vadd.f32 v24, v22  }
0x3be: {  	v24 =	vld [tilespmem:s14+$0xC60]  }
0x3bf: {  	v20 =	vmul.f32 v20, v23;
	v23 =	vld [tilespmem:s14+$0xC70];
	v21 =	vadd.f32 v21, v22;
	v22 =	vmul.f32 v27, v26  }
0x3c0: {  	v26 =	vld [tilespmem:s14+$0x2C70]  }
0x3c1: {  	v20 =	vadd.f32 v20, v21;
	v19 =	vmul.f32 v19, v22;
	v21 =	vmul.f32 v62, v25  }
0x3c2: {  	v22 =	vld [tilespmem:s14+$0x4C70]  }
0x3c3: {  	v19 =	vadd.f32 v19, v20;
	v18 =	vmul.f32 v18, v21;
	v20 =	vmul.f32 v63, v24;
	_ =	sdelay $0x1  }
0x3c4: {  	v18 =	vadd.f32 v18, v19;
	v17 =	vmul.f32 v17, v20;
	v19 =	vmul.f32 v26, v23;
	_ =	sdelay $0x1  }
0x3c5: {  	v17 =	vadd.f32 v17, v18;
	v18 =	vmul.f32 v22, v19;
	_ =	sdelay $0x1  }
0x3c6: {  	v17 =	vadd.f32 v18, v17  }
0x3c7: {  	s31 =	simm.s32 $0x18C00  }
0x3c8: {  	s12 =	simm.s32 $0x80;
	[tilespmem:s31+$0x0] =	vst v17  }
0x3c9: {  	v17 =	vld [tilespmem:s12+$0x4C60]  }
0x3ca: {  	v18 =	vld [tilespmem:s12+$0x4C50]  }
0x3cb: {  	v19 =	vld [tilespmem:s12+$0x4C40]  }
0x3cc: {  	v20 =	vld [tilespmem:s12+$0x4C30]  }
0x3cd: {  	v21 =	vld [tilespmem:s12+$0x4C20]  }
0x3ce: {  	v22 =	vld [tilespmem:s12+$0x4C00]  }
0x3cf: {  	v23 =	vld [tilespmem:s12+$0xC20]  }
0x3d0: {  	v24 =	vld [tilespmem:s12+$0x2C00]  }
0x3d1: {  	v25 =	vld [tilespmem:s12+$0xC00]  }
0x3d2: {  	s11 =	simm.s32 $0x0;
	s14 =	simm.s32 $0x400;
	v26 =	vld [tilespmem:s12+$0xC10]  }
.LBB2_18:
0x3d3: {  	p0 =	sne.s32 s14, $0x7E00;
	v27 =	vld [tilespmem:s12+$0x2C10]  }
0x3d4: {  	v28 =	vld [tilespmem:s12+$0x2C20]  }
0x3d5: {  	v29 =	vld [tilespmem:s12+$0x4C10]  }
0x3d6: {  	v30 =	vld [tilespmem:s12+$0xC30]  }
0x3d7: {  	v31 =	vld [tilespmem:s12+$0x2C30]  }
0x3d8: {  	v24 =	vmul.f32 v24, v25;
	v25 =	vmul.f32 v27, v26;
	v26 =	vld [tilespmem:s12+$0xC40]  }
0x3d9: {  	v23 =	vmul.f32 v28, v23;
	v27 =	vld [tilespmem:s12+$0x2C40]  }
0x3da: {  	v22 =	vmul.f32 v22, v24;
	v24 =	vmul.f32 v29, v25;
	v25 =	vld [tilespmem:s12+$0xC50]  }
0x3db: {  	v28 =	vld [tilespmem:s12+$0x2C50]  }
0x3dc: {  	v21 =	vmul.f32 v21, v23;
	v22 =	vadd.f32 v24, v22;
	v23 =	vmul.f32 v31, v30;
	v24 =	vld [tilespmem:s12+$0xC60]  }
0x3dd: {  	v29 =	vld [tilespmem:s12+$0x2C60]  }
0x3de: {  	v21 =	vadd.f32 v21, v22;
	v20 =	vmul.f32 v20, v23;
	v22 =	vmul.f32 v27, v26;
	v23 =	vld [tilespmem:s12+$0xC70]  }
0x3df: {  	v26 =	vld [tilespmem:s12+$0x2C70]  }
0x3e0: {  	v20 =	vadd.f32 v20, v21;
	v19 =	vmul.f32 v19, v22;
	v21 =	vmul.f32 v28, v25  }
0x3e1: {  	v22 =	vld [tilespmem:s12+$0x4C70]  }
0x3e2: {  	v19 =	vadd.f32 v19, v20;
	v18 =	vmul.f32 v18, v21;
	v20 =	vmul.f32 v29, v24;
	_ =	sdelay $0x1  }
0x3e3: {  	v18 =	vadd.f32 v18, v19;
	v17 =	vmul.f32 v17, v20;
	v19 =	vmul.f32 v26, v23;
	_ =	sdelay $0x1  }
0x3e4: {  	v17 =	vadd.f32 v17, v18;
	v18 =	vmul.f32 v22, v19;
	_ =	sdelay $0x1  }
0x3e5: {  	v17 =	vadd.f32 v18, v17  }
0x3e6: {  	s31 =	sadd.s32 $0x10, s31  }
0x3e7: {  	s12 =	sshra.s32 s14, $0x2;
	[tilespmem:s31+$0x0] =	vst v17  }
0x3e8: {  	v17 =	vld [tilespmem:s12+$0x4C60]  }
0x3e9: {  	v18 =	vld [tilespmem:s12+$0x4C50]  }
0x3ea: {  	v19 =	vld [tilespmem:s12+$0x4C40]  }
0x3eb: {  	v20 =	vld [tilespmem:s12+$0x4C30]  }
0x3ec: {  	v21 =	vld [tilespmem:s12+$0x4C20]  }
.Ltmp8:
0x3ed: {  	v22 =	vld [tilespmem:s12+$0x4C00];
	(pc) =	sbr.rel @p0 .LBB2_18-.Ltmp8, $4  }
0x3ee: {  	v23 =	vld [tilespmem:s12+$0xC20]  }
0x3ef: {  	v24 =	vld [tilespmem:s12+$0x2C00]  }
0x3f0: {  	v25 =	vld [tilespmem:s12+$0xC00]  }
0x3f1: {  	s14 =	sadd.s32 $0x200, s14;
	v26 =	vld [tilespmem:s12+$0xC10]  }
0x3f2: {  	v27 =	vld [tilespmem:s12+$0x2C10]  }
0x3f3: {  	v28 =	vld [tilespmem:s12+$0x2C20]  }
0x3f4: {  	v29 =	vld [tilespmem:s12+$0x4C10]  }
0x3f5: {  	v30 =	vld [tilespmem:s12+$0xC30]  }
0x3f6: {  	v31 =	vld [tilespmem:s12+$0x2C30]  }
0x3f7: {  	v24 =	vmul.f32 v24, v25;
	v25 =	vmul.f32 v27, v26;
	v26 =	vld [tilespmem:s12+$0xC40]  }
0x3f8: {  	v23 =	vmul.f32 v28, v23;
	v27 =	vld [tilespmem:s12+$0x2C40]  }
0x3f9: {  	v62 =	vld [tilespmem:s12+$0x2C50];
	v22 =	vmul.f32 v22, v24;
	v24 =	vmul.f32 v29, v25  }
0x3fa: {  	v25 =	vld [tilespmem:s12+$0xC50]  }
0x3fb: {  	v21 =	vmul.f32 v21, v23;
	v23 =	vmul.f32 v31, v30;
	v22 =	vadd.f32 v24, v22  }
0x3fc: {  	v63 =	vld [tilespmem:s12+$0x2C60]  }
0x3fd: {  	v24 =	vld [tilespmem:s12+$0xC60];
	v20 =	vmul.f32 v20, v23;
	v21 =	vadd.f32 v21, v22;
	v22 =	vmul.f32 v27, v26  }
0x3fe: {  	v23 =	vld [tilespmem:s12+$0xC70]  }
0x3ff: {  	v26 =	vld [tilespmem:s12+$0x2C70];
	v20 =	vadd.f32 v20, v21;
	v19 =	vmul.f32 v19, v22;
	v21 =	vmul.f32 v62, v25;
	_ =	sdelay $0x1  }
0x400: {  	v22 =	vld [tilespmem:s12+$0x4C70];
	v19 =	vadd.f32 v19, v20;
	v18 =	vmul.f32 v18, v21  }
0x401: {  	v20 =	vmul.f32 v63, v24  }
0x402: {  	v18 =	vadd.f32 v18, v19;
	v19 =	vmov s11  }
0x403: {  	v17 =	vmul.f32 v17, v20;
	v20 =	vmul.f32 v26, v23;
	v19 =	vshll.u32 v19, $0x4  }
0x404: {  	v19 =	vor.u32 v1, v19  }
0x405: {  	v17 =	vadd.f32 v17, v18;
	v18 =	vmul.f32 v22, v20;
	v20 =	vor.u32 v0, v19  }
0x406: {  	v21 =	vor.u32 v2, v19  }
0x407: {  	v17 =	vadd.f32 v18, v17  }
0x408: {  	s12 =	sadd.s32 $0x10, s31;
	v18 =	vor.u32 v3, v19  }
0x409: {  	[tilespmem:s12+$0x0] =	vst v17  }
0x40a: {  	v17 =	vor.u32 v4, v19;
	v20 =	vld.idx.msk [tilespmem:v20+s23+$0x0], $0xffff  }
0x40b: {  	v21 =	vld.idx.msk [tilespmem:v21+s23+$0x0], $0xffff  }
0x40c: {  	v22 =	vor.u32 v5, v19  }
0x40d: {  	v18 =	vld.idx.msk [tilespmem:v18+s23+$0x0], $0xffff  }
0x40e: {  	v23 =	vor.u32 v6, v19  }
0x40f: {  	v17 =	vld.idx.msk [tilespmem:v17+s23+$0x0], $0xffff  }
0x410: {  	v24 =	vor.u32 v8, v19;
	v20 =	vadd.f32 v21, v20  }
0x411: {  	v21 =	vld.idx.msk [tilespmem:v22+s23+$0x0], $0xffff  }
0x412: {  	v22 =	vor.u32 v9, v19;
	v18 =	vadd.f32 v18, v20  }
0x413: {  	v20 =	vld.idx.msk [tilespmem:v23+s23+$0x0], $0xffff  }
0x414: {  	v23 =	vor.u32 v7, v19;
	v17 =	vadd.f32 v17, v18  }
0x415: {  	v18 =	vld.idx.msk [tilespmem:v24+s23+$0x0], $0xffff  }
0x416: {  	v24 =	vor.u32 v10, v19;
	v17 =	vadd.f32 v21, v17  }
0x417: {  	v21 =	vld.idx.msk [tilespmem:v22+s23+$0x0], $0xffff  }
0x418: {  	v22 =	vor.u32 v11, v19;
	v17 =	vadd.f32 v20, v17  }
0x419: {  	v20 =	vld.idx.msk [tilespmem:v23+s23+$0x0], $0xffff  }
0x41a: {  	v23 =	vor.u32 v12, v19;
	v17 =	vadd.f32 v18, v17  }
0x41b: {  	v18 =	vld.idx.msk [tilespmem:v24+s23+$0x0], $0xffff  }
0x41c: {  	v24 =	vor.u32 v13, v19;
	v17 =	vadd.f32 v21, v17  }
0x41d: {  	v21 =	vld.idx.msk [tilespmem:v22+s23+$0x0], $0xffff  }
0x41e: {  	v22 =	vor.u32 v14, v19;
	v17 =	vadd.f32 v20, v17  }
0x41f: {  	v20 =	vld.idx.msk [tilespmem:v23+s23+$0x0], $0xffff  }
0x420: {  	v23 =	vor.u32 v15, v19;
	v17 =	vadd.f32 v18, v17  }
0x421: {  	v18 =	vld.idx.msk [tilespmem:v24+s23+$0x0], $0xffff  }
0x422: {  	v19 =	vor.u32 v16, v19;
	v17 =	vadd.f32 v21, v17  }
0x423: {  	v21 =	vld.idx.msk [tilespmem:v22+s23+$0x0], $0xffff  }
0x424: {  	v17 =	vadd.f32 v20, v17  }
0x425: {  	v20 =	vld.idx.msk [tilespmem:v23+s23+$0x0], $0xffff  }
0x426: {  	s14 =	simm.s32 $0x10;
	v17 =	vadd.f32 v18, v17  }
0x427: {  	v25 =	vld.idx.msk [tilespmem:v19+s23+$0x0], $0xffff;
	v18 =	vmov s14  }
0x428: {  	v18 =	vshll.u32 v18, $0x4;
	v19 =	vadd.f32 v21, v17  }
0x429: {  	v17 =	vor.u32 v1, v18  }
0x42a: {  	v24 =	vor.u32 v0, v17;
	v21 =	vor.u32 v2, v17;
	v26 =	vadd.f32 v20, v19  }
0x42b: {  	v23 =	vor.u32 v3, v17;
	v22 =	vor.u32 v4, v17;
	v18 =	vor.u32 v8, v17  }
0x42c: {  	s31 =	simm.s32 $0x19100;
	s11 =	simm.s32 $0x20;
	s12 =	simm.s32 $0x19100;
	v20 =	vor.u32 v5, v17;
	v19 =	vor.u32 v6, v17;
	v25 =	vadd.f32 v25, v26  }
.LBB2_20:
0x42d: {  	p0 =	sne.s32 s11, $0x30  }
0x42e: {  	v26 =	vor.u32 v9, v17;
	v27 =	vor.u32 v7, v17;
	v28 =	vor.u32 v10, v17;
	s31 =	sadd.s32 $0x10, s31;
	s14 =	smov.u32 s11;
	s11 =	sadd.s32 $0x10, s11  }
0x42f: {  	v29 =	vor.u32 v11, v17;
	v30 =	vor.u32 v12, v17;
	v31 =	vor.u32 v13, v17;
	[tilespmem:s12+$0x0] =	vst v25;
	s12 =	smov.u32 s31  }
0x430: {  	v32 =	vor.u32 v15, v17;
	v25 =	vor.u32 v14, v17;
	v17 =	vor.u32 v16, v17;
	v24 =	vld.idx.msk [tilespmem:v24+s23+$0x0], $0xffff  }
0x431: {  	v21 =	vld.idx.msk [tilespmem:v21+s23+$0x0], $0xffff  }
0x432: {  	v23 =	vld.idx.msk [tilespmem:v23+s23+$0x0], $0xffff;
	_ =	sdelay $0x1  }
0x433: {  	v22 =	vld.idx.msk [tilespmem:v22+s23+$0x0], $0xffff;
	_ =	sdelay $0x1  }
0x434: {  	v20 =	vld.idx.msk [tilespmem:v20+s23+$0x0], $0xffff  }
0x435: {  	v21 =	vadd.f32 v21, v24  }
0x436: {  	v19 =	vld.idx.msk [tilespmem:v19+s23+$0x0], $0xffff  }
0x437: {  	v21 =	vadd.f32 v23, v21  }
0x438: {  	v18 =	vld.idx.msk [tilespmem:v18+s23+$0x0], $0xffff  }
0x439: {  	v21 =	vadd.f32 v22, v21  }
0x43a: {  	v22 =	vld.idx.msk [tilespmem:v26+s23+$0x0], $0xffff  }
0x43b: {  	v20 =	vadd.f32 v20, v21  }
0x43c: {  	v21 =	vld.idx.msk [tilespmem:v27+s23+$0x0], $0xffff  }
0x43d: {  	v19 =	vadd.f32 v19, v20  }
0x43e: {  	v20 =	vld.idx.msk [tilespmem:v28+s23+$0x0], $0xffff  }
0x43f: {  	v18 =	vadd.f32 v18, v19  }
0x440: {  	v19 =	vld.idx.msk [tilespmem:v29+s23+$0x0], $0xffff  }
0x441: {  	v18 =	vadd.f32 v22, v18  }
0x442: {  	v22 =	vld.idx.msk [tilespmem:v30+s23+$0x0], $0xffff  }
0x443: {  	v18 =	vadd.f32 v21, v18  }
0x444: {  	v21 =	vld.idx.msk [tilespmem:v31+s23+$0x0], $0xffff  }
0x445: {  	v18 =	vadd.f32 v20, v18  }
0x446: {  	v20 =	vld.idx.msk [tilespmem:v25+s23+$0x0], $0xffff  }
0x447: {  	v18 =	vadd.f32 v19, v18  }
0x448: {  	v19 =	vld.idx.msk [tilespmem:v32+s23+$0x0], $0xffff  }
0x449: {  	v18 =	vadd.f32 v22, v18  }
0x44a: {  	v25 =	vld.idx.msk [tilespmem:v17+s23+$0x0], $0xffff  }
0x44b: {  	v17 =	vadd.f32 v21, v18  }
0x44c: {  	v18 =	vmov s14  }
.Ltmp9:
0x44d: {  	v18 =	vshll.u32 v18, $0x4;
	v20 =	vadd.f32 v20, v17;
	(pc) =	sbr.rel @p0 .LBB2_20-.Ltmp9, $4  }
0x44e: {  	v17 =	vor.u32 v1, v18  }
0x44f: {  	v24 =	vor.u32 v0, v17;
	v21 =	vor.u32 v2, v17;
	v26 =	vadd.f32 v19, v20  }
0x450: {  	v23 =	vor.u32 v3, v17;
	v22 =	vor.u32 v4, v17;
	v20 =	vor.u32 v5, v17  }
0x451: {  	v18 =	vor.u32 v8, v17;
	v19 =	vor.u32 v6, v17;
	v25 =	vadd.f32 v25, v26  }
0x452: {  	_ =	sdelay $0x2  }
0x453: {  	[tilespmem:s12+$0x0] =	vst v25  }
0x454: {  	v24 =	vld.idx.msk [tilespmem:v24+s23+$0x0], $0xffff  }
0x455: {  	v21 =	vld.idx.msk [tilespmem:v21+s23+$0x0], $0xffff;
	_ =	sdelay $0x1  }
0x456: {  	v23 =	vld.idx.msk [tilespmem:v23+s23+$0x0], $0xffff;
	_ =	sdelay $0x1  }
0x457: {  	v22 =	vld.idx.msk [tilespmem:v22+s23+$0x0], $0xffff  }
0x458: {  	v21 =	vadd.f32 v21, v24  }
0x459: {  	v20 =	vld.idx.msk [tilespmem:v20+s23+$0x0], $0xffff  }
0x45a: {  	v24 =	vor.u32 v9, v17;
	v21 =	vadd.f32 v23, v21  }
0x45b: {  	v19 =	vld.idx.msk [tilespmem:v19+s23+$0x0], $0xffff  }
0x45c: {  	v23 =	vor.u32 v7, v17;
	v21 =	vadd.f32 v22, v21  }
0x45d: {  	v18 =	vld.idx.msk [tilespmem:v18+s23+$0x0], $0xffff  }
0x45e: {  	v22 =	vor.u32 v10, v17;
	v20 =	vadd.f32 v20, v21  }
0x45f: {  	v21 =	vld.idx.msk [tilespmem:v24+s23+$0x0], $0xffff  }
0x460: {  	v24 =	vor.u32 v11, v17;
	v19 =	vadd.f32 v19, v20  }
0x461: {  	v20 =	vld.idx.msk [tilespmem:v23+s23+$0x0], $0xffff  }
0x462: {  	v23 =	vor.u32 v12, v17;
	v18 =	vadd.f32 v18, v19  }
0x463: {  	v19 =	vld.idx.msk [tilespmem:v22+s23+$0x0], $0xffff  }
0x464: {  	v22 =	vor.u32 v13, v17;
	v18 =	vadd.f32 v21, v18  }
0x465: {  	v21 =	vld.idx.msk [tilespmem:v24+s23+$0x0], $0xffff  }
0x466: {  	v24 =	vor.u32 v14, v17;
	v18 =	vadd.f32 v20, v18  }
0x467: {  	v20 =	vld.idx.msk [tilespmem:v23+s23+$0x0], $0xffff  }
0x468: {  	v23 =	vor.u32 v15, v17;
	v18 =	vadd.f32 v19, v18  }
0x469: {  	v19 =	vld.idx.msk [tilespmem:v22+s23+$0x0], $0xffff  }
0x46a: {  	v17 =	vor.u32 v16, v17;
	v18 =	vadd.f32 v21, v18  }
0x46b: {  	v21 =	vld.idx.msk [tilespmem:v24+s23+$0x0], $0xffff  }
0x46c: {  	v18 =	vadd.f32 v20, v18  }
0x46d: {  	v20 =	vld.idx.msk [tilespmem:v23+s23+$0x0], $0xffff  }
0x46e: {  	v18 =	vadd.f32 v19, v18  }
0x46f: {  	v17 =	vld.idx.msk [tilespmem:v17+s23+$0x0], $0xffff  }
0x470: {  	v18 =	vadd.f32 v21, v18;
	_ =	sdelay $0x1  }
0x471: {  	v18 =	vadd.f32 v20, v18;
	_ =	sdelay $0x1  }
0x472: {  	v17 =	vadd.f32 v17, v18  }
0x473: {  	s11 =	sadd.s32 $0x10, s31  }
0x474: {  	[tilespmem:s11+$0x0] =	vst v17  }
0x475: {  	_ =	swait.ge [sflag:s25], $0x2000  }
0x476: {  	[sflag:s25] =	ssyncset.done $0x0  }
0x477: {  	[sflag:s25] =	ssyncadd.s32 $0xFFFFE000  }
0x478: {  	_ =	swait.ge [sflag:s25], $0x2000  }
0x479: {  	[sflag:s25] =	ssyncset.done $0x0  }
0x47a: {  	[sflag:s25] =	ssyncadd.s32 $0xFFFFE000  }
0x47b: {  	_ =	swait.ge [sflag:s25], $0x2000  }
0x47c: {  	[sflag:s25] =	ssyncset.done $0x0  }
0x47d: {  	s14 =	simm.s32 $0x0;
	[sflag:s25] =	ssyncadd.s32 $0xFFFFE000  }
0x47e: {  	v17 =	vld [tilespmem:s14+$0xAC60]  }
0x47f: {  	v18 =	vld [tilespmem:s14+$0xAC50]  }
0x480: {  	v19 =	vld [tilespmem:s14+$0xAC40]  }
0x481: {  	v20 =	vld [tilespmem:s14+$0xAC30]  }
0x482: {  	v21 =	vld [tilespmem:s14+$0xAC20]  }
0x483: {  	v22 =	vld [tilespmem:s14+$0xAC00]  }
0x484: {  	v23 =	vld [tilespmem:s14+$0x6C20]  }
0x485: {  	v24 =	vld [tilespmem:s14+$0x8C00]  }
0x486: {  	v25 =	vld [tilespmem:s14+$0x6C00]  }
0x487: {  	v26 =	vld [tilespmem:s14+$0x6C10]  }
0x488: {  	v27 =	vld [tilespmem:s14+$0x8C10]  }
0x489: {  	v28 =	vld [tilespmem:s14+$0x8C20]  }
0x48a: {  	v29 =	vld [tilespmem:s14+$0xAC10]  }
0x48b: {  	v30 =	vld [tilespmem:s14+$0x6C30]  }
0x48c: {  	v31 =	vld [tilespmem:s14+$0x8C30]  }
0x48d: {  	v24 =	vmul.f32 v24, v25;
	v25 =	vmul.f32 v27, v26;
	v26 =	vld [tilespmem:s14+$0x6C40]  }
0x48e: {  	v23 =	vmul.f32 v28, v23;
	v27 =	vld [tilespmem:s14+$0x8C40]  }
0x48f: {  	v62 =	vld [tilespmem:s14+$0x8C50];
	v22 =	vmul.f32 v22, v24;
	v24 =	vmul.f32 v29, v25  }
0x490: {  	v25 =	vld [tilespmem:s14+$0x6C50]  }
0x491: {  	v63 =	vld [tilespmem:s14+$0x8C60];
	v21 =	vmul.f32 v21, v23;
	v23 =	vmul.f32 v31, v30;
	v22 =	vadd.f32 v24, v22  }
0x492: {  	v24 =	vld [tilespmem:s14+$0x6C60]  }
0x493: {  	v20 =	vmul.f32 v20, v23;
	v23 =	vld [tilespmem:s14+$0x6C70];
	v21 =	vadd.f32 v21, v22;
	v22 =	vmul.f32 v27, v26  }
0x494: {  	v26 =	vld [tilespmem:s14+$0x8C70]  }
0x495: {  	v20 =	vadd.f32 v20, v21;
	v19 =	vmul.f32 v19, v22;
	v21 =	vmul.f32 v62, v25  }
0x496: {  	v22 =	vld [tilespmem:s14+$0xAC70]  }
0x497: {  	v19 =	vadd.f32 v19, v20;
	v18 =	vmul.f32 v18, v21;
	v20 =	vmul.f32 v63, v24;
	_ =	sdelay $0x1  }
0x498: {  	v18 =	vadd.f32 v18, v19;
	v17 =	vmul.f32 v17, v20;
	v19 =	vmul.f32 v26, v23;
	_ =	sdelay $0x1  }
0x499: {  	v17 =	vadd.f32 v17, v18;
	v18 =	vmul.f32 v22, v19;
	_ =	sdelay $0x1  }
0x49a: {  	v17 =	vadd.f32 v18, v17  }
0x49b: {  	s31 =	simm.s32 $0x18C00  }
0x49c: {  	s12 =	simm.s32 $0x80;
	[tilespmem:s31+$0x0] =	vst v17  }
0x49d: {  	v17 =	vld [tilespmem:s12+$0xAC60]  }
0x49e: {  	v18 =	vld [tilespmem:s12+$0xAC50]  }
0x49f: {  	v19 =	vld [tilespmem:s12+$0xAC40]  }
0x4a0: {  	v20 =	vld [tilespmem:s12+$0xAC30]  }
0x4a1: {  	v21 =	vld [tilespmem:s12+$0xAC20]  }
0x4a2: {  	v22 =	vld [tilespmem:s12+$0xAC00]  }
0x4a3: {  	v23 =	vld [tilespmem:s12+$0x6C20]  }
0x4a4: {  	v24 =	vld [tilespmem:s12+$0x8C00]  }
0x4a5: {  	v25 =	vld [tilespmem:s12+$0x6C00]  }
0x4a6: {  	s11 =	simm.s32 $0x0;
	s14 =	simm.s32 $0x400;
	v26 =	vld [tilespmem:s12+$0x6C10]  }
.LBB2_22:
0x4a7: {  	p0 =	sne.s32 s14, $0x7E00;
	v27 =	vld [tilespmem:s12+$0x8C10]  }
0x4a8: {  	v28 =	vld [tilespmem:s12+$0x8C20]  }
0x4a9: {  	v29 =	vld [tilespmem:s12+$0xAC10]  }
0x4aa: {  	v30 =	vld [tilespmem:s12+$0x6C30]  }
0x4ab: {  	v31 =	vld [tilespmem:s12+$0x8C30]  }
0x4ac: {  	v24 =	vmul.f32 v24, v25;
	v25 =	vmul.f32 v27, v26;
	v26 =	vld [tilespmem:s12+$0x6C40]  }
0x4ad: {  	v23 =	vmul.f32 v28, v23;
	v27 =	vld [tilespmem:s12+$0x8C40]  }
0x4ae: {  	v22 =	vmul.f32 v22, v24;
	v24 =	vmul.f32 v29, v25;
	v25 =	vld [tilespmem:s12+$0x6C50]  }
0x4af: {  	v28 =	vld [tilespmem:s12+$0x8C50]  }
0x4b0: {  	v21 =	vmul.f32 v21, v23;
	v22 =	vadd.f32 v24, v22;
	v23 =	vmul.f32 v31, v30;
	v24 =	vld [tilespmem:s12+$0x6C60]  }
0x4b1: {  	v29 =	vld [tilespmem:s12+$0x8C60]  }
0x4b2: {  	v21 =	vadd.f32 v21, v22;
	v20 =	vmul.f32 v20, v23;
	v22 =	vmul.f32 v27, v26;
	v23 =	vld [tilespmem:s12+$0x6C70]  }
0x4b3: {  	v26 =	vld [tilespmem:s12+$0x8C70]  }
0x4b4: {  	v20 =	vadd.f32 v20, v21;
	v19 =	vmul.f32 v19, v22;
	v21 =	vmul.f32 v28, v25  }
0x4b5: {  	v22 =	vld [tilespmem:s12+$0xAC70]  }
0x4b6: {  	v19 =	vadd.f32 v19, v20;
	v18 =	vmul.f32 v18, v21;
	v20 =	vmul.f32 v29, v24;
	_ =	sdelay $0x1  }
0x4b7: {  	v18 =	vadd.f32 v18, v19;
	v17 =	vmul.f32 v17, v20;
	v19 =	vmul.f32 v26, v23;
	_ =	sdelay $0x1  }
0x4b8: {  	v17 =	vadd.f32 v17, v18;
	v18 =	vmul.f32 v22, v19;
	_ =	sdelay $0x1  }
0x4b9: {  	v17 =	vadd.f32 v18, v17  }
0x4ba: {  	s31 =	sadd.s32 $0x10, s31  }
0x4bb: {  	s12 =	sshra.s32 s14, $0x2;
	[tilespmem:s31+$0x0] =	vst v17  }
0x4bc: {  	v17 =	vld [tilespmem:s12+$0xAC60]  }
0x4bd: {  	v18 =	vld [tilespmem:s12+$0xAC50]  }
0x4be: {  	v19 =	vld [tilespmem:s12+$0xAC40]  }
0x4bf: {  	v20 =	vld [tilespmem:s12+$0xAC30]  }
0x4c0: {  	v21 =	vld [tilespmem:s12+$0xAC20]  }
.Ltmp10:
0x4c1: {  	v22 =	vld [tilespmem:s12+$0xAC00];
	(pc) =	sbr.rel @p0 .LBB2_22-.Ltmp10, $4  }
0x4c2: {  	v23 =	vld [tilespmem:s12+$0x6C20]  }
0x4c3: {  	v24 =	vld [tilespmem:s12+$0x8C00]  }
0x4c4: {  	v25 =	vld [tilespmem:s12+$0x6C00]  }
0x4c5: {  	s14 =	sadd.s32 $0x200, s14;
	v26 =	vld [tilespmem:s12+$0x6C10]  }
0x4c6: {  	v27 =	vld [tilespmem:s12+$0x8C10]  }
0x4c7: {  	v28 =	vld [tilespmem:s12+$0x8C20]  }
0x4c8: {  	v29 =	vld [tilespmem:s12+$0xAC10]  }
0x4c9: {  	v30 =	vld [tilespmem:s12+$0x6C30]  }
0x4ca: {  	v31 =	vld [tilespmem:s12+$0x8C30]  }
0x4cb: {  	v24 =	vmul.f32 v24, v25;
	v25 =	vmul.f32 v27, v26;
	v26 =	vld [tilespmem:s12+$0x6C40]  }
0x4cc: {  	v23 =	vmul.f32 v28, v23;
	v27 =	vld [tilespmem:s12+$0x8C40]  }
0x4cd: {  	v62 =	vld [tilespmem:s12+$0x8C50];
	v22 =	vmul.f32 v22, v24;
	v24 =	vmul.f32 v29, v25  }
0x4ce: {  	v25 =	vld [tilespmem:s12+$0x6C50]  }
0x4cf: {  	v21 =	vmul.f32 v21, v23;
	v23 =	vmul.f32 v31, v30;
	v22 =	vadd.f32 v24, v22  }
0x4d0: {  	v63 =	vld [tilespmem:s12+$0x8C60]  }
0x4d1: {  	v24 =	vld [tilespmem:s12+$0x6C60];
	v20 =	vmul.f32 v20, v23;
	v21 =	vadd.f32 v21, v22;
	v22 =	vmul.f32 v27, v26  }
0x4d2: {  	v23 =	vld [tilespmem:s12+$0x6C70]  }
0x4d3: {  	v26 =	vld [tilespmem:s12+$0x8C70];
	v20 =	vadd.f32 v20, v21;
	v19 =	vmul.f32 v19, v22;
	v21 =	vmul.f32 v62, v25;
	_ =	sdelay $0x1  }
0x4d4: {  	v22 =	vld [tilespmem:s12+$0xAC70];
	v19 =	vadd.f32 v19, v20;
	v18 =	vmul.f32 v18, v21  }
0x4d5: {  	v20 =	vmul.f32 v63, v24  }
0x4d6: {  	v18 =	vadd.f32 v18, v19;
	v19 =	vmov s11  }
0x4d7: {  	v17 =	vmul.f32 v17, v20;
	v20 =	vmul.f32 v26, v23;
	v19 =	vshll.u32 v19, $0x4  }
0x4d8: {  	v19 =	vor.u32 v1, v19  }
0x4d9: {  	v17 =	vadd.f32 v17, v18;
	v18 =	vmul.f32 v22, v20;
	v20 =	vor.u32 v0, v19  }
0x4da: {  	v21 =	vor.u32 v2, v19  }
0x4db: {  	v17 =	vadd.f32 v18, v17  }
0x4dc: {  	s12 =	sadd.s32 $0x10, s31;
	v18 =	vor.u32 v3, v19  }
0x4dd: {  	[tilespmem:s12+$0x0] =	vst v17  }
0x4de: {  	v17 =	vor.u32 v4, v19;
	v20 =	vld.idx.msk [tilespmem:v20+s23+$0x0], $0xffff  }
0x4df: {  	v21 =	vld.idx.msk [tilespmem:v21+s23+$0x0], $0xffff  }
0x4e0: {  	v22 =	vor.u32 v5, v19  }
0x4e1: {  	v18 =	vld.idx.msk [tilespmem:v18+s23+$0x0], $0xffff  }
0x4e2: {  	v23 =	vor.u32 v6, v19  }
0x4e3: {  	v17 =	vld.idx.msk [tilespmem:v17+s23+$0x0], $0xffff  }
0x4e4: {  	v24 =	vor.u32 v8, v19;
	v20 =	vadd.f32 v21, v20  }
0x4e5: {  	v21 =	vld.idx.msk [tilespmem:v22+s23+$0x0], $0xffff  }
0x4e6: {  	v22 =	vor.u32 v9, v19;
	v18 =	vadd.f32 v18, v20  }
0x4e7: {  	v20 =	vld.idx.msk [tilespmem:v23+s23+$0x0], $0xffff  }
0x4e8: {  	v23 =	vor.u32 v7, v19;
	v17 =	vadd.f32 v17, v18  }
0x4e9: {  	v18 =	vld.idx.msk [tilespmem:v24+s23+$0x0], $0xffff  }
0x4ea: {  	v24 =	vor.u32 v10, v19;
	v17 =	vadd.f32 v21, v17  }
0x4eb: {  	v21 =	vld.idx.msk [tilespmem:v22+s23+$0x0], $0xffff  }
0x4ec: {  	v22 =	vor.u32 v11, v19;
	v17 =	vadd.f32 v20, v17  }
0x4ed: {  	v20 =	vld.idx.msk [tilespmem:v23+s23+$0x0], $0xffff  }
0x4ee: {  	v23 =	vor.u32 v12, v19;
	v17 =	vadd.f32 v18, v17  }
0x4ef: {  	v18 =	vld.idx.msk [tilespmem:v24+s23+$0x0], $0xffff  }
0x4f0: {  	v24 =	vor.u32 v13, v19;
	v17 =	vadd.f32 v21, v17  }
0x4f1: {  	v21 =	vld.idx.msk [tilespmem:v22+s23+$0x0], $0xffff  }
0x4f2: {  	v22 =	vor.u32 v14, v19;
	v17 =	vadd.f32 v20, v17  }
0x4f3: {  	v20 =	vld.idx.msk [tilespmem:v23+s23+$0x0], $0xffff  }
0x4f4: {  	v23 =	vor.u32 v15, v19;
	v17 =	vadd.f32 v18, v17  }
0x4f5: {  	v18 =	vld.idx.msk [tilespmem:v24+s23+$0x0], $0xffff  }
0x4f6: {  	v19 =	vor.u32 v16, v19;
	v17 =	vadd.f32 v21, v17  }
0x4f7: {  	v21 =	vld.idx.msk [tilespmem:v22+s23+$0x0], $0xffff  }
0x4f8: {  	v17 =	vadd.f32 v20, v17  }
0x4f9: {  	v20 =	vld.idx.msk [tilespmem:v23+s23+$0x0], $0xffff  }
0x4fa: {  	s14 =	simm.s32 $0x10;
	v17 =	vadd.f32 v18, v17  }
0x4fb: {  	v25 =	vld.idx.msk [tilespmem:v19+s23+$0x0], $0xffff;
	v18 =	vmov s14  }
0x4fc: {  	v18 =	vshll.u32 v18, $0x4;
	v19 =	vadd.f32 v21, v17  }
0x4fd: {  	v17 =	vor.u32 v1, v18  }
0x4fe: {  	v24 =	vor.u32 v0, v17;
	v21 =	vor.u32 v2, v17;
	v26 =	vadd.f32 v20, v19  }
0x4ff: {  	v23 =	vor.u32 v3, v17;
	v22 =	vor.u32 v4, v17;
	v18 =	vor.u32 v8, v17  }
0x500: {  	s31 =	simm.s32 $0x19140;
	s11 =	simm.s32 $0x20;
	s12 =	simm.s32 $0x19140;
	v20 =	vor.u32 v5, v17;
	v19 =	vor.u32 v6, v17;
	v25 =	vadd.f32 v25, v26  }
.LBB2_24:
0x501: {  	p0 =	sne.s32 s11, $0x30  }
0x502: {  	v26 =	vor.u32 v9, v17;
	v27 =	vor.u32 v7, v17;
	v28 =	vor.u32 v10, v17;
	s31 =	sadd.s32 $0x10, s31;
	s14 =	smov.u32 s11;
	s11 =	sadd.s32 $0x10, s11  }
0x503: {  	v29 =	vor.u32 v11, v17;
	v30 =	vor.u32 v12, v17;
	v31 =	vor.u32 v13, v17;
	[tilespmem:s12+$0x0] =	vst v25;
	s12 =	smov.u32 s31  }
0x504: {  	v32 =	vor.u32 v15, v17;
	v25 =	vor.u32 v14, v17;
	v17 =	vor.u32 v16, v17;
	v24 =	vld.idx.msk [tilespmem:v24+s23+$0x0], $0xffff  }
0x505: {  	v21 =	vld.idx.msk [tilespmem:v21+s23+$0x0], $0xffff  }
0x506: {  	v23 =	vld.idx.msk [tilespmem:v23+s23+$0x0], $0xffff;
	_ =	sdelay $0x1  }
0x507: {  	v22 =	vld.idx.msk [tilespmem:v22+s23+$0x0], $0xffff;
	_ =	sdelay $0x1  }
0x508: {  	v20 =	vld.idx.msk [tilespmem:v20+s23+$0x0], $0xffff  }
0x509: {  	v21 =	vadd.f32 v21, v24  }
0x50a: {  	v19 =	vld.idx.msk [tilespmem:v19+s23+$0x0], $0xffff  }
0x50b: {  	v21 =	vadd.f32 v23, v21  }
0x50c: {  	v18 =	vld.idx.msk [tilespmem:v18+s23+$0x0], $0xffff  }
0x50d: {  	v21 =	vadd.f32 v22, v21  }
0x50e: {  	v22 =	vld.idx.msk [tilespmem:v26+s23+$0x0], $0xffff  }
0x50f: {  	v20 =	vadd.f32 v20, v21  }
0x510: {  	v21 =	vld.idx.msk [tilespmem:v27+s23+$0x0], $0xffff  }
0x511: {  	v19 =	vadd.f32 v19, v20  }
0x512: {  	v20 =	vld.idx.msk [tilespmem:v28+s23+$0x0], $0xffff  }
0x513: {  	v18 =	vadd.f32 v18, v19  }
0x514: {  	v19 =	vld.idx.msk [tilespmem:v29+s23+$0x0], $0xffff  }
0x515: {  	v18 =	vadd.f32 v22, v18  }
0x516: {  	v22 =	vld.idx.msk [tilespmem:v30+s23+$0x0], $0xffff  }
0x517: {  	v18 =	vadd.f32 v21, v18  }
0x518: {  	v21 =	vld.idx.msk [tilespmem:v31+s23+$0x0], $0xffff  }
0x519: {  	v18 =	vadd.f32 v20, v18  }
0x51a: {  	v20 =	vld.idx.msk [tilespmem:v25+s23+$0x0], $0xffff  }
0x51b: {  	v18 =	vadd.f32 v19, v18  }
0x51c: {  	v19 =	vld.idx.msk [tilespmem:v32+s23+$0x0], $0xffff  }
0x51d: {  	v18 =	vadd.f32 v22, v18  }
0x51e: {  	v25 =	vld.idx.msk [tilespmem:v17+s23+$0x0], $0xffff  }
0x51f: {  	v17 =	vadd.f32 v21, v18  }
0x520: {  	v18 =	vmov s14  }
.Ltmp11:
0x521: {  	v18 =	vshll.u32 v18, $0x4;
	v20 =	vadd.f32 v20, v17;
	(pc) =	sbr.rel @p0 .LBB2_24-.Ltmp11, $4  }
0x522: {  	v17 =	vor.u32 v1, v18  }
0x523: {  	v24 =	vor.u32 v0, v17;
	v21 =	vor.u32 v2, v17;
	v26 =	vadd.f32 v19, v20  }
0x524: {  	v23 =	vor.u32 v3, v17;
	v22 =	vor.u32 v4, v17;
	v20 =	vor.u32 v5, v17  }
0x525: {  	v18 =	vor.u32 v8, v17;
	v19 =	vor.u32 v6, v17;
	v25 =	vadd.f32 v25, v26  }
0x526: {  	_ =	sdelay $0x2  }
0x527: {  	[tilespmem:s12+$0x0] =	vst v25  }
0x528: {  	v24 =	vld.idx.msk [tilespmem:v24+s23+$0x0], $0xffff  }
0x529: {  	v21 =	vld.idx.msk [tilespmem:v21+s23+$0x0], $0xffff;
	_ =	sdelay $0x1  }
0x52a: {  	v23 =	vld.idx.msk [tilespmem:v23+s23+$0x0], $0xffff;
	_ =	sdelay $0x1  }
0x52b: {  	v22 =	vld.idx.msk [tilespmem:v22+s23+$0x0], $0xffff  }
0x52c: {  	v21 =	vadd.f32 v21, v24  }
0x52d: {  	v20 =	vld.idx.msk [tilespmem:v20+s23+$0x0], $0xffff  }
0x52e: {  	v24 =	vor.u32 v9, v17;
	v21 =	vadd.f32 v23, v21  }
0x52f: {  	v19 =	vld.idx.msk [tilespmem:v19+s23+$0x0], $0xffff  }
0x530: {  	v23 =	vor.u32 v7, v17;
	v21 =	vadd.f32 v22, v21  }
0x531: {  	v18 =	vld.idx.msk [tilespmem:v18+s23+$0x0], $0xffff  }
0x532: {  	v22 =	vor.u32 v10, v17;
	v20 =	vadd.f32 v20, v21  }
0x533: {  	v21 =	vld.idx.msk [tilespmem:v24+s23+$0x0], $0xffff  }
0x534: {  	v24 =	vor.u32 v11, v17;
	v19 =	vadd.f32 v19, v20  }
0x535: {  	v20 =	vld.idx.msk [tilespmem:v23+s23+$0x0], $0xffff  }
0x536: {  	v23 =	vor.u32 v12, v17;
	v18 =	vadd.f32 v18, v19  }
0x537: {  	v19 =	vld.idx.msk [tilespmem:v22+s23+$0x0], $0xffff  }
0x538: {  	v22 =	vor.u32 v13, v17;
	v18 =	vadd.f32 v21, v18  }
0x539: {  	v21 =	vld.idx.msk [tilespmem:v24+s23+$0x0], $0xffff  }
0x53a: {  	v24 =	vor.u32 v14, v17;
	v18 =	vadd.f32 v20, v18  }
0x53b: {  	v20 =	vld.idx.msk [tilespmem:v23+s23+$0x0], $0xffff  }
0x53c: {  	v23 =	vor.u32 v15, v17;
	v18 =	vadd.f32 v19, v18  }
0x53d: {  	v19 =	vld.idx.msk [tilespmem:v22+s23+$0x0], $0xffff  }
0x53e: {  	v17 =	vor.u32 v16, v17;
	v18 =	vadd.f32 v21, v18  }
0x53f: {  	v21 =	vld.idx.msk [tilespmem:v24+s23+$0x0], $0xffff  }
0x540: {  	v18 =	vadd.f32 v20, v18  }
0x541: {  	v20 =	vld.idx.msk [tilespmem:v23+s23+$0x0], $0xffff  }
0x542: {  	v18 =	vadd.f32 v19, v18  }
0x543: {  	v17 =	vld.idx.msk [tilespmem:v17+s23+$0x0], $0xffff  }
0x544: {  	v18 =	vadd.f32 v21, v18;
	_ =	sdelay $0x1  }
0x545: {  	v18 =	vadd.f32 v20, v18;
	_ =	sdelay $0x1  }
0x546: {  	v17 =	vadd.f32 v17, v18  }
0x547: {  	s11 =	sadd.s32 $0x10, s31  }
0x548: {  	[tilespmem:s11+$0x0] =	vst v17  }
0x549: {  	_ =	swait.ge [sflag:s19], $0x2000  }
0x54a: {  	[sflag:s19] =	ssyncset.done $0x0  }
0x54b: {  	[sflag:s19] =	ssyncadd.s32 $0xFFFFE000  }
0x54c: {  	_ =	swait.ge [sflag:s19], $0x2000  }
0x54d: {  	[sflag:s19] =	ssyncset.done $0x0  }
0x54e: {  	[sflag:s19] =	ssyncadd.s32 $0xFFFFE000  }
0x54f: {  	_ =	swait.ge [sflag:s19], $0x2000  }
0x550: {  	[sflag:s19] =	ssyncset.done $0x0  }
0x551: {  	s14 =	simm.s32 $0x0;
	[sflag:s19] =	ssyncadd.s32 $0xFFFFE000  }
0x552: {  	v17 =	vld [tilespmem:s14+$0x10C60]  }
0x553: {  	v18 =	vld [tilespmem:s14+$0x10C50]  }
0x554: {  	v19 =	vld [tilespmem:s14+$0x10C40]  }
0x555: {  	v20 =	vld [tilespmem:s14+$0x10C30]  }
0x556: {  	v21 =	vld [tilespmem:s14+$0x10C20]  }
0x557: {  	v22 =	vld [tilespmem:s14+$0x10C00]  }
0x558: {  	v23 =	vld [tilespmem:s14+$0xCC20]  }
0x559: {  	v24 =	vld [tilespmem:s14+$0xEC00]  }
0x55a: {  	v25 =	vld [tilespmem:s14+$0xCC00]  }
0x55b: {  	v26 =	vld [tilespmem:s14+$0xCC10]  }
0x55c: {  	v27 =	vld [tilespmem:s14+$0xEC10]  }
0x55d: {  	v28 =	vld [tilespmem:s14+$0xEC20]  }
0x55e: {  	v29 =	vld [tilespmem:s14+$0x10C10]  }
0x55f: {  	v30 =	vld [tilespmem:s14+$0xCC30]  }
0x560: {  	v31 =	vld [tilespmem:s14+$0xEC30]  }
0x561: {  	v24 =	vmul.f32 v24, v25;
	v25 =	vmul.f32 v27, v26;
	v26 =	vld [tilespmem:s14+$0xCC40]  }
0x562: {  	v23 =	vmul.f32 v28, v23;
	v27 =	vld [tilespmem:s14+$0xEC40]  }
0x563: {  	v62 =	vld [tilespmem:s14+$0xEC50];
	v22 =	vmul.f32 v22, v24;
	v24 =	vmul.f32 v29, v25  }
0x564: {  	v25 =	vld [tilespmem:s14+$0xCC50]  }
0x565: {  	v63 =	vld [tilespmem:s14+$0xEC60];
	v21 =	vmul.f32 v21, v23;
	v23 =	vmul.f32 v31, v30;
	v22 =	vadd.f32 v24, v22  }
0x566: {  	v24 =	vld [tilespmem:s14+$0xCC60]  }
0x567: {  	v20 =	vmul.f32 v20, v23;
	v23 =	vld [tilespmem:s14+$0xCC70];
	v21 =	vadd.f32 v21, v22;
	v22 =	vmul.f32 v27, v26  }
0x568: {  	v26 =	vld [tilespmem:s14+$0xEC70]  }
0x569: {  	v20 =	vadd.f32 v20, v21;
	v19 =	vmul.f32 v19, v22;
	v21 =	vmul.f32 v62, v25  }
0x56a: {  	v22 =	vld [tilespmem:s14+$0x10C70]  }
0x56b: {  	v19 =	vadd.f32 v19, v20;
	v18 =	vmul.f32 v18, v21;
	v20 =	vmul.f32 v63, v24;
	_ =	sdelay $0x1  }
0x56c: {  	v18 =	vadd.f32 v18, v19;
	v17 =	vmul.f32 v17, v20;
	v19 =	vmul.f32 v26, v23;
	_ =	sdelay $0x1  }
0x56d: {  	v17 =	vadd.f32 v17, v18;
	v18 =	vmul.f32 v22, v19;
	_ =	sdelay $0x1  }
0x56e: {  	v17 =	vadd.f32 v18, v17  }
0x56f: {  	s31 =	simm.s32 $0x18C00  }
0x570: {  	s12 =	simm.s32 $0x80;
	[tilespmem:s31+$0x0] =	vst v17  }
0x571: {  	v17 =	vld [tilespmem:s12+$0x10C60]  }
0x572: {  	v18 =	vld [tilespmem:s12+$0x10C50]  }
0x573: {  	v19 =	vld [tilespmem:s12+$0x10C40]  }
0x574: {  	v20 =	vld [tilespmem:s12+$0x10C30]  }
0x575: {  	v21 =	vld [tilespmem:s12+$0x10C20]  }
0x576: {  	v22 =	vld [tilespmem:s12+$0x10C00]  }
0x577: {  	v23 =	vld [tilespmem:s12+$0xCC20]  }
0x578: {  	v24 =	vld [tilespmem:s12+$0xEC00]  }
0x579: {  	v25 =	vld [tilespmem:s12+$0xCC00]  }
0x57a: {  	s11 =	simm.s32 $0x0;
	s14 =	simm.s32 $0x400;
	v26 =	vld [tilespmem:s12+$0xCC10]  }
.LBB2_26:
0x57b: {  	p0 =	sne.s32 s14, $0x7E00;
	v27 =	vld [tilespmem:s12+$0xEC10]  }
0x57c: {  	v28 =	vld [tilespmem:s12+$0xEC20]  }
0x57d: {  	v29 =	vld [tilespmem:s12+$0x10C10]  }
0x57e: {  	v30 =	vld [tilespmem:s12+$0xCC30]  }
0x57f: {  	v31 =	vld [tilespmem:s12+$0xEC30]  }
0x580: {  	v24 =	vmul.f32 v24, v25;
	v25 =	vmul.f32 v27, v26;
	v26 =	vld [tilespmem:s12+$0xCC40]  }
0x581: {  	v23 =	vmul.f32 v28, v23;
	v27 =	vld [tilespmem:s12+$0xEC40]  }
0x582: {  	v22 =	vmul.f32 v22, v24;
	v24 =	vmul.f32 v29, v25;
	v25 =	vld [tilespmem:s12+$0xCC50]  }
0x583: {  	v28 =	vld [tilespmem:s12+$0xEC50]  }
0x584: {  	v21 =	vmul.f32 v21, v23;
	v22 =	vadd.f32 v24, v22;
	v23 =	vmul.f32 v31, v30;
	v24 =	vld [tilespmem:s12+$0xCC60]  }
0x585: {  	v29 =	vld [tilespmem:s12+$0xEC60]  }
0x586: {  	v21 =	vadd.f32 v21, v22;
	v20 =	vmul.f32 v20, v23;
	v22 =	vmul.f32 v27, v26;
	v23 =	vld [tilespmem:s12+$0xCC70]  }
0x587: {  	v26 =	vld [tilespmem:s12+$0xEC70]  }
0x588: {  	v20 =	vadd.f32 v20, v21;
	v19 =	vmul.f32 v19, v22;
	v21 =	vmul.f32 v28, v25  }
0x589: {  	v22 =	vld [tilespmem:s12+$0x10C70]  }
0x58a: {  	v19 =	vadd.f32 v19, v20;
	v18 =	vmul.f32 v18, v21;
	v20 =	vmul.f32 v29, v24;
	_ =	sdelay $0x1  }
0x58b: {  	v18 =	vadd.f32 v18, v19;
	v17 =	vmul.f32 v17, v20;
	v19 =	vmul.f32 v26, v23;
	_ =	sdelay $0x1  }
0x58c: {  	v17 =	vadd.f32 v17, v18;
	v18 =	vmul.f32 v22, v19;
	_ =	sdelay $0x1  }
0x58d: {  	v17 =	vadd.f32 v18, v17  }
0x58e: {  	s31 =	sadd.s32 $0x10, s31  }
0x58f: {  	s12 =	sshra.s32 s14, $0x2;
	[tilespmem:s31+$0x0] =	vst v17  }
0x590: {  	v17 =	vld [tilespmem:s12+$0x10C60]  }
0x591: {  	v18 =	vld [tilespmem:s12+$0x10C50]  }
0x592: {  	v19 =	vld [tilespmem:s12+$0x10C40]  }
0x593: {  	v20 =	vld [tilespmem:s12+$0x10C30]  }
0x594: {  	v21 =	vld [tilespmem:s12+$0x10C20]  }
.Ltmp12:
0x595: {  	v22 =	vld [tilespmem:s12+$0x10C00];
	(pc) =	sbr.rel @p0 .LBB2_26-.Ltmp12, $4  }
0x596: {  	v23 =	vld [tilespmem:s12+$0xCC20]  }
0x597: {  	v24 =	vld [tilespmem:s12+$0xEC00]  }
0x598: {  	v25 =	vld [tilespmem:s12+$0xCC00]  }
0x599: {  	s14 =	sadd.s32 $0x200, s14;
	v26 =	vld [tilespmem:s12+$0xCC10]  }
0x59a: {  	v27 =	vld [tilespmem:s12+$0xEC10]  }
0x59b: {  	v28 =	vld [tilespmem:s12+$0xEC20]  }
0x59c: {  	v29 =	vld [tilespmem:s12+$0x10C10]  }
0x59d: {  	v30 =	vld [tilespmem:s12+$0xCC30]  }
0x59e: {  	v31 =	vld [tilespmem:s12+$0xEC30]  }
0x59f: {  	v24 =	vmul.f32 v24, v25;
	v25 =	vmul.f32 v27, v26;
	v26 =	vld [tilespmem:s12+$0xCC40]  }
0x5a0: {  	v23 =	vmul.f32 v28, v23;
	v27 =	vld [tilespmem:s12+$0xEC40]  }
0x5a1: {  	v62 =	vld [tilespmem:s12+$0xEC50];
	v22 =	vmul.f32 v22, v24;
	v24 =	vmul.f32 v29, v25  }
0x5a2: {  	v25 =	vld [tilespmem:s12+$0xCC50]  }
0x5a3: {  	v21 =	vmul.f32 v21, v23;
	v23 =	vmul.f32 v31, v30;
	v22 =	vadd.f32 v24, v22  }
0x5a4: {  	v63 =	vld [tilespmem:s12+$0xEC60]  }
0x5a5: {  	v24 =	vld [tilespmem:s12+$0xCC60];
	v20 =	vmul.f32 v20, v23;
	v21 =	vadd.f32 v21, v22;
	v22 =	vmul.f32 v27, v26  }
0x5a6: {  	v23 =	vld [tilespmem:s12+$0xCC70]  }
0x5a7: {  	v26 =	vld [tilespmem:s12+$0xEC70];
	v20 =	vadd.f32 v20, v21;
	v19 =	vmul.f32 v19, v22;
	v21 =	vmul.f32 v62, v25;
	_ =	sdelay $0x1  }
0x5a8: {  	v22 =	vld [tilespmem:s12+$0x10C70];
	v19 =	vadd.f32 v19, v20;
	v18 =	vmul.f32 v18, v21  }
0x5a9: {  	v20 =	vmul.f32 v63, v24  }
0x5aa: {  	v18 =	vadd.f32 v18, v19;
	v19 =	vmov s11  }
0x5ab: {  	v17 =	vmul.f32 v17, v20;
	v20 =	vmul.f32 v26, v23;
	v19 =	vshll.u32 v19, $0x4  }
0x5ac: {  	v19 =	vor.u32 v1, v19  }
0x5ad: {  	v17 =	vadd.f32 v17, v18;
	v18 =	vmul.f32 v22, v20;
	v20 =	vor.u32 v0, v19  }
0x5ae: {  	v21 =	vor.u32 v2, v19  }
0x5af: {  	v17 =	vadd.f32 v18, v17  }
0x5b0: {  	s12 =	sadd.s32 $0x10, s31;
	v18 =	vor.u32 v3, v19  }
0x5b1: {  	[tilespmem:s12+$0x0] =	vst v17  }
0x5b2: {  	v17 =	vor.u32 v4, v19;
	v20 =	vld.idx.msk [tilespmem:v20+s23+$0x0], $0xffff  }
0x5b3: {  	v21 =	vld.idx.msk [tilespmem:v21+s23+$0x0], $0xffff  }
0x5b4: {  	v22 =	vor.u32 v5, v19  }
0x5b5: {  	v18 =	vld.idx.msk [tilespmem:v18+s23+$0x0], $0xffff  }
0x5b6: {  	v23 =	vor.u32 v6, v19  }
0x5b7: {  	v17 =	vld.idx.msk [tilespmem:v17+s23+$0x0], $0xffff  }
0x5b8: {  	v24 =	vor.u32 v8, v19;
	v20 =	vadd.f32 v21, v20  }
0x5b9: {  	v21 =	vld.idx.msk [tilespmem:v22+s23+$0x0], $0xffff  }
0x5ba: {  	v22 =	vor.u32 v9, v19;
	v18 =	vadd.f32 v18, v20  }
0x5bb: {  	v20 =	vld.idx.msk [tilespmem:v23+s23+$0x0], $0xffff  }
0x5bc: {  	v23 =	vor.u32 v7, v19;
	v17 =	vadd.f32 v17, v18  }
0x5bd: {  	v18 =	vld.idx.msk [tilespmem:v24+s23+$0x0], $0xffff  }
0x5be: {  	v24 =	vor.u32 v10, v19;
	v17 =	vadd.f32 v21, v17  }
0x5bf: {  	v21 =	vld.idx.msk [tilespmem:v22+s23+$0x0], $0xffff  }
0x5c0: {  	v22 =	vor.u32 v11, v19;
	v17 =	vadd.f32 v20, v17  }
0x5c1: {  	v20 =	vld.idx.msk [tilespmem:v23+s23+$0x0], $0xffff  }
0x5c2: {  	v23 =	vor.u32 v12, v19;
	v17 =	vadd.f32 v18, v17  }
0x5c3: {  	v18 =	vld.idx.msk [tilespmem:v24+s23+$0x0], $0xffff  }
0x5c4: {  	v24 =	vor.u32 v13, v19;
	v17 =	vadd.f32 v21, v17  }
0x5c5: {  	v21 =	vld.idx.msk [tilespmem:v22+s23+$0x0], $0xffff  }
0x5c6: {  	v22 =	vor.u32 v14, v19;
	v17 =	vadd.f32 v20, v17  }
0x5c7: {  	v20 =	vld.idx.msk [tilespmem:v23+s23+$0x0], $0xffff  }
0x5c8: {  	v23 =	vor.u32 v15, v19;
	v17 =	vadd.f32 v18, v17  }
0x5c9: {  	v18 =	vld.idx.msk [tilespmem:v24+s23+$0x0], $0xffff  }
0x5ca: {  	v19 =	vor.u32 v16, v19;
	v17 =	vadd.f32 v21, v17  }
0x5cb: {  	v21 =	vld.idx.msk [tilespmem:v22+s23+$0x0], $0xffff  }
0x5cc: {  	v17 =	vadd.f32 v20, v17  }
0x5cd: {  	v20 =	vld.idx.msk [tilespmem:v23+s23+$0x0], $0xffff  }
0x5ce: {  	s14 =	simm.s32 $0x10;
	v17 =	vadd.f32 v18, v17  }
0x5cf: {  	v25 =	vld.idx.msk [tilespmem:v19+s23+$0x0], $0xffff;
	v18 =	vmov s14  }
0x5d0: {  	v18 =	vshll.u32 v18, $0x4;
	v19 =	vadd.f32 v21, v17  }
0x5d1: {  	v17 =	vor.u32 v1, v18  }
0x5d2: {  	v24 =	vor.u32 v0, v17;
	v21 =	vor.u32 v2, v17;
	v26 =	vadd.f32 v20, v19  }
0x5d3: {  	v23 =	vor.u32 v3, v17;
	v22 =	vor.u32 v4, v17;
	v18 =	vor.u32 v8, v17  }
0x5d4: {  	s31 =	simm.s32 $0x19180;
	s11 =	simm.s32 $0x20;
	s12 =	simm.s32 $0x19180;
	v20 =	vor.u32 v5, v17;
	v19 =	vor.u32 v6, v17;
	v25 =	vadd.f32 v25, v26  }
.LBB2_28:
0x5d5: {  	p0 =	sne.s32 s11, $0x30  }
0x5d6: {  	v26 =	vor.u32 v9, v17;
	v27 =	vor.u32 v7, v17;
	v28 =	vor.u32 v10, v17;
	s31 =	sadd.s32 $0x10, s31;
	s14 =	smov.u32 s11;
	s11 =	sadd.s32 $0x10, s11  }
0x5d7: {  	v29 =	vor.u32 v11, v17;
	v30 =	vor.u32 v12, v17;
	v31 =	vor.u32 v13, v17;
	[tilespmem:s12+$0x0] =	vst v25;
	s12 =	smov.u32 s31  }
0x5d8: {  	v32 =	vor.u32 v15, v17;
	v25 =	vor.u32 v14, v17;
	v17 =	vor.u32 v16, v17;
	v24 =	vld.idx.msk [tilespmem:v24+s23+$0x0], $0xffff  }
0x5d9: {  	v21 =	vld.idx.msk [tilespmem:v21+s23+$0x0], $0xffff  }
0x5da: {  	v23 =	vld.idx.msk [tilespmem:v23+s23+$0x0], $0xffff;
	_ =	sdelay $0x1  }
0x5db: {  	v22 =	vld.idx.msk [tilespmem:v22+s23+$0x0], $0xffff;
	_ =	sdelay $0x1  }
0x5dc: {  	v20 =	vld.idx.msk [tilespmem:v20+s23+$0x0], $0xffff  }
0x5dd: {  	v21 =	vadd.f32 v21, v24  }
0x5de: {  	v19 =	vld.idx.msk [tilespmem:v19+s23+$0x0], $0xffff  }
0x5df: {  	v21 =	vadd.f32 v23, v21  }
0x5e0: {  	v18 =	vld.idx.msk [tilespmem:v18+s23+$0x0], $0xffff  }
0x5e1: {  	v21 =	vadd.f32 v22, v21  }
0x5e2: {  	v22 =	vld.idx.msk [tilespmem:v26+s23+$0x0], $0xffff  }
0x5e3: {  	v20 =	vadd.f32 v20, v21  }
0x5e4: {  	v21 =	vld.idx.msk [tilespmem:v27+s23+$0x0], $0xffff  }
0x5e5: {  	v19 =	vadd.f32 v19, v20  }
0x5e6: {  	v20 =	vld.idx.msk [tilespmem:v28+s23+$0x0], $0xffff  }
0x5e7: {  	v18 =	vadd.f32 v18, v19  }
0x5e8: {  	v19 =	vld.idx.msk [tilespmem:v29+s23+$0x0], $0xffff  }
0x5e9: {  	v18 =	vadd.f32 v22, v18  }
0x5ea: {  	v22 =	vld.idx.msk [tilespmem:v30+s23+$0x0], $0xffff  }
0x5eb: {  	v18 =	vadd.f32 v21, v18  }
0x5ec: {  	v21 =	vld.idx.msk [tilespmem:v31+s23+$0x0], $0xffff  }
0x5ed: {  	v18 =	vadd.f32 v20, v18  }
0x5ee: {  	v20 =	vld.idx.msk [tilespmem:v25+s23+$0x0], $0xffff  }
0x5ef: {  	v18 =	vadd.f32 v19, v18  }
0x5f0: {  	v19 =	vld.idx.msk [tilespmem:v32+s23+$0x0], $0xffff  }
0x5f1: {  	v18 =	vadd.f32 v22, v18  }
0x5f2: {  	v25 =	vld.idx.msk [tilespmem:v17+s23+$0x0], $0xffff  }
0x5f3: {  	v17 =	vadd.f32 v21, v18  }
0x5f4: {  	v18 =	vmov s14  }
.Ltmp13:
0x5f5: {  	v18 =	vshll.u32 v18, $0x4;
	v20 =	vadd.f32 v20, v17;
	(pc) =	sbr.rel @p0 .LBB2_28-.Ltmp13, $4  }
0x5f6: {  	v17 =	vor.u32 v1, v18  }
0x5f7: {  	v24 =	vor.u32 v0, v17;
	v21 =	vor.u32 v2, v17;
	v26 =	vadd.f32 v19, v20  }
0x5f8: {  	v23 =	vor.u32 v3, v17;
	v22 =	vor.u32 v4, v17;
	v20 =	vor.u32 v5, v17  }
0x5f9: {  	v18 =	vor.u32 v8, v17;
	v19 =	vor.u32 v6, v17;
	v25 =	vadd.f32 v25, v26  }
0x5fa: {  	_ =	sdelay $0x2  }
0x5fb: {  	[tilespmem:s12+$0x0] =	vst v25  }
0x5fc: {  	v24 =	vld.idx.msk [tilespmem:v24+s23+$0x0], $0xffff  }
0x5fd: {  	v21 =	vld.idx.msk [tilespmem:v21+s23+$0x0], $0xffff;
	_ =	sdelay $0x1  }
0x5fe: {  	v23 =	vld.idx.msk [tilespmem:v23+s23+$0x0], $0xffff;
	_ =	sdelay $0x1  }
0x5ff: {  	v22 =	vld.idx.msk [tilespmem:v22+s23+$0x0], $0xffff  }
0x600: {  	v21 =	vadd.f32 v21, v24  }
0x601: {  	v20 =	vld.idx.msk [tilespmem:v20+s23+$0x0], $0xffff  }
0x602: {  	v24 =	vor.u32 v9, v17;
	v21 =	vadd.f32 v23, v21  }
0x603: {  	v19 =	vld.idx.msk [tilespmem:v19+s23+$0x0], $0xffff  }
0x604: {  	v23 =	vor.u32 v7, v17;
	v21 =	vadd.f32 v22, v21  }
0x605: {  	v18 =	vld.idx.msk [tilespmem:v18+s23+$0x0], $0xffff  }
0x606: {  	v22 =	vor.u32 v10, v17;
	v20 =	vadd.f32 v20, v21  }
0x607: {  	v21 =	vld.idx.msk [tilespmem:v24+s23+$0x0], $0xffff  }
0x608: {  	v24 =	vor.u32 v11, v17;
	v19 =	vadd.f32 v19, v20  }
0x609: {  	v20 =	vld.idx.msk [tilespmem:v23+s23+$0x0], $0xffff  }
0x60a: {  	v23 =	vor.u32 v12, v17;
	v18 =	vadd.f32 v18, v19  }
0x60b: {  	v19 =	vld.idx.msk [tilespmem:v22+s23+$0x0], $0xffff  }
0x60c: {  	v22 =	vor.u32 v13, v17;
	v18 =	vadd.f32 v21, v18  }
0x60d: {  	v21 =	vld.idx.msk [tilespmem:v24+s23+$0x0], $0xffff  }
0x60e: {  	v24 =	vor.u32 v14, v17;
	v18 =	vadd.f32 v20, v18  }
0x60f: {  	v20 =	vld.idx.msk [tilespmem:v23+s23+$0x0], $0xffff  }
0x610: {  	v23 =	vor.u32 v15, v17;
	v18 =	vadd.f32 v19, v18  }
0x611: {  	v19 =	vld.idx.msk [tilespmem:v22+s23+$0x0], $0xffff  }
0x612: {  	v17 =	vor.u32 v16, v17;
	v18 =	vadd.f32 v21, v18  }
0x613: {  	v21 =	vld.idx.msk [tilespmem:v24+s23+$0x0], $0xffff  }
0x614: {  	v18 =	vadd.f32 v20, v18  }
0x615: {  	v20 =	vld.idx.msk [tilespmem:v23+s23+$0x0], $0xffff  }
0x616: {  	v18 =	vadd.f32 v19, v18  }
0x617: {  	v17 =	vld.idx.msk [tilespmem:v17+s23+$0x0], $0xffff  }
0x618: {  	v18 =	vadd.f32 v21, v18;
	_ =	sdelay $0x1  }
0x619: {  	v18 =	vadd.f32 v20, v18;
	_ =	sdelay $0x1  }
0x61a: {  	v17 =	vadd.f32 v17, v18  }
0x61b: {  	s11 =	sadd.s32 $0x10, s31  }
0x61c: {  	[tilespmem:s11+$0x0] =	vst v17  }
0x61d: {  	_ =	swait.ge [sflag:s28], $0x2000  }
0x61e: {  	[sflag:s28] =	ssyncset.done $0x0  }
0x61f: {  	[sflag:s28] =	ssyncadd.s32 $0xFFFFE000  }
0x620: {  	_ =	swait.ge [sflag:s28], $0x2000  }
0x621: {  	[sflag:s28] =	ssyncset.done $0x0  }
0x622: {  	[sflag:s28] =	ssyncadd.s32 $0xFFFFE000  }
0x623: {  	_ =	swait.ge [sflag:s28], $0x2000  }
0x624: {  	[sflag:s28] =	ssyncset.done $0x0  }
0x625: {  	s14 =	simm.s32 $0x0;
	[sflag:s28] =	ssyncadd.s32 $0xFFFFE000  }
0x626: {  	v17 =	vld [tilespmem:s14+$0x16C60]  }
0x627: {  	v18 =	vld [tilespmem:s14+$0x16C50]  }
0x628: {  	v19 =	vld [tilespmem:s14+$0x16C40]  }
0x629: {  	v20 =	vld [tilespmem:s14+$0x16C30]  }
0x62a: {  	v21 =	vld [tilespmem:s14+$0x16C20]  }
0x62b: {  	v22 =	vld [tilespmem:s14+$0x16C00]  }
0x62c: {  	v23 =	vld [tilespmem:s14+$0x12C20]  }
0x62d: {  	v24 =	vld [tilespmem:s14+$0x14C00]  }
0x62e: {  	v25 =	vld [tilespmem:s14+$0x12C00]  }
0x62f: {  	v26 =	vld [tilespmem:s14+$0x12C10]  }
0x630: {  	v27 =	vld [tilespmem:s14+$0x14C10]  }
0x631: {  	v28 =	vld [tilespmem:s14+$0x14C20]  }
0x632: {  	v29 =	vld [tilespmem:s14+$0x16C10]  }
0x633: {  	v30 =	vld [tilespmem:s14+$0x12C30]  }
0x634: {  	v31 =	vld [tilespmem:s14+$0x14C30]  }
0x635: {  	v24 =	vmul.f32 v24, v25;
	v25 =	vmul.f32 v27, v26;
	v26 =	vld [tilespmem:s14+$0x12C40]  }
0x636: {  	v23 =	vmul.f32 v28, v23;
	v27 =	vld [tilespmem:s14+$0x14C40]  }
0x637: {  	v62 =	vld [tilespmem:s14+$0x14C50];
	v22 =	vmul.f32 v22, v24;
	v24 =	vmul.f32 v29, v25  }
0x638: {  	v25 =	vld [tilespmem:s14+$0x12C50]  }
0x639: {  	v63 =	vld [tilespmem:s14+$0x14C60];
	v21 =	vmul.f32 v21, v23;
	v23 =	vmul.f32 v31, v30;
	v22 =	vadd.f32 v24, v22  }
0x63a: {  	v24 =	vld [tilespmem:s14+$0x12C60]  }
0x63b: {  	v20 =	vmul.f32 v20, v23;
	v23 =	vld [tilespmem:s14+$0x12C70];
	v21 =	vadd.f32 v21, v22;
	v22 =	vmul.f32 v27, v26  }
0x63c: {  	v26 =	vld [tilespmem:s14+$0x14C70]  }
0x63d: {  	v20 =	vadd.f32 v20, v21;
	v19 =	vmul.f32 v19, v22;
	v21 =	vmul.f32 v62, v25  }
0x63e: {  	v22 =	vld [tilespmem:s14+$0x16C70]  }
0x63f: {  	v19 =	vadd.f32 v19, v20;
	v18 =	vmul.f32 v18, v21;
	v20 =	vmul.f32 v63, v24;
	_ =	sdelay $0x1  }
0x640: {  	v18 =	vadd.f32 v18, v19;
	v17 =	vmul.f32 v17, v20;
	v19 =	vmul.f32 v26, v23;
	_ =	sdelay $0x1  }
0x641: {  	v17 =	vadd.f32 v17, v18;
	v18 =	vmul.f32 v22, v19;
	_ =	sdelay $0x1  }
0x642: {  	v17 =	vadd.f32 v18, v17  }
0x643: {  	s31 =	simm.s32 $0x18C00  }
0x644: {  	s12 =	simm.s32 $0x80;
	[tilespmem:s31+$0x0] =	vst v17  }
0x645: {  	v17 =	vld [tilespmem:s12+$0x16C60]  }
0x646: {  	v18 =	vld [tilespmem:s12+$0x16C50]  }
0x647: {  	v19 =	vld [tilespmem:s12+$0x16C40]  }
0x648: {  	v20 =	vld [tilespmem:s12+$0x16C30]  }
0x649: {  	v21 =	vld [tilespmem:s12+$0x16C20]  }
0x64a: {  	v22 =	vld [tilespmem:s12+$0x16C00]  }
0x64b: {  	v23 =	vld [tilespmem:s12+$0x12C20]  }
0x64c: {  	v24 =	vld [tilespmem:s12+$0x14C00]  }
0x64d: {  	v25 =	vld [tilespmem:s12+$0x12C00]  }
0x64e: {  	s11 =	simm.s32 $0x0;
	s14 =	simm.s32 $0x400;
	v26 =	vld [tilespmem:s12+$0x12C10]  }
.LBB2_30:
0x64f: {  	p0 =	sne.s32 s14, $0x7E00;
	v27 =	vld [tilespmem:s12+$0x14C10]  }
0x650: {  	v28 =	vld [tilespmem:s12+$0x14C20]  }
0x651: {  	v29 =	vld [tilespmem:s12+$0x16C10]  }
0x652: {  	v30 =	vld [tilespmem:s12+$0x12C30]  }
0x653: {  	v31 =	vld [tilespmem:s12+$0x14C30]  }
0x654: {  	v24 =	vmul.f32 v24, v25;
	v25 =	vmul.f32 v27, v26;
	v26 =	vld [tilespmem:s12+$0x12C40]  }
0x655: {  	v23 =	vmul.f32 v28, v23;
	v27 =	vld [tilespmem:s12+$0x14C40]  }
0x656: {  	v22 =	vmul.f32 v22, v24;
	v24 =	vmul.f32 v29, v25;
	v25 =	vld [tilespmem:s12+$0x12C50]  }
0x657: {  	v28 =	vld [tilespmem:s12+$0x14C50]  }
0x658: {  	v21 =	vmul.f32 v21, v23;
	v22 =	vadd.f32 v24, v22;
	v23 =	vmul.f32 v31, v30;
	v24 =	vld [tilespmem:s12+$0x12C60]  }
0x659: {  	v29 =	vld [tilespmem:s12+$0x14C60]  }
0x65a: {  	v21 =	vadd.f32 v21, v22;
	v20 =	vmul.f32 v20, v23;
	v22 =	vmul.f32 v27, v26;
	v23 =	vld [tilespmem:s12+$0x12C70]  }
0x65b: {  	v26 =	vld [tilespmem:s12+$0x14C70]  }
0x65c: {  	v20 =	vadd.f32 v20, v21;
	v19 =	vmul.f32 v19, v22;
	v21 =	vmul.f32 v28, v25  }
0x65d: {  	v22 =	vld [tilespmem:s12+$0x16C70]  }
0x65e: {  	v19 =	vadd.f32 v19, v20;
	v18 =	vmul.f32 v18, v21;
	v20 =	vmul.f32 v29, v24;
	_ =	sdelay $0x1  }
0x65f: {  	v18 =	vadd.f32 v18, v19;
	v17 =	vmul.f32 v17, v20;
	v19 =	vmul.f32 v26, v23;
	_ =	sdelay $0x1  }
0x660: {  	v17 =	vadd.f32 v17, v18;
	v18 =	vmul.f32 v22, v19;
	_ =	sdelay $0x1  }
0x661: {  	v17 =	vadd.f32 v18, v17  }
0x662: {  	s31 =	sadd.s32 $0x10, s31  }
0x663: {  	s12 =	sshra.s32 s14, $0x2;
	[tilespmem:s31+$0x0] =	vst v17  }
0x664: {  	v17 =	vld [tilespmem:s12+$0x16C60]  }
0x665: {  	v18 =	vld [tilespmem:s12+$0x16C50]  }
0x666: {  	v19 =	vld [tilespmem:s12+$0x16C40]  }
0x667: {  	v20 =	vld [tilespmem:s12+$0x16C30]  }
0x668: {  	v21 =	vld [tilespmem:s12+$0x16C20]  }
.Ltmp14:
0x669: {  	v22 =	vld [tilespmem:s12+$0x16C00];
	(pc) =	sbr.rel @p0 .LBB2_30-.Ltmp14, $4  }
0x66a: {  	v23 =	vld [tilespmem:s12+$0x12C20]  }
0x66b: {  	v24 =	vld [tilespmem:s12+$0x14C00]  }
0x66c: {  	v25 =	vld [tilespmem:s12+$0x12C00]  }
0x66d: {  	s14 =	sadd.s32 $0x200, s14;
	v26 =	vld [tilespmem:s12+$0x12C10]  }
0x66e: {  	v27 =	vld [tilespmem:s12+$0x14C10]  }
0x66f: {  	v28 =	vld [tilespmem:s12+$0x14C20]  }
0x670: {  	v29 =	vld [tilespmem:s12+$0x16C10]  }
0x671: {  	v30 =	vld [tilespmem:s12+$0x12C30]  }
0x672: {  	v31 =	vld [tilespmem:s12+$0x14C30]  }
0x673: {  	v24 =	vmul.f32 v24, v25;
	v25 =	vmul.f32 v27, v26;
	v26 =	vld [tilespmem:s12+$0x12C40]  }
0x674: {  	v23 =	vmul.f32 v28, v23;
	v27 =	vld [tilespmem:s12+$0x14C40]  }
0x675: {  	v62 =	vld [tilespmem:s12+$0x14C50];
	v22 =	vmul.f32 v22, v24;
	v24 =	vmul.f32 v29, v25  }
0x676: {  	v25 =	vld [tilespmem:s12+$0x12C50]  }
0x677: {  	v21 =	vmul.f32 v21, v23;
	v23 =	vmul.f32 v31, v30;
	v22 =	vadd.f32 v24, v22  }
0x678: {  	v63 =	vld [tilespmem:s12+$0x14C60]  }
0x679: {  	v24 =	vld [tilespmem:s12+$0x12C60];
	v20 =	vmul.f32 v20, v23;
	v21 =	vadd.f32 v21, v22;
	v22 =	vmul.f32 v27, v26  }
0x67a: {  	v23 =	vld [tilespmem:s12+$0x12C70]  }
0x67b: {  	v26 =	vld [tilespmem:s12+$0x14C70];
	v20 =	vadd.f32 v20, v21;
	v19 =	vmul.f32 v19, v22;
	v21 =	vmul.f32 v62, v25;
	_ =	sdelay $0x1  }
0x67c: {  	v22 =	vld [tilespmem:s12+$0x16C70];
	v19 =	vadd.f32 v19, v20;
	v18 =	vmul.f32 v18, v21  }
0x67d: {  	v20 =	vmul.f32 v63, v24  }
0x67e: {  	v18 =	vadd.f32 v18, v19;
	v19 =	vmov s11  }
0x67f: {  	v17 =	vmul.f32 v17, v20;
	v20 =	vmul.f32 v26, v23;
	v19 =	vshll.u32 v19, $0x4  }
0x680: {  	v19 =	vor.u32 v1, v19  }
0x681: {  	v17 =	vadd.f32 v17, v18;
	v18 =	vmul.f32 v22, v20;
	v20 =	vor.u32 v0, v19  }
0x682: {  	v21 =	vor.u32 v2, v19  }
0x683: {  	v17 =	vadd.f32 v18, v17  }
0x684: {  	s12 =	sadd.s32 $0x10, s31;
	v18 =	vor.u32 v3, v19  }
0x685: {  	[tilespmem:s12+$0x0] =	vst v17  }
0x686: {  	v17 =	vor.u32 v4, v19;
	v20 =	vld.idx.msk [tilespmem:v20+s23+$0x0], $0xffff  }
0x687: {  	v21 =	vld.idx.msk [tilespmem:v21+s23+$0x0], $0xffff  }
0x688: {  	v22 =	vor.u32 v5, v19  }
0x689: {  	v18 =	vld.idx.msk [tilespmem:v18+s23+$0x0], $0xffff  }
0x68a: {  	v23 =	vor.u32 v6, v19  }
0x68b: {  	v17 =	vld.idx.msk [tilespmem:v17+s23+$0x0], $0xffff  }
0x68c: {  	v24 =	vor.u32 v8, v19;
	v20 =	vadd.f32 v21, v20  }
0x68d: {  	v21 =	vld.idx.msk [tilespmem:v22+s23+$0x0], $0xffff  }
0x68e: {  	v22 =	vor.u32 v9, v19;
	v18 =	vadd.f32 v18, v20  }
0x68f: {  	v20 =	vld.idx.msk [tilespmem:v23+s23+$0x0], $0xffff  }
0x690: {  	v23 =	vor.u32 v7, v19;
	v17 =	vadd.f32 v17, v18  }
0x691: {  	v18 =	vld.idx.msk [tilespmem:v24+s23+$0x0], $0xffff  }
0x692: {  	v24 =	vor.u32 v10, v19;
	v17 =	vadd.f32 v21, v17  }
0x693: {  	v21 =	vld.idx.msk [tilespmem:v22+s23+$0x0], $0xffff  }
0x694: {  	v22 =	vor.u32 v11, v19;
	v17 =	vadd.f32 v20, v17  }
0x695: {  	v20 =	vld.idx.msk [tilespmem:v23+s23+$0x0], $0xffff  }
0x696: {  	v23 =	vor.u32 v12, v19;
	v17 =	vadd.f32 v18, v17  }
0x697: {  	v18 =	vld.idx.msk [tilespmem:v24+s23+$0x0], $0xffff  }
0x698: {  	v24 =	vor.u32 v13, v19;
	v17 =	vadd.f32 v21, v17  }
0x699: {  	v21 =	vld.idx.msk [tilespmem:v22+s23+$0x0], $0xffff  }
0x69a: {  	v22 =	vor.u32 v14, v19;
	v17 =	vadd.f32 v20, v17  }
0x69b: {  	v20 =	vld.idx.msk [tilespmem:v23+s23+$0x0], $0xffff  }
0x69c: {  	v23 =	vor.u32 v15, v19;
	v17 =	vadd.f32 v18, v17  }
0x69d: {  	v18 =	vld.idx.msk [tilespmem:v24+s23+$0x0], $0xffff  }
0x69e: {  	v19 =	vor.u32 v16, v19;
	v17 =	vadd.f32 v21, v17  }
0x69f: {  	v21 =	vld.idx.msk [tilespmem:v22+s23+$0x0], $0xffff  }
0x6a0: {  	v17 =	vadd.f32 v20, v17  }
0x6a1: {  	v20 =	vld.idx.msk [tilespmem:v23+s23+$0x0], $0xffff  }
0x6a2: {  	s14 =	simm.s32 $0x10;
	v17 =	vadd.f32 v18, v17  }
0x6a3: {  	v25 =	vld.idx.msk [tilespmem:v19+s23+$0x0], $0xffff;
	v18 =	vmov s14  }
0x6a4: {  	v18 =	vshll.u32 v18, $0x4;
	v19 =	vadd.f32 v21, v17  }
0x6a5: {  	v17 =	vor.u32 v1, v18  }
0x6a6: {  	v24 =	vor.u32 v0, v17;
	v21 =	vor.u32 v2, v17;
	v26 =	vadd.f32 v20, v19  }
0x6a7: {  	v23 =	vor.u32 v3, v17;
	v22 =	vor.u32 v4, v17;
	v18 =	vor.u32 v8, v17  }
0x6a8: {  	s31 =	simm.s32 $0x191C0;
	s11 =	simm.s32 $0x20;
	s12 =	simm.s32 $0x191C0;
	v20 =	vor.u32 v5, v17;
	v19 =	vor.u32 v6, v17;
	v25 =	vadd.f32 v25, v26  }
.LBB2_32:
0x6a9: {  	p0 =	sne.s32 s11, $0x30  }
0x6aa: {  	v26 =	vor.u32 v9, v17;
	v27 =	vor.u32 v7, v17;
	v28 =	vor.u32 v10, v17;
	s31 =	sadd.s32 $0x10, s31;
	s14 =	smov.u32 s11;
	s11 =	sadd.s32 $0x10, s11  }
0x6ab: {  	v29 =	vor.u32 v11, v17;
	v30 =	vor.u32 v12, v17;
	v31 =	vor.u32 v13, v17;
	[tilespmem:s12+$0x0] =	vst v25;
	s12 =	smov.u32 s31  }
0x6ac: {  	v32 =	vor.u32 v15, v17;
	v25 =	vor.u32 v14, v17;
	v17 =	vor.u32 v16, v17;
	v24 =	vld.idx.msk [tilespmem:v24+s23+$0x0], $0xffff  }
0x6ad: {  	v21 =	vld.idx.msk [tilespmem:v21+s23+$0x0], $0xffff  }
0x6ae: {  	v23 =	vld.idx.msk [tilespmem:v23+s23+$0x0], $0xffff;
	_ =	sdelay $0x1  }
0x6af: {  	v22 =	vld.idx.msk [tilespmem:v22+s23+$0x0], $0xffff;
	_ =	sdelay $0x1  }
0x6b0: {  	v20 =	vld.idx.msk [tilespmem:v20+s23+$0x0], $0xffff  }
0x6b1: {  	v21 =	vadd.f32 v21, v24  }
0x6b2: {  	v19 =	vld.idx.msk [tilespmem:v19+s23+$0x0], $0xffff  }
0x6b3: {  	v21 =	vadd.f32 v23, v21  }
0x6b4: {  	v18 =	vld.idx.msk [tilespmem:v18+s23+$0x0], $0xffff  }
0x6b5: {  	v21 =	vadd.f32 v22, v21  }
0x6b6: {  	v22 =	vld.idx.msk [tilespmem:v26+s23+$0x0], $0xffff  }
0x6b7: {  	v20 =	vadd.f32 v20, v21  }
0x6b8: {  	v21 =	vld.idx.msk [tilespmem:v27+s23+$0x0], $0xffff  }
0x6b9: {  	v19 =	vadd.f32 v19, v20  }
0x6ba: {  	v20 =	vld.idx.msk [tilespmem:v28+s23+$0x0], $0xffff  }
0x6bb: {  	v18 =	vadd.f32 v18, v19  }
0x6bc: {  	v19 =	vld.idx.msk [tilespmem:v29+s23+$0x0], $0xffff  }
0x6bd: {  	v18 =	vadd.f32 v22, v18  }
0x6be: {  	v22 =	vld.idx.msk [tilespmem:v30+s23+$0x0], $0xffff  }
0x6bf: {  	v18 =	vadd.f32 v21, v18  }
0x6c0: {  	v21 =	vld.idx.msk [tilespmem:v31+s23+$0x0], $0xffff  }
0x6c1: {  	v18 =	vadd.f32 v20, v18  }
0x6c2: {  	v20 =	vld.idx.msk [tilespmem:v25+s23+$0x0], $0xffff  }
0x6c3: {  	v18 =	vadd.f32 v19, v18  }
0x6c4: {  	v19 =	vld.idx.msk [tilespmem:v32+s23+$0x0], $0xffff  }
0x6c5: {  	v18 =	vadd.f32 v22, v18  }
0x6c6: {  	v25 =	vld.idx.msk [tilespmem:v17+s23+$0x0], $0xffff  }
0x6c7: {  	v17 =	vadd.f32 v21, v18  }
0x6c8: {  	v18 =	vmov s14  }
.Ltmp15:
0x6c9: {  	v18 =	vshll.u32 v18, $0x4;
	v20 =	vadd.f32 v20, v17;
	(pc) =	sbr.rel @p0 .LBB2_32-.Ltmp15, $4  }
0x6ca: {  	v17 =	vor.u32 v1, v18  }
0x6cb: {  	v24 =	vor.u32 v0, v17;
	v21 =	vor.u32 v2, v17;
	v26 =	vadd.f32 v19, v20  }
0x6cc: {  	v23 =	vor.u32 v3, v17;
	v22 =	vor.u32 v4, v17;
	v20 =	vor.u32 v5, v17  }
0x6cd: {  	v18 =	vor.u32 v8, v17;
	v19 =	vor.u32 v6, v17;
	v25 =	vadd.f32 v25, v26  }
0x6ce: {  	_ =	sdelay $0x2  }
0x6cf: {  	[tilespmem:s12+$0x0] =	vst v25  }
0x6d0: {  	v24 =	vld.idx.msk [tilespmem:v24+s23+$0x0], $0xffff  }
0x6d1: {  	v21 =	vld.idx.msk [tilespmem:v21+s23+$0x0], $0xffff;
	_ =	sdelay $0x1  }
0x6d2: {  	v23 =	vld.idx.msk [tilespmem:v23+s23+$0x0], $0xffff;
	_ =	sdelay $0x1  }
0x6d3: {  	v22 =	vld.idx.msk [tilespmem:v22+s23+$0x0], $0xffff  }
0x6d4: {  	v21 =	vadd.f32 v21, v24  }
0x6d5: {  	v20 =	vld.idx.msk [tilespmem:v20+s23+$0x0], $0xffff  }
0x6d6: {  	v50 =	vor.u32 v9, v17;
	v21 =	vadd.f32 v23, v21  }
0x6d7: {  	v19 =	vld.idx.msk [tilespmem:v19+s23+$0x0], $0xffff  }
0x6d8: {  	v51 =	vor.u32 v7, v17;
	v21 =	vadd.f32 v22, v21  }
0x6d9: {  	v18 =	vld.idx.msk [tilespmem:v18+s23+$0x0], $0xffff  }
0x6da: {  	v52 =	vor.u32 v10, v17;
	v20 =	vadd.f32 v20, v21  }
0x6db: {  	v53 =	vld.idx.msk [tilespmem:v50+s23+$0x0], $0xffff  }
0x6dc: {  	v54 =	vor.u32 v11, v17;
	v19 =	vadd.f32 v19, v20  }
0x6dd: {  	v55 =	vld.idx.msk [tilespmem:v51+s23+$0x0], $0xffff  }
0x6de: {  	v56 =	vor.u32 v12, v17;
	v18 =	vadd.f32 v18, v19  }
0x6df: {  	v19 =	vld.idx.msk [tilespmem:v52+s23+$0x0], $0xffff  }
0x6e0: {  	v57 =	vor.u32 v13, v17;
	v18 =	vadd.f32 v53, v18  }
0x6e1: {  	v58 =	vld.idx.msk [tilespmem:v54+s23+$0x0], $0xffff  }
0x6e2: {  	v59 =	vor.u32 v14, v17;
	v18 =	vadd.f32 v55, v18  }
0x6e3: {  	v60 =	vld.idx.msk [tilespmem:v56+s23+$0x0], $0xffff  }
0x6e4: {  	v61 =	vor.u32 v15, v17;
	v18 =	vadd.f32 v19, v18  }
0x6e5: {  	v19 =	vld.idx.msk [tilespmem:v57+s23+$0x0], $0xffff  }
0x6e6: {  	v17 =	vor.u32 v16, v17;
	v18 =	vadd.f32 v58, v18  }
0x6e7: {  	v62 =	vld.idx.msk [tilespmem:v59+s23+$0x0], $0xffff  }
0x6e8: {  	v18 =	vadd.f32 v60, v18  }
0x6e9: {  	v63 =	vld.idx.msk [tilespmem:v61+s23+$0x0], $0xffff  }
0x6ea: {  	v18 =	vadd.f32 v19, v18  }
0x6eb: {  	v17 =	vld.idx.msk [tilespmem:v17+s23+$0x0], $0xffff  }
0x6ec: {  	v18 =	vadd.f32 v62, v18;
	_ =	sdelay $0x1  }
0x6ed: {  	v18 =	vadd.f32 v63, v18;
	_ =	sdelay $0x1  }
0x6ee: {  	s3 =	sadd.s32 $0x1, s3;
	v17 =	vadd.f32 v17, v18  }
0x6ef: {  	s11 =	sadd.s32 $0x10, s31;
	p0 =	sne.s32 s3, s9  }
.Ltmp16:
0x6f0: {  	s31 =	simm.s32 $0x19000;
	[tilespmem:s11+$0x0] =	vst v17;
	(pc) =	sbr.rel @p0 .LBB2_1-.Ltmp16, $4  }
0x6f1: {  	[hbm4b:s8+s4] =	stream.linear.scatter [tilespmem:s31], [sflag:$0x5], $0x200, $0x38;
	[tilespmem:$0x19200] =	vst v63  }
0x6f2: {  	_ =	swait.ge [sflag:s10], $0x200  }
0x6f3: {  	[sflag:s10] =	ssyncset.done $0x0  }
0x6f4: {  	[sflag:s10] =	ssyncadd.s32 $0xFFFFFE00  }
0x6f5: {  	_ =	sfence.sel $0x180000  }
0x6f6: {  	[bflag:$0x0] =	sbarrier.arrive $0xFFFF  }
0x6f7: {  	_ =	strace $0x90000047  }
0x6f8: {  	s0 =	stileid.u32;
	[bflag:$0x2] =	sbarrier.arrive $0xFFFF  }
0x6f9: {  	p0 =	sne.s32 s0, $0x0;
	s0 =	rddreg [dreg:$0x4]  }
0x6fa: {  	s0 =	sadd.s32 @!p0 $0x100000, s0  }
0x6fb: {  	[sflag:s0] =	ssyncadd.tile.s32 @!p0 $0x1;
	_ =	shalt  }
.Lfunc_end2:
_tile_overlayer_lowered:
.L_overlay_start_2:
0x6fc: {  	(tag) =	ssettag $0x2  }
0x6fd: {  	s0 =	rddreg [dreg:$0x0];
	s2 =	stileid.u32  }
0x6fe: {  	s1 =	rddreg [dreg:$0x1];
	p0 =	sne.s32 s2, $0x0  }
0x6ff: {  	s3 =	rddreg [dreg:$0x2];
	[bflag:$0x3] =	sbarrier.arrive $0xFFFF;
	s2 =	simm.s32 @!p0 $0x1C05  }
0x700: {  	[timem:s3], [sflag:s2] =	dma.local @!p0 [hbm:s0], s1  }
0x701: {  	s0 =	simm.s32 @!p0 $0x5  }
0x702: {  	_ =	swait.ge @!p0 [sflag:s0], s1  }
0x703: {  	s1 =	ssub.s32 @!p0 $0x0, s1;
	[sflag:s0] =	ssyncset.done @!p0 $0x0  }
0x704: {  	[sflag:s0] =	ssyncadd.s32 @!p0 s1  }
0x705: {  	[bflag:$0x3] =	sbarrier.arrive $0xFFFF  }
0x706: {  	_ =	shalt  }

</sc_bundles>
